<compile_context>
chip_gen: v7x
topology: tpu7x:2x2x1
jax: 0.10.2.dev20260603
libtpu: 0.0.44.dev20260713+nightly
codegen_flags: <defaults>
</compile_context>

<pallas_src>
import functools

import jax
import jax.numpy as jnp
from jax import lax
from jax.experimental import pallas as pl
from jax.experimental.pallas import tpu as pltpu
from jax.experimental.pallas import tpu_sc as plsc

N = 10000
E = 320000
D = 128
H = 128
C = 10
G = 16

NC = 2
NS = 16
NW = NC * NS
EPW = E // NW
K = 80
NCHUNK = EPW // K
N3 = 10240
RPT = N3 // NS
RZ = 128


@functools.cache
def _get_deg_kernel():
    mesh = plsc.VectorSubcoreMesh(core_axis_name="c", subcore_axis_name="s")
    return functools.partial(
        pl.kernel,
        mesh=mesh,
        out_type=jax.ShapeDtypeStruct((NC, N3, H), jnp.float32),
        scratch_types=[
            pltpu.VMEM((K,), jnp.int32),
            pltpu.VMEM((K, H), jnp.float32),
            pltpu.VMEM((RZ, H), jnp.float32),
            pltpu.VMEM_SHARED((N3, H), jnp.float32),
        ],
    )(_deg_body)


def _deg_body(dst_hbm, ones_hbm, zeros_hbm, out_hbm, idx_v, ones_v, stage_v,
              acc_sh):
    c = lax.axis_index("c")
    s = lax.axis_index("s")
    wid = c * NS + s
    pltpu.sync_copy(ones_hbm, ones_v)
    pltpu.sync_copy(zeros_hbm, stage_v)
    for j in range(RPT // RZ):
        pltpu.sync_copy(stage_v, acc_sh.at[pl.ds(s * RPT + j * RZ, RZ)])
    plsc.subcore_barrier()

    def body(k, carry):
        pltpu.sync_copy(dst_hbm.at[pl.ds(wid * EPW + k * K, K)], idx_v)
        pltpu.sync_copy(ones_v, acc_sh.at[idx_v], add=True)
        return carry

    lax.fori_loop(0, NCHUNK, body, 0)
    plsc.subcore_barrier()
    for j in range(RPT // RZ):
        pltpu.sync_copy(acc_sh.at[pl.ds(s * RPT + j * RZ, RZ)], stage_v)
        pltpu.sync_copy(stage_v, out_hbm.at[c, pl.ds(s * RPT + j * RZ, RZ)])


@functools.cache
def _get_agg_kernel():
    mesh = plsc.VectorSubcoreMesh(core_axis_name="c", subcore_axis_name="s")
    return functools.partial(
        pl.kernel,
        mesh=mesh,
        out_type=jax.ShapeDtypeStruct((NC, N3, H), jnp.float32),
        scratch_types=[
            pltpu.VMEM((K,), jnp.int32),
            pltpu.VMEM((K,), jnp.int32),
            pltpu.VMEM((K, H), jnp.float32),
            pltpu.VMEM((RZ, H), jnp.float32),
            pltpu.VMEM_SHARED((N3, H), jnp.float32),
            pltpu.SemaphoreType.DMA,
        ],
    )(_agg_body)


def _agg_body(y_hbm, src_hbm, dst_hbm, zeros_hbm, out_hbm, idxs_v, idxd_v,
              rows_v, stage_v, acc_sh, sem):
    c = lax.axis_index("c")
    s = lax.axis_index("s")
    wid = c * NS + s
    pltpu.sync_copy(zeros_hbm, stage_v)
    for j in range(RPT // RZ):
        pltpu.sync_copy(stage_v, acc_sh.at[pl.ds(s * RPT + j * RZ, RZ)])
    plsc.subcore_barrier()

    def body(k, carry):
        pltpu.sync_copy(src_hbm.at[pl.ds(wid * EPW + k * K, K)], idxs_v)
        pltpu.sync_copy(dst_hbm.at[pl.ds(wid * EPW + k * K, K)], idxd_v)
        pltpu.async_copy(y_hbm.at[idxs_v], rows_v, sem).wait()
        pltpu.sync_copy(rows_v, acc_sh.at[idxd_v], add=True)
        return carry

    lax.fori_loop(0, NCHUNK, body, 0)
    plsc.subcore_barrier()
    for j in range(RPT // RZ):
        pltpu.sync_copy(acc_sh.at[pl.ds(s * RPT + j * RZ, RZ)], stage_v)
        pltpu.sync_copy(stage_v, out_hbm.at[c, pl.ds(s * RPT + j * RZ, RZ)])


_BN = 1024


def _prep_body(x_ref, w_ref, d0_ref, d1_ref, y_ref, dinv_ref):
    deg = d0_ref[:, :1] + d1_ref[:, :1] + 1.0
    dinv = lax.rsqrt(deg)
    dinv_ref[...] = dinv
    y_ref[...] = dinv * jnp.dot(x_ref[...], w_ref[...],
                                preferred_element_type=jnp.float32)


def _tc_prep(x, w1, dp0, dp1):
    return pl.pallas_call(
        _prep_body,
        grid=(N3 // _BN,),
        in_specs=[
            pl.BlockSpec((_BN, D), lambda i: (i, 0)),
            pl.BlockSpec((D, H), lambda i: (0, 0)),
            pl.BlockSpec((_BN, H), lambda i: (i, 0)),
            pl.BlockSpec((_BN, H), lambda i: (i, 0)),
        ],
        out_specs=[
            pl.BlockSpec((_BN, H), lambda i: (i, 0)),
            pl.BlockSpec((_BN, 1), lambda i: (i, 0)),
        ],
        out_shape=[
            jax.ShapeDtypeStruct((N3, H), jnp.float32),
            jax.ShapeDtypeStruct((N3, 1), jnp.float32),
        ],
    )(x, w1, dp0, dp1)


def _layer_body(p0_ref, p1_ref, y_ref, dinv_ref, b_ref, w_ref, o_ref):
    dinv = dinv_ref[...]
    h = dinv * (p0_ref[...] + p1_ref[...] + y_ref[...]) + b_ref[...]
    h = jnp.maximum(h, 0.0)
    o_ref[...] = dinv * jnp.dot(h, w_ref[...],
                                preferred_element_type=jnp.float32)


def _tc_layer(p0, p1, y, dinv, b, w):
    return pl.pallas_call(
        _layer_body,
        grid=(N3 // _BN,),
        in_specs=[
            pl.BlockSpec((_BN, H), lambda i: (i, 0)),
            pl.BlockSpec((_BN, H), lambda i: (i, 0)),
            pl.BlockSpec((_BN, H), lambda i: (i, 0)),
            pl.BlockSpec((_BN, 1), lambda i: (i, 0)),
            pl.BlockSpec((1, H), lambda i: (0, 0)),
            pl.BlockSpec((H, H), lambda i: (0, 0)),
        ],
        out_specs=pl.BlockSpec((_BN, H), lambda i: (i, 0)),
        out_shape=jax.ShapeDtypeStruct((N3, H), jnp.float32),
    )(p0, p1, y, dinv, b, w)


def _final_body(p0_ref, p1_ref, y_ref, dinv_ref, b_ref, batch_ref,
                fc1w_ref, fc1b_ref, fc2w_ref, fc2b_ref, fc3w_ref, fc3b_ref,
                o_ref, g_acc):
    i = pl.program_id(0)

    @pl.when(i == 0)
    def _():
        g_acc[...] = jnp.zeros_like(g_acc)

    dinv = dinv_ref[...]
    h = dinv * (p0_ref[...] + p1_ref[...] + y_ref[...]) + b_ref[...]
    h = jnp.maximum(h, 0.0)
    seg = lax.broadcasted_iota(jnp.int32, (_BN, G), 1)
    onehot = (batch_ref[...] == seg).astype(jnp.float32)
    g_acc[...] += lax.dot_general(onehot, h, (((0,), (0,)), ((), ())),
                                  preferred_element_type=jnp.float32)

    @pl.when(i == (N3 // _BN) - 1)
    def _():
        g = g_acc[...]
        h1 = jnp.maximum(jnp.dot(g, fc1w_ref[...],
                                 preferred_element_type=jnp.float32)
                         + fc1b_ref[...], 0.0)
        h2 = jnp.maximum(jnp.dot(h1, fc2w_ref[...],
                                 preferred_element_type=jnp.float32)
                         + fc2b_ref[...], 0.0)
        o_ref[...] = jnp.dot(h2, fc3w_ref[...],
                             preferred_element_type=jnp.float32) + fc3b_ref[...]


def _tc_final(p0, p1, y, dinv, b, batch2d, fc1w, fc1b, fc2w, fc2b, fc3w, fc3b):
    return pl.pallas_call(
        _final_body,
        grid=(N3 // _BN,),
        in_specs=[
            pl.BlockSpec((_BN, H), lambda i: (i, 0)),
            pl.BlockSpec((_BN, H), lambda i: (i, 0)),
            pl.BlockSpec((_BN, H), lambda i: (i, 0)),
            pl.BlockSpec((_BN, 1), lambda i: (i, 0)),
            pl.BlockSpec((1, H), lambda i: (0, 0)),
            pl.BlockSpec((_BN, 1), lambda i: (i, 0)),
            pl.BlockSpec((H, H), lambda i: (0, 0)),
            pl.BlockSpec((1, H), lambda i: (0, 0)),
            pl.BlockSpec((H, H // 2), lambda i: (0, 0)),
            pl.BlockSpec((1, H // 2), lambda i: (0, 0)),
            pl.BlockSpec((H // 2, C), lambda i: (0, 0)),
            pl.BlockSpec((1, C), lambda i: (0, 0)),
        ],
        out_specs=pl.BlockSpec((G, C), lambda i: (0, 0)),
        out_shape=jax.ShapeDtypeStruct((G, C), jnp.float32),
        scratch_shapes=[pltpu.VMEM((G, H), jnp.float32)],
    )(p0, p1, y, dinv, b, batch2d, fc1w, fc1b, fc2w, fc2b, fc3w, fc3b)


def kernel(x, edge_index, batch, W1, b1, W2, b2, W3, b3, W4, b4,
           fc1_w, fc1_b, fc2_w, fc2_b, fc3_w, fc3_b):
    src = edge_index[0]
    dst = edge_index[1]
    x_pad = jnp.pad(x, ((0, N3 - N), (0, 0)))
    batch_pad = jnp.pad(batch, (0, N3 - N), constant_values=G).reshape(N3, 1)
    zeros128 = jnp.zeros((RZ, H), jnp.float32)
    ones128 = jnp.ones((K, H), jnp.float32)

    degp = _get_deg_kernel()(dst, ones128, zeros128)
    y, dinv = _tc_prep(x_pad, W1, degp[0], degp[1])

    _agg = _get_agg_kernel()
    p = _agg(y, src, dst, zeros128)
    y = _tc_layer(p[0], p[1], y, dinv, b1.reshape(1, H), W2)
    p = _agg(y, src, dst, zeros128)
    y = _tc_layer(p[0], p[1], y, dinv, b2.reshape(1, H), W3)
    p = _agg(y, src, dst, zeros128)
    y = _tc_layer(p[0], p[1], y, dinv, b3.reshape(1, H), W4)
    p = _agg(y, src, dst, zeros128)

    return _tc_final(p[0], p[1], y, dinv, b4.reshape(1, H),
                     batch_pad, fc1_w, fc1_b.reshape(1, H),
                     fc2_w, fc2_b.reshape(1, H // 2),
                     fc3_w, fc3_b.reshape(1, C))

# --- scband reference (transcript-rebuilt; emitter-appended) ---
"""Pipeline reference for scband-gcn-27307402068686 (READ-ONLY COPY).

The authoritative reference and input builder live on the scoring server;
editing this copy changes nothing except your own understanding.
"""

import jax, jax.numpy as jnp
import numpy as np

N = 10000
E = 320000
D = 128
H = 128
C = 10
G = 16


def setup_inputs(seed: int = 0) -> dict:
    key = jax.random.key(seed)
    ks = jax.random.split(key, 24)
    inp = {}
    inp["x"] = jax.random.normal(ks[0], (N, D), dtype=jnp.float32)
    inp["edge_index"] = jax.random.randint(ks[1], (2, E), 0, N, dtype=jnp.int32)
    inp["batch"] = jnp.sort(jax.random.randint(ks[2], (N,), 0, G, dtype=jnp.int32))
    # GCNConv layer params (conv1 + 3 more convs)
    inp["W1"] = jax.random.normal(ks[3], (D, H), dtype=jnp.float32) * (1.0 / np.sqrt(D))
    inp["b1"] = jnp.zeros((H,), dtype=jnp.float32)
    inp["W2"] = jax.random.normal(ks[4], (H, H), dtype=jnp.float32) * (1.0 / np.sqrt(H))
    inp["b2"] = jnp.zeros((H,), dtype=jnp.float32)
    inp["W3"] = jax.random.normal(ks[5], (H, H), dtype=jnp.float32) * (1.0 / np.sqrt(H))
    inp["b3"] = jnp.zeros((H,), dtype=jnp.float32)
    inp["W4"] = jax.random.normal(ks[6], (H, H), dtype=jnp.float32) * (1.0 / np.sqrt(H))
    inp["b4"] = jnp.zeros((H,), dtype=jnp.float32)
    # FC head
    inp["fc1_w"] = jax.random.normal(ks[7], (H, H), dtype=jnp.float32) * (1.0 / np.sqrt(H))
    inp["fc1_b"] = jnp.zeros((H,), dtype=jnp.float32)
    inp["fc2_w"] = jax.random.normal(ks[8], (H, H // 2), dtype=jnp.float32) * (1.0 / np.sqrt(H))
    inp["fc2_b"] = jnp.zeros((H // 2,), dtype=jnp.float32)
    inp["fc3_w"] = jax.random.normal(ks[9], (H // 2, C), dtype=jnp.float32) * (1.0 / np.sqrt(H // 2))
    inp["fc3_b"] = jnp.zeros((C,), dtype=jnp.float32)
    return inp


def _gcn_conv(x, src, dst, W, b):
    # PyG GCNConv: add self-loops, symmetric normalization D^-1/2 (A+I) D^-1/2 X W + b
    n = x.shape[0]
    xw = x @ W
    deg = jnp.zeros((n,), x.dtype).at[dst].add(1.0) + 1.0  # +1 for self-loop
    dinv = 1.0 / jnp.sqrt(deg)
    norm = dinv[src] * dinv[dst]
    out = jnp.zeros_like(xw).at[dst].add(xw[src] * norm[:, None])
    out = out + xw * (dinv * dinv)[:, None]  # self-loop messages
    return out + b


def reference(x, edge_index, batch, W1, b1, W2, b2, W3, b3, W4, b4,
              fc1_w, fc1_b, fc2_w, fc2_b, fc3_w, fc3_b):
    src, dst = edge_index[0], edge_index[1]
    h = jax.nn.relu(_gcn_conv(x, src, dst, W1, b1))
    for W, b in ((W2, b2), (W3, b3), (W4, b4)):
        h = jax.nn.relu(_gcn_conv(h, src, dst, W, b))
    # global_add_pool
    g = jax.ops.segment_sum(h, batch, num_segments=G)
    # fc_forward (dropout is identity in eval mode)
    h1 = jax.nn.relu(g @ fc1_w + fc1_b)
    h2 = jax.nn.relu(h1 @ fc2_w + fc2_b)
    return h2 @ fc3_w + fc3_b

if __name__ == "__main__":
    import jax
    _d = setup_inputs()
    print(jax.jit(kernel)(*tuple(_d.values())))

</pallas_src>

<mosaic_0001>
#map = affine_map<(d0, d1) -> (0)>
#map1 = affine_map<(d0, d1) -> (0, 0)>
#map2 = affine_map<(d0, d1) -> (0, 0, 0)>
module attributes {stable_mosaic.version = 14 : i64} {
  func.func @_deg_body(%arg0: i32, %arg1: i32, %arg2: memref<320000xi32, #tpu.memory_space<hbm>>, %arg3: memref<80x128xf32, #tpu.memory_space<hbm>>, %arg4: memref<128x128xf32, #tpu.memory_space<hbm>>, %arg5: memref<2x10240x128xf32, #tpu.memory_space<hbm>>, %arg6: memref<80xi32, #tpu.memory_space<vmem>>, %arg7: memref<80x128xf32, #tpu.memory_space<vmem>>, %arg8: memref<128x128xf32, #tpu.memory_space<vmem>>, %arg9: memref<10240x128xf32, #tpu.memory_space<vmem_shared>>) attributes {dimension_semantics = [#tpu.dimension_semantics<core_parallel>, #tpu.dimension_semantics<subcore_parallel>], iteration_bounds = array<i64: 2, 16>, scalar_prefetch = 0 : i64, scratch_operands = 4 : i64, tpu.core_type = #tpu.core_type<sc_vector_subcore>, window_params = [{transform_indices = #map}, {transform_indices = #map1}, {transform_indices = #map1}, {transform_indices = #map2}]} {
    %mul3A = arith.constant 16 : i32
    %mul3A_0 = arith.muli %arg0, %mul3A : i32
    %add3A = arith.addi %mul3A_0, %arg1 : i32
    "tpu.region"() ({
      %run_scoped3A = tpu.sem_alloc : memref<!tpu.dma_semaphore, #tpu.memory_space<semaphore_mem>>
      tpu.enqueue_dma source(%arg3 : memref<80x128xf32, #tpu.memory_space<hbm>>) target(%arg7 : memref<80x128xf32, #tpu.memory_space<vmem>>) target_semaphore(%run_scoped3A : memref<!tpu.dma_semaphore, #tpu.memory_space<semaphore_mem>>)
      tpu.wait_dma2 semaphore(%run_scoped3A : memref<!tpu.dma_semaphore, #tpu.memory_space<semaphore_mem>>) src(%arg3 : memref<80x128xf32, #tpu.memory_space<hbm>>) dst(%arg7 : memref<80x128xf32, #tpu.memory_space<vmem>>)
      tpu.yield
    }) : () -> ()
    "tpu.region"() ({
      %run_scoped3A = tpu.sem_alloc : memref<!tpu.dma_semaphore, #tpu.memory_space<semaphore_mem>>
      tpu.enqueue_dma source(%arg4 : memref<128x128xf32, #tpu.memory_space<hbm>>) target(%arg8 : memref<128x128xf32, #tpu.memory_space<vmem>>) target_semaphore(%run_scoped3A : memref<!tpu.dma_semaphore, #tpu.memory_space<semaphore_mem>>)
      tpu.wait_dma2 semaphore(%run_scoped3A : memref<!tpu.dma_semaphore, #tpu.memory_space<semaphore_mem>>) src(%arg4 : memref<128x128xf32, #tpu.memory_space<hbm>>) dst(%arg8 : memref<128x128xf32, #tpu.memory_space<vmem>>)
      tpu.yield
    }) : () -> ()
    %mul3A_1 = arith.constant 640 : i32
    %mul3A_2 = arith.muli %arg1, %mul3A_1 : i32
    %add3A_3 = arith.constant 0 : i32
    %add3A_4 = arith.addi %mul3A_2, %add3A_3 : i32
    "tpu.region"() ({
      %run_scoped3A = tpu.sem_alloc : memref<!tpu.dma_semaphore, #tpu.memory_space<semaphore_mem>>
      %dma_start3A = arith.constant 0 : i32
      %dma_start3A_67 = tpu.memref_slice %arg9[%add3A_4, %dma_start3A] : memref<10240x128xf32, #tpu.memory_space<vmem_shared>> -> memref<128x128xf32, #tpu.memory_space<vmem_shared>>
      %dma_start3A_68 = arith.constant 0 : i32
      %dma_start3A_69 = tpu.memref_slice %arg9[%add3A_4, %dma_start3A_68] : memref<10240x128xf32, #tpu.memory_space<vmem_shared>> -> memref<128x128xf32, #tpu.memory_space<vmem_shared>>
      tpu.enqueue_dma source(%arg8 : memref<128x128xf32, #tpu.memory_space<vmem>>) target(%dma_start3A_69 : memref<128x128xf32, #tpu.memory_space<vmem_shared>>) target_semaphore(%run_scoped3A : memref<!tpu.dma_semaphore, #tpu.memory_space<semaphore_mem>>)
      %dma_wait3A = arith.constant 0 : i32
      %dma_wait3A_70 = tpu.memref_slice %arg9[%add3A_4, %dma_wait3A] : memref<10240x128xf32, #tpu.memory_space<vmem_shared>> -> memref<128x128xf32, #tpu.memory_space<vmem_shared>>
      %dma_wait3A_71 = arith.constant 0 : i32
      %dma_wait3A_72 = tpu.memref_slice %arg9[%add3A_4, %dma_wait3A_71] : memref<10240x128xf32, #tpu.memory_space<vmem_shared>> -> memref<128x128xf32, #tpu.memory_space<vmem_shared>>
      tpu.wait_dma2 semaphore(%run_scoped3A : memref<!tpu.dma_semaphore, #tpu.memory_space<semaphore_mem>>) src(%arg8 : memref<128x128xf32, #tpu.memory_space<vmem>>) dst(%dma_wait3A_72 : memref<128x128xf32, #tpu.memory_space<vmem_shared>>)
      tpu.yield
    }) : () -> ()
    %mul3A_5 = arith.constant 640 : i32
    %mul3A_6 = arith.muli %arg1, %mul3A_5 : i32
    %add3A_7 = arith.constant 128 : i32
    %add3A_8 = arith.addi %mul3A_6, %add3A_7 : i32
    "tpu.region"() ({
      %run_scoped3A = tpu.sem_alloc : memref<!tpu.dma_semaphore, #tpu.memory_space<semaphore_mem>>
      %dma_start3A = arith.constant 0 : i32
      %dma_start3A_67 = tpu.memref_slice %arg9[%add3A_8, %dma_start3A] : memref<10240x128xf32, #tpu.memory_space<vmem_shared>> -> memref<128x128xf32, #tpu.memory_space<vmem_shared>>
      %dma_start3A_68 = arith.constant 0 : i32
      %dma_start3A_69 = tpu.memref_slice %arg9[%add3A_8, %dma_start3A_68] : memref<10240x128xf32, #tpu.memory_space<vmem_shared>> -> memref<128x128xf32, #tpu.memory_space<vmem_shared>>
      tpu.enqueue_dma source(%arg8 : memref<128x128xf32, #tpu.memory_space<vmem>>) target(%dma_start3A_69 : memref<128x128xf32, #tpu.memory_space<vmem_shared>>) target_semaphore(%run_scoped3A : memref<!tpu.dma_semaphore, #tpu.memory_space<semaphore_mem>>)
      %dma_wait3A = arith.constant 0 : i32
      %dma_wait3A_70 = tpu.memref_slice %arg9[%add3A_8, %dma_wait3A] : memref<10240x128xf32, #tpu.memory_space<vmem_shared>> -> memref<128x128xf32, #tpu.memory_space<vmem_shared>>
      %dma_wait3A_71 = arith.constant 0 : i32
      %dma_wait3A_72 = tpu.memref_slice %arg9[%add3A_8, %dma_wait3A_71] : memref<10240x128xf32, #tpu.memory_space<vmem_shared>> -> memref<128x128xf32, #tpu.memory_space<vmem_shared>>
      tpu.wait_dma2 semaphore(%run_scoped3A : memref<!tpu.dma_semaphore, #tpu.memory_space<semaphore_mem>>) src(%arg8 : memref<128x128xf32, #tpu.memory_space<vmem>>) dst(%dma_wait3A_72 : memref<128x128xf32, #tpu.memory_space<vmem_shared>>)
      tpu.yield
    }) : () -> ()
    %mul3A_9 = arith.constant 640 : i32
    %mul3A_10 = arith.muli %arg1, %mul3A_9 : i32
    %add3A_11 = arith.constant 256 : i32
    %add3A_12 = arith.addi %mul3A_10, %add3A_11 : i32
    "tpu.region"() ({
      %run_scoped3A = tpu.sem_alloc : memref<!tpu.dma_semaphore, #tpu.memory_space<semaphore_mem>>
      %dma_start3A = arith.constant 0 : i32
      %dma_start3A_67 = tpu.memref_slice %arg9[%add3A_12, %dma_start3A] : memref<10240x128xf32, #tpu.memory_space<vmem_shared>> -> memref<128x128xf32, #tpu.memory_space<vmem_shared>>
      %dma_start3A_68 = arith.constant 0 : i32
      %dma_start3A_69 = tpu.memref_slice %arg9[%add3A_12, %dma_start3A_68] : memref<10240x128xf32, #tpu.memory_space<vmem_shared>> -> memref<128x128xf32, #tpu.memory_space<vmem_shared>>
      tpu.enqueue_dma source(%arg8 : memref<128x128xf32, #tpu.memory_space<vmem>>) target(%dma_start3A_69 : memref<128x128xf32, #tpu.memory_space<vmem_shared>>) target_semaphore(%run_scoped3A : memref<!tpu.dma_semaphore, #tpu.memory_space<semaphore_mem>>)
      %dma_wait3A = arith.constant 0 : i32
      %dma_wait3A_70 = tpu.memref_slice %arg9[%add3A_12, %dma_wait3A] : memref<10240x128xf32, #tpu.memory_space<vmem_shared>> -> memref<128x128xf32, #tpu.memory_space<vmem_shared>>
      %dma_wait3A_71 = arith.constant 0 : i32
      %dma_wait3A_72 = tpu.memref_slice %arg9[%add3A_12, %dma_wait3A_71] : memref<10240x128xf32, #tpu.memory_space<vmem_shared>> -> memref<128x128xf32, #tpu.memory_space<vmem_shared>>
      tpu.wait_dma2 semaphore(%run_scoped3A : memref<!tpu.dma_semaphore, #tpu.memory_space<semaphore_mem>>) src(%arg8 : memref<128x128xf32, #tpu.memory_space<vmem>>) dst(%dma_wait3A_72 : memref<128x128xf32, #tpu.memory_space<vmem_shared>>)
      tpu.yield
    }) : () -> ()
    %mul3A_13 = arith.constant 640 : i32
    %mul3A_14 = arith.muli %arg1, %mul3A_13 : i32
    %add3A_15 = arith.constant 384 : i32
    %add3A_16 = arith.addi %mul3A_14, %add3A_15 : i32
    "tpu.region"() ({
      %run_scoped3A = tpu.sem_alloc : memref<!tpu.dma_semaphore, #tpu.memory_space<semaphore_mem>>
      %dma_start3A = arith.constant 0 : i32
      %dma_start3A_67 = tpu.memref_slice %arg9[%add3A_16, %dma_start3A] : memref<10240x128xf32, #tpu.memory_space<vmem_shared>> -> memref<128x128xf32, #tpu.memory_space<vmem_shared>>
      %dma_start3A_68 = arith.constant 0 : i32
      %dma_start3A_69 = tpu.memref_slice %arg9[%add3A_16, %dma_start3A_68] : memref<10240x128xf32, #tpu.memory_space<vmem_shared>> -> memref<128x128xf32, #tpu.memory_space<vmem_shared>>
      tpu.enqueue_dma source(%arg8 : memref<128x128xf32, #tpu.memory_space<vmem>>) target(%dma_start3A_69 : memref<128x128xf32, #tpu.memory_space<vmem_shared>>) target_semaphore(%run_scoped3A : memref<!tpu.dma_semaphore, #tpu.memory_space<semaphore_mem>>)
      %dma_wait3A = arith.constant 0 : i32
      %dma_wait3A_70 = tpu.memref_slice %arg9[%add3A_16, %dma_wait3A] : memref<10240x128xf32, #tpu.memory_space<vmem_shared>> -> memref<128x128xf32, #tpu.memory_space<vmem_shared>>
      %dma_wait3A_71 = arith.constant 0 : i32
      %dma_wait3A_72 = tpu.memref_slice %arg9[%add3A_16, %dma_wait3A_71] : memref<10240x128xf32, #tpu.memory_space<vmem_shared>> -> memref<128x128xf32, #tpu.memory_space<vmem_shared>>
      tpu.wait_dma2 semaphore(%run_scoped3A : memref<!tpu.dma_semaphore, #tpu.memory_space<semaphore_mem>>) src(%arg8 : memref<128x128xf32, #tpu.memory_space<vmem>>) dst(%dma_wait3A_72 : memref<128x128xf32, #tpu.memory_space<vmem_shared>>)
      tpu.yield
    }) : () -> ()
    %mul3A_17 = arith.constant 640 : i32
    %mul3A_18 = arith.muli %arg1, %mul3A_17 : i32
    %add3A_19 = arith.constant 512 : i32
    %add3A_20 = arith.addi %mul3A_18, %add3A_19 : i32
    "tpu.region"() ({
      %run_scoped3A = tpu.sem_alloc : memref<!tpu.dma_semaphore, #tpu.memory_space<semaphore_mem>>
      %dma_start3A = arith.constant 0 : i32
      %dma_start3A_67 = tpu.memref_slice %arg9[%add3A_20, %dma_start3A] : memref<10240x128xf32, #tpu.memory_space<vmem_shared>> -> memref<128x128xf32, #tpu.memory_space<vmem_shared>>
      %dma_start3A_68 = arith.constant 0 : i32
      %dma_start3A_69 = tpu.memref_slice %arg9[%add3A_20, %dma_start3A_68] : memref<10240x128xf32, #tpu.memory_space<vmem_shared>> -> memref<128x128xf32, #tpu.memory_space<vmem_shared>>
      tpu.enqueue_dma source(%arg8 : memref<128x128xf32, #tpu.memory_space<vmem>>) target(%dma_start3A_69 : memref<128x128xf32, #tpu.memory_space<vmem_shared>>) target_semaphore(%run_scoped3A : memref<!tpu.dma_semaphore, #tpu.memory_space<semaphore_mem>>)
      %dma_wait3A = arith.constant 0 : i32
      %dma_wait3A_70 = tpu.memref_slice %arg9[%add3A_20, %dma_wait3A] : memref<10240x128xf32, #tpu.memory_space<vmem_shared>> -> memref<128x128xf32, #tpu.memory_space<vmem_shared>>
      %dma_wait3A_71 = arith.constant 0 : i32
      %dma_wait3A_72 = tpu.memref_slice %arg9[%add3A_20, %dma_wait3A_71] : memref<10240x128xf32, #tpu.memory_space<vmem_shared>> -> memref<128x128xf32, #tpu.memory_space<vmem_shared>>
      tpu.wait_dma2 semaphore(%run_scoped3A : memref<!tpu.dma_semaphore, #tpu.memory_space<semaphore_mem>>) src(%arg8 : memref<128x128xf32, #tpu.memory_space<vmem>>) dst(%dma_wait3A_72 : memref<128x128xf32, #tpu.memory_space<vmem_shared>>)
      tpu.yield
    }) : () -> ()
    %barrier3A = arith.constant 0 : index
    tpu.barrier barrier_id(%barrier3A)
    %scan3A = arith.constant 0 : i32
    %scan3A_21 = arith.constant 0 : i32
    %scan3A_22 = arith.constant 125 : i32
    %scan3A_23 = arith.addi %scan3A_21, %scan3A_22 : i32
    %scan3A_24 = arith.constant 1 : i32
    scf.for %scan3A_67 = %scan3A_21 to %scan3A_23 step %scan3A_24  : i32 {
      %mul3A_68 = arith.constant 10000 : i32
      %mul3A_69 = arith.muli %add3A, %mul3A_68 : i32
      %mul3A_70 = arith.constant 80 : i32
      %mul3A_71 = arith.muli %scan3A_67, %mul3A_70 : i32
      %add3A_72 = arith.addi %mul3A_69, %mul3A_71 : i32
      "tpu.region"() ({
        %run_scoped3A = tpu.sem_alloc : memref<!tpu.dma_semaphore, #tpu.memory_space<semaphore_mem>>
        %dma_start3A = tpu.memref_slice %arg2[%add3A_72] : memref<320000xi32, #tpu.memory_space<hbm>> -> memref<80xi32, #tpu.memory_space<hbm>>
        %dma_start3A_73 = tpu.memref_slice %arg2[%add3A_72] : memref<320000xi32, #tpu.memory_space<hbm>> -> memref<80xi32, #tpu.memory_space<hbm>>
        tpu.enqueue_dma source(%dma_start3A_73 : memref<80xi32, #tpu.memory_space<hbm>>) target(%arg6 : memref<80xi32, #tpu.memory_space<vmem>>) target_semaphore(%run_scoped3A : memref<!tpu.dma_semaphore, #tpu.memory_space<semaphore_mem>>)
        %dma_wait3A = tpu.memref_slice %arg2[%add3A_72] : memref<320000xi32, #tpu.memory_space<hbm>> -> memref<80xi32, #tpu.memory_space<hbm>>
        %dma_wait3A_74 = tpu.memref_slice %arg2[%add3A_72] : memref<320000xi32, #tpu.memory_space<hbm>> -> memref<80xi32, #tpu.memory_space<hbm>>
        tpu.wait_dma2 semaphore(%run_scoped3A : memref<!tpu.dma_semaphore, #tpu.memory_space<semaphore_mem>>) src(%dma_wait3A_74 : memref<80xi32, #tpu.memory_space<hbm>>) dst(%arg6 : memref<80xi32, #tpu.memory_space<vmem>>)
        tpu.yield
      }) : () -> ()
      "tpu.region"() ({
        %run_scoped3A = tpu.sem_alloc : memref<!tpu.dma_semaphore, #tpu.memory_space<semaphore_mem>>
        %dma_start3A = arith.constant 0 : i32
        %dma_start3A_73 = arith.constant 0 : i32
        %dma_start3A_74 = tpu.memref_slice %arg9[%dma_start3A, %dma_start3A_73] : memref<10240x128xf32, #tpu.memory_space<vmem_shared>> -> memref<10240x128xf32, #tpu.memory_space<vmem_shared>>
        tpu.enqueue_indirect_dma source(%arg7 : memref<80x128xf32, #tpu.memory_space<vmem>>) target(%dma_start3A_74 : memref<10240x128xf32, #tpu.memory_space<vmem_shared>>) offsets(%arg6 : memref<80xi32, #tpu.memory_space<vmem>>) semaphore(%run_scoped3A : memref<!tpu.dma_semaphore, #tpu.memory_space<semaphore_mem>>) {add = true}
        %dma_wait3A = arith.constant 0 : i32
        %dma_wait3A_75 = arith.constant 0 : i32
        %dma_wait3A_76 = tpu.memref_slice %arg9[%dma_wait3A, %dma_wait3A_75] : memref<10240x128xf32, #tpu.memory_space<vmem_shared>> -> memref<10240x128xf32, #tpu.memory_space<vmem_shared>>
        tpu.wait_indirect_dma semaphore(%run_scoped3A : memref<!tpu.dma_semaphore, #tpu.memory_space<semaphore_mem>>) src(%arg7 : memref<80x128xf32, #tpu.memory_space<vmem>>) dst(%dma_wait3A_76 : memref<10240x128xf32, #tpu.memory_space<vmem_shared>>)
        tpu.yield
      }) : () -> ()
    }
    %scan3A_25 = arith.constant 125 : i32
    %barrier3A_26 = arith.constant 0 : index
    tpu.barrier barrier_id(%barrier3A_26)
    %mul3A_27 = arith.constant 640 : i32
    %mul3A_28 = arith.muli %arg1, %mul3A_27 : i32
    %add3A_29 = arith.constant 0 : i32
    %add3A_30 = arith.addi %mul3A_28, %add3A_29 : i32
    "tpu.region"() ({
      %run_scoped3A = tpu.sem_alloc : memref<!tpu.dma_semaphore, #tpu.memory_space<semaphore_mem>>
      %dma_start3A = arith.constant 0 : i32
      %dma_start3A_67 = tpu.memref_slice %arg9[%add3A_30, %dma_start3A] : memref<10240x128xf32, #tpu.memory_space<vmem_shared>> -> memref<128x128xf32, #tpu.memory_space<vmem_shared>>
      %dma_start3A_68 = arith.constant 0 : i32
      %dma_start3A_69 = tpu.memref_slice %arg9[%add3A_30, %dma_start3A_68] : memref<10240x128xf32, #tpu.memory_space<vmem_shared>> -> memref<128x128xf32, #tpu.memory_space<vmem_shared>>
      tpu.enqueue_dma source(%dma_start3A_69 : memref<128x128xf32, #tpu.memory_space<vmem_shared>>) target(%arg8 : memref<128x128xf32, #tpu.memory_space<vmem>>) target_semaphore(%run_scoped3A : memref<!tpu.dma_semaphore, #tpu.memory_space<semaphore_mem>>)
      %dma_wait3A = arith.constant 0 : i32
      %dma_wait3A_70 = tpu.memref_slice %arg9[%add3A_30, %dma_wait3A] : memref<10240x128xf32, #tpu.memory_space<vmem_shared>> -> memref<128x128xf32, #tpu.memory_space<vmem_shared>>
      %dma_wait3A_71 = arith.constant 0 : i32
      %dma_wait3A_72 = tpu.memref_slice %arg9[%add3A_30, %dma_wait3A_71] : memref<10240x128xf32, #tpu.memory_space<vmem_shared>> -> memref<128x128xf32, #tpu.memory_space<vmem_shared>>
      tpu.wait_dma2 semaphore(%run_scoped3A : memref<!tpu.dma_semaphore, #tpu.memory_space<semaphore_mem>>) src(%dma_wait3A_72 : memref<128x128xf32, #tpu.memory_space<vmem_shared>>) dst(%arg8 : memref<128x128xf32, #tpu.memory_space<vmem>>)
      tpu.yield
    }) : () -> ()
    %mul3A_31 = arith.constant 640 : i32
    %mul3A_32 = arith.muli %arg1, %mul3A_31 : i32
    %add3A_33 = arith.constant 0 : i32
    %add3A_34 = arith.addi %mul3A_32, %add3A_33 : i32
    "tpu.region"() ({
      %run_scoped3A = tpu.sem_alloc : memref<!tpu.dma_semaphore, #tpu.memory_space<semaphore_mem>>
      %dma_start3A = arith.constant 0 : i32
      %dma_start3A_67 = tpu.memref_slice %arg5[%arg0, %add3A_34, %dma_start3A] : memref<2x10240x128xf32, #tpu.memory_space<hbm>> -> memref<1x128x128xf32, #tpu.memory_space<hbm>>
      %dma_start3A_68 = tpu.memref_squeeze %dma_start3A_67 : memref<1x128x128xf32, #tpu.memory_space<hbm>> -> memref<128x128xf32, #tpu.memory_space<hbm>>
      %dma_start3A_69 = arith.constant 0 : i32
      %dma_start3A_70 = tpu.memref_slice %arg5[%arg0, %add3A_34, %dma_start3A_69] : memref<2x10240x128xf32, #tpu.memory_space<hbm>> -> memref<1x128x128xf32, #tpu.memory_space<hbm>>
      %dma_start3A_71 = tpu.memref_squeeze %dma_start3A_70 : memref<1x128x128xf32, #tpu.memory_space<hbm>> -> memref<128x128xf32, #tpu.memory_space<hbm>>
      tpu.enqueue_dma source(%arg8 : memref<128x128xf32, #tpu.memory_space<vmem>>) target(%dma_start3A_71 : memref<128x128xf32, #tpu.memory_space<hbm>>) target_semaphore(%run_scoped3A : memref<!tpu.dma_semaphore, #tpu.memory_space<semaphore_mem>>)
      %dma_wait3A = arith.constant 0 : i32
      %dma_wait3A_72 = tpu.memref_slice %arg5[%arg0, %add3A_34, %dma_wait3A] : memref<2x10240x128xf32, #tpu.memory_space<hbm>> -> memref<1x128x128xf32, #tpu.memory_space<hbm>>
      %dma_wait3A_73 = tpu.memref_squeeze %dma_wait3A_72 : memref<1x128x128xf32, #tpu.memory_space<hbm>> -> memref<128x128xf32, #tpu.memory_space<hbm>>
      %dma_wait3A_74 = arith.constant 0 : i32
      %dma_wait3A_75 = tpu.memref_slice %arg5[%arg0, %add3A_34, %dma_wait3A_74] : memref<2x10240x128xf32, #tpu.memory_space<hbm>> -> memref<1x128x128xf32, #tpu.memory_space<hbm>>
      %dma_wait3A_76 = tpu.memref_squeeze %dma_wait3A_75 : memref<1x128x128xf32, #tpu.memory_space<hbm>> -> memref<128x128xf32, #tpu.memory_space<hbm>>
      tpu.wait_dma2 semaphore(%run_scoped3A : memref<!tpu.dma_semaphore, #tpu.memory_space<semaphore_mem>>) src(%arg8 : memref<128x128xf32, #tpu.memory_space<vmem>>) dst(%dma_wait3A_76 : memref<128x128xf32, #tpu.memory_space<hbm>>)
      tpu.yield
    }) : () -> ()
    %mul3A_35 = arith.constant 640 : i32
    %mul3A_36 = arith.muli %arg1, %mul3A_35 : i32
    %add3A_37 = arith.constant 128 : i32
    %add3A_38 = arith.addi %mul3A_36, %add3A_37 : i32
    "tpu.region"() ({
      %run_scoped3A = tpu.sem_alloc : memref<!tpu.dma_semaphore, #tpu.memory_space<semaphore_mem>>
      %dma_start3A = arith.constant 0 : i32
      %dma_start3A_67 = tpu.memref_slice %arg9[%add3A_38, %dma_start3A] : memref<10240x128xf32, #tpu.memory_space<vmem_shared>> -> memref<128x128xf32, #tpu.memory_space<vmem_shared>>
      %dma_start3A_68 = arith.constant 0 : i32
      %dma_start3A_69 = tpu.memref_slice %arg9[%add3A_38, %dma_start3A_68] : memref<10240x128xf32, #tpu.memory_space<vmem_shared>> -> memref<128x128xf32, #tpu.memory_space<vmem_shared>>
      tpu.enqueue_dma source(%dma_start3A_69 : memref<128x128xf32, #tpu.memory_space<vmem_shared>>) target(%arg8 : memref<128x128xf32, #tpu.memory_space<vmem>>) target_semaphore(%run_scoped3A : memref<!tpu.dma_semaphore, #tpu.memory_space<semaphore_mem>>)
      %dma_wait3A = arith.constant 0 : i32
      %dma_wait3A_70 = tpu.memref_slice %arg9[%add3A_38, %dma_wait3A] : memref<10240x128xf32, #tpu.memory_space<vmem_shared>> -> memref<128x128xf32, #tpu.memory_space<vmem_shared>>
      %dma_wait3A_71 = arith.constant 0 : i32
      %dma_wait3A_72 = tpu.memref_slice %arg9[%add3A_38, %dma_wait3A_71] : memref<10240x128xf32, #tpu.memory_space<vmem_shared>> -> memref<128x128xf32, #tpu.memory_space<vmem_shared>>
      tpu.wait_dma2 semaphore(%run_scoped3A : memref<!tpu.dma_semaphore, #tpu.memory_space<semaphore_mem>>) src(%dma_wait3A_72 : memref<128x128xf32, #tpu.memory_space<vmem_shared>>) dst(%arg8 : memref<128x128xf32, #tpu.memory_space<vmem>>)
      tpu.yield
    }) : () -> ()
    %mul3A_39 = arith.constant 640 : i32
    %mul3A_40 = arith.muli %arg1, %mul3A_39 : i32
    %add3A_41 = arith.constant 128 : i32
    %add3A_42 = arith.addi %mul3A_40, %add3A_41 : i32
    "tpu.region"() ({
      %run_scoped3A = tpu.sem_alloc : memref<!tpu.dma_semaphore, #tpu.memory_space<semaphore_mem>>
      %dma_start3A = arith.constant 0 : i32
      %dma_start3A_67 = tpu.memref_slice %arg5[%arg0, %add3A_42, %dma_start3A] : memref<2x10240x128xf32, #tpu.memory_space<hbm>> -> memref<1x128x128xf32, #tpu.memory_space<hbm>>
      %dma_start3A_68 = tpu.memref_squeeze %dma_start3A_67 : memref<1x128x128xf32, #tpu.memory_space<hbm>> -> memref<128x128xf32, #tpu.memory_space<hbm>>
      %dma_start3A_69 = arith.constant 0 : i32
      %dma_start3A_70 = tpu.memref_slice %arg5[%arg0, %add3A_42, %dma_start3A_69] : memref<2x10240x128xf32, #tpu.memory_space<hbm>> -> memref<1x128x128xf32, #tpu.memory_space<hbm>>
      %dma_start3A_71 = tpu.memref_squeeze %dma_start3A_70 : memref<1x128x128xf32, #tpu.memory_space<hbm>> -> memref<128x128xf32, #tpu.memory_space<hbm>>
      tpu.enqueue_dma source(%arg8 : memref<128x128xf32, #tpu.memory_space<vmem>>) target(%dma_start3A_71 : memref<128x128xf32, #tpu.memory_space<hbm>>) target_semaphore(%run_scoped3A : memref<!tpu.dma_semaphore, #tpu.memory_space<semaphore_mem>>)
      %dma_wait3A = arith.constant 0 : i32
      %dma_wait3A_72 = tpu.memref_slice %arg5[%arg0, %add3A_42, %dma_wait3A] : memref<2x10240x128xf32, #tpu.memory_space<hbm>> -> memref<1x128x128xf32, #tpu.memory_space<hbm>>
      %dma_wait3A_73 = tpu.memref_squeeze %dma_wait3A_72 : memref<1x128x128xf32, #tpu.memory_space<hbm>> -> memref<128x128xf32, #tpu.memory_space<hbm>>
      %dma_wait3A_74 = arith.constant 0 : i32
      %dma_wait3A_75 = tpu.memref_slice %arg5[%arg0, %add3A_42, %dma_wait3A_74] : memref<2x10240x128xf32, #tpu.memory_space<hbm>> -> memref<1x128x128xf32, #tpu.memory_space<hbm>>
      %dma_wait3A_76 = tpu.memref_squeeze %dma_wait3A_75 : memref<1x128x128xf32, #tpu.memory_space<hbm>> -> memref<128x128xf32, #tpu.memory_space<hbm>>
      tpu.wait_dma2 semaphore(%run_scoped3A : memref<!tpu.dma_semaphore, #tpu.memory_space<semaphore_mem>>) src(%arg8 : memref<128x128xf32, #tpu.memory_space<vmem>>) dst(%dma_wait3A_76 : memref<128x128xf32, #tpu.memory_space<hbm>>)
      tpu.yield
    }) : () -> ()
    %mul3A_43 = arith.constant 640 : i32
    %mul3A_44 = arith.muli %arg1, %mul3A_43 : i32
    %add3A_45 = arith.constant 256 : i32
    %add3A_46 = arith.addi %mul3A_44, %add3A_45 : i32
    "tpu.region"() ({
      %run_scoped3A = tpu.sem_alloc : memref<!tpu.dma_semaphore, #tpu.memory_space<semaphore_mem>>
      %dma_start3A = arith.constant 0 : i32
      %dma_start3A_67 = tpu.memref_slice %arg9[%add3A_46, %dma_start3A] : memref<10240x128xf32, #tpu.memory_space<vmem_shared>> -> memref<128x128xf32, #tpu.memory_space<vmem_shared>>
      %dma_start3A_68 = arith.constant 0 : i32
      %dma_start3A_69 = tpu.memref_slice %arg9[%add3A_46, %dma_start3A_68] : memref<10240x128xf32, #tpu.memory_space<vmem_shared>> -> memref<128x128xf32, #tpu.memory_space<vmem_shared>>
      tpu.enqueue_dma source(%dma_start3A_69 : memref<128x128xf32, #tpu.memory_space<vmem_shared>>) target(%arg8 : memref<128x128xf32, #tpu.memory_space<vmem>>) target_semaphore(%run_scoped3A : memref<!tpu.dma_semaphore, #tpu.memory_space<semaphore_mem>>)
      %dma_wait3A = arith.constant 0 : i32
      %dma_wait3A_70 = tpu.memref_slice %arg9[%add3A_46, %dma_wait3A] : memref<10240x128xf32, #tpu.memory_space<vmem_shared>> -> memref<128x128xf32, #tpu.memory_space<vmem_shared>>
      %dma_wait3A_71 = arith.constant 0 : i32
      %dma_wait3A_72 = tpu.memref_slice %arg9[%add3A_46, %dma_wait3A_71] : memref<10240x128xf32, #tpu.memory_space<vmem_shared>> -> memref<128x128xf32, #tpu.memory_space<vmem_shared>>
      tpu.wait_dma2 semaphore(%run_scoped3A : memref<!tpu.dma_semaphore, #tpu.memory_space<semaphore_mem>>) src(%dma_wait3A_72 : memref<128x128xf32, #tpu.memory_space<vmem_shared>>) dst(%arg8 : memref<128x128xf32, #tpu.memory_space<vmem>>)
      tpu.yield
    }) : () -> ()
    %mul3A_47 = arith.constant 640 : i32
    %mul3A_48 = arith.muli %arg1, %mul3A_47 : i32
    %add3A_49 = arith.constant 256 : i32
    %add3A_50 = arith.addi %mul3A_48, %add3A_49 : i32
    "tpu.region"() ({
      %run_scoped3A = tpu.sem_alloc : memref<!tpu.dma_semaphore, #tpu.memory_space<semaphore_mem>>
      %dma_start3A = arith.constant 0 : i32
      %dma_start3A_67 = tpu.memref_slice %arg5[%arg0, %add3A_50, %dma_start3A] : memref<2x10240x128xf32, #tpu.memory_space<hbm>> -> memref<1x128x128xf32, #tpu.memory_space<hbm>>
      %dma_start3A_68 = tpu.memref_squeeze %dma_start3A_67 : memref<1x128x128xf32, #tpu.memory_space<hbm>> -> memref<128x128xf32, #tpu.memory_space<hbm>>
      %dma_start3A_69 = arith.constant 0 : i32
      %dma_start3A_70 = tpu.memref_slice %arg5[%arg0, %add3A_50, %dma_start3A_69] : memref<2x10240x128xf32, #tpu.memory_space<hbm>> -> memref<1x128x128xf32, #tpu.memory_space<hbm>>
      %dma_start3A_71 = tpu.memref_squeeze %dma_start3A_70 : memref<1x128x128xf32, #tpu.memory_space<hbm>> -> memref<128x128xf32, #tpu.memory_space<hbm>>
      tpu.enqueue_dma source(%arg8 : memref<128x128xf32, #tpu.memory_space<vmem>>) target(%dma_start3A_71 : memref<128x128xf32, #tpu.memory_space<hbm>>) target_semaphore(%run_scoped3A : memref<!tpu.dma_semaphore, #tpu.memory_space<semaphore_mem>>)
      %dma_wait3A = arith.constant 0 : i32
      %dma_wait3A_72 = tpu.memref_slice %arg5[%arg0, %add3A_50, %dma_wait3A] : memref<2x10240x128xf32, #tpu.memory_space<hbm>> -> memref<1x128x128xf32, #tpu.memory_space<hbm>>
      %dma_wait3A_73 = tpu.memref_squeeze %dma_wait3A_72 : memref<1x128x128xf32, #tpu.memory_space<hbm>> -> memref<128x128xf32, #tpu.memory_space<hbm>>
      %dma_wait3A_74 = arith.constant 0 : i32
      %dma_wait3A_75 = tpu.memref_slice %arg5[%arg0, %add3A_50, %dma_wait3A_74] : memref<2x10240x128xf32, #tpu.memory_space<hbm>> -> memref<1x128x128xf32, #tpu.memory_space<hbm>>
      %dma_wait3A_76 = tpu.memref_squeeze %dma_wait3A_75 : memref<1x128x128xf32, #tpu.memory_space<hbm>> -> memref<128x128xf32, #tpu.memory_space<hbm>>
      tpu.wait_dma2 semaphore(%run_scoped3A : memref<!tpu.dma_semaphore, #tpu.memory_space<semaphore_mem>>) src(%arg8 : memref<128x128xf32, #tpu.memory_space<vmem>>) dst(%dma_wait3A_76 : memref<128x128xf32, #tpu.memory_space<hbm>>)
      tpu.yield
    }) : () -> ()
    %mul3A_51 = arith.constant 640 : i32
    %mul3A_52 = arith.muli %arg1, %mul3A_51 : i32
    %add3A_53 = arith.constant 384 : i32
    %add3A_54 = arith.addi %mul3A_52, %add3A_53 : i32
    "tpu.region"() ({
      %run_scoped3A = tpu.sem_alloc : memref<!tpu.dma_semaphore, #tpu.memory_space<semaphore_mem>>
      %dma_start3A = arith.constant 0 : i32
      %dma_start3A_67 = tpu.memref_slice %arg9[%add3A_54, %dma_start3A] : memref<10240x128xf32, #tpu.memory_space<vmem_shared>> -> memref<128x128xf32, #tpu.memory_space<vmem_shared>>
      %dma_start3A_68 = arith.constant 0 : i32
      %dma_start3A_69 = tpu.memref_slice %arg9[%add3A_54, %dma_start3A_68] : memref<10240x128xf32, #tpu.memory_space<vmem_shared>> -> memref<128x128xf32, #tpu.memory_space<vmem_shared>>
      tpu.enqueue_dma source(%dma_start3A_69 : memref<128x128xf32, #tpu.memory_space<vmem_shared>>) target(%arg8 : memref<128x128xf32, #tpu.memory_space<vmem>>) target_semaphore(%run_scoped3A : memref<!tpu.dma_semaphore, #tpu.memory_space<semaphore_mem>>)
      %dma_wait3A = arith.constant 0 : i32
      %dma_wait3A_70 = tpu.memref_slice %arg9[%add3A_54, %dma_wait3A] : memref<10240x128xf32, #tpu.memory_space<vmem_shared>> -> memref<128x128xf32, #tpu.memory_space<vmem_shared>>
      %dma_wait3A_71 = arith.constant 0 : i32
      %dma_wait3A_72 = tpu.memref_slice %arg9[%add3A_54, %dma_wait3A_71] : memref<10240x128xf32, #tpu.memory_space<vmem_shared>> -> memref<128x128xf32, #tpu.memory_space<vmem_shared>>
      tpu.wait_dma2 semaphore(%run_scoped3A : memref<!tpu.dma_semaphore, #tpu.memory_space<semaphore_mem>>) src(%dma_wait3A_72 : memref<128x128xf32, #tpu.memory_space<vmem_shared>>) dst(%arg8 : memref<128x128xf32, #tpu.memory_space<vmem>>)
      tpu.yield
    }) : () -> ()
    %mul3A_55 = arith.constant 640 : i32
    %mul3A_56 = arith.muli %arg1, %mul3A_55 : i32
    %add3A_57 = arith.constant 384 : i32
    %add3A_58 = arith.addi %mul3A_56, %add3A_57 : i32
    "tpu.region"() ({
      %run_scoped3A = tpu.sem_alloc : memref<!tpu.dma_semaphore, #tpu.memory_space<semaphore_mem>>
      %dma_start3A = arith.constant 0 : i32
      %dma_start3A_67 = tpu.memref_slice %arg5[%arg0, %add3A_58, %dma_start3A] : memref<2x10240x128xf32, #tpu.memory_space<hbm>> -> memref<1x128x128xf32, #tpu.memory_space<hbm>>
      %dma_start3A_68 = tpu.memref_squeeze %dma_start3A_67 : memref<1x128x128xf32, #tpu.memory_space<hbm>> -> memref<128x128xf32, #tpu.memory_space<hbm>>
      %dma_start3A_69 = arith.constant 0 : i32
      %dma_start3A_70 = tpu.memref_slice %arg5[%arg0, %add3A_58, %dma_start3A_69] : memref<2x10240x128xf32, #tpu.memory_space<hbm>> -> memref<1x128x128xf32, #tpu.memory_space<hbm>>
      %dma_start3A_71 = tpu.memref_squeeze %dma_start3A_70 : memref<1x128x128xf32, #tpu.memory_space<hbm>> -> memref<128x128xf32, #tpu.memory_space<hbm>>
      tpu.enqueue_dma source(%arg8 : memref<128x128xf32, #tpu.memory_space<vmem>>) target(%dma_start3A_71 : memref<128x128xf32, #tpu.memory_space<hbm>>) target_semaphore(%run_scoped3A : memref<!tpu.dma_semaphore, #tpu.memory_space<semaphore_mem>>)
      %dma_wait3A = arith.constant 0 : i32
      %dma_wait3A_72 = tpu.memref_slice %arg5[%arg0, %add3A_58, %dma_wait3A] : memref<2x10240x128xf32, #tpu.memory_space<hbm>> -> memref<1x128x128xf32, #tpu.memory_space<hbm>>
      %dma_wait3A_73 = tpu.memref_squeeze %dma_wait3A_72 : memref<1x128x128xf32, #tpu.memory_space<hbm>> -> memref<128x128xf32, #tpu.memory_space<hbm>>
      %dma_wait3A_74 = arith.constant 0 : i32
      %dma_wait3A_75 = tpu.memref_slice %arg5[%arg0, %add3A_58, %dma_wait3A_74] : memref<2x10240x128xf32, #tpu.memory_space<hbm>> -> memref<1x128x128xf32, #tpu.memory_space<hbm>>
      %dma_wait3A_76 = tpu.memref_squeeze %dma_wait3A_75 : memref<1x128x128xf32, #tpu.memory_space<hbm>> -> memref<128x128xf32, #tpu.memory_space<hbm>>
      tpu.wait_dma2 semaphore(%run_scoped3A : memref<!tpu.dma_semaphore, #tpu.memory_space<semaphore_mem>>) src(%arg8 : memref<128x128xf32, #tpu.memory_space<vmem>>) dst(%dma_wait3A_76 : memref<128x128xf32, #tpu.memory_space<hbm>>)
      tpu.yield
    }) : () -> ()
    %mul3A_59 = arith.constant 640 : i32
    %mul3A_60 = arith.muli %arg1, %mul3A_59 : i32
    %add3A_61 = arith.constant 512 : i32
    %add3A_62 = arith.addi %mul3A_60, %add3A_61 : i32
    "tpu.region"() ({
      %run_scoped3A = tpu.sem_alloc : memref<!tpu.dma_semaphore, #tpu.memory_space<semaphore_mem>>
      %dma_start3A = arith.constant 0 : i32
      %dma_start3A_67 = tpu.memref_slice %arg9[%add3A_62, %dma_start3A] : memref<10240x128xf32, #tpu.memory_space<vmem_shared>> -> memref<128x128xf32, #tpu.memory_space<vmem_shared>>
      %dma_start3A_68 = arith.constant 0 : i32
      %dma_start3A_69 = tpu.memref_slice %arg9[%add3A_62, %dma_start3A_68] : memref<10240x128xf32, #tpu.memory_space<vmem_shared>> -> memref<128x128xf32, #tpu.memory_space<vmem_shared>>
      tpu.enqueue_dma source(%dma_start3A_69 : memref<128x128xf32, #tpu.memory_space<vmem_shared>>) target(%arg8 : memref<128x128xf32, #tpu.memory_space<vmem>>) target_semaphore(%run_scoped3A : memref<!tpu.dma_semaphore, #tpu.memory_space<semaphore_mem>>)
      %dma_wait3A = arith.constant 0 : i32
      %dma_wait3A_70 = tpu.memref_slice %arg9[%add3A_62, %dma_wait3A] : memref<10240x128xf32, #tpu.memory_space<vmem_shared>> -> memref<128x128xf32, #tpu.memory_space<vmem_shared>>
      %dma_wait3A_71 = arith.constant 0 : i32
      %dma_wait3A_72 = tpu.memref_slice %arg9[%add3A_62, %dma_wait3A_71] : memref<10240x128xf32, #tpu.memory_space<vmem_shared>> -> memref<128x128xf32, #tpu.memory_space<vmem_shared>>
      tpu.wait_dma2 semaphore(%run_scoped3A : memref<!tpu.dma_semaphore, #tpu.memory_space<semaphore_mem>>) src(%dma_wait3A_72 : memref<128x128xf32, #tpu.memory_space<vmem_shared>>) dst(%arg8 : memref<128x128xf32, #tpu.memory_space<vmem>>)
      tpu.yield
    }) : () -> ()
    %mul3A_63 = arith.constant 640 : i32
    %mul3A_64 = arith.muli %arg1, %mul3A_63 : i32
    %add3A_65 = arith.constant 512 : i32
    %add3A_66 = arith.addi %mul3A_64, %add3A_65 : i32
    "tpu.region"() ({
      %run_scoped3A = tpu.sem_alloc : memref<!tpu.dma_semaphore, #tpu.memory_space<semaphore_mem>>
      %dma_start3A = arith.constant 0 : i32
      %dma_start3A_67 = tpu.memref_slice %arg5[%arg0, %add3A_66, %dma_start3A] : memref<2x10240x128xf32, #tpu.memory_space<hbm>> -> memref<1x128x128xf32, #tpu.memory_space<hbm>>
      %dma_start3A_68 = tpu.memref_squeeze %dma_start3A_67 : memref<1x128x128xf32, #tpu.memory_space<hbm>> -> memref<128x128xf32, #tpu.memory_space<hbm>>
      %dma_start3A_69 = arith.constant 0 : i32
      %dma_start3A_70 = tpu.memref_slice %arg5[%arg0, %add3A_66, %dma_start3A_69] : memref<2x10240x128xf32, #tpu.memory_space<hbm>> -> memref<1x128x128xf32, #tpu.memory_space<hbm>>
      %dma_start3A_71 = tpu.memref_squeeze %dma_start3A_70 : memref<1x128x128xf32, #tpu.memory_space<hbm>> -> memref<128x128xf32, #tpu.memory_space<hbm>>
      tpu.enqueue_dma source(%arg8 : memref<128x128xf32, #tpu.memory_space<vmem>>) target(%dma_start3A_71 : memref<128x128xf32, #tpu.memory_space<hbm>>) target_semaphore(%run_scoped3A : memref<!tpu.dma_semaphore, #tpu.memory_space<semaphore_mem>>)
      %dma_wait3A = arith.constant 0 : i32
      %dma_wait3A_72 = tpu.memref_slice %arg5[%arg0, %add3A_66, %dma_wait3A] : memref<2x10240x128xf32, #tpu.memory_space<hbm>> -> memref<1x128x128xf32, #tpu.memory_space<hbm>>
      %dma_wait3A_73 = tpu.memref_squeeze %dma_wait3A_72 : memref<1x128x128xf32, #tpu.memory_space<hbm>> -> memref<128x128xf32, #tpu.memory_space<hbm>>
      %dma_wait3A_74 = arith.constant 0 : i32
      %dma_wait3A_75 = tpu.memref_slice %arg5[%arg0, %add3A_66, %dma_wait3A_74] : memref<2x10240x128xf32, #tpu.memory_space<hbm>> -> memref<1x128x128xf32, #tpu.memory_space<hbm>>
      %dma_wait3A_76 = tpu.memref_squeeze %dma_wait3A_75 : memref<1x128x128xf32, #tpu.memory_space<hbm>> -> memref<128x128xf32, #tpu.memory_space<hbm>>
      tpu.wait_dma2 semaphore(%run_scoped3A : memref<!tpu.dma_semaphore, #tpu.memory_space<semaphore_mem>>) src(%arg8 : memref<128x128xf32, #tpu.memory_space<vmem>>) dst(%dma_wait3A_76 : memref<128x128xf32, #tpu.memory_space<hbm>>)
      tpu.yield
    }) : () -> ()
    return
  }
}

#map = affine_map<(d0, d1) -> (0, 0)>
#map1 = affine_map<(d0, d1) -> (0)>
#map2 = affine_map<(d0, d1) -> (0, 0, 0)>
module attributes {stable_mosaic.version = 14 : i64} {
  func.func @_agg_body(%arg0: i32, %arg1: i32, %arg2: memref<10240x128xf32, #tpu.memory_space<hbm>>, %arg3: memref<320000xi32, #tpu.memory_space<hbm>>, %arg4: memref<320000xi32, #tpu.memory_space<hbm>>, %arg5: memref<128x128xf32, #tpu.memory_space<hbm>>, %arg6: memref<2x10240x128xf32, #tpu.memory_space<hbm>>, %arg7: memref<80xi32, #tpu.memory_space<vmem>>, %arg8: memref<80xi32, #tpu.memory_space<vmem>>, %arg9: memref<80x128xf32, #tpu.memory_space<vmem>>, %arg10: memref<128x128xf32, #tpu.memory_space<vmem>>, %arg11: memref<10240x128xf32, #tpu.memory_space<vmem_shared>>, %arg12: memref<!tpu.dma_semaphore, #tpu.memory_space<semaphore_mem>>) attributes {dimension_semantics = [#tpu.dimension_semantics<core_parallel>, #tpu.dimension_semantics<subcore_parallel>], iteration_bounds = array<i64: 2, 16>, scalar_prefetch = 0 : i64, scratch_operands = 6 : i64, tpu.core_type = #tpu.core_type<sc_vector_subcore>, window_params = [{transform_indices = #map}, {transform_indices = #map1}, {transform_indices = #map1}, {transform_indices = #map}, {transform_indices = #map2}]} {
    %mul3A = arith.constant 16 : i32
    %mul3A_0 = arith.muli %arg0, %mul3A : i32
    %add3A = arith.addi %mul3A_0, %arg1 : i32
    "tpu.region"() ({
      %run_scoped3A = tpu.sem_alloc : memref<!tpu.dma_semaphore, #tpu.memory_space<semaphore_mem>>
      tpu.enqueue_dma source(%arg5 : memref<128x128xf32, #tpu.memory_space<hbm>>) target(%arg10 : memref<128x128xf32, #tpu.memory_space<vmem>>) target_semaphore(%run_scoped3A : memref<!tpu.dma_semaphore, #tpu.memory_space<semaphore_mem>>)
      tpu.wait_dma2 semaphore(%run_scoped3A : memref<!tpu.dma_semaphore, #tpu.memory_space<semaphore_mem>>) src(%arg5 : memref<128x128xf32, #tpu.memory_space<hbm>>) dst(%arg10 : memref<128x128xf32, #tpu.memory_space<vmem>>)
      tpu.yield
    }) : () -> ()
    %mul3A_1 = arith.constant 640 : i32
    %mul3A_2 = arith.muli %arg1, %mul3A_1 : i32
    %add3A_3 = arith.constant 0 : i32
    %add3A_4 = arith.addi %mul3A_2, %add3A_3 : i32
    "tpu.region"() ({
      %run_scoped3A = tpu.sem_alloc : memref<!tpu.dma_semaphore, #tpu.memory_space<semaphore_mem>>
      %dma_start3A = arith.constant 0 : i32
      %dma_start3A_67 = tpu.memref_slice %arg11[%add3A_4, %dma_start3A] : memref<10240x128xf32, #tpu.memory_space<vmem_shared>> -> memref<128x128xf32, #tpu.memory_space<vmem_shared>>
      %dma_start3A_68 = arith.constant 0 : i32
      %dma_start3A_69 = tpu.memref_slice %arg11[%add3A_4, %dma_start3A_68] : memref<10240x128xf32, #tpu.memory_space<vmem_shared>> -> memref<128x128xf32, #tpu.memory_space<vmem_shared>>
      tpu.enqueue_dma source(%arg10 : memref<128x128xf32, #tpu.memory_space<vmem>>) target(%dma_start3A_69 : memref<128x128xf32, #tpu.memory_space<vmem_shared>>) target_semaphore(%run_scoped3A : memref<!tpu.dma_semaphore, #tpu.memory_space<semaphore_mem>>)
      %dma_wait3A = arith.constant 0 : i32
      %dma_wait3A_70 = tpu.memref_slice %arg11[%add3A_4, %dma_wait3A] : memref<10240x128xf32, #tpu.memory_space<vmem_shared>> -> memref<128x128xf32, #tpu.memory_space<vmem_shared>>
      %dma_wait3A_71 = arith.constant 0 : i32
      %dma_wait3A_72 = tpu.memref_slice %arg11[%add3A_4, %dma_wait3A_71] : memref<10240x128xf32, #tpu.memory_space<vmem_shared>> -> memref<128x128xf32, #tpu.memory_space<vmem_shared>>
      tpu.wait_dma2 semaphore(%run_scoped3A : memref<!tpu.dma_semaphore, #tpu.memory_space<semaphore_mem>>) src(%arg10 : memref<128x128xf32, #tpu.memory_space<vmem>>) dst(%dma_wait3A_72 : memref<128x128xf32, #tpu.memory_space<vmem_shared>>)
      tpu.yield
    }) : () -> ()
    %mul3A_5 = arith.constant 640 : i32
    %mul3A_6 = arith.muli %arg1, %mul3A_5 : i32
    %add3A_7 = arith.constant 128 : i32
    %add3A_8 = arith.addi %mul3A_6, %add3A_7 : i32
    "tpu.region"() ({
      %run_scoped3A = tpu.sem_alloc : memref<!tpu.dma_semaphore, #tpu.memory_space<semaphore_mem>>
      %dma_start3A = arith.constant 0 : i32
      %dma_start3A_67 = tpu.memref_slice %arg11[%add3A_8, %dma_start3A] : memref<10240x128xf32, #tpu.memory_space<vmem_shared>> -> memref<128x128xf32, #tpu.memory_space<vmem_shared>>
      %dma_start3A_68 = arith.constant 0 : i32
      %dma_start3A_69 = tpu.memref_slice %arg11[%add3A_8, %dma_start3A_68] : memref<10240x128xf32, #tpu.memory_space<vmem_shared>> -> memref<128x128xf32, #tpu.memory_space<vmem_shared>>
      tpu.enqueue_dma source(%arg10 : memref<128x128xf32, #tpu.memory_space<vmem>>) target(%dma_start3A_69 : memref<128x128xf32, #tpu.memory_space<vmem_shared>>) target_semaphore(%run_scoped3A : memref<!tpu.dma_semaphore, #tpu.memory_space<semaphore_mem>>)
      %dma_wait3A = arith.constant 0 : i32
      %dma_wait3A_70 = tpu.memref_slice %arg11[%add3A_8, %dma_wait3A] : memref<10240x128xf32, #tpu.memory_space<vmem_shared>> -> memref<128x128xf32, #tpu.memory_space<vmem_shared>>
      %dma_wait3A_71 = arith.constant 0 : i32
      %dma_wait3A_72 = tpu.memref_slice %arg11[%add3A_8, %dma_wait3A_71] : memref<10240x128xf32, #tpu.memory_space<vmem_shared>> -> memref<128x128xf32, #tpu.memory_space<vmem_shared>>
      tpu.wait_dma2 semaphore(%run_scoped3A : memref<!tpu.dma_semaphore, #tpu.memory_space<semaphore_mem>>) src(%arg10 : memref<128x128xf32, #tpu.memory_space<vmem>>) dst(%dma_wait3A_72 : memref<128x128xf32, #tpu.memory_space<vmem_shared>>)
      tpu.yield
    }) : () -> ()
    %mul3A_9 = arith.constant 640 : i32
    %mul3A_10 = arith.muli %arg1, %mul3A_9 : i32
    %add3A_11 = arith.constant 256 : i32
    %add3A_12 = arith.addi %mul3A_10, %add3A_11 : i32
    "tpu.region"() ({
      %run_scoped3A = tpu.sem_alloc : memref<!tpu.dma_semaphore, #tpu.memory_space<semaphore_mem>>
      %dma_start3A = arith.constant 0 : i32
      %dma_start3A_67 = tpu.memref_slice %arg11[%add3A_12, %dma_start3A] : memref<10240x128xf32, #tpu.memory_space<vmem_shared>> -> memref<128x128xf32, #tpu.memory_space<vmem_shared>>
      %dma_start3A_68 = arith.constant 0 : i32
      %dma_start3A_69 = tpu.memref_slice %arg11[%add3A_12, %dma_start3A_68] : memref<10240x128xf32, #tpu.memory_space<vmem_shared>> -> memref<128x128xf32, #tpu.memory_space<vmem_shared>>
      tpu.enqueue_dma source(%arg10 : memref<128x128xf32, #tpu.memory_space<vmem>>) target(%dma_start3A_69 : memref<128x128xf32, #tpu.memory_space<vmem_shared>>) target_semaphore(%run_scoped3A : memref<!tpu.dma_semaphore, #tpu.memory_space<semaphore_mem>>)
      %dma_wait3A = arith.constant 0 : i32
      %dma_wait3A_70 = tpu.memref_slice %arg11[%add3A_12, %dma_wait3A] : memref<10240x128xf32, #tpu.memory_space<vmem_shared>> -> memref<128x128xf32, #tpu.memory_space<vmem_shared>>
      %dma_wait3A_71 = arith.constant 0 : i32
      %dma_wait3A_72 = tpu.memref_slice %arg11[%add3A_12, %dma_wait3A_71] : memref<10240x128xf32, #tpu.memory_space<vmem_shared>> -> memref<128x128xf32, #tpu.memory_space<vmem_shared>>
      tpu.wait_dma2 semaphore(%run_scoped3A : memref<!tpu.dma_semaphore, #tpu.memory_space<semaphore_mem>>) src(%arg10 : memref<128x128xf32, #tpu.memory_space<vmem>>) dst(%dma_wait3A_72 : memref<128x128xf32, #tpu.memory_space<vmem_shared>>)
      tpu.yield
    }) : () -> ()
    %mul3A_13 = arith.constant 640 : i32
    %mul3A_14 = arith.muli %arg1, %mul3A_13 : i32
    %add3A_15 = arith.constant 384 : i32
    %add3A_16 = arith.addi %mul3A_14, %add3A_15 : i32
    "tpu.region"() ({
      %run_scoped3A = tpu.sem_alloc : memref<!tpu.dma_semaphore, #tpu.memory_space<semaphore_mem>>
      %dma_start3A = arith.constant 0 : i32
      %dma_start3A_67 = tpu.memref_slice %arg11[%add3A_16, %dma_start3A] : memref<10240x128xf32, #tpu.memory_space<vmem_shared>> -> memref<128x128xf32, #tpu.memory_space<vmem_shared>>
      %dma_start3A_68 = arith.constant 0 : i32
      %dma_start3A_69 = tpu.memref_slice %arg11[%add3A_16, %dma_start3A_68] : memref<10240x128xf32, #tpu.memory_space<vmem_shared>> -> memref<128x128xf32, #tpu.memory_space<vmem_shared>>
      tpu.enqueue_dma source(%arg10 : memref<128x128xf32, #tpu.memory_space<vmem>>) target(%dma_start3A_69 : memref<128x128xf32, #tpu.memory_space<vmem_shared>>) target_semaphore(%run_scoped3A : memref<!tpu.dma_semaphore, #tpu.memory_space<semaphore_mem>>)
      %dma_wait3A = arith.constant 0 : i32
      %dma_wait3A_70 = tpu.memref_slice %arg11[%add3A_16, %dma_wait3A] : memref<10240x128xf32, #tpu.memory_space<vmem_shared>> -> memref<128x128xf32, #tpu.memory_space<vmem_shared>>
      %dma_wait3A_71 = arith.constant 0 : i32
      %dma_wait3A_72 = tpu.memref_slice %arg11[%add3A_16, %dma_wait3A_71] : memref<10240x128xf32, #tpu.memory_space<vmem_shared>> -> memref<128x128xf32, #tpu.memory_space<vmem_shared>>
      tpu.wait_dma2 semaphore(%run_scoped3A : memref<!tpu.dma_semaphore, #tpu.memory_space<semaphore_mem>>) src(%arg10 : memref<128x128xf32, #tpu.memory_space<vmem>>) dst(%dma_wait3A_72 : memref<128x128xf32, #tpu.memory_space<vmem_shared>>)
      tpu.yield
    }) : () -> ()
    %mul3A_17 = arith.constant 640 : i32
    %mul3A_18 = arith.muli %arg1, %mul3A_17 : i32
    %add3A_19 = arith.constant 512 : i32
    %add3A_20 = arith.addi %mul3A_18, %add3A_19 : i32
    "tpu.region"() ({
      %run_scoped3A = tpu.sem_alloc : memref<!tpu.dma_semaphore, #tpu.memory_space<semaphore_mem>>
      %dma_start3A = arith.constant 0 : i32
      %dma_start3A_67 = tpu.memref_slice %arg11[%add3A_20, %dma_start3A] : memref<10240x128xf32, #tpu.memory_space<vmem_shared>> -> memref<128x128xf32, #tpu.memory_space<vmem_shared>>
      %dma_start3A_68 = arith.constant 0 : i32
      %dma_start3A_69 = tpu.memref_slice %arg11[%add3A_20, %dma_start3A_68] : memref<10240x128xf32, #tpu.memory_space<vmem_shared>> -> memref<128x128xf32, #tpu.memory_space<vmem_shared>>
      tpu.enqueue_dma source(%arg10 : memref<128x128xf32, #tpu.memory_space<vmem>>) target(%dma_start3A_69 : memref<128x128xf32, #tpu.memory_space<vmem_shared>>) target_semaphore(%run_scoped3A : memref<!tpu.dma_semaphore, #tpu.memory_space<semaphore_mem>>)
      %dma_wait3A = arith.constant 0 : i32
      %dma_wait3A_70 = tpu.memref_slice %arg11[%add3A_20, %dma_wait3A] : memref<10240x128xf32, #tpu.memory_space<vmem_shared>> -> memref<128x128xf32, #tpu.memory_space<vmem_shared>>
      %dma_wait3A_71 = arith.constant 0 : i32
      %dma_wait3A_72 = tpu.memref_slice %arg11[%add3A_20, %dma_wait3A_71] : memref<10240x128xf32, #tpu.memory_space<vmem_shared>> -> memref<128x128xf32, #tpu.memory_space<vmem_shared>>
      tpu.wait_dma2 semaphore(%run_scoped3A : memref<!tpu.dma_semaphore, #tpu.memory_space<semaphore_mem>>) src(%arg10 : memref<128x128xf32, #tpu.memory_space<vmem>>) dst(%dma_wait3A_72 : memref<128x128xf32, #tpu.memory_space<vmem_shared>>)
      tpu.yield
    }) : () -> ()
    %barrier3A = arith.constant 0 : index
    tpu.barrier barrier_id(%barrier3A)
    %scan3A = arith.constant 0 : i32
    %scan3A_21 = arith.constant 0 : i32
    %scan3A_22 = arith.constant 125 : i32
    %scan3A_23 = arith.addi %scan3A_21, %scan3A_22 : i32
    %scan3A_24 = arith.constant 1 : i32
    scf.for %scan3A_67 = %scan3A_21 to %scan3A_23 step %scan3A_24  : i32 {
      %mul3A_68 = arith.constant 10000 : i32
      %mul3A_69 = arith.muli %add3A, %mul3A_68 : i32
      %mul3A_70 = arith.constant 80 : i32
      %mul3A_71 = arith.muli %scan3A_67, %mul3A_70 : i32
      %add3A_72 = arith.addi %mul3A_69, %mul3A_71 : i32
      "tpu.region"() ({
        %run_scoped3A = tpu.sem_alloc : memref<!tpu.dma_semaphore, #tpu.memory_space<semaphore_mem>>
        %dma_start3A_82 = tpu.memref_slice %arg3[%add3A_72] : memref<320000xi32, #tpu.memory_space<hbm>> -> memref<80xi32, #tpu.memory_space<hbm>>
        %dma_start3A_83 = tpu.memref_slice %arg3[%add3A_72] : memref<320000xi32, #tpu.memory_space<hbm>> -> memref<80xi32, #tpu.memory_space<hbm>>
        tpu.enqueue_dma source(%dma_start3A_83 : memref<80xi32, #tpu.memory_space<hbm>>) target(%arg7 : memref<80xi32, #tpu.memory_space<vmem>>) target_semaphore(%run_scoped3A : memref<!tpu.dma_semaphore, #tpu.memory_space<semaphore_mem>>)
        %dma_wait3A_84 = tpu.memref_slice %arg3[%add3A_72] : memref<320000xi32, #tpu.memory_space<hbm>> -> memref<80xi32, #tpu.memory_space<hbm>>
        %dma_wait3A_85 = tpu.memref_slice %arg3[%add3A_72] : memref<320000xi32, #tpu.memory_space<hbm>> -> memref<80xi32, #tpu.memory_space<hbm>>
        tpu.wait_dma2 semaphore(%run_scoped3A : memref<!tpu.dma_semaphore, #tpu.memory_space<semaphore_mem>>) src(%dma_wait3A_85 : memref<80xi32, #tpu.memory_space<hbm>>) dst(%arg7 : memref<80xi32, #tpu.memory_space<vmem>>)
        tpu.yield
      }) : () -> ()
      %mul3A_73 = arith.constant 10000 : i32
      %mul3A_74 = arith.muli %add3A, %mul3A_73 : i32
      %mul3A_75 = arith.constant 80 : i32
      %mul3A_76 = arith.muli %scan3A_67, %mul3A_75 : i32
      %add3A_77 = arith.addi %mul3A_74, %mul3A_76 : i32
      "tpu.region"() ({
        %run_scoped3A = tpu.sem_alloc : memref<!tpu.dma_semaphore, #tpu.memory_space<semaphore_mem>>
        %dma_start3A_82 = tpu.memref_slice %arg4[%add3A_77] : memref<320000xi32, #tpu.memory_space<hbm>> -> memref<80xi32, #tpu.memory_space<hbm>>
        %dma_start3A_83 = tpu.memref_slice %arg4[%add3A_77] : memref<320000xi32, #tpu.memory_space<hbm>> -> memref<80xi32, #tpu.memory_space<hbm>>
        tpu.enqueue_dma source(%dma_start3A_83 : memref<80xi32, #tpu.memory_space<hbm>>) target(%arg8 : memref<80xi32, #tpu.memory_space<vmem>>) target_semaphore(%run_scoped3A : memref<!tpu.dma_semaphore, #tpu.memory_space<semaphore_mem>>)
        %dma_wait3A_84 = tpu.memref_slice %arg4[%add3A_77] : memref<320000xi32, #tpu.memory_space<hbm>> -> memref<80xi32, #tpu.memory_space<hbm>>
        %dma_wait3A_85 = tpu.memref_slice %arg4[%add3A_77] : memref<320000xi32, #tpu.memory_space<hbm>> -> memref<80xi32, #tpu.memory_space<hbm>>
        tpu.wait_dma2 semaphore(%run_scoped3A : memref<!tpu.dma_semaphore, #tpu.memory_space<semaphore_mem>>) src(%dma_wait3A_85 : memref<80xi32, #tpu.memory_space<hbm>>) dst(%arg8 : memref<80xi32, #tpu.memory_space<vmem>>)
        tpu.yield
      }) : () -> ()
      %dma_start3A = arith.constant 0 : i32
      %dma_start3A_78 = arith.constant 0 : i32
      %dma_start3A_79 = tpu.memref_slice %arg2[%dma_start3A, %dma_start3A_78] : memref<10240x128xf32, #tpu.memory_space<hbm>> -> memref<10240x128xf32, #tpu.memory_space<hbm>>
      tpu.enqueue_indirect_dma source(%dma_start3A_79 : memref<10240x128xf32, #tpu.memory_space<hbm>>) target(%arg9 : memref<80x128xf32, #tpu.memory_space<vmem>>) offsets(%arg7 : memref<80xi32, #tpu.memory_space<vmem>>) semaphore(%arg12 : memref<!tpu.dma_semaphore, #tpu.memory_space<semaphore_mem>>)
      %dma_wait3A = arith.constant 0 : i32
      %dma_wait3A_80 = arith.constant 0 : i32
      %dma_wait3A_81 = tpu.memref_slice %arg2[%dma_wait3A, %dma_wait3A_80] : memref<10240x128xf32, #tpu.memory_space<hbm>> -> memref<10240x128xf32, #tpu.memory_space<hbm>>
      tpu.wait_indirect_dma semaphore(%arg12 : memref<!tpu.dma_semaphore, #tpu.memory_space<semaphore_mem>>) src(%dma_wait3A_81 : memref<10240x128xf32, #tpu.memory_space<hbm>>) dst(%arg9 : memref<80x128xf32, #tpu.memory_space<vmem>>)
      "tpu.region"() ({
        %run_scoped3A = tpu.sem_alloc : memref<!tpu.dma_semaphore, #tpu.memory_space<semaphore_mem>>
        %dma_start3A_82 = arith.constant 0 : i32
        %dma_start3A_83 = arith.constant 0 : i32
        %dma_start3A_84 = tpu.memref_slice %arg11[%dma_start3A_82, %dma_start3A_83] : memref<10240x128xf32, #tpu.memory_space<vmem_shared>> -> memref<10240x128xf32, #tpu.memory_space<vmem_shared>>
        tpu.enqueue_indirect_dma source(%arg9 : memref<80x128xf32, #tpu.memory_space<vmem>>) target(%dma_start3A_84 : memref<10240x128xf32, #tpu.memory_space<vmem_shared>>) offsets(%arg8 : memref<80xi32, #tpu.memory_space<vmem>>) semaphore(%run_scoped3A : memref<!tpu.dma_semaphore, #tpu.memory_space<semaphore_mem>>) {add = true}
        %dma_wait3A_85 = arith.constant 0 : i32
        %dma_wait3A_86 = arith.constant 0 : i32
        %dma_wait3A_87 = tpu.memref_slice %arg11[%dma_wait3A_85, %dma_wait3A_86] : memref<10240x128xf32, #tpu.memory_space<vmem_shared>> -> memref<10240x128xf32, #tpu.memory_space<vmem_shared>>
        tpu.wait_indirect_dma semaphore(%run_scoped3A : memref<!tpu.dma_semaphore, #tpu.memory_space<semaphore_mem>>) src(%arg9 : memref<80x128xf32, #tpu.memory_space<vmem>>) dst(%dma_wait3A_87 : memref<10240x128xf32, #tpu.memory_space<vmem_shared>>)
        tpu.yield
      }) : () -> ()
    }
    %scan3A_25 = arith.constant 125 : i32
    %barrier3A_26 = arith.constant 0 : index
    tpu.barrier barrier_id(%barrier3A_26)
    %mul3A_27 = arith.constant 640 : i32
    %mul3A_28 = arith.muli %arg1, %mul3A_27 : i32
    %add3A_29 = arith.constant 0 : i32
    %add3A_30 = arith.addi %mul3A_28, %add3A_29 : i32
    "tpu.region"() ({
      %run_scoped3A = tpu.sem_alloc : memref<!tpu.dma_semaphore, #tpu.memory_space<semaphore_mem>>
      %dma_start3A = arith.constant 0 : i32
      %dma_start3A_67 = tpu.memref_slice %arg11[%add3A_30, %dma_start3A] : memref<10240x128xf32, #tpu.memory_space<vmem_shared>> -> memref<128x128xf32, #tpu.memory_space<vmem_shared>>
      %dma_start3A_68 = arith.constant 0 : i32
      %dma_start3A_69 = tpu.memref_slice %arg11[%add3A_30, %dma_start3A_68] : memref<10240x128xf32, #tpu.memory_space<vmem_shared>> -> memref<128x128xf32, #tpu.memory_space<vmem_shared>>
      tpu.enqueue_dma source(%dma_start3A_69 : memref<128x128xf32, #tpu.memory_space<vmem_shared>>) target(%arg10 : memref<128x128xf32, #tpu.memory_space<vmem>>) target_semaphore(%run_scoped3A : memref<!tpu.dma_semaphore, #tpu.memory_space<semaphore_mem>>)
      %dma_wait3A = arith.constant 0 : i32
      %dma_wait3A_70 = tpu.memref_slice %arg11[%add3A_30, %dma_wait3A] : memref<10240x128xf32, #tpu.memory_space<vmem_shared>> -> memref<128x128xf32, #tpu.memory_space<vmem_shared>>
      %dma_wait3A_71 = arith.constant 0 : i32
      %dma_wait3A_72 = tpu.memref_slice %arg11[%add3A_30, %dma_wait3A_71] : memref<10240x128xf32, #tpu.memory_space<vmem_shared>> -> memref<128x128xf32, #tpu.memory_space<vmem_shared>>
      tpu.wait_dma2 semaphore(%run_scoped3A : memref<!tpu.dma_semaphore, #tpu.memory_space<semaphore_mem>>) src(%dma_wait3A_72 : memref<128x128xf32, #tpu.memory_space<vmem_shared>>) dst(%arg10 : memref<128x128xf32, #tpu.memory_space<vmem>>)
      tpu.yield
    }) : () -> ()
    %mul3A_31 = arith.constant 640 : i32
    %mul3A_32 = arith.muli %arg1, %mul3A_31 : i32
    %add3A_33 = arith.constant 0 : i32
    %add3A_34 = arith.addi %mul3A_32, %add3A_33 : i32
    "tpu.region"() ({
      %run_scoped3A = tpu.sem_alloc : memref<!tpu.dma_semaphore, #tpu.memory_space<semaphore_mem>>
      %dma_start3A = arith.constant 0 : i32
      %dma_start3A_67 = tpu.memref_slice %arg6[%arg0, %add3A_34, %dma_start3A] : memref<2x10240x128xf32, #tpu.memory_space<hbm>> -> memref<1x128x128xf32, #tpu.memory_space<hbm>>
      %dma_start3A_68 = tpu.memref_squeeze %dma_start3A_67 : memref<1x128x128xf32, #tpu.memory_space<hbm>> -> memref<128x128xf32, #tpu.memory_space<hbm>>
      %dma_start3A_69 = arith.constant 0 : i32
      %dma_start3A_70 = tpu.memref_slice %arg6[%arg0, %add3A_34, %dma_start3A_69] : memref<2x10240x128xf32, #tpu.memory_space<hbm>> -> memref<1x128x128xf32, #tpu.memory_space<hbm>>
      %dma_start3A_71 = tpu.memref_squeeze %dma_start3A_70 : memref<1x128x128xf32, #tpu.memory_space<hbm>> -> memref<128x128xf32, #tpu.memory_space<hbm>>
      tpu.enqueue_dma source(%arg10 : memref<128x128xf32, #tpu.memory_space<vmem>>) target(%dma_start3A_71 : memref<128x128xf32, #tpu.memory_space<hbm>>) target_semaphore(%run_scoped3A : memref<!tpu.dma_semaphore, #tpu.memory_space<semaphore_mem>>)
      %dma_wait3A = arith.constant 0 : i32
      %dma_wait3A_72 = tpu.memref_slice %arg6[%arg0, %add3A_34, %dma_wait3A] : memref<2x10240x128xf32, #tpu.memory_space<hbm>> -> memref<1x128x128xf32, #tpu.memory_space<hbm>>
      %dma_wait3A_73 = tpu.memref_squeeze %dma_wait3A_72 : memref<1x128x128xf32, #tpu.memory_space<hbm>> -> memref<128x128xf32, #tpu.memory_space<hbm>>
      %dma_wait3A_74 = arith.constant 0 : i32
      %dma_wait3A_75 = tpu.memref_slice %arg6[%arg0, %add3A_34, %dma_wait3A_74] : memref<2x10240x128xf32, #tpu.memory_space<hbm>> -> memref<1x128x128xf32, #tpu.memory_space<hbm>>
      %dma_wait3A_76 = tpu.memref_squeeze %dma_wait3A_75 : memref<1x128x128xf32, #tpu.memory_space<hbm>> -> memref<128x128xf32, #tpu.memory_space<hbm>>
      tpu.wait_dma2 semaphore(%run_scoped3A : memref<!tpu.dma_semaphore, #tpu.memory_space<semaphore_mem>>) src(%arg10 : memref<128x128xf32, #tpu.memory_space<vmem>>) dst(%dma_wait3A_76 : memref<128x128xf32, #tpu.memory_space<hbm>>)
      tpu.yield
    }) : () -> ()
    %mul3A_35 = arith.constant 640 : i32
    %mul3A_36 = arith.muli %arg1, %mul3A_35 : i32
    %add3A_37 = arith.constant 128 : i32
    %add3A_38 = arith.addi %mul3A_36, %add3A_37 : i32
    "tpu.region"() ({
      %run_scoped3A = tpu.sem_alloc : memref<!tpu.dma_semaphore, #tpu.memory_space<semaphore_mem>>
      %dma_start3A = arith.constant 0 : i32
      %dma_start3A_67 = tpu.memref_slice %arg11[%add3A_38, %dma_start3A] : memref<10240x128xf32, #tpu.memory_space<vmem_shared>> -> memref<128x128xf32, #tpu.memory_space<vmem_shared>>
      %dma_start3A_68 = arith.constant 0 : i32
      %dma_start3A_69 = tpu.memref_slice %arg11[%add3A_38, %dma_start3A_68] : memref<10240x128xf32, #tpu.memory_space<vmem_shared>> -> memref<128x128xf32, #tpu.memory_space<vmem_shared>>
      tpu.enqueue_dma source(%dma_start3A_69 : memref<128x128xf32, #tpu.memory_space<vmem_shared>>) target(%arg10 : memref<128x128xf32, #tpu.memory_space<vmem>>) target_semaphore(%run_scoped3A : memref<!tpu.dma_semaphore, #tpu.memory_space<semaphore_mem>>)
      %dma_wait3A = arith.constant 0 : i32
      %dma_wait3A_70 = tpu.memref_slice %arg11[%add3A_38, %dma_wait3A] : memref<10240x128xf32, #tpu.memory_space<vmem_shared>> -> memref<128x128xf32, #tpu.memory_space<vmem_shared>>
      %dma_wait3A_71 = arith.constant 0 : i32
      %dma_wait3A_72 = tpu.memref_slice %arg11[%add3A_38, %dma_wait3A_71] : memref<10240x128xf32, #tpu.memory_space<vmem_shared>> -> memref<128x128xf32, #tpu.memory_space<vmem_shared>>
      tpu.wait_dma2 semaphore(%run_scoped3A : memref<!tpu.dma_semaphore, #tpu.memory_space<semaphore_mem>>) src(%dma_wait3A_72 : memref<128x128xf32, #tpu.memory_space<vmem_shared>>) dst(%arg10 : memref<128x128xf32, #tpu.memory_space<vmem>>)
      tpu.yield
    }) : () -> ()
    %mul3A_39 = arith.constant 640 : i32
    %mul3A_40 = arith.muli %arg1, %mul3A_39 : i32
    %add3A_41 = arith.constant 128 : i32
    %add3A_42 = arith.addi %mul3A_40, %add3A_41 : i32
    "tpu.region"() ({
      %run_scoped3A = tpu.sem_alloc : memref<!tpu.dma_semaphore, #tpu.memory_space<semaphore_mem>>
      %dma_start3A = arith.constant 0 : i32
      %dma_start3A_67 = tpu.memref_slice %arg6[%arg0, %add3A_42, %dma_start3A] : memref<2x10240x128xf32, #tpu.memory_space<hbm>> -> memref<1x128x128xf32, #tpu.memory_space<hbm>>
      %dma_start3A_68 = tpu.memref_squeeze %dma_start3A_67 : memref<1x128x128xf32, #tpu.memory_space<hbm>> -> memref<128x128xf32, #tpu.memory_space<hbm>>
      %dma_start3A_69 = arith.constant 0 : i32
      %dma_start3A_70 = tpu.memref_slice %arg6[%arg0, %add3A_42, %dma_start3A_69] : memref<2x10240x128xf32, #tpu.memory_space<hbm>> -> memref<1x128x128xf32, #tpu.memory_space<hbm>>
      %dma_start3A_71 = tpu.memref_squeeze %dma_start3A_70 : memref<1x128x128xf32, #tpu.memory_space<hbm>> -> memref<128x128xf32, #tpu.memory_space<hbm>>
      tpu.enqueue_dma source(%arg10 : memref<128x128xf32, #tpu.memory_space<vmem>>) target(%dma_start3A_71 : memref<128x128xf32, #tpu.memory_space<hbm>>) target_semaphore(%run_scoped3A : memref<!tpu.dma_semaphore, #tpu.memory_space<semaphore_mem>>)
      %dma_wait3A = arith.constant 0 : i32
      %dma_wait3A_72 = tpu.memref_slice %arg6[%arg0, %add3A_42, %dma_wait3A] : memref<2x10240x128xf32, #tpu.memory_space<hbm>> -> memref<1x128x128xf32, #tpu.memory_space<hbm>>
      %dma_wait3A_73 = tpu.memref_squeeze %dma_wait3A_72 : memref<1x128x128xf32, #tpu.memory_space<hbm>> -> memref<128x128xf32, #tpu.memory_space<hbm>>
      %dma_wait3A_74 = arith.constant 0 : i32
      %dma_wait3A_75 = tpu.memref_slice %arg6[%arg0, %add3A_42, %dma_wait3A_74] : memref<2x10240x128xf32, #tpu.memory_space<hbm>> -> memref<1x128x128xf32, #tpu.memory_space<hbm>>
      %dma_wait3A_76 = tpu.memref_squeeze %dma_wait3A_75 : memref<1x128x128xf32, #tpu.memory_space<hbm>> -> memref<128x128xf32, #tpu.memory_space<hbm>>
      tpu.wait_dma2 semaphore(%run_scoped3A : memref<!tpu.dma_semaphore, #tpu.memory_space<semaphore_mem>>) src(%arg10 : memref<128x128xf32, #tpu.memory_space<vmem>>) dst(%dma_wait3A_76 : memref<128x128xf32, #tpu.memory_space<hbm>>)
      tpu.yield
    }) : () -> ()
    %mul3A_43 = arith.constant 640 : i32
    %mul3A_44 = arith.muli %arg1, %mul3A_43 : i32
    %add3A_45 = arith.constant 256 : i32
    %add3A_46 = arith.addi %mul3A_44, %add3A_45 : i32
    "tpu.region"() ({
      %run_scoped3A = tpu.sem_alloc : memref<!tpu.dma_semaphore, #tpu.memory_space<semaphore_mem>>
      %dma_start3A = arith.constant 0 : i32
      %dma_start3A_67 = tpu.memref_slice %arg11[%add3A_46, %dma_start3A] : memref<10240x128xf32, #tpu.memory_space<vmem_shared>> -> memref<128x128xf32, #tpu.memory_space<vmem_shared>>
      %dma_start3A_68 = arith.constant 0 : i32
      %dma_start3A_69 = tpu.memref_slice %arg11[%add3A_46, %dma_start3A_68] : memref<10240x128xf32, #tpu.memory_space<vmem_shared>> -> memref<128x128xf32, #tpu.memory_space<vmem_shared>>
      tpu.enqueue_dma source(%dma_start3A_69 : memref<128x128xf32, #tpu.memory_space<vmem_shared>>) target(%arg10 : memref<128x128xf32, #tpu.memory_space<vmem>>) target_semaphore(%run_scoped3A : memref<!tpu.dma_semaphore, #tpu.memory_space<semaphore_mem>>)
      %dma_wait3A = arith.constant 0 : i32
      %dma_wait3A_70 = tpu.memref_slice %arg11[%add3A_46, %dma_wait3A] : memref<10240x128xf32, #tpu.memory_space<vmem_shared>> -> memref<128x128xf32, #tpu.memory_space<vmem_shared>>
      %dma_wait3A_71 = arith.constant 0 : i32
      %dma_wait3A_72 = tpu.memref_slice %arg11[%add3A_46, %dma_wait3A_71] : memref<10240x128xf32, #tpu.memory_space<vmem_shared>> -> memref<128x128xf32, #tpu.memory_space<vmem_shared>>
      tpu.wait_dma2 semaphore(%run_scoped3A : memref<!tpu.dma_semaphore, #tpu.memory_space<semaphore_mem>>) src(%dma_wait3A_72 : memref<128x128xf32, #tpu.memory_space<vmem_shared>>) dst(%arg10 : memref<128x128xf32, #tpu.memory_space<vmem>>)
      tpu.yield
    }) : () -> ()
    %mul3A_47 = arith.constant 640 : i32
    %mul3A_48 = arith.muli %arg1, %mul3A_47 : i32
    %add3A_49 = arith.constant 256 : i32
    %add3A_50 = arith.addi %mul3A_48, %add3A_49 : i32
    "tpu.region"() ({
      %run_scoped3A = tpu.sem_alloc : memref<!tpu.dma_semaphore, #tpu.memory_space<semaphore_mem>>
      %dma_start3A = arith.constant 0 : i32
      %dma_start3A_67 = tpu.memref_slice %arg6[%arg0, %add3A_50, %dma_start3A] : memref<2x10240x128xf32, #tpu.memory_space<hbm>> -> memref<1x128x128xf32, #tpu.memory_space<hbm>>
      %dma_start3A_68 = tpu.memref_squeeze %dma_start3A_67 : memref<1x128x128xf32, #tpu.memory_space<hbm>> -> memref<128x128xf32, #tpu.memory_space<hbm>>
      %dma_start3A_69 = arith.constant 0 : i32
      %dma_start3A_70 = tpu.memref_slice %arg6[%arg0, %add3A_50, %dma_start3A_69] : memref<2x10240x128xf32, #tpu.memory_space<hbm>> -> memref<1x128x128xf32, #tpu.memory_space<hbm>>
      %dma_start3A_71 = tpu.memref_squeeze %dma_start3A_70 : memref<1x128x128xf32, #tpu.memory_space<hbm>> -> memref<128x128xf32, #tpu.memory_space<hbm>>
      tpu.enqueue_dma source(%arg10 : memref<128x128xf32, #tpu.memory_space<vmem>>) target(%dma_start3A_71 : memref<128x128xf32, #tpu.memory_space<hbm>>) target_semaphore(%run_scoped3A : memref<!tpu.dma_semaphore, #tpu.memory_space<semaphore_mem>>)
      %dma_wait3A = arith.constant 0 : i32
      %dma_wait3A_72 = tpu.memref_slice %arg6[%arg0, %add3A_50, %dma_wait3A] : memref<2x10240x128xf32, #tpu.memory_space<hbm>> -> memref<1x128x128xf32, #tpu.memory_space<hbm>>
      %dma_wait3A_73 = tpu.memref_squeeze %dma_wait3A_72 : memref<1x128x128xf32, #tpu.memory_space<hbm>> -> memref<128x128xf32, #tpu.memory_space<hbm>>
      %dma_wait3A_74 = arith.constant 0 : i32
      %dma_wait3A_75 = tpu.memref_slice %arg6[%arg0, %add3A_50, %dma_wait3A_74] : memref<2x10240x128xf32, #tpu.memory_space<hbm>> -> memref<1x128x128xf32, #tpu.memory_space<hbm>>
      %dma_wait3A_76 = tpu.memref_squeeze %dma_wait3A_75 : memref<1x128x128xf32, #tpu.memory_space<hbm>> -> memref<128x128xf32, #tpu.memory_space<hbm>>
      tpu.wait_dma2 semaphore(%run_scoped3A : memref<!tpu.dma_semaphore, #tpu.memory_space<semaphore_mem>>) src(%arg10 : memref<128x128xf32, #tpu.memory_space<vmem>>) dst(%dma_wait3A_76 : memref<128x128xf32, #tpu.memory_space<hbm>>)
      tpu.yield
    }) : () -> ()
    %mul3A_51 = arith.constant 640 : i32
    %mul3A_52 = arith.muli %arg1, %mul3A_51 : i32
    %add3A_53 = arith.constant 384 : i32
    %add3A_54 = arith.addi %mul3A_52, %add3A_53 : i32
    "tpu.region"() ({
      %run_scoped3A = tpu.sem_alloc : memref<!tpu.dma_semaphore, #tpu.memory_space<semaphore_mem>>
      %dma_start3A = arith.constant 0 : i32
      %dma_start3A_67 = tpu.memref_slice %arg11[%add3A_54, %dma_start3A] : memref<10240x128xf32, #tpu.memory_space<vmem_shared>> -> memref<128x128xf32, #tpu.memory_space<vmem_shared>>
      %dma_start3A_68 = arith.constant 0 : i32
      %dma_start3A_69 = tpu.memref_slice %arg11[%add3A_54, %dma_start3A_68] : memref<10240x128xf32, #tpu.memory_space<vmem_shared>> -> memref<128x128xf32, #tpu.memory_space<vmem_shared>>
      tpu.enqueue_dma source(%dma_start3A_69 : memref<128x128xf32, #tpu.memory_space<vmem_shared>>) target(%arg10 : memref<128x128xf32, #tpu.memory_space<vmem>>) target_semaphore(%run_scoped3A : memref<!tpu.dma_semaphore, #tpu.memory_space<semaphore_mem>>)
      %dma_wait3A = arith.constant 0 : i32
      %dma_wait3A_70 = tpu.memref_slice %arg11[%add3A_54, %dma_wait3A] : memref<10240x128xf32, #tpu.memory_space<vmem_shared>> -> memref<128x128xf32, #tpu.memory_space<vmem_shared>>
      %dma_wait3A_71 = arith.constant 0 : i32
      %dma_wait3A_72 = tpu.memref_slice %arg11[%add3A_54, %dma_wait3A_71] : memref<10240x128xf32, #tpu.memory_space<vmem_shared>> -> memref<128x128xf32, #tpu.memory_space<vmem_shared>>
      tpu.wait_dma2 semaphore(%run_scoped3A : memref<!tpu.dma_semaphore, #tpu.memory_space<semaphore_mem>>) src(%dma_wait3A_72 : memref<128x128xf32, #tpu.memory_space<vmem_shared>>) dst(%arg10 : memref<128x128xf32, #tpu.memory_space<vmem>>)
      tpu.yield
    }) : () -> ()
    %mul3A_55 = arith.constant 640 : i32
    %mul3A_56 = arith.muli %arg1, %mul3A_55 : i32
    %add3A_57 = arith.constant 384 : i32
    %add3A_58 = arith.addi %mul3A_56, %add3A_57 : i32
    "tpu.region"() ({
      %run_scoped3A = tpu.sem_alloc : memref<!tpu.dma_semaphore, #tpu.memory_space<semaphore_mem>>
      %dma_start3A = arith.constant 0 : i32
      %dma_start3A_67 = tpu.memref_slice %arg6[%arg0, %add3A_58, %dma_start3A] : memref<2x10240x128xf32, #tpu.memory_space<hbm>> -> memref<1x128x128xf32, #tpu.memory_space<hbm>>
      %dma_start3A_68 = tpu.memref_squeeze %dma_start3A_67 : memref<1x128x128xf32, #tpu.memory_space<hbm>> -> memref<128x128xf32, #tpu.memory_space<hbm>>
      %dma_start3A_69 = arith.constant 0 : i32
      %dma_start3A_70 = tpu.memref_slice %arg6[%arg0, %add3A_58, %dma_start3A_69] : memref<2x10240x128xf32, #tpu.memory_space<hbm>> -> memref<1x128x128xf32, #tpu.memory_space<hbm>>
      %dma_start3A_71 = tpu.memref_squeeze %dma_start3A_70 : memref<1x128x128xf32, #tpu.memory_space<hbm>> -> memref<128x128xf32, #tpu.memory_space<hbm>>
      tpu.enqueue_dma source(%arg10 : memref<128x128xf32, #tpu.memory_space<vmem>>) target(%dma_start3A_71 : memref<128x128xf32, #tpu.memory_space<hbm>>) target_semaphore(%run_scoped3A : memref<!tpu.dma_semaphore, #tpu.memory_space<semaphore_mem>>)
      %dma_wait3A = arith.constant 0 : i32
      %dma_wait3A_72 = tpu.memref_slice %arg6[%arg0, %add3A_58, %dma_wait3A] : memref<2x10240x128xf32, #tpu.memory_space<hbm>> -> memref<1x128x128xf32, #tpu.memory_space<hbm>>
      %dma_wait3A_73 = tpu.memref_squeeze %dma_wait3A_72 : memref<1x128x128xf32, #tpu.memory_space<hbm>> -> memref<128x128xf32, #tpu.memory_space<hbm>>
      %dma_wait3A_74 = arith.constant 0 : i32
      %dma_wait3A_75 = tpu.memref_slice %arg6[%arg0, %add3A_58, %dma_wait3A_74] : memref<2x10240x128xf32, #tpu.memory_space<hbm>> -> memref<1x128x128xf32, #tpu.memory_space<hbm>>
      %dma_wait3A_76 = tpu.memref_squeeze %dma_wait3A_75 : memref<1x128x128xf32, #tpu.memory_space<hbm>> -> memref<128x128xf32, #tpu.memory_space<hbm>>
      tpu.wait_dma2 semaphore(%run_scoped3A : memref<!tpu.dma_semaphore, #tpu.memory_space<semaphore_mem>>) src(%arg10 : memref<128x128xf32, #tpu.memory_space<vmem>>) dst(%dma_wait3A_76 : memref<128x128xf32, #tpu.memory_space<hbm>>)
      tpu.yield
    }) : () -> ()
    %mul3A_59 = arith.constant 640 : i32
    %mul3A_60 = arith.muli %arg1, %mul3A_59 : i32
    %add3A_61 = arith.constant 512 : i32
    %add3A_62 = arith.addi %mul3A_60, %add3A_61 : i32
    "tpu.region"() ({
      %run_scoped3A = tpu.sem_alloc : memref<!tpu.dma_semaphore, #tpu.memory_space<semaphore_mem>>
      %dma_start3A = arith.constant 0 : i32
      %dma_start3A_67 = tpu.memref_slice %arg11[%add3A_62, %dma_start3A] : memref<10240x128xf32, #tpu.memory_space<vmem_shared>> -> memref<128x128xf32, #tpu.memory_space<vmem_shared>>
      %dma_start3A_68 = arith.constant 0 : i32
      %dma_start3A_69 = tpu.memref_slice %arg11[%add3A_62, %dma_start3A_68] : memref<10240x128xf32, #tpu.memory_space<vmem_shared>> -> memref<128x128xf32, #tpu.memory_space<vmem_shared>>
      tpu.enqueue_dma source(%dma_start3A_69 : memref<128x128xf32, #tpu.memory_space<vmem_shared>>) target(%arg10 : memref<128x128xf32, #tpu.memory_space<vmem>>) target_semaphore(%run_scoped3A : memref<!tpu.dma_semaphore, #tpu.memory_space<semaphore_mem>>)
      %dma_wait3A = arith.constant 0 : i32
      %dma_wait3A_70 = tpu.memref_slice %arg11[%add3A_62, %dma_wait3A] : memref<10240x128xf32, #tpu.memory_space<vmem_shared>> -> memref<128x128xf32, #tpu.memory_space<vmem_shared>>
      %dma_wait3A_71 = arith.constant 0 : i32
      %dma_wait3A_72 = tpu.memref_slice %arg11[%add3A_62, %dma_wait3A_71] : memref<10240x128xf32, #tpu.memory_space<vmem_shared>> -> memref<128x128xf32, #tpu.memory_space<vmem_shared>>
      tpu.wait_dma2 semaphore(%run_scoped3A : memref<!tpu.dma_semaphore, #tpu.memory_space<semaphore_mem>>) src(%dma_wait3A_72 : memref<128x128xf32, #tpu.memory_space<vmem_shared>>) dst(%arg10 : memref<128x128xf32, #tpu.memory_space<vmem>>)
      tpu.yield
    }) : () -> ()
    %mul3A_63 = arith.constant 640 : i32
    %mul3A_64 = arith.muli %arg1, %mul3A_63 : i32
    %add3A_65 = arith.constant 512 : i32
    %add3A_66 = arith.addi %mul3A_64, %add3A_65 : i32
    "tpu.region"() ({
      %run_scoped3A = tpu.sem_alloc : memref<!tpu.dma_semaphore, #tpu.memory_space<semaphore_mem>>
      %dma_start3A = arith.constant 0 : i32
      %dma_start3A_67 = tpu.memref_slice %arg6[%arg0, %add3A_66, %dma_start3A] : memref<2x10240x128xf32, #tpu.memory_space<hbm>> -> memref<1x128x128xf32, #tpu.memory_space<hbm>>
      %dma_start3A_68 = tpu.memref_squeeze %dma_start3A_67 : memref<1x128x128xf32, #tpu.memory_space<hbm>> -> memref<128x128xf32, #tpu.memory_space<hbm>>
      %dma_start3A_69 = arith.constant 0 : i32
      %dma_start3A_70 = tpu.memref_slice %arg6[%arg0, %add3A_66, %dma_start3A_69] : memref<2x10240x128xf32, #tpu.memory_space<hbm>> -> memref<1x128x128xf32, #tpu.memory_space<hbm>>
      %dma_start3A_71 = tpu.memref_squeeze %dma_start3A_70 : memref<1x128x128xf32, #tpu.memory_space<hbm>> -> memref<128x128xf32, #tpu.memory_space<hbm>>
      tpu.enqueue_dma source(%arg10 : memref<128x128xf32, #tpu.memory_space<vmem>>) target(%dma_start3A_71 : memref<128x128xf32, #tpu.memory_space<hbm>>) target_semaphore(%run_scoped3A : memref<!tpu.dma_semaphore, #tpu.memory_space<semaphore_mem>>)
      %dma_wait3A = arith.constant 0 : i32
      %dma_wait3A_72 = tpu.memref_slice %arg6[%arg0, %add3A_66, %dma_wait3A] : memref<2x10240x128xf32, #tpu.memory_space<hbm>> -> memref<1x128x128xf32, #tpu.memory_space<hbm>>
      %dma_wait3A_73 = tpu.memref_squeeze %dma_wait3A_72 : memref<1x128x128xf32, #tpu.memory_space<hbm>> -> memref<128x128xf32, #tpu.memory_space<hbm>>
      %dma_wait3A_74 = arith.constant 0 : i32
      %dma_wait3A_75 = tpu.memref_slice %arg6[%arg0, %add3A_66, %dma_wait3A_74] : memref<2x10240x128xf32, #tpu.memory_space<hbm>> -> memref<1x128x128xf32, #tpu.memory_space<hbm>>
      %dma_wait3A_76 = tpu.memref_squeeze %dma_wait3A_75 : memref<1x128x128xf32, #tpu.memory_space<hbm>> -> memref<128x128xf32, #tpu.memory_space<hbm>>
      tpu.wait_dma2 semaphore(%run_scoped3A : memref<!tpu.dma_semaphore, #tpu.memory_space<semaphore_mem>>) src(%arg10 : memref<128x128xf32, #tpu.memory_space<vmem>>) dst(%dma_wait3A_76 : memref<128x128xf32, #tpu.memory_space<hbm>>)
      tpu.yield
    }) : () -> ()
    return
  }
}

#map = affine_map<(d0, d1) -> (0, 0)>
#map1 = affine_map<(d0, d1) -> (0)>
#map2 = affine_map<(d0, d1) -> (0, 0, 0)>
module attributes {stable_mosaic.version = 14 : i64} {
  func.func @_agg_body(%arg0: i32, %arg1: i32, %arg2: memref<10240x128xf32, #tpu.memory_space<hbm>>, %arg3: memref<320000xi32, #tpu.memory_space<hbm>>, %arg4: memref<320000xi32, #tpu.memory_space<hbm>>, %arg5: memref<128x128xf32, #tpu.memory_space<hbm>>, %arg6: memref<2x10240x128xf32, #tpu.memory_space<hbm>>, %arg7: memref<80xi32, #tpu.memory_space<vmem>>, %arg8: memref<80xi32, #tpu.memory_space<vmem>>, %arg9: memref<80x128xf32, #tpu.memory_space<vmem>>, %arg10: memref<128x128xf32, #tpu.memory_space<vmem>>, %arg11: memref<10240x128xf32, #tpu.memory_space<vmem_shared>>, %arg12: memref<!tpu.dma_semaphore, #tpu.memory_space<semaphore_mem>>) attributes {dimension_semantics = [#tpu.dimension_semantics<core_parallel>, #tpu.dimension_semantics<subcore_parallel>], iteration_bounds = array<i64: 2, 16>, scalar_prefetch = 0 : i64, scratch_operands = 6 : i64, tpu.core_type = #tpu.core_type<sc_vector_subcore>, window_params = [{transform_indices = #map}, {transform_indices = #map1}, {transform_indices = #map1}, {transform_indices = #map}, {transform_indices = #map2}]} {
    %mul3A = arith.constant 16 : i32
    %mul3A_0 = arith.muli %arg0, %mul3A : i32
    %add3A = arith.addi %mul3A_0, %arg1 : i32
    "tpu.region"() ({
      %run_scoped3A = tpu.sem_alloc : memref<!tpu.dma_semaphore, #tpu.memory_space<semaphore_mem>>
      tpu.enqueue_dma source(%arg5 : memref<128x128xf32, #tpu.memory_space<hbm>>) target(%arg10 : memref<128x128xf32, #tpu.memory_space<vmem>>) target_semaphore(%run_scoped3A : memref<!tpu.dma_semaphore, #tpu.memory_space<semaphore_mem>>)
      tpu.wait_dma2 semaphore(%run_scoped3A : memref<!tpu.dma_semaphore, #tpu.memory_space<semaphore_mem>>) src(%arg5 : memref<128x128xf32, #tpu.memory_space<hbm>>) dst(%arg10 : memref<128x128xf32, #tpu.memory_space<vmem>>)
      tpu.yield
    }) : () -> ()
    %mul3A_1 = arith.constant 640 : i32
    %mul3A_2 = arith.muli %arg1, %mul3A_1 : i32
    %add3A_3 = arith.constant 0 : i32
    %add3A_4 = arith.addi %mul3A_2, %add3A_3 : i32
    "tpu.region"() ({
      %run_scoped3A = tpu.sem_alloc : memref<!tpu.dma_semaphore, #tpu.memory_space<semaphore_mem>>
      %dma_start3A = arith.constant 0 : i32
      %dma_start3A_67 = tpu.memref_slice %arg11[%add3A_4, %dma_start3A] : memref<10240x128xf32, #tpu.memory_space<vmem_shared>> -> memref<128x128xf32, #tpu.memory_space<vmem_shared>>
      %dma_start3A_68 = arith.constant 0 : i32
      %dma_start3A_69 = tpu.memref_slice %arg11[%add3A_4, %dma_start3A_68] : memref<10240x128xf32, #tpu.memory_space<vmem_shared>> -> memref<128x128xf32, #tpu.memory_space<vmem_shared>>
      tpu.enqueue_dma source(%arg10 : memref<128x128xf32, #tpu.memory_space<vmem>>) target(%dma_start3A_69 : memref<128x128xf32, #tpu.memory_space<vmem_shared>>) target_semaphore(%run_scoped3A : memref<!tpu.dma_semaphore, #tpu.memory_space<semaphore_mem>>)
      %dma_wait3A = arith.constant 0 : i32
      %dma_wait3A_70 = tpu.memref_slice %arg11[%add3A_4, %dma_wait3A] : memref<10240x128xf32, #tpu.memory_space<vmem_shared>> -> memref<128x128xf32, #tpu.memory_space<vmem_shared>>
      %dma_wait3A_71 = arith.constant 0 : i32
      %dma_wait3A_72 = tpu.memref_slice %arg11[%add3A_4, %dma_wait3A_71] : memref<10240x128xf32, #tpu.memory_space<vmem_shared>> -> memref<128x128xf32, #tpu.memory_space<vmem_shared>>
      tpu.wait_dma2 semaphore(%run_scoped3A : memref<!tpu.dma_semaphore, #tpu.memory_space<semaphore_mem>>) src(%arg10 : memref<128x128xf32, #tpu.memory_space<vmem>>) dst(%dma_wait3A_72 : memref<128x128xf32, #tpu.memory_space<vmem_shared>>)
      tpu.yield
    }) : () -> ()
    %mul3A_5 = arith.constant 640 : i32
    %mul3A_6 = arith.muli %arg1, %mul3A_5 : i32
    %add3A_7 = arith.constant 128 : i32
    %add3A_8 = arith.addi %mul3A_6, %add3A_7 : i32
    "tpu.region"() ({
      %run_scoped3A = tpu.sem_alloc : memref<!tpu.dma_semaphore, #tpu.memory_space<semaphore_mem>>
      %dma_start3A = arith.constant 0 : i32
      %dma_start3A_67 = tpu.memref_slice %arg11[%add3A_8, %dma_start3A] : memref<10240x128xf32, #tpu.memory_space<vmem_shared>> -> memref<128x128xf32, #tpu.memory_space<vmem_shared>>
      %dma_start3A_68 = arith.constant 0 : i32
      %dma_start3A_69 = tpu.memref_slice %arg11[%add3A_8, %dma_start3A_68] : memref<10240x128xf32, #tpu.memory_space<vmem_shared>> -> memref<128x128xf32, #tpu.memory_space<vmem_shared>>
      tpu.enqueue_dma source(%arg10 : memref<128x128xf32, #tpu.memory_space<vmem>>) target(%dma_start3A_69 : memref<128x128xf32, #tpu.memory_space<vmem_shared>>) target_semaphore(%run_scoped3A : memref<!tpu.dma_semaphore, #tpu.memory_space<semaphore_mem>>)
      %dma_wait3A = arith.constant 0 : i32
      %dma_wait3A_70 = tpu.memref_slice %arg11[%add3A_8, %dma_wait3A] : memref<10240x128xf32, #tpu.memory_space<vmem_shared>> -> memref<128x128xf32, #tpu.memory_space<vmem_shared>>
      %dma_wait3A_71 = arith.constant 0 : i32
      %dma_wait3A_72 = tpu.memref_slice %arg11[%add3A_8, %dma_wait3A_71] : memref<10240x128xf32, #tpu.memory_space<vmem_shared>> -> memref<128x128xf32, #tpu.memory_space<vmem_shared>>
      tpu.wait_dma2 semaphore(%run_scoped3A : memref<!tpu.dma_semaphore, #tpu.memory_space<semaphore_mem>>) src(%arg10 : memref<128x128xf32, #tpu.memory_space<vmem>>) dst(%dma_wait3A_72 : memref<128x128xf32, #tpu.memory_space<vmem_shared>>)
      tpu.yield
    }) : () -> ()
    %mul3A_9 = arith.constant 640 : i32
    %mul3A_10 = arith.muli %arg1, %mul3A_9 : i32
    %add3A_11 = arith.constant 256 : i32
    %add3A_12 = arith.addi %mul3A_10, %add3A_11 : i32
    "tpu.region"() ({
      %run_scoped3A = tpu.sem_alloc : memref<!tpu.dma_semaphore, #tpu.memory_space<semaphore_mem>>
      %dma_start3A = arith.constant 0 : i32
      %dma_start3A_67 = tpu.memref_slice %arg11[%add3A_12, %dma_start3A] : memref<10240x128xf32, #tpu.memory_space<vmem_shared>> -> memref<128x128xf32, #tpu.memory_space<vmem_shared>>
      %dma_start3A_68 = arith.constant 0 : i32
      %dma_start3A_69 = tpu.memref_slice %arg11[%add3A_12, %dma_start3A_68] : memref<10240x128xf32, #tpu.memory_space<vmem_shared>> -> memref<128x128xf32, #tpu.memory_space<vmem_shared>>
      tpu.enqueue_dma source(%arg10 : memref<128x128xf32, #tpu.memory_space<vmem>>) target(%dma_start3A_69 : memref<128x128xf32, #tpu.memory_space<vmem_shared>>) target_semaphore(%run_scoped3A : memref<!tpu.dma_semaphore, #tpu.memory_space<semaphore_mem>>)
      %dma_wait3A = arith.constant 0 : i32
      %dma_wait3A_70 = tpu.memref_slice %arg11[%add3A_12, %dma_wait3A] : memref<10240x128xf32, #tpu.memory_space<vmem_shared>> -> memref<128x128xf32, #tpu.memory_space<vmem_shared>>
      %dma_wait3A_71 = arith.constant 0 : i32
      %dma_wait3A_72 = tpu.memref_slice %arg11[%add3A_12, %dma_wait3A_71] : memref<10240x128xf32, #tpu.memory_space<vmem_shared>> -> memref<128x128xf32, #tpu.memory_space<vmem_shared>>
      tpu.wait_dma2 semaphore(%run_scoped3A : memref<!tpu.dma_semaphore, #tpu.memory_space<semaphore_mem>>) src(%arg10 : memref<128x128xf32, #tpu.memory_space<vmem>>) dst(%dma_wait3A_72 : memref<128x128xf32, #tpu.memory_space<vmem_shared>>)
      tpu.yield
    }) : () -> ()
    %mul3A_13 = arith.constant 640 : i32
    %mul3A_14 = arith.muli %arg1, %mul3A_13 : i32
    %add3A_15 = arith.constant 384 : i32
    %add3A_16 = arith.addi %mul3A_14, %add3A_15 : i32
    "tpu.region"() ({
      %run_scoped3A = tpu.sem_alloc : memref<!tpu.dma_semaphore, #tpu.memory_space<semaphore_mem>>
      %dma_start3A = arith.constant 0 : i32
      %dma_start3A_67 = tpu.memref_slice %arg11[%add3A_16, %dma_start3A] : memref<10240x128xf32, #tpu.memory_space<vmem_shared>> -> memref<128x128xf32, #tpu.memory_space<vmem_shared>>
      %dma_start3A_68 = arith.constant 0 : i32
      %dma_start3A_69 = tpu.memref_slice %arg11[%add3A_16, %dma_start3A_68] : memref<10240x128xf32, #tpu.memory_space<vmem_shared>> -> memref<128x128xf32, #tpu.memory_space<vmem_shared>>
      tpu.enqueue_dma source(%arg10 : memref<128x128xf32, #tpu.memory_space<vmem>>) target(%dma_start3A_69 : memref<128x128xf32, #tpu.memory_space<vmem_shared>>) target_semaphore(%run_scoped3A : memref<!tpu.dma_semaphore, #tpu.memory_space<semaphore_mem>>)
      %dma_wait3A = arith.constant 0 : i32
      %dma_wait3A_70 = tpu.memref_slice %arg11[%add3A_16, %dma_wait3A] : memref<10240x128xf32, #tpu.memory_space<vmem_shared>> -> memref<128x128xf32, #tpu.memory_space<vmem_shared>>
      %dma_wait3A_71 = arith.constant 0 : i32
      %dma_wait3A_72 = tpu.memref_slice %arg11[%add3A_16, %dma_wait3A_71] : memref<10240x128xf32, #tpu.memory_space<vmem_shared>> -> memref<128x128xf32, #tpu.memory_space<vmem_shared>>
      tpu.wait_dma2 semaphore(%run_scoped3A : memref<!tpu.dma_semaphore, #tpu.memory_space<semaphore_mem>>) src(%arg10 : memref<128x128xf32, #tpu.memory_space<vmem>>) dst(%dma_wait3A_72 : memref<128x128xf32, #tpu.memory_space<vmem_shared>>)
      tpu.yield
    }) : () -> ()
    %mul3A_17 = arith.constant 640 : i32
    %mul3A_18 = arith.muli %arg1, %mul3A_17 : i32
    %add3A_19 = arith.constant 512 : i32
    %add3A_20 = arith.addi %mul3A_18, %add3A_19 : i32
    "tpu.region"() ({
      %run_scoped3A = tpu.sem_alloc : memref<!tpu.dma_semaphore, #tpu.memory_space<semaphore_mem>>
      %dma_start3A = arith.constant 0 : i32
      %dma_start3A_67 = tpu.memref_slice %arg11[%add3A_20, %dma_start3A] : memref<10240x128xf32, #tpu.memory_space<vmem_shared>> -> memref<128x128xf32, #tpu.memory_space<vmem_shared>>
      %dma_start3A_68 = arith.constant 0 : i32
      %dma_start3A_69 = tpu.memref_slice %arg11[%add3A_20, %dma_start3A_68] : memref<10240x128xf32, #tpu.memory_space<vmem_shared>> -> memref<128x128xf32, #tpu.memory_space<vmem_shared>>
      tpu.enqueue_dma source(%arg10 : memref<128x128xf32, #tpu.memory_space<vmem>>) target(%dma_start3A_69 : memref<128x128xf32, #tpu.memory_space<vmem_shared>>) target_semaphore(%run_scoped3A : memref<!tpu.dma_semaphore, #tpu.memory_space<semaphore_mem>>)
      %dma_wait3A = arith.constant 0 : i32
      %dma_wait3A_70 = tpu.memref_slice %arg11[%add3A_20, %dma_wait3A] : memref<10240x128xf32, #tpu.memory_space<vmem_shared>> -> memref<128x128xf32, #tpu.memory_space<vmem_shared>>
      %dma_wait3A_71 = arith.constant 0 : i32
      %dma_wait3A_72 = tpu.memref_slice %arg11[%add3A_20, %dma_wait3A_71] : memref<10240x128xf32, #tpu.memory_space<vmem_shared>> -> memref<128x128xf32, #tpu.memory_space<vmem_shared>>
      tpu.wait_dma2 semaphore(%run_scoped3A : memref<!tpu.dma_semaphore, #tpu.memory_space<semaphore_mem>>) src(%arg10 : memref<128x128xf32, #tpu.memory_space<vmem>>) dst(%dma_wait3A_72 : memref<128x128xf32, #tpu.memory_space<vmem_shared>>)
      tpu.yield
    }) : () -> ()
    %barrier3A = arith.constant 0 : index
    tpu.barrier barrier_id(%barrier3A)
    %scan3A = arith.constant 0 : i32
    %scan3A_21 = arith.constant 0 : i32
    %scan3A_22 = arith.constant 125 : i32
    %scan3A_23 = arith.addi %scan3A_21, %scan3A_22 : i32
    %scan3A_24 = arith.constant 1 : i32
    scf.for %scan3A_67 = %scan3A_21 to %scan3A_23 step %scan3A_24  : i32 {
      %mul3A_68 = arith.constant 10000 : i32
      %mul3A_69 = arith.muli %add3A, %mul3A_68 : i32
      %mul3A_70 = arith.constant 80 : i32
      %mul3A_71 = arith.muli %scan3A_67, %mul3A_70 : i32
      %add3A_72 = arith.addi %mul3A_69, %mul3A_71 : i32
      "tpu.region"() ({
        %run_scoped3A = tpu.sem_alloc : memref<!tpu.dma_semaphore, #tpu.memory_space<semaphore_mem>>
        %dma_start3A_82 = tpu.memref_slice %arg3[%add3A_72] : memref<320000xi32, #tpu.memory_space<hbm>> -> memref<80xi32, #tpu.memory_space<hbm>>
        %dma_start3A_83 = tpu.memref_slice %arg3[%add3A_72] : memref<320000xi32, #tpu.memory_space<hbm>> -> memref<80xi32, #tpu.memory_space<hbm>>
        tpu.enqueue_dma source(%dma_start3A_83 : memref<80xi32, #tpu.memory_space<hbm>>) target(%arg7 : memref<80xi32, #tpu.memory_space<vmem>>) target_semaphore(%run_scoped3A : memref<!tpu.dma_semaphore, #tpu.memory_space<semaphore_mem>>)
        %dma_wait3A_84 = tpu.memref_slice %arg3[%add3A_72] : memref<320000xi32, #tpu.memory_space<hbm>> -> memref<80xi32, #tpu.memory_space<hbm>>
        %dma_wait3A_85 = tpu.memref_slice %arg3[%add3A_72] : memref<320000xi32, #tpu.memory_space<hbm>> -> memref<80xi32, #tpu.memory_space<hbm>>
        tpu.wait_dma2 semaphore(%run_scoped3A : memref<!tpu.dma_semaphore, #tpu.memory_space<semaphore_mem>>) src(%dma_wait3A_85 : memref<80xi32, #tpu.memory_space<hbm>>) dst(%arg7 : memref<80xi32, #tpu.memory_space<vmem>>)
        tpu.yield
      }) : () -> ()
      %mul3A_73 = arith.constant 10000 : i32
      %mul3A_74 = arith.muli %add3A, %mul3A_73 : i32
      %mul3A_75 = arith.constant 80 : i32
      %mul3A_76 = arith.muli %scan3A_67, %mul3A_75 : i32
      %add3A_77 = arith.addi %mul3A_74, %mul3A_76 : i32
      "tpu.region"() ({
        %run_scoped3A = tpu.sem_alloc : memref<!tpu.dma_semaphore, #tpu.memory_space<semaphore_mem>>
        %dma_start3A_82 = tpu.memref_slice %arg4[%add3A_77] : memref<320000xi32, #tpu.memory_space<hbm>> -> memref<80xi32, #tpu.memory_space<hbm>>
        %dma_start3A_83 = tpu.memref_slice %arg4[%add3A_77] : memref<320000xi32, #tpu.memory_space<hbm>> -> memref<80xi32, #tpu.memory_space<hbm>>
        tpu.enqueue_dma source(%dma_start3A_83 : memref<80xi32, #tpu.memory_space<hbm>>) target(%arg8 : memref<80xi32, #tpu.memory_space<vmem>>) target_semaphore(%run_scoped3A : memref<!tpu.dma_semaphore, #tpu.memory_space<semaphore_mem>>)
        %dma_wait3A_84 = tpu.memref_slice %arg4[%add3A_77] : memref<320000xi32, #tpu.memory_space<hbm>> -> memref<80xi32, #tpu.memory_space<hbm>>
        %dma_wait3A_85 = tpu.memref_slice %arg4[%add3A_77] : memref<320000xi32, #tpu.memory_space<hbm>> -> memref<80xi32, #tpu.memory_space<hbm>>
        tpu.wait_dma2 semaphore(%run_scoped3A : memref<!tpu.dma_semaphore, #tpu.memory_space<semaphore_mem>>) src(%dma_wait3A_85 : memref<80xi32, #tpu.memory_space<hbm>>) dst(%arg8 : memref<80xi32, #tpu.memory_space<vmem>>)
        tpu.yield
      }) : () -> ()
      %dma_start3A = arith.constant 0 : i32
      %dma_start3A_78 = arith.constant 0 : i32
      %dma_start3A_79 = tpu.memref_slice %arg2[%dma_start3A, %dma_start3A_78] : memref<10240x128xf32, #tpu.memory_space<hbm>> -> memref<10240x128xf32, #tpu.memory_space<hbm>>
      tpu.enqueue_indirect_dma source(%dma_start3A_79 : memref<10240x128xf32, #tpu.memory_space<hbm>>) target(%arg9 : memref<80x128xf32, #tpu.memory_space<vmem>>) offsets(%arg7 : memref<80xi32, #tpu.memory_space<vmem>>) semaphore(%arg12 : memref<!tpu.dma_semaphore, #tpu.memory_space<semaphore_mem>>)
      %dma_wait3A = arith.constant 0 : i32
      %dma_wait3A_80 = arith.constant 0 : i32
      %dma_wait3A_81 = tpu.memref_slice %arg2[%dma_wait3A, %dma_wait3A_80] : memref<10240x128xf32, #tpu.memory_space<hbm>> -> memref<10240x128xf32, #tpu.memory_space<hbm>>
      tpu.wait_indirect_dma semaphore(%arg12 : memref<!tpu.dma_semaphore, #tpu.memory_space<semaphore_mem>>) src(%dma_wait3A_81 : memref<10240x128xf32, #tpu.memory_space<hbm>>) dst(%arg9 : memref<80x128xf32, #tpu.memory_space<vmem>>)
      "tpu.region"() ({
        %run_scoped3A = tpu.sem_alloc : memref<!tpu.dma_semaphore, #tpu.memory_space<semaphore_mem>>
        %dma_start3A_82 = arith.constant 0 : i32
        %dma_start3A_83 = arith.constant 0 : i32
        %dma_start3A_84 = tpu.memref_slice %arg11[%dma_start3A_82, %dma_start3A_83] : memref<10240x128xf32, #tpu.memory_space<vmem_shared>> -> memref<10240x128xf32, #tpu.memory_space<vmem_shared>>
        tpu.enqueue_indirect_dma source(%arg9 : memref<80x128xf32, #tpu.memory_space<vmem>>) target(%dma_start3A_84 : memref<10240x128xf32, #tpu.memory_space<vmem_shared>>) offsets(%arg8 : memref<80xi32, #tpu.memory_space<vmem>>) semaphore(%run_scoped3A : memref<!tpu.dma_semaphore, #tpu.memory_space<semaphore_mem>>) {add = true}
        %dma_wait3A_85 = arith.constant 0 : i32
        %dma_wait3A_86 = arith.constant 0 : i32
        %dma_wait3A_87 = tpu.memref_slice %arg11[%dma_wait3A_85, %dma_wait3A_86] : memref<10240x128xf32, #tpu.memory_space<vmem_shared>> -> memref<10240x128xf32, #tpu.memory_space<vmem_shared>>
        tpu.wait_indirect_dma semaphore(%run_scoped3A : memref<!tpu.dma_semaphore, #tpu.memory_space<semaphore_mem>>) src(%arg9 : memref<80x128xf32, #tpu.memory_space<vmem>>) dst(%dma_wait3A_87 : memref<10240x128xf32, #tpu.memory_space<vmem_shared>>)
        tpu.yield
      }) : () -> ()
    }
    %scan3A_25 = arith.constant 125 : i32
    %barrier3A_26 = arith.constant 0 : index
    tpu.barrier barrier_id(%barrier3A_26)
    %mul3A_27 = arith.constant 640 : i32
    %mul3A_28 = arith.muli %arg1, %mul3A_27 : i32
    %add3A_29 = arith.constant 0 : i32
    %add3A_30 = arith.addi %mul3A_28, %add3A_29 : i32
    "tpu.region"() ({
      %run_scoped3A = tpu.sem_alloc : memref<!tpu.dma_semaphore, #tpu.memory_space<semaphore_mem>>
      %dma_start3A = arith.constant 0 : i32
      %dma_start3A_67 = tpu.memref_slice %arg11[%add3A_30, %dma_start3A] : memref<10240x128xf32, #tpu.memory_space<vmem_shared>> -> memref<128x128xf32, #tpu.memory_space<vmem_shared>>
      %dma_start3A_68 = arith.constant 0 : i32
      %dma_start3A_69 = tpu.memref_slice %arg11[%add3A_30, %dma_start3A_68] : memref<10240x128xf32, #tpu.memory_space<vmem_shared>> -> memref<128x128xf32, #tpu.memory_space<vmem_shared>>
      tpu.enqueue_dma source(%dma_start3A_69 : memref<128x128xf32, #tpu.memory_space<vmem_shared>>) target(%arg10 : memref<128x128xf32, #tpu.memory_space<vmem>>) target_semaphore(%run_scoped3A : memref<!tpu.dma_semaphore, #tpu.memory_space<semaphore_mem>>)
      %dma_wait3A = arith.constant 0 : i32
      %dma_wait3A_70 = tpu.memref_slice %arg11[%add3A_30, %dma_wait3A] : memref<10240x128xf32, #tpu.memory_space<vmem_shared>> -> memref<128x128xf32, #tpu.memory_space<vmem_shared>>
      %dma_wait3A_71 = arith.constant 0 : i32
      %dma_wait3A_72 = tpu.memref_slice %arg11[%add3A_30, %dma_wait3A_71] : memref<10240x128xf32, #tpu.memory_space<vmem_shared>> -> memref<128x128xf32, #tpu.memory_space<vmem_shared>>
      tpu.wait_dma2 semaphore(%run_scoped3A : memref<!tpu.dma_semaphore, #tpu.memory_space<semaphore_mem>>) src(%dma_wait3A_72 : memref<128x128xf32, #tpu.memory_space<vmem_shared>>) dst(%arg10 : memref<128x128xf32, #tpu.memory_space<vmem>>)
      tpu.yield
    }) : () -> ()
    %mul3A_31 = arith.constant 640 : i32
    %mul3A_32 = arith.muli %arg1, %mul3A_31 : i32
    %add3A_33 = arith.constant 0 : i32
    %add3A_34 = arith.addi %mul3A_32, %add3A_33 : i32
    "tpu.region"() ({
      %run_scoped3A = tpu.sem_alloc : memref<!tpu.dma_semaphore, #tpu.memory_space<semaphore_mem>>
      %dma_start3A = arith.constant 0 : i32
      %dma_start3A_67 = tpu.memref_slice %arg6[%arg0, %add3A_34, %dma_start3A] : memref<2x10240x128xf32, #tpu.memory_space<hbm>> -> memref<1x128x128xf32, #tpu.memory_space<hbm>>
      %dma_start3A_68 = tpu.memref_squeeze %dma_start3A_67 : memref<1x128x128xf32, #tpu.memory_space<hbm>> -> memref<128x128xf32, #tpu.memory_space<hbm>>
      %dma_start3A_69 = arith.constant 0 : i32
      %dma_start3A_70 = tpu.memref_slice %arg6[%arg0, %add3A_34, %dma_start3A_69] : memref<2x10240x128xf32, #tpu.memory_space<hbm>> -> memref<1x128x128xf32, #tpu.memory_space<hbm>>
      %dma_start3A_71 = tpu.memref_squeeze %dma_start3A_70 : memref<1x128x128xf32, #tpu.memory_space<hbm>> -> memref<128x128xf32, #tpu.memory_space<hbm>>
      tpu.enqueue_dma source(%arg10 : memref<128x128xf32, #tpu.memory_space<vmem>>) target(%dma_start3A_71 : memref<128x128xf32, #tpu.memory_space<hbm>>) target_semaphore(%run_scoped3A : memref<!tpu.dma_semaphore, #tpu.memory_space<semaphore_mem>>)
      %dma_wait3A = arith.constant 0 : i32
      %dma_wait3A_72 = tpu.memref_slice %arg6[%arg0, %add3A_34, %dma_wait3A] : memref<2x10240x128xf32, #tpu.memory_space<hbm>> -> memref<1x128x128xf32, #tpu.memory_space<hbm>>
      %dma_wait3A_73 = tpu.memref_squeeze %dma_wait3A_72 : memref<1x128x128xf32, #tpu.memory_space<hbm>> -> memref<128x128xf32, #tpu.memory_space<hbm>>
      %dma_wait3A_74 = arith.constant 0 : i32
      %dma_wait3A_75 = tpu.memref_slice %arg6[%arg0, %add3A_34, %dma_wait3A_74] : memref<2x10240x128xf32, #tpu.memory_space<hbm>> -> memref<1x128x128xf32, #tpu.memory_space<hbm>>
      %dma_wait3A_76 = tpu.memref_squeeze %dma_wait3A_75 : memref<1x128x128xf32, #tpu.memory_space<hbm>> -> memref<128x128xf32, #tpu.memory_space<hbm>>
      tpu.wait_dma2 semaphore(%run_scoped3A : memref<!tpu.dma_semaphore, #tpu.memory_space<semaphore_mem>>) src(%arg10 : memref<128x128xf32, #tpu.memory_space<vmem>>) dst(%dma_wait3A_76 : memref<128x128xf32, #tpu.memory_space<hbm>>)
      tpu.yield
    }) : () -> ()
    %mul3A_35 = arith.constant 640 : i32
    %mul3A_36 = arith.muli %arg1, %mul3A_35 : i32
    %add3A_37 = arith.constant 128 : i32
    %add3A_38 = arith.addi %mul3A_36, %add3A_37 : i32
    "tpu.region"() ({
      %run_scoped3A = tpu.sem_alloc : memref<!tpu.dma_semaphore, #tpu.memory_space<semaphore_mem>>
      %dma_start3A = arith.constant 0 : i32
      %dma_start3A_67 = tpu.memref_slice %arg11[%add3A_38, %dma_start3A] : memref<10240x128xf32, #tpu.memory_space<vmem_shared>> -> memref<128x128xf32, #tpu.memory_space<vmem_shared>>
      %dma_start3A_68 = arith.constant 0 : i32
      %dma_start3A_69 = tpu.memref_slice %arg11[%add3A_38, %dma_start3A_68] : memref<10240x128xf32, #tpu.memory_space<vmem_shared>> -> memref<128x128xf32, #tpu.memory_space<vmem_shared>>
      tpu.enqueue_dma source(%dma_start3A_69 : memref<128x128xf32, #tpu.memory_space<vmem_shared>>) target(%arg10 : memref<128x128xf32, #tpu.memory_space<vmem>>) target_semaphore(%run_scoped3A : memref<!tpu.dma_semaphore, #tpu.memory_space<semaphore_mem>>)
      %dma_wait3A = arith.constant 0 : i32
      %dma_wait3A_70 = tpu.memref_slice %arg11[%add3A_38, %dma_wait3A] : memref<10240x128xf32, #tpu.memory_space<vmem_shared>> -> memref<128x128xf32, #tpu.memory_space<vmem_shared>>
      %dma_wait3A_71 = arith.constant 0 : i32
      %dma_wait3A_72 = tpu.memref_slice %arg11[%add3A_38, %dma_wait3A_71] : memref<10240x128xf32, #tpu.memory_space<vmem_shared>> -> memref<128x128xf32, #tpu.memory_space<vmem_shared>>
      tpu.wait_dma2 semaphore(%run_scoped3A : memref<!tpu.dma_semaphore, #tpu.memory_space<semaphore_mem>>) src(%dma_wait3A_72 : memref<128x128xf32, #tpu.memory_space<vmem_shared>>) dst(%arg10 : memref<128x128xf32, #tpu.memory_space<vmem>>)
      tpu.yield
    }) : () -> ()
    %mul3A_39 = arith.constant 640 : i32
    %mul3A_40 = arith.muli %arg1, %mul3A_39 : i32
    %add3A_41 = arith.constant 128 : i32
    %add3A_42 = arith.addi %mul3A_40, %add3A_41 : i32
    "tpu.region"() ({
      %run_scoped3A = tpu.sem_alloc : memref<!tpu.dma_semaphore, #tpu.memory_space<semaphore_mem>>
      %dma_start3A = arith.constant 0 : i32
      %dma_start3A_67 = tpu.memref_slice %arg6[%arg0, %add3A_42, %dma_start3A] : memref<2x10240x128xf32, #tpu.memory_space<hbm>> -> memref<1x128x128xf32, #tpu.memory_space<hbm>>
      %dma_start3A_68 = tpu.memref_squeeze %dma_start3A_67 : memref<1x128x128xf32, #tpu.memory_space<hbm>> -> memref<128x128xf32, #tpu.memory_space<hbm>>
      %dma_start3A_69 = arith.constant 0 : i32
      %dma_start3A_70 = tpu.memref_slice %arg6[%arg0, %add3A_42, %dma_start3A_69] : memref<2x10240x128xf32, #tpu.memory_space<hbm>> -> memref<1x128x128xf32, #tpu.memory_space<hbm>>
      %dma_start3A_71 = tpu.memref_squeeze %dma_start3A_70 : memref<1x128x128xf32, #tpu.memory_space<hbm>> -> memref<128x128xf32, #tpu.memory_space<hbm>>
      tpu.enqueue_dma source(%arg10 : memref<128x128xf32, #tpu.memory_space<vmem>>) target(%dma_start3A_71 : memref<128x128xf32, #tpu.memory_space<hbm>>) target_semaphore(%run_scoped3A : memref<!tpu.dma_semaphore, #tpu.memory_space<semaphore_mem>>)
      %dma_wait3A = arith.constant 0 : i32
      %dma_wait3A_72 = tpu.memref_slice %arg6[%arg0, %add3A_42, %dma_wait3A] : memref<2x10240x128xf32, #tpu.memory_space<hbm>> -> memref<1x128x128xf32, #tpu.memory_space<hbm>>
      %dma_wait3A_73 = tpu.memref_squeeze %dma_wait3A_72 : memref<1x128x128xf32, #tpu.memory_space<hbm>> -> memref<128x128xf32, #tpu.memory_space<hbm>>
      %dma_wait3A_74 = arith.constant 0 : i32
      %dma_wait3A_75 = tpu.memref_slice %arg6[%arg0, %add3A_42, %dma_wait3A_74] : memref<2x10240x128xf32, #tpu.memory_space<hbm>> -> memref<1x128x128xf32, #tpu.memory_space<hbm>>
      %dma_wait3A_76 = tpu.memref_squeeze %dma_wait3A_75 : memref<1x128x128xf32, #tpu.memory_space<hbm>> -> memref<128x128xf32, #tpu.memory_space<hbm>>
      tpu.wait_dma2 semaphore(%run_scoped3A : memref<!tpu.dma_semaphore, #tpu.memory_space<semaphore_mem>>) src(%arg10 : memref<128x128xf32, #tpu.memory_space<vmem>>) dst(%dma_wait3A_76 : memref<128x128xf32, #tpu.memory_space<hbm>>)
      tpu.yield
    }) : () -> ()
    %mul3A_43 = arith.constant 640 : i32
    %mul3A_44 = arith.muli %arg1, %mul3A_43 : i32
    %add3A_45 = arith.constant 256 : i32
    %add3A_46 = arith.addi %mul3A_44, %add3A_45 : i32
    "tpu.region"() ({
      %run_scoped3A = tpu.sem_alloc : memref<!tpu.dma_semaphore, #tpu.memory_space<semaphore_mem>>
      %dma_start3A = arith.constant 0 : i32
      %dma_start3A_67 = tpu.memref_slice %arg11[%add3A_46, %dma_start3A] : memref<10240x128xf32, #tpu.memory_space<vmem_shared>> -> memref<128x128xf32, #tpu.memory_space<vmem_shared>>
      %dma_start3A_68 = arith.constant 0 : i32
      %dma_start3A_69 = tpu.memref_slice %arg11[%add3A_46, %dma_start3A_68] : memref<10240x128xf32, #tpu.memory_space<vmem_shared>> -> memref<128x128xf32, #tpu.memory_space<vmem_shared>>
      tpu.enqueue_dma source(%dma_start3A_69 : memref<128x128xf32, #tpu.memory_space<vmem_shared>>) target(%arg10 : memref<128x128xf32, #tpu.memory_space<vmem>>) target_semaphore(%run_scoped3A : memref<!tpu.dma_semaphore, #tpu.memory_space<semaphore_mem>>)
      %dma_wait3A = arith.constant 0 : i32
      %dma_wait3A_70 = tpu.memref_slice %arg11[%add3A_46, %dma_wait3A] : memref<10240x128xf32, #tpu.memory_space<vmem_shared>> -> memref<128x128xf32, #tpu.memory_space<vmem_shared>>
      %dma_wait3A_71 = arith.constant 0 : i32
      %dma_wait3A_72 = tpu.memref_slice %arg11[%add3A_46, %dma_wait3A_71] : memref<10240x128xf32, #tpu.memory_space<vmem_shared>> -> memref<128x128xf32, #tpu.memory_space<vmem_shared>>
      tpu.wait_dma2 semaphore(%run_scoped3A : memref<!tpu.dma_semaphore, #tpu.memory_space<semaphore_mem>>) src(%dma_wait3A_72 : memref<128x128xf32, #tpu.memory_space<vmem_shared>>) dst(%arg10 : memref<128x128xf32, #tpu.memory_space<vmem>>)
      tpu.yield
    }) : () -> ()
    %mul3A_47 = arith.constant 640 : i32
    %mul3A_48 = arith.muli %arg1, %mul3A_47 : i32
    %add3A_49 = arith.constant 256 : i32
    %add3A_50 = arith.addi %mul3A_48, %add3A_49 : i32
    "tpu.region"() ({
      %run_scoped3A = tpu.sem_alloc : memref<!tpu.dma_semaphore, #tpu.memory_space<semaphore_mem>>
      %dma_start3A = arith.constant 0 : i32
      %dma_start3A_67 = tpu.memref_slice %arg6[%arg0, %add3A_50, %dma_start3A] : memref<2x10240x128xf32, #tpu.memory_space<hbm>> -> memref<1x128x128xf32, #tpu.memory_space<hbm>>
      %dma_start3A_68 = tpu.memref_squeeze %dma_start3A_67 : memref<1x128x128xf32, #tpu.memory_space<hbm>> -> memref<128x128xf32, #tpu.memory_space<hbm>>
      %dma_start3A_69 = arith.constant 0 : i32
      %dma_start3A_70 = tpu.memref_slice %arg6[%arg0, %add3A_50, %dma_start3A_69] : memref<2x10240x128xf32, #tpu.memory_space<hbm>> -> memref<1x128x128xf32, #tpu.memory_space<hbm>>
      %dma_start3A_71 = tpu.memref_squeeze %dma_start3A_70 : memref<1x128x128xf32, #tpu.memory_space<hbm>> -> memref<128x128xf32, #tpu.memory_space<hbm>>
      tpu.enqueue_dma source(%arg10 : memref<128x128xf32, #tpu.memory_space<vmem>>) target(%dma_start3A_71 : memref<128x128xf32, #tpu.memory_space<hbm>>) target_semaphore(%run_scoped3A : memref<!tpu.dma_semaphore, #tpu.memory_space<semaphore_mem>>)
      %dma_wait3A = arith.constant 0 : i32
      %dma_wait3A_72 = tpu.memref_slice %arg6[%arg0, %add3A_50, %dma_wait3A] : memref<2x10240x128xf32, #tpu.memory_space<hbm>> -> memref<1x128x128xf32, #tpu.memory_space<hbm>>
      %dma_wait3A_73 = tpu.memref_squeeze %dma_wait3A_72 : memref<1x128x128xf32, #tpu.memory_space<hbm>> -> memref<128x128xf32, #tpu.memory_space<hbm>>
      %dma_wait3A_74 = arith.constant 0 : i32
      %dma_wait3A_75 = tpu.memref_slice %arg6[%arg0, %add3A_50, %dma_wait3A_74] : memref<2x10240x128xf32, #tpu.memory_space<hbm>> -> memref<1x128x128xf32, #tpu.memory_space<hbm>>
      %dma_wait3A_76 = tpu.memref_squeeze %dma_wait3A_75 : memref<1x128x128xf32, #tpu.memory_space<hbm>> -> memref<128x128xf32, #tpu.memory_space<hbm>>
      tpu.wait_dma2 semaphore(%run_scoped3A : memref<!tpu.dma_semaphore, #tpu.memory_space<semaphore_mem>>) src(%arg10 : memref<128x128xf32, #tpu.memory_space<vmem>>) dst(%dma_wait3A_76 : memref<128x128xf32, #tpu.memory_space<hbm>>)
      tpu.yield
    }) : () -> ()
    %mul3A_51 = arith.constant 640 : i32
    %mul3A_52 = arith.muli %arg1, %mul3A_51 : i32
    %add3A_53 = arith.constant 384 : i32
    %add3A_54 = arith.addi %mul3A_52, %add3A_53 : i32
    "tpu.region"() ({
      %run_scoped3A = tpu.sem_alloc : memref<!tpu.dma_semaphore, #tpu.memory_space<semaphore_mem>>
      %dma_start3A = arith.constant 0 : i32
      %dma_start3A_67 = tpu.memref_slice %arg11[%add3A_54, %dma_start3A] : memref<10240x128xf32, #tpu.memory_space<vmem_shared>> -> memref<128x128xf32, #tpu.memory_space<vmem_shared>>
      %dma_start3A_68 = arith.constant 0 : i32
      %dma_start3A_69 = tpu.memref_slice %arg11[%add3A_54, %dma_start3A_68] : memref<10240x128xf32, #tpu.memory_space<vmem_shared>> -> memref<128x128xf32, #tpu.memory_space<vmem_shared>>
      tpu.enqueue_dma source(%dma_start3A_69 : memref<128x128xf32, #tpu.memory_space<vmem_shared>>) target(%arg10 : memref<128x128xf32, #tpu.memory_space<vmem>>) target_semaphore(%run_scoped3A : memref<!tpu.dma_semaphore, #tpu.memory_space<semaphore_mem>>)
      %dma_wait3A = arith.constant 0 : i32
      %dma_wait3A_70 = tpu.memref_slice %arg11[%add3A_54, %dma_wait3A] : memref<10240x128xf32, #tpu.memory_space<vmem_shared>> -> memref<128x128xf32, #tpu.memory_space<vmem_shared>>
      %dma_wait3A_71 = arith.constant 0 : i32
      %dma_wait3A_72 = tpu.memref_slice %arg11[%add3A_54, %dma_wait3A_71] : memref<10240x128xf32, #tpu.memory_space<vmem_shared>> -> memref<128x128xf32, #tpu.memory_space<vmem_shared>>
      tpu.wait_dma2 semaphore(%run_scoped3A : memref<!tpu.dma_semaphore, #tpu.memory_space<semaphore_mem>>) src(%dma_wait3A_72 : memref<128x128xf32, #tpu.memory_space<vmem_shared>>) dst(%arg10 : memref<128x128xf32, #tpu.memory_space<vmem>>)
      tpu.yield
    }) : () -> ()
    %mul3A_55 = arith.constant 640 : i32
    %mul3A_56 = arith.muli %arg1, %mul3A_55 : i32
    %add3A_57 = arith.constant 384 : i32
    %add3A_58 = arith.addi %mul3A_56, %add3A_57 : i32
    "tpu.region"() ({
      %run_scoped3A = tpu.sem_alloc : memref<!tpu.dma_semaphore, #tpu.memory_space<semaphore_mem>>
      %dma_start3A = arith.constant 0 : i32
      %dma_start3A_67 = tpu.memref_slice %arg6[%arg0, %add3A_58, %dma_start3A] : memref<2x10240x128xf32, #tpu.memory_space<hbm>> -> memref<1x128x128xf32, #tpu.memory_space<hbm>>
      %dma_start3A_68 = tpu.memref_squeeze %dma_start3A_67 : memref<1x128x128xf32, #tpu.memory_space<hbm>> -> memref<128x128xf32, #tpu.memory_space<hbm>>
      %dma_start3A_69 = arith.constant 0 : i32
      %dma_start3A_70 = tpu.memref_slice %arg6[%arg0, %add3A_58, %dma_start3A_69] : memref<2x10240x128xf32, #tpu.memory_space<hbm>> -> memref<1x128x128xf32, #tpu.memory_space<hbm>>
      %dma_start3A_71 = tpu.memref_squeeze %dma_start3A_70 : memref<1x128x128xf32, #tpu.memory_space<hbm>> -> memref<128x128xf32, #tpu.memory_space<hbm>>
      tpu.enqueue_dma source(%arg10 : memref<128x128xf32, #tpu.memory_space<vmem>>) target(%dma_start3A_71 : memref<128x128xf32, #tpu.memory_space<hbm>>) target_semaphore(%run_scoped3A : memref<!tpu.dma_semaphore, #tpu.memory_space<semaphore_mem>>)
      %dma_wait3A = arith.constant 0 : i32
      %dma_wait3A_72 = tpu.memref_slice %arg6[%arg0, %add3A_58, %dma_wait3A] : memref<2x10240x128xf32, #tpu.memory_space<hbm>> -> memref<1x128x128xf32, #tpu.memory_space<hbm>>
      %dma_wait3A_73 = tpu.memref_squeeze %dma_wait3A_72 : memref<1x128x128xf32, #tpu.memory_space<hbm>> -> memref<128x128xf32, #tpu.memory_space<hbm>>
      %dma_wait3A_74 = arith.constant 0 : i32
      %dma_wait3A_75 = tpu.memref_slice %arg6[%arg0, %add3A_58, %dma_wait3A_74] : memref<2x10240x128xf32, #tpu.memory_space<hbm>> -> memref<1x128x128xf32, #tpu.memory_space<hbm>>
      %dma_wait3A_76 = tpu.memref_squeeze %dma_wait3A_75 : memref<1x128x128xf32, #tpu.memory_space<hbm>> -> memref<128x128xf32, #tpu.memory_space<hbm>>
      tpu.wait_dma2 semaphore(%run_scoped3A : memref<!tpu.dma_semaphore, #tpu.memory_space<semaphore_mem>>) src(%arg10 : memref<128x128xf32, #tpu.memory_space<vmem>>) dst(%dma_wait3A_76 : memref<128x128xf32, #tpu.memory_space<hbm>>)
      tpu.yield
    }) : () -> ()
    %mul3A_59 = arith.constant 640 : i32
    %mul3A_60 = arith.muli %arg1, %mul3A_59 : i32
    %add3A_61 = arith.constant 512 : i32
    %add3A_62 = arith.addi %mul3A_60, %add3A_61 : i32
    "tpu.region"() ({
      %run_scoped3A = tpu.sem_alloc : memref<!tpu.dma_semaphore, #tpu.memory_space<semaphore_mem>>
      %dma_start3A = arith.constant 0 : i32
      %dma_start3A_67 = tpu.memref_slice %arg11[%add3A_62, %dma_start3A] : memref<10240x128xf32, #tpu.memory_space<vmem_shared>> -> memref<128x128xf32, #tpu.memory_space<vmem_shared>>
      %dma_start3A_68 = arith.constant 0 : i32
      %dma_start3A_69 = tpu.memref_slice %arg11[%add3A_62, %dma_start3A_68] : memref<10240x128xf32, #tpu.memory_space<vmem_shared>> -> memref<128x128xf32, #tpu.memory_space<vmem_shared>>
      tpu.enqueue_dma source(%dma_start3A_69 : memref<128x128xf32, #tpu.memory_space<vmem_shared>>) target(%arg10 : memref<128x128xf32, #tpu.memory_space<vmem>>) target_semaphore(%run_scoped3A : memref<!tpu.dma_semaphore, #tpu.memory_space<semaphore_mem>>)
      %dma_wait3A = arith.constant 0 : i32
      %dma_wait3A_70 = tpu.memref_slice %arg11[%add3A_62, %dma_wait3A] : memref<10240x128xf32, #tpu.memory_space<vmem_shared>> -> memref<128x128xf32, #tpu.memory_space<vmem_shared>>
      %dma_wait3A_71 = arith.constant 0 : i32
      %dma_wait3A_72 = tpu.memref_slice %arg11[%add3A_62, %dma_wait3A_71] : memref<10240x128xf32, #tpu.memory_space<vmem_shared>> -> memref<128x128xf32, #tpu.memory_space<vmem_shared>>
      tpu.wait_dma2 semaphore(%run_scoped3A : memref<!tpu.dma_semaphore, #tpu.memory_space<semaphore_mem>>) src(%dma_wait3A_72 : memref<128x128xf32, #tpu.memory_space<vmem_shared>>) dst(%arg10 : memref<128x128xf32, #tpu.memory_space<vmem>>)
      tpu.yield
    }) : () -> ()
    %mul3A_63 = arith.constant 640 : i32
    %mul3A_64 = arith.muli %arg1, %mul3A_63 : i32
    %add3A_65 = arith.constant 512 : i32
    %add3A_66 = arith.addi %mul3A_64, %add3A_65 : i32
    "tpu.region"() ({
      %run_scoped3A = tpu.sem_alloc : memref<!tpu.dma_semaphore, #tpu.memory_space<semaphore_mem>>
      %dma_start3A = arith.constant 0 : i32
      %dma_start3A_67 = tpu.memref_slice %arg6[%arg0, %add3A_66, %dma_start3A] : memref<2x10240x128xf32, #tpu.memory_space<hbm>> -> memref<1x128x128xf32, #tpu.memory_space<hbm>>
      %dma_start3A_68 = tpu.memref_squeeze %dma_start3A_67 : memref<1x128x128xf32, #tpu.memory_space<hbm>> -> memref<128x128xf32, #tpu.memory_space<hbm>>
      %dma_start3A_69 = arith.constant 0 : i32
      %dma_start3A_70 = tpu.memref_slice %arg6[%arg0, %add3A_66, %dma_start3A_69] : memref<2x10240x128xf32, #tpu.memory_space<hbm>> -> memref<1x128x128xf32, #tpu.memory_space<hbm>>
      %dma_start3A_71 = tpu.memref_squeeze %dma_start3A_70 : memref<1x128x128xf32, #tpu.memory_space<hbm>> -> memref<128x128xf32, #tpu.memory_space<hbm>>
      tpu.enqueue_dma source(%arg10 : memref<128x128xf32, #tpu.memory_space<vmem>>) target(%dma_start3A_71 : memref<128x128xf32, #tpu.memory_space<hbm>>) target_semaphore(%run_scoped3A : memref<!tpu.dma_semaphore, #tpu.memory_space<semaphore_mem>>)
      %dma_wait3A = arith.constant 0 : i32
      %dma_wait3A_72 = tpu.memref_slice %arg6[%arg0, %add3A_66, %dma_wait3A] : memref<2x10240x128xf32, #tpu.memory_space<hbm>> -> memref<1x128x128xf32, #tpu.memory_space<hbm>>
      %dma_wait3A_73 = tpu.memref_squeeze %dma_wait3A_72 : memref<1x128x128xf32, #tpu.memory_space<hbm>> -> memref<128x128xf32, #tpu.memory_space<hbm>>
      %dma_wait3A_74 = arith.constant 0 : i32
      %dma_wait3A_75 = tpu.memref_slice %arg6[%arg0, %add3A_66, %dma_wait3A_74] : memref<2x10240x128xf32, #tpu.memory_space<hbm>> -> memref<1x128x128xf32, #tpu.memory_space<hbm>>
      %dma_wait3A_76 = tpu.memref_squeeze %dma_wait3A_75 : memref<1x128x128xf32, #tpu.memory_space<hbm>> -> memref<128x128xf32, #tpu.memory_space<hbm>>
      tpu.wait_dma2 semaphore(%run_scoped3A : memref<!tpu.dma_semaphore, #tpu.memory_space<semaphore_mem>>) src(%arg10 : memref<128x128xf32, #tpu.memory_space<vmem>>) dst(%dma_wait3A_76 : memref<128x128xf32, #tpu.memory_space<hbm>>)
      tpu.yield
    }) : () -> ()
    return
  }
}

#map = affine_map<(d0, d1) -> (0, 0)>
#map1 = affine_map<(d0, d1) -> (0)>
#map2 = affine_map<(d0, d1) -> (0, 0, 0)>
module attributes {stable_mosaic.version = 14 : i64} {
  func.func @_agg_body(%arg0: i32, %arg1: i32, %arg2: memref<10240x128xf32, #tpu.memory_space<hbm>>, %arg3: memref<320000xi32, #tpu.memory_space<hbm>>, %arg4: memref<320000xi32, #tpu.memory_space<hbm>>, %arg5: memref<128x128xf32, #tpu.memory_space<hbm>>, %arg6: memref<2x10240x128xf32, #tpu.memory_space<hbm>>, %arg7: memref<80xi32, #tpu.memory_space<vmem>>, %arg8: memref<80xi32, #tpu.memory_space<vmem>>, %arg9: memref<80x128xf32, #tpu.memory_space<vmem>>, %arg10: memref<128x128xf32, #tpu.memory_space<vmem>>, %arg11: memref<10240x128xf32, #tpu.memory_space<vmem_shared>>, %arg12: memref<!tpu.dma_semaphore, #tpu.memory_space<semaphore_mem>>) attributes {dimension_semantics = [#tpu.dimension_semantics<core_parallel>, #tpu.dimension_semantics<subcore_parallel>], iteration_bounds = array<i64: 2, 16>, scalar_prefetch = 0 : i64, scratch_operands = 6 : i64, tpu.core_type = #tpu.core_type<sc_vector_subcore>, window_params = [{transform_indices = #map}, {transform_indices = #map1}, {transform_indices = #map1}, {transform_indices = #map}, {transform_indices = #map2}]} {
    %mul3A = arith.constant 16 : i32
    %mul3A_0 = arith.muli %arg0, %mul3A : i32
    %add3A = arith.addi %mul3A_0, %arg1 : i32
    "tpu.region"() ({
      %run_scoped3A = tpu.sem_alloc : memref<!tpu.dma_semaphore, #tpu.memory_space<semaphore_mem>>
      tpu.enqueue_dma source(%arg5 : memref<128x128xf32, #tpu.memory_space<hbm>>) target(%arg10 : memref<128x128xf32, #tpu.memory_space<vmem>>) target_semaphore(%run_scoped3A : memref<!tpu.dma_semaphore, #tpu.memory_space<semaphore_mem>>)
      tpu.wait_dma2 semaphore(%run_scoped3A : memref<!tpu.dma_semaphore, #tpu.memory_space<semaphore_mem>>) src(%arg5 : memref<128x128xf32, #tpu.memory_space<hbm>>) dst(%arg10 : memref<128x128xf32, #tpu.memory_space<vmem>>)
      tpu.yield
    }) : () -> ()
    %mul3A_1 = arith.constant 640 : i32
    %mul3A_2 = arith.muli %arg1, %mul3A_1 : i32
    %add3A_3 = arith.constant 0 : i32
    %add3A_4 = arith.addi %mul3A_2, %add3A_3 : i32
    "tpu.region"() ({
      %run_scoped3A = tpu.sem_alloc : memref<!tpu.dma_semaphore, #tpu.memory_space<semaphore_mem>>
      %dma_start3A = arith.constant 0 : i32
      %dma_start3A_67 = tpu.memref_slice %arg11[%add3A_4, %dma_start3A] : memref<10240x128xf32, #tpu.memory_space<vmem_shared>> -> memref<128x128xf32, #tpu.memory_space<vmem_shared>>
      %dma_start3A_68 = arith.constant 0 : i32
      %dma_start3A_69 = tpu.memref_slice %arg11[%add3A_4, %dma_start3A_68] : memref<10240x128xf32, #tpu.memory_space<vmem_shared>> -> memref<128x128xf32, #tpu.memory_space<vmem_shared>>
      tpu.enqueue_dma source(%arg10 : memref<128x128xf32, #tpu.memory_space<vmem>>) target(%dma_start3A_69 : memref<128x128xf32, #tpu.memory_space<vmem_shared>>) target_semaphore(%run_scoped3A : memref<!tpu.dma_semaphore, #tpu.memory_space<semaphore_mem>>)
      %dma_wait3A = arith.constant 0 : i32
      %dma_wait3A_70 = tpu.memref_slice %arg11[%add3A_4, %dma_wait3A] : memref<10240x128xf32, #tpu.memory_space<vmem_shared>> -> memref<128x128xf32, #tpu.memory_space<vmem_shared>>
      %dma_wait3A_71 = arith.constant 0 : i32
      %dma_wait3A_72 = tpu.memref_slice %arg11[%add3A_4, %dma_wait3A_71] : memref<10240x128xf32, #tpu.memory_space<vmem_shared>> -> memref<128x128xf32, #tpu.memory_space<vmem_shared>>
      tpu.wait_dma2 semaphore(%run_scoped3A : memref<!tpu.dma_semaphore, #tpu.memory_space<semaphore_mem>>) src(%arg10 : memref<128x128xf32, #tpu.memory_space<vmem>>) dst(%dma_wait3A_72 : memref<128x128xf32, #tpu.memory_space<vmem_shared>>)
      tpu.yield
    }) : () -> ()
    %mul3A_5 = arith.constant 640 : i32
    %mul3A_6 = arith.muli %arg1, %mul3A_5 : i32
    %add3A_7 = arith.constant 128 : i32
    %add3A_8 = arith.addi %mul3A_6, %add3A_7 : i32
    "tpu.region"() ({
      %run_scoped3A = tpu.sem_alloc : memref<!tpu.dma_semaphore, #tpu.memory_space<semaphore_mem>>
      %dma_start3A = arith.constant 0 : i32
      %dma_start3A_67 = tpu.memref_slice %arg11[%add3A_8, %dma_start3A] : memref<10240x128xf32, #tpu.memory_space<vmem_shared>> -> memref<128x128xf32, #tpu.memory_space<vmem_shared>>
      %dma_start3A_68 = arith.constant 0 : i32
      %dma_start3A_69 = tpu.memref_slice %arg11[%add3A_8, %dma_start3A_68] : memref<10240x128xf32, #tpu.memory_space<vmem_shared>> -> memref<128x128xf32, #tpu.memory_space<vmem_shared>>
      tpu.enqueue_dma source(%arg10 : memref<128x128xf32, #tpu.memory_space<vmem>>) target(%dma_start3A_69 : memref<128x128xf32, #tpu.memory_space<vmem_shared>>) target_semaphore(%run_scoped3A : memref<!tpu.dma_semaphore, #tpu.memory_space<semaphore_mem>>)
      %dma_wait3A = arith.constant 0 : i32
      %dma_wait3A_70 = tpu.memref_slice %arg11[%add3A_8, %dma_wait3A] : memref<10240x128xf32, #tpu.memory_space<vmem_shared>> -> memref<128x128xf32, #tpu.memory_space<vmem_shared>>
      %dma_wait3A_71 = arith.constant 0 : i32
      %dma_wait3A_72 = tpu.memref_slice %arg11[%add3A_8, %dma_wait3A_71] : memref<10240x128xf32, #tpu.memory_space<vmem_shared>> -> memref<128x128xf32, #tpu.memory_space<vmem_shared>>
      tpu.wait_dma2 semaphore(%run_scoped3A : memref<!tpu.dma_semaphore, #tpu.memory_space<semaphore_mem>>) src(%arg10 : memref<128x128xf32, #tpu.memory_space<vmem>>) dst(%dma_wait3A_72 : memref<128x128xf32, #tpu.memory_space<vmem_shared>>)
      tpu.yield
    }) : () -> ()
    %mul3A_9 = arith.constant 640 : i32
    %mul3A_10 = arith.muli %arg1, %mul3A_9 : i32
    %add3A_11 = arith.constant 256 : i32
    %add3A_12 = arith.addi %mul3A_10, %add3A_11 : i32
    "tpu.region"() ({
      %run_scoped3A = tpu.sem_alloc : memref<!tpu.dma_semaphore, #tpu.memory_space<semaphore_mem>>
      %dma_start3A = arith.constant 0 : i32
      %dma_start3A_67 = tpu.memref_slice %arg11[%add3A_12, %dma_start3A] : memref<10240x128xf32, #tpu.memory_space<vmem_shared>> -> memref<128x128xf32, #tpu.memory_space<vmem_shared>>
      %dma_start3A_68 = arith.constant 0 : i32
      %dma_start3A_69 = tpu.memref_slice %arg11[%add3A_12, %dma_start3A_68] : memref<10240x128xf32, #tpu.memory_space<vmem_shared>> -> memref<128x128xf32, #tpu.memory_space<vmem_shared>>
      tpu.enqueue_dma source(%arg10 : memref<128x128xf32, #tpu.memory_space<vmem>>) target(%dma_start3A_69 : memref<128x128xf32, #tpu.memory_space<vmem_shared>>) target_semaphore(%run_scoped3A : memref<!tpu.dma_semaphore, #tpu.memory_space<semaphore_mem>>)
      %dma_wait3A = arith.constant 0 : i32
      %dma_wait3A_70 = tpu.memref_slice %arg11[%add3A_12, %dma_wait3A] : memref<10240x128xf32, #tpu.memory_space<vmem_shared>> -> memref<128x128xf32, #tpu.memory_space<vmem_shared>>
      %dma_wait3A_71 = arith.constant 0 : i32
      %dma_wait3A_72 = tpu.memref_slice %arg11[%add3A_12, %dma_wait3A_71] : memref<10240x128xf32, #tpu.memory_space<vmem_shared>> -> memref<128x128xf32, #tpu.memory_space<vmem_shared>>
      tpu.wait_dma2 semaphore(%run_scoped3A : memref<!tpu.dma_semaphore, #tpu.memory_space<semaphore_mem>>) src(%arg10 : memref<128x128xf32, #tpu.memory_space<vmem>>) dst(%dma_wait3A_72 : memref<128x128xf32, #tpu.memory_space<vmem_shared>>)
      tpu.yield
    }) : () -> ()
    %mul3A_13 = arith.constant 640 : i32
    %mul3A_14 = arith.muli %arg1, %mul3A_13 : i32
    %add3A_15 = arith.constant 384 : i32
    %add3A_16 = arith.addi %mul3A_14, %add3A_15 : i32
    "tpu.region"() ({
      %run_scoped3A = tpu.sem_alloc : memref<!tpu.dma_semaphore, #tpu.memory_space<semaphore_mem>>
      %dma_start3A = arith.constant 0 : i32
      %dma_start3A_67 = tpu.memref_slice %arg11[%add3A_16, %dma_start3A] : memref<10240x128xf32, #tpu.memory_space<vmem_shared>> -> memref<128x128xf32, #tpu.memory_space<vmem_shared>>
      %dma_start3A_68 = arith.constant 0 : i32
      %dma_start3A_69 = tpu.memref_slice %arg11[%add3A_16, %dma_start3A_68] : memref<10240x128xf32, #tpu.memory_space<vmem_shared>> -> memref<128x128xf32, #tpu.memory_space<vmem_shared>>
      tpu.enqueue_dma source(%arg10 : memref<128x128xf32, #tpu.memory_space<vmem>>) target(%dma_start3A_69 : memref<128x128xf32, #tpu.memory_space<vmem_shared>>) target_semaphore(%run_scoped3A : memref<!tpu.dma_semaphore, #tpu.memory_space<semaphore_mem>>)
      %dma_wait3A = arith.constant 0 : i32
      %dma_wait3A_70 = tpu.memref_slice %arg11[%add3A_16, %dma_wait3A] : memref<10240x128xf32, #tpu.memory_space<vmem_shared>> -> memref<128x128xf32, #tpu.memory_space<vmem_shared>>
      %dma_wait3A_71 = arith.constant 0 : i32
      %dma_wait3A_72 = tpu.memref_slice %arg11[%add3A_16, %dma_wait3A_71] : memref<10240x128xf32, #tpu.memory_space<vmem_shared>> -> memref<128x128xf32, #tpu.memory_space<vmem_shared>>
      tpu.wait_dma2 semaphore(%run_scoped3A : memref<!tpu.dma_semaphore, #tpu.memory_space<semaphore_mem>>) src(%arg10 : memref<128x128xf32, #tpu.memory_space<vmem>>) dst(%dma_wait3A_72 : memref<128x128xf32, #tpu.memory_space<vmem_shared>>)
      tpu.yield
    }) : () -> ()
    %mul3A_17 = arith.constant 640 : i32
    %mul3A_18 = arith.muli %arg1, %mul3A_17 : i32
    %add3A_19 = arith.constant 512 : i32
    %add3A_20 = arith.addi %mul3A_18, %add3A_19 : i32
    "tpu.region"() ({
      %run_scoped3A = tpu.sem_alloc : memref<!tpu.dma_semaphore, #tpu.memory_space<semaphore_mem>>
      %dma_start3A = arith.constant 0 : i32
      %dma_start3A_67 = tpu.memref_slice %arg11[%add3A_20, %dma_start3A] : memref<10240x128xf32, #tpu.memory_space<vmem_shared>> -> memref<128x128xf32, #tpu.memory_space<vmem_shared>>
      %dma_start3A_68 = arith.constant 0 : i32
      %dma_start3A_69 = tpu.memref_slice %arg11[%add3A_20, %dma_start3A_68] : memref<10240x128xf32, #tpu.memory_space<vmem_shared>> -> memref<128x128xf32, #tpu.memory_space<vmem_shared>>
      tpu.enqueue_dma source(%arg10 : memref<128x128xf32, #tpu.memory_space<vmem>>) target(%dma_start3A_69 : memref<128x128xf32, #tpu.memory_space<vmem_shared>>) target_semaphore(%run_scoped3A : memref<!tpu.dma_semaphore, #tpu.memory_space<semaphore_mem>>)
      %dma_wait3A = arith.constant 0 : i32
      %dma_wait3A_70 = tpu.memref_slice %arg11[%add3A_20, %dma_wait3A] : memref<10240x128xf32, #tpu.memory_space<vmem_shared>> -> memref<128x128xf32, #tpu.memory_space<vmem_shared>>
      %dma_wait3A_71 = arith.constant 0 : i32
      %dma_wait3A_72 = tpu.memref_slice %arg11[%add3A_20, %dma_wait3A_71] : memref<10240x128xf32, #tpu.memory_space<vmem_shared>> -> memref<128x128xf32, #tpu.memory_space<vmem_shared>>
      tpu.wait_dma2 semaphore(%run_scoped3A : memref<!tpu.dma_semaphore, #tpu.memory_space<semaphore_mem>>) src(%arg10 : memref<128x128xf32, #tpu.memory_space<vmem>>) dst(%dma_wait3A_72 : memref<128x128xf32, #tpu.memory_space<vmem_shared>>)
      tpu.yield
    }) : () -> ()
    %barrier3A = arith.constant 0 : index
    tpu.barrier barrier_id(%barrier3A)
    %scan3A = arith.constant 0 : i32
    %scan3A_21 = arith.constant 0 : i32
    %scan3A_22 = arith.constant 125 : i32
    %scan3A_23 = arith.addi %scan3A_21, %scan3A_22 : i32
    %scan3A_24 = arith.constant 1 : i32
    scf.for %scan3A_67 = %scan3A_21 to %scan3A_23 step %scan3A_24  : i32 {
      %mul3A_68 = arith.constant 10000 : i32
      %mul3A_69 = arith.muli %add3A, %mul3A_68 : i32
      %mul3A_70 = arith.constant 80 : i32
      %mul3A_71 = arith.muli %scan3A_67, %mul3A_70 : i32
      %add3A_72 = arith.addi %mul3A_69, %mul3A_71 : i32
      "tpu.region"() ({
        %run_scoped3A = tpu.sem_alloc : memref<!tpu.dma_semaphore, #tpu.memory_space<semaphore_mem>>
        %dma_start3A_82 = tpu.memref_slice %arg3[%add3A_72] : memref<320000xi32, #tpu.memory_space<hbm>> -> memref<80xi32, #tpu.memory_space<hbm>>
        %dma_start3A_83 = tpu.memref_slice %arg3[%add3A_72] : memref<320000xi32, #tpu.memory_space<hbm>> -> memref<80xi32, #tpu.memory_space<hbm>>
        tpu.enqueue_dma source(%dma_start3A_83 : memref<80xi32, #tpu.memory_space<hbm>>) target(%arg7 : memref<80xi32, #tpu.memory_space<vmem>>) target_semaphore(%run_scoped3A : memref<!tpu.dma_semaphore, #tpu.memory_space<semaphore_mem>>)
        %dma_wait3A_84 = tpu.memref_slice %arg3[%add3A_72] : memref<320000xi32, #tpu.memory_space<hbm>> -> memref<80xi32, #tpu.memory_space<hbm>>
        %dma_wait3A_85 = tpu.memref_slice %arg3[%add3A_72] : memref<320000xi32, #tpu.memory_space<hbm>> -> memref<80xi32, #tpu.memory_space<hbm>>
        tpu.wait_dma2 semaphore(%run_scoped3A : memref<!tpu.dma_semaphore, #tpu.memory_space<semaphore_mem>>) src(%dma_wait3A_85 : memref<80xi32, #tpu.memory_space<hbm>>) dst(%arg7 : memref<80xi32, #tpu.memory_space<vmem>>)
        tpu.yield
      }) : () -> ()
      %mul3A_73 = arith.constant 10000 : i32
      %mul3A_74 = arith.muli %add3A, %mul3A_73 : i32
      %mul3A_75 = arith.constant 80 : i32
      %mul3A_76 = arith.muli %scan3A_67, %mul3A_75 : i32
      %add3A_77 = arith.addi %mul3A_74, %mul3A_76 : i32
      "tpu.region"() ({
        %run_scoped3A = tpu.sem_alloc : memref<!tpu.dma_semaphore, #tpu.memory_space<semaphore_mem>>
        %dma_start3A_82 = tpu.memref_slice %arg4[%add3A_77] : memref<320000xi32, #tpu.memory_space<hbm>> -> memref<80xi32, #tpu.memory_space<hbm>>
        %dma_start3A_83 = tpu.memref_slice %arg4[%add3A_77] : memref<320000xi32, #tpu.memory_space<hbm>> -> memref<80xi32, #tpu.memory_space<hbm>>
        tpu.enqueue_dma source(%dma_start3A_83 : memref<80xi32, #tpu.memory_space<hbm>>) target(%arg8 : memref<80xi32, #tpu.memory_space<vmem>>) target_semaphore(%run_scoped3A : memref<!tpu.dma_semaphore, #tpu.memory_space<semaphore_mem>>)
        %dma_wait3A_84 = tpu.memref_slice %arg4[%add3A_77] : memref<320000xi32, #tpu.memory_space<hbm>> -> memref<80xi32, #tpu.memory_space<hbm>>
        %dma_wait3A_85 = tpu.memref_slice %arg4[%add3A_77] : memref<320000xi32, #tpu.memory_space<hbm>> -> memref<80xi32, #tpu.memory_space<hbm>>
        tpu.wait_dma2 semaphore(%run_scoped3A : memref<!tpu.dma_semaphore, #tpu.memory_space<semaphore_mem>>) src(%dma_wait3A_85 : memref<80xi32, #tpu.memory_space<hbm>>) dst(%arg8 : memref<80xi32, #tpu.memory_space<vmem>>)
        tpu.yield
      }) : () -> ()
      %dma_start3A = arith.constant 0 : i32
      %dma_start3A_78 = arith.constant 0 : i32
      %dma_start3A_79 = tpu.memref_slice %arg2[%dma_start3A, %dma_start3A_78] : memref<10240x128xf32, #tpu.memory_space<hbm>> -> memref<10240x128xf32, #tpu.memory_space<hbm>>
      tpu.enqueue_indirect_dma source(%dma_start3A_79 : memref<10240x128xf32, #tpu.memory_space<hbm>>) target(%arg9 : memref<80x128xf32, #tpu.memory_space<vmem>>) offsets(%arg7 : memref<80xi32, #tpu.memory_space<vmem>>) semaphore(%arg12 : memref<!tpu.dma_semaphore, #tpu.memory_space<semaphore_mem>>)
      %dma_wait3A = arith.constant 0 : i32
      %dma_wait3A_80 = arith.constant 0 : i32
      %dma_wait3A_81 = tpu.memref_slice %arg2[%dma_wait3A, %dma_wait3A_80] : memref<10240x128xf32, #tpu.memory_space<hbm>> -> memref<10240x128xf32, #tpu.memory_space<hbm>>
      tpu.wait_indirect_dma semaphore(%arg12 : memref<!tpu.dma_semaphore, #tpu.memory_space<semaphore_mem>>) src(%dma_wait3A_81 : memref<10240x128xf32, #tpu.memory_space<hbm>>) dst(%arg9 : memref<80x128xf32, #tpu.memory_space<vmem>>)
      "tpu.region"() ({
        %run_scoped3A = tpu.sem_alloc : memref<!tpu.dma_semaphore, #tpu.memory_space<semaphore_mem>>
        %dma_start3A_82 = arith.constant 0 : i32
        %dma_start3A_83 = arith.constant 0 : i32
        %dma_start3A_84 = tpu.memref_slice %arg11[%dma_start3A_82, %dma_start3A_83] : memref<10240x128xf32, #tpu.memory_space<vmem_shared>> -> memref<10240x128xf32, #tpu.memory_space<vmem_shared>>
        tpu.enqueue_indirect_dma source(%arg9 : memref<80x128xf32, #tpu.memory_space<vmem>>) target(%dma_start3A_84 : memref<10240x128xf32, #tpu.memory_space<vmem_shared>>) offsets(%arg8 : memref<80xi32, #tpu.memory_space<vmem>>) semaphore(%run_scoped3A : memref<!tpu.dma_semaphore, #tpu.memory_space<semaphore_mem>>) {add = true}
        %dma_wait3A_85 = arith.constant 0 : i32
        %dma_wait3A_86 = arith.constant 0 : i32
        %dma_wait3A_87 = tpu.memref_slice %arg11[%dma_wait3A_85, %dma_wait3A_86] : memref<10240x128xf32, #tpu.memory_space<vmem_shared>> -> memref<10240x128xf32, #tpu.memory_space<vmem_shared>>
        tpu.wait_indirect_dma semaphore(%run_scoped3A : memref<!tpu.dma_semaphore, #tpu.memory_space<semaphore_mem>>) src(%arg9 : memref<80x128xf32, #tpu.memory_space<vmem>>) dst(%dma_wait3A_87 : memref<10240x128xf32, #tpu.memory_space<vmem_shared>>)
        tpu.yield
      }) : () -> ()
    }
    %scan3A_25 = arith.constant 125 : i32
    %barrier3A_26 = arith.constant 0 : index
    tpu.barrier barrier_id(%barrier3A_26)
    %mul3A_27 = arith.constant 640 : i32
    %mul3A_28 = arith.muli %arg1, %mul3A_27 : i32
    %add3A_29 = arith.constant 0 : i32
    %add3A_30 = arith.addi %mul3A_28, %add3A_29 : i32
    "tpu.region"() ({
      %run_scoped3A = tpu.sem_alloc : memref<!tpu.dma_semaphore, #tpu.memory_space<semaphore_mem>>
      %dma_start3A = arith.constant 0 : i32
      %dma_start3A_67 = tpu.memref_slice %arg11[%add3A_30, %dma_start3A] : memref<10240x128xf32, #tpu.memory_space<vmem_shared>> -> memref<128x128xf32, #tpu.memory_space<vmem_shared>>
      %dma_start3A_68 = arith.constant 0 : i32
      %dma_start3A_69 = tpu.memref_slice %arg11[%add3A_30, %dma_start3A_68] : memref<10240x128xf32, #tpu.memory_space<vmem_shared>> -> memref<128x128xf32, #tpu.memory_space<vmem_shared>>
      tpu.enqueue_dma source(%dma_start3A_69 : memref<128x128xf32, #tpu.memory_space<vmem_shared>>) target(%arg10 : memref<128x128xf32, #tpu.memory_space<vmem>>) target_semaphore(%run_scoped3A : memref<!tpu.dma_semaphore, #tpu.memory_space<semaphore_mem>>)
      %dma_wait3A = arith.constant 0 : i32
      %dma_wait3A_70 = tpu.memref_slice %arg11[%add3A_30, %dma_wait3A] : memref<10240x128xf32, #tpu.memory_space<vmem_shared>> -> memref<128x128xf32, #tpu.memory_space<vmem_shared>>
      %dma_wait3A_71 = arith.constant 0 : i32
      %dma_wait3A_72 = tpu.memref_slice %arg11[%add3A_30, %dma_wait3A_71] : memref<10240x128xf32, #tpu.memory_space<vmem_shared>> -> memref<128x128xf32, #tpu.memory_space<vmem_shared>>
      tpu.wait_dma2 semaphore(%run_scoped3A : memref<!tpu.dma_semaphore, #tpu.memory_space<semaphore_mem>>) src(%dma_wait3A_72 : memref<128x128xf32, #tpu.memory_space<vmem_shared>>) dst(%arg10 : memref<128x128xf32, #tpu.memory_space<vmem>>)
      tpu.yield
    }) : () -> ()
    %mul3A_31 = arith.constant 640 : i32
    %mul3A_32 = arith.muli %arg1, %mul3A_31 : i32
    %add3A_33 = arith.constant 0 : i32
    %add3A_34 = arith.addi %mul3A_32, %add3A_33 : i32
    "tpu.region"() ({
      %run_scoped3A = tpu.sem_alloc : memref<!tpu.dma_semaphore, #tpu.memory_space<semaphore_mem>>
      %dma_start3A = arith.constant 0 : i32
      %dma_start3A_67 = tpu.memref_slice %arg6[%arg0, %add3A_34, %dma_start3A] : memref<2x10240x128xf32, #tpu.memory_space<hbm>> -> memref<1x128x128xf32, #tpu.memory_space<hbm>>
      %dma_start3A_68 = tpu.memref_squeeze %dma_start3A_67 : memref<1x128x128xf32, #tpu.memory_space<hbm>> -> memref<128x128xf32, #tpu.memory_space<hbm>>
      %dma_start3A_69 = arith.constant 0 : i32
      %dma_start3A_70 = tpu.memref_slice %arg6[%arg0, %add3A_34, %dma_start3A_69] : memref<2x10240x128xf32, #tpu.memory_space<hbm>> -> memref<1x128x128xf32, #tpu.memory_space<hbm>>
      %dma_start3A_71 = tpu.memref_squeeze %dma_start3A_70 : memref<1x128x128xf32, #tpu.memory_space<hbm>> -> memref<128x128xf32, #tpu.memory_space<hbm>>
      tpu.enqueue_dma source(%arg10 : memref<128x128xf32, #tpu.memory_space<vmem>>) target(%dma_start3A_71 : memref<128x128xf32, #tpu.memory_space<hbm>>) target_semaphore(%run_scoped3A : memref<!tpu.dma_semaphore, #tpu.memory_space<semaphore_mem>>)
      %dma_wait3A = arith.constant 0 : i32
      %dma_wait3A_72 = tpu.memref_slice %arg6[%arg0, %add3A_34, %dma_wait3A] : memref<2x10240x128xf32, #tpu.memory_space<hbm>> -> memref<1x128x128xf32, #tpu.memory_space<hbm>>
      %dma_wait3A_73 = tpu.memref_squeeze %dma_wait3A_72 : memref<1x128x128xf32, #tpu.memory_space<hbm>> -> memref<128x128xf32, #tpu.memory_space<hbm>>
      %dma_wait3A_74 = arith.constant 0 : i32
      %dma_wait3A_75 = tpu.memref_slice %arg6[%arg0, %add3A_34, %dma_wait3A_74] : memref<2x10240x128xf32, #tpu.memory_space<hbm>> -> memref<1x128x128xf32, #tpu.memory_space<hbm>>
      %dma_wait3A_76 = tpu.memref_squeeze %dma_wait3A_75 : memref<1x128x128xf32, #tpu.memory_space<hbm>> -> memref<128x128xf32, #tpu.memory_space<hbm>>
      tpu.wait_dma2 semaphore(%run_scoped3A : memref<!tpu.dma_semaphore, #tpu.memory_space<semaphore_mem>>) src(%arg10 : memref<128x128xf32, #tpu.memory_space<vmem>>) dst(%dma_wait3A_76 : memref<128x128xf32, #tpu.memory_space<hbm>>)
      tpu.yield
    }) : () -> ()
    %mul3A_35 = arith.constant 640 : i32
    %mul3A_36 = arith.muli %arg1, %mul3A_35 : i32
    %add3A_37 = arith.constant 128 : i32
    %add3A_38 = arith.addi %mul3A_36, %add3A_37 : i32
    "tpu.region"() ({
      %run_scoped3A = tpu.sem_alloc : memref<!tpu.dma_semaphore, #tpu.memory_space<semaphore_mem>>
      %dma_start3A = arith.constant 0 : i32
      %dma_start3A_67 = tpu.memref_slice %arg11[%add3A_38, %dma_start3A] : memref<10240x128xf32, #tpu.memory_space<vmem_shared>> -> memref<128x128xf32, #tpu.memory_space<vmem_shared>>
      %dma_start3A_68 = arith.constant 0 : i32
      %dma_start3A_69 = tpu.memref_slice %arg11[%add3A_38, %dma_start3A_68] : memref<10240x128xf32, #tpu.memory_space<vmem_shared>> -> memref<128x128xf32, #tpu.memory_space<vmem_shared>>
      tpu.enqueue_dma source(%dma_start3A_69 : memref<128x128xf32, #tpu.memory_space<vmem_shared>>) target(%arg10 : memref<128x128xf32, #tpu.memory_space<vmem>>) target_semaphore(%run_scoped3A : memref<!tpu.dma_semaphore, #tpu.memory_space<semaphore_mem>>)
      %dma_wait3A = arith.constant 0 : i32
      %dma_wait3A_70 = tpu.memref_slice %arg11[%add3A_38, %dma_wait3A] : memref<10240x128xf32, #tpu.memory_space<vmem_shared>> -> memref<128x128xf32, #tpu.memory_space<vmem_shared>>
      %dma_wait3A_71 = arith.constant 0 : i32
      %dma_wait3A_72 = tpu.memref_slice %arg11[%add3A_38, %dma_wait3A_71] : memref<10240x128xf32, #tpu.memory_space<vmem_shared>> -> memref<128x128xf32, #tpu.memory_space<vmem_shared>>
      tpu.wait_dma2 semaphore(%run_scoped3A : memref<!tpu.dma_semaphore, #tpu.memory_space<semaphore_mem>>) src(%dma_wait3A_72 : memref<128x128xf32, #tpu.memory_space<vmem_shared>>) dst(%arg10 : memref<128x128xf32, #tpu.memory_space<vmem>>)
      tpu.yield
    }) : () -> ()
    %mul3A_39 = arith.constant 640 : i32
    %mul3A_40 = arith.muli %arg1, %mul3A_39 : i32
    %add3A_41 = arith.constant 128 : i32
    %add3A_42 = arith.addi %mul3A_40, %add3A_41 : i32
    "tpu.region"() ({
      %run_scoped3A = tpu.sem_alloc : memref<!tpu.dma_semaphore, #tpu.memory_space<semaphore_mem>>
      %dma_start3A = arith.constant 0 : i32
      %dma_start3A_67 = tpu.memref_slice %arg6[%arg0, %add3A_42, %dma_start3A] : memref<2x10240x128xf32, #tpu.memory_space<hbm>> -> memref<1x128x128xf32, #tpu.memory_space<hbm>>
      %dma_start3A_68 = tpu.memref_squeeze %dma_start3A_67 : memref<1x128x128xf32, #tpu.memory_space<hbm>> -> memref<128x128xf32, #tpu.memory_space<hbm>>
      %dma_start3A_69 = arith.constant 0 : i32
      %dma_start3A_70 = tpu.memref_slice %arg6[%arg0, %add3A_42, %dma_start3A_69] : memref<2x10240x128xf32, #tpu.memory_space<hbm>> -> memref<1x128x128xf32, #tpu.memory_space<hbm>>
      %dma_start3A_71 = tpu.memref_squeeze %dma_start3A_70 : memref<1x128x128xf32, #tpu.memory_space<hbm>> -> memref<128x128xf32, #tpu.memory_space<hbm>>
      tpu.enqueue_dma source(%arg10 : memref<128x128xf32, #tpu.memory_space<vmem>>) target(%dma_start3A_71 : memref<128x128xf32, #tpu.memory_space<hbm>>) target_semaphore(%run_scoped3A : memref<!tpu.dma_semaphore, #tpu.memory_space<semaphore_mem>>)
      %dma_wait3A = arith.constant 0 : i32
      %dma_wait3A_72 = tpu.memref_slice %arg6[%arg0, %add3A_42, %dma_wait3A] : memref<2x10240x128xf32, #tpu.memory_space<hbm>> -> memref<1x128x128xf32, #tpu.memory_space<hbm>>
      %dma_wait3A_73 = tpu.memref_squeeze %dma_wait3A_72 : memref<1x128x128xf32, #tpu.memory_space<hbm>> -> memref<128x128xf32, #tpu.memory_space<hbm>>
      %dma_wait3A_74 = arith.constant 0 : i32
      %dma_wait3A_75 = tpu.memref_slice %arg6[%arg0, %add3A_42, %dma_wait3A_74] : memref<2x10240x128xf32, #tpu.memory_space<hbm>> -> memref<1x128x128xf32, #tpu.memory_space<hbm>>
      %dma_wait3A_76 = tpu.memref_squeeze %dma_wait3A_75 : memref<1x128x128xf32, #tpu.memory_space<hbm>> -> memref<128x128xf32, #tpu.memory_space<hbm>>
      tpu.wait_dma2 semaphore(%run_scoped3A : memref<!tpu.dma_semaphore, #tpu.memory_space<semaphore_mem>>) src(%arg10 : memref<128x128xf32, #tpu.memory_space<vmem>>) dst(%dma_wait3A_76 : memref<128x128xf32, #tpu.memory_space<hbm>>)
      tpu.yield
    }) : () -> ()
    %mul3A_43 = arith.constant 640 : i32
    %mul3A_44 = arith.muli %arg1, %mul3A_43 : i32
    %add3A_45 = arith.constant 256 : i32
    %add3A_46 = arith.addi %mul3A_44, %add3A_45 : i32
    "tpu.region"() ({
      %run_scoped3A = tpu.sem_alloc : memref<!tpu.dma_semaphore, #tpu.memory_space<semaphore_mem>>
      %dma_start3A = arith.constant 0 : i32
      %dma_start3A_67 = tpu.memref_slice %arg11[%add3A_46, %dma_start3A] : memref<10240x128xf32, #tpu.memory_space<vmem_shared>> -> memref<128x128xf32, #tpu.memory_space<vmem_shared>>
      %dma_start3A_68 = arith.constant 0 : i32
      %dma_start3A_69 = tpu.memref_slice %arg11[%add3A_46, %dma_start3A_68] : memref<10240x128xf32, #tpu.memory_space<vmem_shared>> -> memref<128x128xf32, #tpu.memory_space<vmem_shared>>
      tpu.enqueue_dma source(%dma_start3A_69 : memref<128x128xf32, #tpu.memory_space<vmem_shared>>) target(%arg10 : memref<128x128xf32, #tpu.memory_space<vmem>>) target_semaphore(%run_scoped3A : memref<!tpu.dma_semaphore, #tpu.memory_space<semaphore_mem>>)
      %dma_wait3A = arith.constant 0 : i32
      %dma_wait3A_70 = tpu.memref_slice %arg11[%add3A_46, %dma_wait3A] : memref<10240x128xf32, #tpu.memory_space<vmem_shared>> -> memref<128x128xf32, #tpu.memory_space<vmem_shared>>
      %dma_wait3A_71 = arith.constant 0 : i32
      %dma_wait3A_72 = tpu.memref_slice %arg11[%add3A_46, %dma_wait3A_71] : memref<10240x128xf32, #tpu.memory_space<vmem_shared>> -> memref<128x128xf32, #tpu.memory_space<vmem_shared>>
      tpu.wait_dma2 semaphore(%run_scoped3A : memref<!tpu.dma_semaphore, #tpu.memory_space<semaphore_mem>>) src(%dma_wait3A_72 : memref<128x128xf32, #tpu.memory_space<vmem_shared>>) dst(%arg10 : memref<128x128xf32, #tpu.memory_space<vmem>>)
      tpu.yield
    }) : () -> ()
    %mul3A_47 = arith.constant 640 : i32
    %mul3A_48 = arith.muli %arg1, %mul3A_47 : i32
    %add3A_49 = arith.constant 256 : i32
    %add3A_50 = arith.addi %mul3A_48, %add3A_49 : i32
    "tpu.region"() ({
      %run_scoped3A = tpu.sem_alloc : memref<!tpu.dma_semaphore, #tpu.memory_space<semaphore_mem>>
      %dma_start3A = arith.constant 0 : i32
      %dma_start3A_67 = tpu.memref_slice %arg6[%arg0, %add3A_50, %dma_start3A] : memref<2x10240x128xf32, #tpu.memory_space<hbm>> -> memref<1x128x128xf32, #tpu.memory_space<hbm>>
      %dma_start3A_68 = tpu.memref_squeeze %dma_start3A_67 : memref<1x128x128xf32, #tpu.memory_space<hbm>> -> memref<128x128xf32, #tpu.memory_space<hbm>>
      %dma_start3A_69 = arith.constant 0 : i32
      %dma_start3A_70 = tpu.memref_slice %arg6[%arg0, %add3A_50, %dma_start3A_69] : memref<2x10240x128xf32, #tpu.memory_space<hbm>> -> memref<1x128x128xf32, #tpu.memory_space<hbm>>
      %dma_start3A_71 = tpu.memref_squeeze %dma_start3A_70 : memref<1x128x128xf32, #tpu.memory_space<hbm>> -> memref<128x128xf32, #tpu.memory_space<hbm>>
      tpu.enqueue_dma source(%arg10 : memref<128x128xf32, #tpu.memory_space<vmem>>) target(%dma_start3A_71 : memref<128x128xf32, #tpu.memory_space<hbm>>) target_semaphore(%run_scoped3A : memref<!tpu.dma_semaphore, #tpu.memory_space<semaphore_mem>>)
      %dma_wait3A = arith.constant 0 : i32
      %dma_wait3A_72 = tpu.memref_slice %arg6[%arg0, %add3A_50, %dma_wait3A] : memref<2x10240x128xf32, #tpu.memory_space<hbm>> -> memref<1x128x128xf32, #tpu.memory_space<hbm>>
      %dma_wait3A_73 = tpu.memref_squeeze %dma_wait3A_72 : memref<1x128x128xf32, #tpu.memory_space<hbm>> -> memref<128x128xf32, #tpu.memory_space<hbm>>
      %dma_wait3A_74 = arith.constant 0 : i32
      %dma_wait3A_75 = tpu.memref_slice %arg6[%arg0, %add3A_50, %dma_wait3A_74] : memref<2x10240x128xf32, #tpu.memory_space<hbm>> -> memref<1x128x128xf32, #tpu.memory_space<hbm>>
      %dma_wait3A_76 = tpu.memref_squeeze %dma_wait3A_75 : memref<1x128x128xf32, #tpu.memory_space<hbm>> -> memref<128x128xf32, #tpu.memory_space<hbm>>
      tpu.wait_dma2 semaphore(%run_scoped3A : memref<!tpu.dma_semaphore, #tpu.memory_space<semaphore_mem>>) src(%arg10 : memref<128x128xf32, #tpu.memory_space<vmem>>) dst(%dma_wait3A_76 : memref<128x128xf32, #tpu.memory_space<hbm>>)
      tpu.yield
    }) : () -> ()
    %mul3A_51 = arith.constant 640 : i32
    %mul3A_52 = arith.muli %arg1, %mul3A_51 : i32
    %add3A_53 = arith.constant 384 : i32
    %add3A_54 = arith.addi %mul3A_52, %add3A_53 : i32
    "tpu.region"() ({
      %run_scoped3A = tpu.sem_alloc : memref<!tpu.dma_semaphore, #tpu.memory_space<semaphore_mem>>
      %dma_start3A = arith.constant 0 : i32
      %dma_start3A_67 = tpu.memref_slice %arg11[%add3A_54, %dma_start3A] : memref<10240x128xf32, #tpu.memory_space<vmem_shared>> -> memref<128x128xf32, #tpu.memory_space<vmem_shared>>
      %dma_start3A_68 = arith.constant 0 : i32
      %dma_start3A_69 = tpu.memref_slice %arg11[%add3A_54, %dma_start3A_68] : memref<10240x128xf32, #tpu.memory_space<vmem_shared>> -> memref<128x128xf32, #tpu.memory_space<vmem_shared>>
      tpu.enqueue_dma source(%dma_start3A_69 : memref<128x128xf32, #tpu.memory_space<vmem_shared>>) target(%arg10 : memref<128x128xf32, #tpu.memory_space<vmem>>) target_semaphore(%run_scoped3A : memref<!tpu.dma_semaphore, #tpu.memory_space<semaphore_mem>>)
      %dma_wait3A = arith.constant 0 : i32
      %dma_wait3A_70 = tpu.memref_slice %arg11[%add3A_54, %dma_wait3A] : memref<10240x128xf32, #tpu.memory_space<vmem_shared>> -> memref<128x128xf32, #tpu.memory_space<vmem_shared>>
      %dma_wait3A_71 = arith.constant 0 : i32
      %dma_wait3A_72 = tpu.memref_slice %arg11[%add3A_54, %dma_wait3A_71] : memref<10240x128xf32, #tpu.memory_space<vmem_shared>> -> memref<128x128xf32, #tpu.memory_space<vmem_shared>>
      tpu.wait_dma2 semaphore(%run_scoped3A : memref<!tpu.dma_semaphore, #tpu.memory_space<semaphore_mem>>) src(%dma_wait3A_72 : memref<128x128xf32, #tpu.memory_space<vmem_shared>>) dst(%arg10 : memref<128x128xf32, #tpu.memory_space<vmem>>)
      tpu.yield
    }) : () -> ()
    %mul3A_55 = arith.constant 640 : i32
    %mul3A_56 = arith.muli %arg1, %mul3A_55 : i32
    %add3A_57 = arith.constant 384 : i32
    %add3A_58 = arith.addi %mul3A_56, %add3A_57 : i32
    "tpu.region"() ({
      %run_scoped3A = tpu.sem_alloc : memref<!tpu.dma_semaphore, #tpu.memory_space<semaphore_mem>>
      %dma_start3A = arith.constant 0 : i32
      %dma_start3A_67 = tpu.memref_slice %arg6[%arg0, %add3A_58, %dma_start3A] : memref<2x10240x128xf32, #tpu.memory_space<hbm>> -> memref<1x128x128xf32, #tpu.memory_space<hbm>>
      %dma_start3A_68 = tpu.memref_squeeze %dma_start3A_67 : memref<1x128x128xf32, #tpu.memory_space<hbm>> -> memref<128x128xf32, #tpu.memory_space<hbm>>
      %dma_start3A_69 = arith.constant 0 : i32
      %dma_start3A_70 = tpu.memref_slice %arg6[%arg0, %add3A_58, %dma_start3A_69] : memref<2x10240x128xf32, #tpu.memory_space<hbm>> -> memref<1x128x128xf32, #tpu.memory_space<hbm>>
      %dma_start3A_71 = tpu.memref_squeeze %dma_start3A_70 : memref<1x128x128xf32, #tpu.memory_space<hbm>> -> memref<128x128xf32, #tpu.memory_space<hbm>>
      tpu.enqueue_dma source(%arg10 : memref<128x128xf32, #tpu.memory_space<vmem>>) target(%dma_start3A_71 : memref<128x128xf32, #tpu.memory_space<hbm>>) target_semaphore(%run_scoped3A : memref<!tpu.dma_semaphore, #tpu.memory_space<semaphore_mem>>)
      %dma_wait3A = arith.constant 0 : i32
      %dma_wait3A_72 = tpu.memref_slice %arg6[%arg0, %add3A_58, %dma_wait3A] : memref<2x10240x128xf32, #tpu.memory_space<hbm>> -> memref<1x128x128xf32, #tpu.memory_space<hbm>>
      %dma_wait3A_73 = tpu.memref_squeeze %dma_wait3A_72 : memref<1x128x128xf32, #tpu.memory_space<hbm>> -> memref<128x128xf32, #tpu.memory_space<hbm>>
      %dma_wait3A_74 = arith.constant 0 : i32
      %dma_wait3A_75 = tpu.memref_slice %arg6[%arg0, %add3A_58, %dma_wait3A_74] : memref<2x10240x128xf32, #tpu.memory_space<hbm>> -> memref<1x128x128xf32, #tpu.memory_space<hbm>>
      %dma_wait3A_76 = tpu.memref_squeeze %dma_wait3A_75 : memref<1x128x128xf32, #tpu.memory_space<hbm>> -> memref<128x128xf32, #tpu.memory_space<hbm>>
      tpu.wait_dma2 semaphore(%run_scoped3A : memref<!tpu.dma_semaphore, #tpu.memory_space<semaphore_mem>>) src(%arg10 : memref<128x128xf32, #tpu.memory_space<vmem>>) dst(%dma_wait3A_76 : memref<128x128xf32, #tpu.memory_space<hbm>>)
      tpu.yield
    }) : () -> ()
    %mul3A_59 = arith.constant 640 : i32
    %mul3A_60 = arith.muli %arg1, %mul3A_59 : i32
    %add3A_61 = arith.constant 512 : i32
    %add3A_62 = arith.addi %mul3A_60, %add3A_61 : i32
    "tpu.region"() ({
      %run_scoped3A = tpu.sem_alloc : memref<!tpu.dma_semaphore, #tpu.memory_space<semaphore_mem>>
      %dma_start3A = arith.constant 0 : i32
      %dma_start3A_67 = tpu.memref_slice %arg11[%add3A_62, %dma_start3A] : memref<10240x128xf32, #tpu.memory_space<vmem_shared>> -> memref<128x128xf32, #tpu.memory_space<vmem_shared>>
      %dma_start3A_68 = arith.constant 0 : i32
      %dma_start3A_69 = tpu.memref_slice %arg11[%add3A_62, %dma_start3A_68] : memref<10240x128xf32, #tpu.memory_space<vmem_shared>> -> memref<128x128xf32, #tpu.memory_space<vmem_shared>>
      tpu.enqueue_dma source(%dma_start3A_69 : memref<128x128xf32, #tpu.memory_space<vmem_shared>>) target(%arg10 : memref<128x128xf32, #tpu.memory_space<vmem>>) target_semaphore(%run_scoped3A : memref<!tpu.dma_semaphore, #tpu.memory_space<semaphore_mem>>)
      %dma_wait3A = arith.constant 0 : i32
      %dma_wait3A_70 = tpu.memref_slice %arg11[%add3A_62, %dma_wait3A] : memref<10240x128xf32, #tpu.memory_space<vmem_shared>> -> memref<128x128xf32, #tpu.memory_space<vmem_shared>>
      %dma_wait3A_71 = arith.constant 0 : i32
      %dma_wait3A_72 = tpu.memref_slice %arg11[%add3A_62, %dma_wait3A_71] : memref<10240x128xf32, #tpu.memory_space<vmem_shared>> -> memref<128x128xf32, #tpu.memory_space<vmem_shared>>
      tpu.wait_dma2 semaphore(%run_scoped3A : memref<!tpu.dma_semaphore, #tpu.memory_space<semaphore_mem>>) src(%dma_wait3A_72 : memref<128x128xf32, #tpu.memory_space<vmem_shared>>) dst(%arg10 : memref<128x128xf32, #tpu.memory_space<vmem>>)
      tpu.yield
    }) : () -> ()
    %mul3A_63 = arith.constant 640 : i32
    %mul3A_64 = arith.muli %arg1, %mul3A_63 : i32
    %add3A_65 = arith.constant 512 : i32
    %add3A_66 = arith.addi %mul3A_64, %add3A_65 : i32
    "tpu.region"() ({
      %run_scoped3A = tpu.sem_alloc : memref<!tpu.dma_semaphore, #tpu.memory_space<semaphore_mem>>
      %dma_start3A = arith.constant 0 : i32
      %dma_start3A_67 = tpu.memref_slice %arg6[%arg0, %add3A_66, %dma_start3A] : memref<2x10240x128xf32, #tpu.memory_space<hbm>> -> memref<1x128x128xf32, #tpu.memory_space<hbm>>
      %dma_start3A_68 = tpu.memref_squeeze %dma_start3A_67 : memref<1x128x128xf32, #tpu.memory_space<hbm>> -> memref<128x128xf32, #tpu.memory_space<hbm>>
      %dma_start3A_69 = arith.constant 0 : i32
      %dma_start3A_70 = tpu.memref_slice %arg6[%arg0, %add3A_66, %dma_start3A_69] : memref<2x10240x128xf32, #tpu.memory_space<hbm>> -> memref<1x128x128xf32, #tpu.memory_space<hbm>>
      %dma_start3A_71 = tpu.memref_squeeze %dma_start3A_70 : memref<1x128x128xf32, #tpu.memory_space<hbm>> -> memref<128x128xf32, #tpu.memory_space<hbm>>
      tpu.enqueue_dma source(%arg10 : memref<128x128xf32, #tpu.memory_space<vmem>>) target(%dma_start3A_71 : memref<128x128xf32, #tpu.memory_space<hbm>>) target_semaphore(%run_scoped3A : memref<!tpu.dma_semaphore, #tpu.memory_space<semaphore_mem>>)
      %dma_wait3A = arith.constant 0 : i32
      %dma_wait3A_72 = tpu.memref_slice %arg6[%arg0, %add3A_66, %dma_wait3A] : memref<2x10240x128xf32, #tpu.memory_space<hbm>> -> memref<1x128x128xf32, #tpu.memory_space<hbm>>
      %dma_wait3A_73 = tpu.memref_squeeze %dma_wait3A_72 : memref<1x128x128xf32, #tpu.memory_space<hbm>> -> memref<128x128xf32, #tpu.memory_space<hbm>>
      %dma_wait3A_74 = arith.constant 0 : i32
      %dma_wait3A_75 = tpu.memref_slice %arg6[%arg0, %add3A_66, %dma_wait3A_74] : memref<2x10240x128xf32, #tpu.memory_space<hbm>> -> memref<1x128x128xf32, #tpu.memory_space<hbm>>
      %dma_wait3A_76 = tpu.memref_squeeze %dma_wait3A_75 : memref<1x128x128xf32, #tpu.memory_space<hbm>> -> memref<128x128xf32, #tpu.memory_space<hbm>>
      tpu.wait_dma2 semaphore(%run_scoped3A : memref<!tpu.dma_semaphore, #tpu.memory_space<semaphore_mem>>) src(%arg10 : memref<128x128xf32, #tpu.memory_space<vmem>>) dst(%dma_wait3A_76 : memref<128x128xf32, #tpu.memory_space<hbm>>)
      tpu.yield
    }) : () -> ()
    return
  }
}

#map = affine_map<(d0, d1) -> (0, 0)>
#map1 = affine_map<(d0, d1) -> (0)>
#map2 = affine_map<(d0, d1) -> (0, 0, 0)>
module attributes {stable_mosaic.version = 14 : i64} {
  func.func @_agg_body(%arg0: i32, %arg1: i32, %arg2: memref<10240x128xf32, #tpu.memory_space<hbm>>, %arg3: memref<320000xi32, #tpu.memory_space<hbm>>, %arg4: memref<320000xi32, #tpu.memory_space<hbm>>, %arg5: memref<128x128xf32, #tpu.memory_space<hbm>>, %arg6: memref<2x10240x128xf32, #tpu.memory_space<hbm>>, %arg7: memref<80xi32, #tpu.memory_space<vmem>>, %arg8: memref<80xi32, #tpu.memory_space<vmem>>, %arg9: memref<80x128xf32, #tpu.memory_space<vmem>>, %arg10: memref<128x128xf32, #tpu.memory_space<vmem>>, %arg11: memref<10240x128xf32, #tpu.memory_space<vmem_shared>>, %arg12: memref<!tpu.dma_semaphore, #tpu.memory_space<semaphore_mem>>) attributes {dimension_semantics = [#tpu.dimension_semantics<core_parallel>, #tpu.dimension_semantics<subcore_parallel>], iteration_bounds = array<i64: 2, 16>, scalar_prefetch = 0 : i64, scratch_operands = 6 : i64, tpu.core_type = #tpu.core_type<sc_vector_subcore>, window_params = [{transform_indices = #map}, {transform_indices = #map1}, {transform_indices = #map1}, {transform_indices = #map}, {transform_indices = #map2}]} {
    %mul3A = arith.constant 16 : i32
    %mul3A_0 = arith.muli %arg0, %mul3A : i32
    %add3A = arith.addi %mul3A_0, %arg1 : i32
    "tpu.region"() ({
      %run_scoped3A = tpu.sem_alloc : memref<!tpu.dma_semaphore, #tpu.memory_space<semaphore_mem>>
      tpu.enqueue_dma source(%arg5 : memref<128x128xf32, #tpu.memory_space<hbm>>) target(%arg10 : memref<128x128xf32, #tpu.memory_space<vmem>>) target_semaphore(%run_scoped3A : memref<!tpu.dma_semaphore, #tpu.memory_space<semaphore_mem>>)
      tpu.wait_dma2 semaphore(%run_scoped3A : memref<!tpu.dma_semaphore, #tpu.memory_space<semaphore_mem>>) src(%arg5 : memref<128x128xf32, #tpu.memory_space<hbm>>) dst(%arg10 : memref<128x128xf32, #tpu.memory_space<vmem>>)
      tpu.yield
    }) : () -> ()
    %mul3A_1 = arith.constant 640 : i32
    %mul3A_2 = arith.muli %arg1, %mul3A_1 : i32
    %add3A_3 = arith.constant 0 : i32
    %add3A_4 = arith.addi %mul3A_2, %add3A_3 : i32
    "tpu.region"() ({
      %run_scoped3A = tpu.sem_alloc : memref<!tpu.dma_semaphore, #tpu.memory_space<semaphore_mem>>
      %dma_start3A = arith.constant 0 : i32
      %dma_start3A_67 = tpu.memref_slice %arg11[%add3A_4, %dma_start3A] : memref<10240x128xf32, #tpu.memory_space<vmem_shared>> -> memref<128x128xf32, #tpu.memory_space<vmem_shared>>
      %dma_start3A_68 = arith.constant 0 : i32
      %dma_start3A_69 = tpu.memref_slice %arg11[%add3A_4, %dma_start3A_68] : memref<10240x128xf32, #tpu.memory_space<vmem_shared>> -> memref<128x128xf32, #tpu.memory_space<vmem_shared>>
      tpu.enqueue_dma source(%arg10 : memref<128x128xf32, #tpu.memory_space<vmem>>) target(%dma_start3A_69 : memref<128x128xf32, #tpu.memory_space<vmem_shared>>) target_semaphore(%run_scoped3A : memref<!tpu.dma_semaphore, #tpu.memory_space<semaphore_mem>>)
      %dma_wait3A = arith.constant 0 : i32
      %dma_wait3A_70 = tpu.memref_slice %arg11[%add3A_4, %dma_wait3A] : memref<10240x128xf32, #tpu.memory_space<vmem_shared>> -> memref<128x128xf32, #tpu.memory_space<vmem_shared>>
      %dma_wait3A_71 = arith.constant 0 : i32
      %dma_wait3A_72 = tpu.memref_slice %arg11[%add3A_4, %dma_wait3A_71] : memref<10240x128xf32, #tpu.memory_space<vmem_shared>> -> memref<128x128xf32, #tpu.memory_space<vmem_shared>>
      tpu.wait_dma2 semaphore(%run_scoped3A : memref<!tpu.dma_semaphore, #tpu.memory_space<semaphore_mem>>) src(%arg10 : memref<128x128xf32, #tpu.memory_space<vmem>>) dst(%dma_wait3A_72 : memref<128x128xf32, #tpu.memory_space<vmem_shared>>)
      tpu.yield
    }) : () -> ()
    %mul3A_5 = arith.constant 640 : i32
    %mul3A_6 = arith.muli %arg1, %mul3A_5 : i32
    %add3A_7 = arith.constant 128 : i32
    %add3A_8 = arith.addi %mul3A_6, %add3A_7 : i32
    "tpu.region"() ({
      %run_scoped3A = tpu.sem_alloc : memref<!tpu.dma_semaphore, #tpu.memory_space<semaphore_mem>>
      %dma_start3A = arith.constant 0 : i32
      %dma_start3A_67 = tpu.memref_slice %arg11[%add3A_8, %dma_start3A] : memref<10240x128xf32, #tpu.memory_space<vmem_shared>> -> memref<128x128xf32, #tpu.memory_space<vmem_shared>>
      %dma_start3A_68 = arith.constant 0 : i32
      %dma_start3A_69 = tpu.memref_slice %arg11[%add3A_8, %dma_start3A_68] : memref<10240x128xf32, #tpu.memory_space<vmem_shared>> -> memref<128x128xf32, #tpu.memory_space<vmem_shared>>
      tpu.enqueue_dma source(%arg10 : memref<128x128xf32, #tpu.memory_space<vmem>>) target(%dma_start3A_69 : memref<128x128xf32, #tpu.memory_space<vmem_shared>>) target_semaphore(%run_scoped3A : memref<!tpu.dma_semaphore, #tpu.memory_space<semaphore_mem>>)
      %dma_wait3A = arith.constant 0 : i32
      %dma_wait3A_70 = tpu.memref_slice %arg11[%add3A_8, %dma_wait3A] : memref<10240x128xf32, #tpu.memory_space<vmem_shared>> -> memref<128x128xf32, #tpu.memory_space<vmem_shared>>
      %dma_wait3A_71 = arith.constant 0 : i32
      %dma_wait3A_72 = tpu.memref_slice %arg11[%add3A_8, %dma_wait3A_71] : memref<10240x128xf32, #tpu.memory_space<vmem_shared>> -> memref<128x128xf32, #tpu.memory_space<vmem_shared>>
      tpu.wait_dma2 semaphore(%run_scoped3A : memref<!tpu.dma_semaphore, #tpu.memory_space<semaphore_mem>>) src(%arg10 : memref<128x128xf32, #tpu.memory_space<vmem>>) dst(%dma_wait3A_72 : memref<128x128xf32, #tpu.memory_space<vmem_shared>>)
      tpu.yield
    }) : () -> ()
    %mul3A_9 = arith.constant 640 : i32
    %mul3A_10 = arith.muli %arg1, %mul3A_9 : i32
    %add3A_11 = arith.constant 256 : i32
    %add3A_12 = arith.addi %mul3A_10, %add3A_11 : i32
    "tpu.region"() ({
      %run_scoped3A = tpu.sem_alloc : memref<!tpu.dma_semaphore, #tpu.memory_space<semaphore_mem>>
      %dma_start3A = arith.constant 0 : i32
      %dma_start3A_67 = tpu.memref_slice %arg11[%add3A_12, %dma_start3A] : memref<10240x128xf32, #tpu.memory_space<vmem_shared>> -> memref<128x128xf32, #tpu.memory_space<vmem_shared>>
      %dma_start3A_68 = arith.constant 0 : i32
      %dma_start3A_69 = tpu.memref_slice %arg11[%add3A_12, %dma_start3A_68] : memref<10240x128xf32, #tpu.memory_space<vmem_shared>> -> memref<128x128xf32, #tpu.memory_space<vmem_shared>>
      tpu.enqueue_dma source(%arg10 : memref<128x128xf32, #tpu.memory_space<vmem>>) target(%dma_start3A_69 : memref<128x128xf32, #tpu.memory_space<vmem_shared>>) target_semaphore(%run_scoped3A : memref<!tpu.dma_semaphore, #tpu.memory_space<semaphore_mem>>)
      %dma_wait3A = arith.constant 0 : i32
      %dma_wait3A_70 = tpu.memref_slice %arg11[%add3A_12, %dma_wait3A] : memref<10240x128xf32, #tpu.memory_space<vmem_shared>> -> memref<128x128xf32, #tpu.memory_space<vmem_shared>>
      %dma_wait3A_71 = arith.constant 0 : i32
      %dma_wait3A_72 = tpu.memref_slice %arg11[%add3A_12, %dma_wait3A_71] : memref<10240x128xf32, #tpu.memory_space<vmem_shared>> -> memref<128x128xf32, #tpu.memory_space<vmem_shared>>
      tpu.wait_dma2 semaphore(%run_scoped3A : memref<!tpu.dma_semaphore, #tpu.memory_space<semaphore_mem>>) src(%arg10 : memref<128x128xf32, #tpu.memory_space<vmem>>) dst(%dma_wait3A_72 : memref<128x128xf32, #tpu.memory_space<vmem_shared>>)
      tpu.yield
    }) : () -> ()
    %mul3A_13 = arith.constant 640 : i32
    %mul3A_14 = arith.muli %arg1, %mul3A_13 : i32
    %add3A_15 = arith.constant 384 : i32
    %add3A_16 = arith.addi %mul3A_14, %add3A_15 : i32
    "tpu.region"() ({
      %run_scoped3A = tpu.sem_alloc : memref<!tpu.dma_semaphore, #tpu.memory_space<semaphore_mem>>
      %dma_start3A = arith.constant 0 : i32
      %dma_start3A_67 = tpu.memref_slice %arg11[%add3A_16, %dma_start3A] : memref<10240x128xf32, #tpu.memory_space<vmem_shared>> -> memref<128x128xf32, #tpu.memory_space<vmem_shared>>
      %dma_start3A_68 = arith.constant 0 : i32
      %dma_start3A_69 = tpu.memref_slice %arg11[%add3A_16, %dma_start3A_68] : memref<10240x128xf32, #tpu.memory_space<vmem_shared>> -> memref<128x128xf32, #tpu.memory_space<vmem_shared>>
      tpu.enqueue_dma source(%arg10 : memref<128x128xf32, #tpu.memory_space<vmem>>) target(%dma_start3A_69 : memref<128x128xf32, #tpu.memory_space<vmem_shared>>) target_semaphore(%run_scoped3A : memref<!tpu.dma_semaphore, #tpu.memory_space<semaphore_mem>>)
      %dma_wait3A = arith.constant 0 : i32
      %dma_wait3A_70 = tpu.memref_slice %arg11[%add3A_16, %dma_wait3A] : memref<10240x128xf32, #tpu.memory_space<vmem_shared>> -> memref<128x128xf32, #tpu.memory_space<vmem_shared>>
      %dma_wait3A_71 = arith.constant 0 : i32
      %dma_wait3A_72 = tpu.memref_slice %arg11[%add3A_16, %dma_wait3A_71] : memref<10240x128xf32, #tpu.memory_space<vmem_shared>> -> memref<128x128xf32, #tpu.memory_space<vmem_shared>>
      tpu.wait_dma2 semaphore(%run_scoped3A : memref<!tpu.dma_semaphore, #tpu.memory_space<semaphore_mem>>) src(%arg10 : memref<128x128xf32, #tpu.memory_space<vmem>>) dst(%dma_wait3A_72 : memref<128x128xf32, #tpu.memory_space<vmem_shared>>)
      tpu.yield
    }) : () -> ()
    %mul3A_17 = arith.constant 640 : i32
    %mul3A_18 = arith.muli %arg1, %mul3A_17 : i32
    %add3A_19 = arith.constant 512 : i32
    %add3A_20 = arith.addi %mul3A_18, %add3A_19 : i32
    "tpu.region"() ({
      %run_scoped3A = tpu.sem_alloc : memref<!tpu.dma_semaphore, #tpu.memory_space<semaphore_mem>>
      %dma_start3A = arith.constant 0 : i32
      %dma_start3A_67 = tpu.memref_slice %arg11[%add3A_20, %dma_start3A] : memref<10240x128xf32, #tpu.memory_space<vmem_shared>> -> memref<128x128xf32, #tpu.memory_space<vmem_shared>>
      %dma_start3A_68 = arith.constant 0 : i32
      %dma_start3A_69 = tpu.memref_slice %arg11[%add3A_20, %dma_start3A_68] : memref<10240x128xf32, #tpu.memory_space<vmem_shared>> -> memref<128x128xf32, #tpu.memory_space<vmem_shared>>
      tpu.enqueue_dma source(%arg10 : memref<128x128xf32, #tpu.memory_space<vmem>>) target(%dma_start3A_69 : memref<128x128xf32, #tpu.memory_space<vmem_shared>>) target_semaphore(%run_scoped3A : memref<!tpu.dma_semaphore, #tpu.memory_space<semaphore_mem>>)
      %dma_wait3A = arith.constant 0 : i32
      %dma_wait3A_70 = tpu.memref_slice %arg11[%add3A_20, %dma_wait3A] : memref<10240x128xf32, #tpu.memory_space<vmem_shared>> -> memref<128x128xf32, #tpu.memory_space<vmem_shared>>
      %dma_wait3A_71 = arith.constant 0 : i32
      %dma_wait3A_72 = tpu.memref_slice %arg11[%add3A_20, %dma_wait3A_71] : memref<10240x128xf32, #tpu.memory_space<vmem_shared>> -> memref<128x128xf32, #tpu.memory_space<vmem_shared>>
      tpu.wait_dma2 semaphore(%run_scoped3A : memref<!tpu.dma_semaphore, #tpu.memory_space<semaphore_mem>>) src(%arg10 : memref<128x128xf32, #tpu.memory_space<vmem>>) dst(%dma_wait3A_72 : memref<128x128xf32, #tpu.memory_space<vmem_shared>>)
      tpu.yield
    }) : () -> ()
    %barrier3A = arith.constant 0 : index
    tpu.barrier barrier_id(%barrier3A)
    %scan3A = arith.constant 0 : i32
    %scan3A_21 = arith.constant 0 : i32
    %scan3A_22 = arith.constant 125 : i32
    %scan3A_23 = arith.addi %scan3A_21, %scan3A_22 : i32
    %scan3A_24 = arith.constant 1 : i32
    scf.for %scan3A_67 = %scan3A_21 to %scan3A_23 step %scan3A_24  : i32 {
      %mul3A_68 = arith.constant 10000 : i32
      %mul3A_69 = arith.muli %add3A, %mul3A_68 : i32
      %mul3A_70 = arith.constant 80 : i32
      %mul3A_71 = arith.muli %scan3A_67, %mul3A_70 : i32
      %add3A_72 = arith.addi %mul3A_69, %mul3A_71 : i32
      "tpu.region"() ({
        %run_scoped3A = tpu.sem_alloc : memref<!tpu.dma_semaphore, #tpu.memory_space<semaphore_mem>>
        %dma_start3A_82 = tpu.memref_slice %arg3[%add3A_72] : memref<320000xi32, #tpu.memory_space<hbm>> -> memref<80xi32, #tpu.memory_space<hbm>>
        %dma_start3A_83 = tpu.memref_slice %arg3[%add3A_72] : memref<320000xi32, #tpu.memory_space<hbm>> -> memref<80xi32, #tpu.memory_space<hbm>>
        tpu.enqueue_dma source(%dma_start3A_83 : memref<80xi32, #tpu.memory_space<hbm>>) target(%arg7 : memref<80xi32, #tpu.memory_space<vmem>>) target_semaphore(%run_scoped3A : memref<!tpu.dma_semaphore, #tpu.memory_space<semaphore_mem>>)
        %dma_wait3A_84 = tpu.memref_slice %arg3[%add3A_72] : memref<320000xi32, #tpu.memory_space<hbm>> -> memref<80xi32, #tpu.memory_space<hbm>>
        %dma_wait3A_85 = tpu.memref_slice %arg3[%add3A_72] : memref<320000xi32, #tpu.memory_space<hbm>> -> memref<80xi32, #tpu.memory_space<hbm>>
        tpu.wait_dma2 semaphore(%run_scoped3A : memref<!tpu.dma_semaphore, #tpu.memory_space<semaphore_mem>>) src(%dma_wait3A_85 : memref<80xi32, #tpu.memory_space<hbm>>) dst(%arg7 : memref<80xi32, #tpu.memory_space<vmem>>)
        tpu.yield
      }) : () -> ()
      %mul3A_73 = arith.constant 10000 : i32
      %mul3A_74 = arith.muli %add3A, %mul3A_73 : i32
      %mul3A_75 = arith.constant 80 : i32
      %mul3A_76 = arith.muli %scan3A_67, %mul3A_75 : i32
      %add3A_77 = arith.addi %mul3A_74, %mul3A_76 : i32
      "tpu.region"() ({
        %run_scoped3A = tpu.sem_alloc : memref<!tpu.dma_semaphore, #tpu.memory_space<semaphore_mem>>
        %dma_start3A_82 = tpu.memref_slice %arg4[%add3A_77] : memref<320000xi32, #tpu.memory_space<hbm>> -> memref<80xi32, #tpu.memory_space<hbm>>
        %dma_start3A_83 = tpu.memref_slice %arg4[%add3A_77] : memref<320000xi32, #tpu.memory_space<hbm>> -> memref<80xi32, #tpu.memory_space<hbm>>
        tpu.enqueue_dma source(%dma_start3A_83 : memref<80xi32, #tpu.memory_space<hbm>>) target(%arg8 : memref<80xi32, #tpu.memory_space<vmem>>) target_semaphore(%run_scoped3A : memref<!tpu.dma_semaphore, #tpu.memory_space<semaphore_mem>>)
        %dma_wait3A_84 = tpu.memref_slice %arg4[%add3A_77] : memref<320000xi32, #tpu.memory_space<hbm>> -> memref<80xi32, #tpu.memory_space<hbm>>
        %dma_wait3A_85 = tpu.memref_slice %arg4[%add3A_77] : memref<320000xi32, #tpu.memory_space<hbm>> -> memref<80xi32, #tpu.memory_space<hbm>>
        tpu.wait_dma2 semaphore(%run_scoped3A : memref<!tpu.dma_semaphore, #tpu.memory_space<semaphore_mem>>) src(%dma_wait3A_85 : memref<80xi32, #tpu.memory_space<hbm>>) dst(%arg8 : memref<80xi32, #tpu.memory_space<vmem>>)
        tpu.yield
      }) : () -> ()
      %dma_start3A = arith.constant 0 : i32
      %dma_start3A_78 = arith.constant 0 : i32
      %dma_start3A_79 = tpu.memref_slice %arg2[%dma_start3A, %dma_start3A_78] : memref<10240x128xf32, #tpu.memory_space<hbm>> -> memref<10240x128xf32, #tpu.memory_space<hbm>>
      tpu.enqueue_indirect_dma source(%dma_start3A_79 : memref<10240x128xf32, #tpu.memory_space<hbm>>) target(%arg9 : memref<80x128xf32, #tpu.memory_space<vmem>>) offsets(%arg7 : memref<80xi32, #tpu.memory_space<vmem>>) semaphore(%arg12 : memref<!tpu.dma_semaphore, #tpu.memory_space<semaphore_mem>>)
      %dma_wait3A = arith.constant 0 : i32
      %dma_wait3A_80 = arith.constant 0 : i32
      %dma_wait3A_81 = tpu.memref_slice %arg2[%dma_wait3A, %dma_wait3A_80] : memref<10240x128xf32, #tpu.memory_space<hbm>> -> memref<10240x128xf32, #tpu.memory_space<hbm>>
      tpu.wait_indirect_dma semaphore(%arg12 : memref<!tpu.dma_semaphore, #tpu.memory_space<semaphore_mem>>) src(%dma_wait3A_81 : memref<10240x128xf32, #tpu.memory_space<hbm>>) dst(%arg9 : memref<80x128xf32, #tpu.memory_space<vmem>>)
      "tpu.region"() ({
        %run_scoped3A = tpu.sem_alloc : memref<!tpu.dma_semaphore, #tpu.memory_space<semaphore_mem>>
        %dma_start3A_82 = arith.constant 0 : i32
        %dma_start3A_83 = arith.constant 0 : i32
        %dma_start3A_84 = tpu.memref_slice %arg11[%dma_start3A_82, %dma_start3A_83] : memref<10240x128xf32, #tpu.memory_space<vmem_shared>> -> memref<10240x128xf32, #tpu.memory_space<vmem_shared>>
        tpu.enqueue_indirect_dma source(%arg9 : memref<80x128xf32, #tpu.memory_space<vmem>>) target(%dma_start3A_84 : memref<10240x128xf32, #tpu.memory_space<vmem_shared>>) offsets(%arg8 : memref<80xi32, #tpu.memory_space<vmem>>) semaphore(%run_scoped3A : memref<!tpu.dma_semaphore, #tpu.memory_space<semaphore_mem>>) {add = true}
        %dma_wait3A_85 = arith.constant 0 : i32
        %dma_wait3A_86 = arith.constant 0 : i32
        %dma_wait3A_87 = tpu.memref_slice %arg11[%dma_wait3A_85, %dma_wait3A_86] : memref<10240x128xf32, #tpu.memory_space<vmem_shared>> -> memref<10240x128xf32, #tpu.memory_space<vmem_shared>>
        tpu.wait_indirect_dma semaphore(%run_scoped3A : memref<!tpu.dma_semaphore, #tpu.memory_space<semaphore_mem>>) src(%arg9 : memref<80x128xf32, #tpu.memory_space<vmem>>) dst(%dma_wait3A_87 : memref<10240x128xf32, #tpu.memory_space<vmem_shared>>)
        tpu.yield
      }) : () -> ()
    }
    %scan3A_25 = arith.constant 125 : i32
    %barrier3A_26 = arith.constant 0 : index
    tpu.barrier barrier_id(%barrier3A_26)
    %mul3A_27 = arith.constant 640 : i32
    %mul3A_28 = arith.muli %arg1, %mul3A_27 : i32
    %add3A_29 = arith.constant 0 : i32
    %add3A_30 = arith.addi %mul3A_28, %add3A_29 : i32
    "tpu.region"() ({
      %run_scoped3A = tpu.sem_alloc : memref<!tpu.dma_semaphore, #tpu.memory_space<semaphore_mem>>
      %dma_start3A = arith.constant 0 : i32
      %dma_start3A_67 = tpu.memref_slice %arg11[%add3A_30, %dma_start3A] : memref<10240x128xf32, #tpu.memory_space<vmem_shared>> -> memref<128x128xf32, #tpu.memory_space<vmem_shared>>
      %dma_start3A_68 = arith.constant 0 : i32
      %dma_start3A_69 = tpu.memref_slice %arg11[%add3A_30, %dma_start3A_68] : memref<10240x128xf32, #tpu.memory_space<vmem_shared>> -> memref<128x128xf32, #tpu.memory_space<vmem_shared>>
      tpu.enqueue_dma source(%dma_start3A_69 : memref<128x128xf32, #tpu.memory_space<vmem_shared>>) target(%arg10 : memref<128x128xf32, #tpu.memory_space<vmem>>) target_semaphore(%run_scoped3A : memref<!tpu.dma_semaphore, #tpu.memory_space<semaphore_mem>>)
      %dma_wait3A = arith.constant 0 : i32
      %dma_wait3A_70 = tpu.memref_slice %arg11[%add3A_30, %dma_wait3A] : memref<10240x128xf32, #tpu.memory_space<vmem_shared>> -> memref<128x128xf32, #tpu.memory_space<vmem_shared>>
      %dma_wait3A_71 = arith.constant 0 : i32
      %dma_wait3A_72 = tpu.memref_slice %arg11[%add3A_30, %dma_wait3A_71] : memref<10240x128xf32, #tpu.memory_space<vmem_shared>> -> memref<128x128xf32, #tpu.memory_space<vmem_shared>>
      tpu.wait_dma2 semaphore(%run_scoped3A : memref<!tpu.dma_semaphore, #tpu.memory_space<semaphore_mem>>) src(%dma_wait3A_72 : memref<128x128xf32, #tpu.memory_space<vmem_shared>>) dst(%arg10 : memref<128x128xf32, #tpu.memory_space<vmem>>)
      tpu.yield
    }) : () -> ()
    %mul3A_31 = arith.constant 640 : i32
    %mul3A_32 = arith.muli %arg1, %mul3A_31 : i32
    %add3A_33 = arith.constant 0 : i32
    %add3A_34 = arith.addi %mul3A_32, %add3A_33 : i32
    "tpu.region"() ({
      %run_scoped3A = tpu.sem_alloc : memref<!tpu.dma_semaphore, #tpu.memory_space<semaphore_mem>>
      %dma_start3A = arith.constant 0 : i32
      %dma_start3A_67 = tpu.memref_slice %arg6[%arg0, %add3A_34, %dma_start3A] : memref<2x10240x128xf32, #tpu.memory_space<hbm>> -> memref<1x128x128xf32, #tpu.memory_space<hbm>>
      %dma_start3A_68 = tpu.memref_squeeze %dma_start3A_67 : memref<1x128x128xf32, #tpu.memory_space<hbm>> -> memref<128x128xf32, #tpu.memory_space<hbm>>
      %dma_start3A_69 = arith.constant 0 : i32
      %dma_start3A_70 = tpu.memref_slice %arg6[%arg0, %add3A_34, %dma_start3A_69] : memref<2x10240x128xf32, #tpu.memory_space<hbm>> -> memref<1x128x128xf32, #tpu.memory_space<hbm>>
      %dma_start3A_71 = tpu.memref_squeeze %dma_start3A_70 : memref<1x128x128xf32, #tpu.memory_space<hbm>> -> memref<128x128xf32, #tpu.memory_space<hbm>>
      tpu.enqueue_dma source(%arg10 : memref<128x128xf32, #tpu.memory_space<vmem>>) target(%dma_start3A_71 : memref<128x128xf32, #tpu.memory_space<hbm>>) target_semaphore(%run_scoped3A : memref<!tpu.dma_semaphore, #tpu.memory_space<semaphore_mem>>)
      %dma_wait3A = arith.constant 0 : i32
      %dma_wait3A_72 = tpu.memref_slice %arg6[%arg0, %add3A_34, %dma_wait3A] : memref<2x10240x128xf32, #tpu.memory_space<hbm>> -> memref<1x128x128xf32, #tpu.memory_space<hbm>>
      %dma_wait3A_73 = tpu.memref_squeeze %dma_wait3A_72 : memref<1x128x128xf32, #tpu.memory_space<hbm>> -> memref<128x128xf32, #tpu.memory_space<hbm>>
      %dma_wait3A_74 = arith.constant 0 : i32
      %dma_wait3A_75 = tpu.memref_slice %arg6[%arg0, %add3A_34, %dma_wait3A_74] : memref<2x10240x128xf32, #tpu.memory_space<hbm>> -> memref<1x128x128xf32, #tpu.memory_space<hbm>>
      %dma_wait3A_76 = tpu.memref_squeeze %dma_wait3A_75 : memref<1x128x128xf32, #tpu.memory_space<hbm>> -> memref<128x128xf32, #tpu.memory_space<hbm>>
      tpu.wait_dma2 semaphore(%run_scoped3A : memref<!tpu.dma_semaphore, #tpu.memory_space<semaphore_mem>>) src(%arg10 : memref<128x128xf32, #tpu.memory_space<vmem>>) dst(%dma_wait3A_76 : memref<128x128xf32, #tpu.memory_space<hbm>>)
      tpu.yield
    }) : () -> ()
    %mul3A_35 = arith.constant 640 : i32
    %mul3A_36 = arith.muli %arg1, %mul3A_35 : i32
    %add3A_37 = arith.constant 128 : i32
    %add3A_38 = arith.addi %mul3A_36, %add3A_37 : i32
    "tpu.region"() ({
      %run_scoped3A = tpu.sem_alloc : memref<!tpu.dma_semaphore, #tpu.memory_space<semaphore_mem>>
      %dma_start3A = arith.constant 0 : i32
      %dma_start3A_67 = tpu.memref_slice %arg11[%add3A_38, %dma_start3A] : memref<10240x128xf32, #tpu.memory_space<vmem_shared>> -> memref<128x128xf32, #tpu.memory_space<vmem_shared>>
      %dma_start3A_68 = arith.constant 0 : i32
      %dma_start3A_69 = tpu.memref_slice %arg11[%add3A_38, %dma_start3A_68] : memref<10240x128xf32, #tpu.memory_space<vmem_shared>> -> memref<128x128xf32, #tpu.memory_space<vmem_shared>>
      tpu.enqueue_dma source(%dma_start3A_69 : memref<128x128xf32, #tpu.memory_space<vmem_shared>>) target(%arg10 : memref<128x128xf32, #tpu.memory_space<vmem>>) target_semaphore(%run_scoped3A : memref<!tpu.dma_semaphore, #tpu.memory_space<semaphore_mem>>)
      %dma_wait3A = arith.constant 0 : i32
      %dma_wait3A_70 = tpu.memref_slice %arg11[%add3A_38, %dma_wait3A] : memref<10240x128xf32, #tpu.memory_space<vmem_shared>> -> memref<128x128xf32, #tpu.memory_space<vmem_shared>>
      %dma_wait3A_71 = arith.constant 0 : i32
      %dma_wait3A_72 = tpu.memref_slice %arg11[%add3A_38, %dma_wait3A_71] : memref<10240x128xf32, #tpu.memory_space<vmem_shared>> -> memref<128x128xf32, #tpu.memory_space<vmem_shared>>
      tpu.wait_dma2 semaphore(%run_scoped3A : memref<!tpu.dma_semaphore, #tpu.memory_space<semaphore_mem>>) src(%dma_wait3A_72 : memref<128x128xf32, #tpu.memory_space<vmem_shared>>) dst(%arg10 : memref<128x128xf32, #tpu.memory_space<vmem>>)
      tpu.yield
    }) : () -> ()
    %mul3A_39 = arith.constant 640 : i32
    %mul3A_40 = arith.muli %arg1, %mul3A_39 : i32
    %add3A_41 = arith.constant 128 : i32
    %add3A_42 = arith.addi %mul3A_40, %add3A_41 : i32
    "tpu.region"() ({
      %run_scoped3A = tpu.sem_alloc : memref<!tpu.dma_semaphore, #tpu.memory_space<semaphore_mem>>
      %dma_start3A = arith.constant 0 : i32
      %dma_start3A_67 = tpu.memref_slice %arg6[%arg0, %add3A_42, %dma_start3A] : memref<2x10240x128xf32, #tpu.memory_space<hbm>> -> memref<1x128x128xf32, #tpu.memory_space<hbm>>
      %dma_start3A_68 = tpu.memref_squeeze %dma_start3A_67 : memref<1x128x128xf32, #tpu.memory_space<hbm>> -> memref<128x128xf32, #tpu.memory_space<hbm>>
      %dma_start3A_69 = arith.constant 0 : i32
      %dma_start3A_70 = tpu.memref_slice %arg6[%arg0, %add3A_42, %dma_start3A_69] : memref<2x10240x128xf32, #tpu.memory_space<hbm>> -> memref<1x128x128xf32, #tpu.memory_space<hbm>>
      %dma_start3A_71 = tpu.memref_squeeze %dma_start3A_70 : memref<1x128x128xf32, #tpu.memory_space<hbm>> -> memref<128x128xf32, #tpu.memory_space<hbm>>
      tpu.enqueue_dma source(%arg10 : memref<128x128xf32, #tpu.memory_space<vmem>>) target(%dma_start3A_71 : memref<128x128xf32, #tpu.memory_space<hbm>>) target_semaphore(%run_scoped3A : memref<!tpu.dma_semaphore, #tpu.memory_space<semaphore_mem>>)
      %dma_wait3A = arith.constant 0 : i32
      %dma_wait3A_72 = tpu.memref_slice %arg6[%arg0, %add3A_42, %dma_wait3A] : memref<2x10240x128xf32, #tpu.memory_space<hbm>> -> memref<1x128x128xf32, #tpu.memory_space<hbm>>
      %dma_wait3A_73 = tpu.memref_squeeze %dma_wait3A_72 : memref<1x128x128xf32, #tpu.memory_space<hbm>> -> memref<128x128xf32, #tpu.memory_space<hbm>>
      %dma_wait3A_74 = arith.constant 0 : i32
      %dma_wait3A_75 = tpu.memref_slice %arg6[%arg0, %add3A_42, %dma_wait3A_74] : memref<2x10240x128xf32, #tpu.memory_space<hbm>> -> memref<1x128x128xf32, #tpu.memory_space<hbm>>
      %dma_wait3A_76 = tpu.memref_squeeze %dma_wait3A_75 : memref<1x128x128xf32, #tpu.memory_space<hbm>> -> memref<128x128xf32, #tpu.memory_space<hbm>>
      tpu.wait_dma2 semaphore(%run_scoped3A : memref<!tpu.dma_semaphore, #tpu.memory_space<semaphore_mem>>) src(%arg10 : memref<128x128xf32, #tpu.memory_space<vmem>>) dst(%dma_wait3A_76 : memref<128x128xf32, #tpu.memory_space<hbm>>)
      tpu.yield
    }) : () -> ()
    %mul3A_43 = arith.constant 640 : i32
    %mul3A_44 = arith.muli %arg1, %mul3A_43 : i32
    %add3A_45 = arith.constant 256 : i32
    %add3A_46 = arith.addi %mul3A_44, %add3A_45 : i32
    "tpu.region"() ({
      %run_scoped3A = tpu.sem_alloc : memref<!tpu.dma_semaphore, #tpu.memory_space<semaphore_mem>>
      %dma_start3A = arith.constant 0 : i32
      %dma_start3A_67 = tpu.memref_slice %arg11[%add3A_46, %dma_start3A] : memref<10240x128xf32, #tpu.memory_space<vmem_shared>> -> memref<128x128xf32, #tpu.memory_space<vmem_shared>>
      %dma_start3A_68 = arith.constant 0 : i32
      %dma_start3A_69 = tpu.memref_slice %arg11[%add3A_46, %dma_start3A_68] : memref<10240x128xf32, #tpu.memory_space<vmem_shared>> -> memref<128x128xf32, #tpu.memory_space<vmem_shared>>
      tpu.enqueue_dma source(%dma_start3A_69 : memref<128x128xf32, #tpu.memory_space<vmem_shared>>) target(%arg10 : memref<128x128xf32, #tpu.memory_space<vmem>>) target_semaphore(%run_scoped3A : memref<!tpu.dma_semaphore, #tpu.memory_space<semaphore_mem>>)
      %dma_wait3A = arith.constant 0 : i32
      %dma_wait3A_70 = tpu.memref_slice %arg11[%add3A_46, %dma_wait3A] : memref<10240x128xf32, #tpu.memory_space<vmem_shared>> -> memref<128x128xf32, #tpu.memory_space<vmem_shared>>
      %dma_wait3A_71 = arith.constant 0 : i32
      %dma_wait3A_72 = tpu.memref_slice %arg11[%add3A_46, %dma_wait3A_71] : memref<10240x128xf32, #tpu.memory_space<vmem_shared>> -> memref<128x128xf32, #tpu.memory_space<vmem_shared>>
      tpu.wait_dma2 semaphore(%run_scoped3A : memref<!tpu.dma_semaphore, #tpu.memory_space<semaphore_mem>>) src(%dma_wait3A_72 : memref<128x128xf32, #tpu.memory_space<vmem_shared>>) dst(%arg10 : memref<128x128xf32, #tpu.memory_space<vmem>>)
      tpu.yield
    }) : () -> ()
    %mul3A_47 = arith.constant 640 : i32
    %mul3A_48 = arith.muli %arg1, %mul3A_47 : i32
    %add3A_49 = arith.constant 256 : i32
    %add3A_50 = arith.addi %mul3A_48, %add3A_49 : i32
    "tpu.region"() ({
      %run_scoped3A = tpu.sem_alloc : memref<!tpu.dma_semaphore, #tpu.memory_space<semaphore_mem>>
      %dma_start3A = arith.constant 0 : i32
      %dma_start3A_67 = tpu.memref_slice %arg6[%arg0, %add3A_50, %dma_start3A] : memref<2x10240x128xf32, #tpu.memory_space<hbm>> -> memref<1x128x128xf32, #tpu.memory_space<hbm>>
      %dma_start3A_68 = tpu.memref_squeeze %dma_start3A_67 : memref<1x128x128xf32, #tpu.memory_space<hbm>> -> memref<128x128xf32, #tpu.memory_space<hbm>>
      %dma_start3A_69 = arith.constant 0 : i32
      %dma_start3A_70 = tpu.memref_slice %arg6[%arg0, %add3A_50, %dma_start3A_69] : memref<2x10240x128xf32, #tpu.memory_space<hbm>> -> memref<1x128x128xf32, #tpu.memory_space<hbm>>
      %dma_start3A_71 = tpu.memref_squeeze %dma_start3A_70 : memref<1x128x128xf32, #tpu.memory_space<hbm>> -> memref<128x128xf32, #tpu.memory_space<hbm>>
      tpu.enqueue_dma source(%arg10 : memref<128x128xf32, #tpu.memory_space<vmem>>) target(%dma_start3A_71 : memref<128x128xf32, #tpu.memory_space<hbm>>) target_semaphore(%run_scoped3A : memref<!tpu.dma_semaphore, #tpu.memory_space<semaphore_mem>>)
      %dma_wait3A = arith.constant 0 : i32
      %dma_wait3A_72 = tpu.memref_slice %arg6[%arg0, %add3A_50, %dma_wait3A] : memref<2x10240x128xf32, #tpu.memory_space<hbm>> -> memref<1x128x128xf32, #tpu.memory_space<hbm>>
      %dma_wait3A_73 = tpu.memref_squeeze %dma_wait3A_72 : memref<1x128x128xf32, #tpu.memory_space<hbm>> -> memref<128x128xf32, #tpu.memory_space<hbm>>
      %dma_wait3A_74 = arith.constant 0 : i32
      %dma_wait3A_75 = tpu.memref_slice %arg6[%arg0, %add3A_50, %dma_wait3A_74] : memref<2x10240x128xf32, #tpu.memory_space<hbm>> -> memref<1x128x128xf32, #tpu.memory_space<hbm>>
      %dma_wait3A_76 = tpu.memref_squeeze %dma_wait3A_75 : memref<1x128x128xf32, #tpu.memory_space<hbm>> -> memref<128x128xf32, #tpu.memory_space<hbm>>
      tpu.wait_dma2 semaphore(%run_scoped3A : memref<!tpu.dma_semaphore, #tpu.memory_space<semaphore_mem>>) src(%arg10 : memref<128x128xf32, #tpu.memory_space<vmem>>) dst(%dma_wait3A_76 : memref<128x128xf32, #tpu.memory_space<hbm>>)
      tpu.yield
    }) : () -> ()
    %mul3A_51 = arith.constant 640 : i32
    %mul3A_52 = arith.muli %arg1, %mul3A_51 : i32
    %add3A_53 = arith.constant 384 : i32
    %add3A_54 = arith.addi %mul3A_52, %add3A_53 : i32
    "tpu.region"() ({
      %run_scoped3A = tpu.sem_alloc : memref<!tpu.dma_semaphore, #tpu.memory_space<semaphore_mem>>
      %dma_start3A = arith.constant 0 : i32
      %dma_start3A_67 = tpu.memref_slice %arg11[%add3A_54, %dma_start3A] : memref<10240x128xf32, #tpu.memory_space<vmem_shared>> -> memref<128x128xf32, #tpu.memory_space<vmem_shared>>
      %dma_start3A_68 = arith.constant 0 : i32
      %dma_start3A_69 = tpu.memref_slice %arg11[%add3A_54, %dma_start3A_68] : memref<10240x128xf32, #tpu.memory_space<vmem_shared>> -> memref<128x128xf32, #tpu.memory_space<vmem_shared>>
      tpu.enqueue_dma source(%dma_start3A_69 : memref<128x128xf32, #tpu.memory_space<vmem_shared>>) target(%arg10 : memref<128x128xf32, #tpu.memory_space<vmem>>) target_semaphore(%run_scoped3A : memref<!tpu.dma_semaphore, #tpu.memory_space<semaphore_mem>>)
      %dma_wait3A = arith.constant 0 : i32
      %dma_wait3A_70 = tpu.memref_slice %arg11[%add3A_54, %dma_wait3A] : memref<10240x128xf32, #tpu.memory_space<vmem_shared>> -> memref<128x128xf32, #tpu.memory_space<vmem_shared>>
      %dma_wait3A_71 = arith.constant 0 : i32
      %dma_wait3A_72 = tpu.memref_slice %arg11[%add3A_54, %dma_wait3A_71] : memref<10240x128xf32, #tpu.memory_space<vmem_shared>> -> memref<128x128xf32, #tpu.memory_space<vmem_shared>>
      tpu.wait_dma2 semaphore(%run_scoped3A : memref<!tpu.dma_semaphore, #tpu.memory_space<semaphore_mem>>) src(%dma_wait3A_72 : memref<128x128xf32, #tpu.memory_space<vmem_shared>>) dst(%arg10 : memref<128x128xf32, #tpu.memory_space<vmem>>)
      tpu.yield
    }) : () -> ()
    %mul3A_55 = arith.constant 640 : i32
    %mul3A_56 = arith.muli %arg1, %mul3A_55 : i32
    %add3A_57 = arith.constant 384 : i32
    %add3A_58 = arith.addi %mul3A_56, %add3A_57 : i32
    "tpu.region"() ({
      %run_scoped3A = tpu.sem_alloc : memref<!tpu.dma_semaphore, #tpu.memory_space<semaphore_mem>>
      %dma_start3A = arith.constant 0 : i32
      %dma_start3A_67 = tpu.memref_slice %arg6[%arg0, %add3A_58, %dma_start3A] : memref<2x10240x128xf32, #tpu.memory_space<hbm>> -> memref<1x128x128xf32, #tpu.memory_space<hbm>>
      %dma_start3A_68 = tpu.memref_squeeze %dma_start3A_67 : memref<1x128x128xf32, #tpu.memory_space<hbm>> -> memref<128x128xf32, #tpu.memory_space<hbm>>
      %dma_start3A_69 = arith.constant 0 : i32
      %dma_start3A_70 = tpu.memref_slice %arg6[%arg0, %add3A_58, %dma_start3A_69] : memref<2x10240x128xf32, #tpu.memory_space<hbm>> -> memref<1x128x128xf32, #tpu.memory_space<hbm>>
      %dma_start3A_71 = tpu.memref_squeeze %dma_start3A_70 : memref<1x128x128xf32, #tpu.memory_space<hbm>> -> memref<128x128xf32, #tpu.memory_space<hbm>>
      tpu.enqueue_dma source(%arg10 : memref<128x128xf32, #tpu.memory_space<vmem>>) target(%dma_start3A_71 : memref<128x128xf32, #tpu.memory_space<hbm>>) target_semaphore(%run_scoped3A : memref<!tpu.dma_semaphore, #tpu.memory_space<semaphore_mem>>)
      %dma_wait3A = arith.constant 0 : i32
      %dma_wait3A_72 = tpu.memref_slice %arg6[%arg0, %add3A_58, %dma_wait3A] : memref<2x10240x128xf32, #tpu.memory_space<hbm>> -> memref<1x128x128xf32, #tpu.memory_space<hbm>>
      %dma_wait3A_73 = tpu.memref_squeeze %dma_wait3A_72 : memref<1x128x128xf32, #tpu.memory_space<hbm>> -> memref<128x128xf32, #tpu.memory_space<hbm>>
      %dma_wait3A_74 = arith.constant 0 : i32
      %dma_wait3A_75 = tpu.memref_slice %arg6[%arg0, %add3A_58, %dma_wait3A_74] : memref<2x10240x128xf32, #tpu.memory_space<hbm>> -> memref<1x128x128xf32, #tpu.memory_space<hbm>>
      %dma_wait3A_76 = tpu.memref_squeeze %dma_wait3A_75 : memref<1x128x128xf32, #tpu.memory_space<hbm>> -> memref<128x128xf32, #tpu.memory_space<hbm>>
      tpu.wait_dma2 semaphore(%run_scoped3A : memref<!tpu.dma_semaphore, #tpu.memory_space<semaphore_mem>>) src(%arg10 : memref<128x128xf32, #tpu.memory_space<vmem>>) dst(%dma_wait3A_76 : memref<128x128xf32, #tpu.memory_space<hbm>>)
      tpu.yield
    }) : () -> ()
    %mul3A_59 = arith.constant 640 : i32
    %mul3A_60 = arith.muli %arg1, %mul3A_59 : i32
    %add3A_61 = arith.constant 512 : i32
    %add3A_62 = arith.addi %mul3A_60, %add3A_61 : i32
    "tpu.region"() ({
      %run_scoped3A = tpu.sem_alloc : memref<!tpu.dma_semaphore, #tpu.memory_space<semaphore_mem>>
      %dma_start3A = arith.constant 0 : i32
      %dma_start3A_67 = tpu.memref_slice %arg11[%add3A_62, %dma_start3A] : memref<10240x128xf32, #tpu.memory_space<vmem_shared>> -> memref<128x128xf32, #tpu.memory_space<vmem_shared>>
      %dma_start3A_68 = arith.constant 0 : i32
      %dma_start3A_69 = tpu.memref_slice %arg11[%add3A_62, %dma_start3A_68] : memref<10240x128xf32, #tpu.memory_space<vmem_shared>> -> memref<128x128xf32, #tpu.memory_space<vmem_shared>>
      tpu.enqueue_dma source(%dma_start3A_69 : memref<128x128xf32, #tpu.memory_space<vmem_shared>>) target(%arg10 : memref<128x128xf32, #tpu.memory_space<vmem>>) target_semaphore(%run_scoped3A : memref<!tpu.dma_semaphore, #tpu.memory_space<semaphore_mem>>)
      %dma_wait3A = arith.constant 0 : i32
      %dma_wait3A_70 = tpu.memref_slice %arg11[%add3A_62, %dma_wait3A] : memref<10240x128xf32, #tpu.memory_space<vmem_shared>> -> memref<128x128xf32, #tpu.memory_space<vmem_shared>>
      %dma_wait3A_71 = arith.constant 0 : i32
      %dma_wait3A_72 = tpu.memref_slice %arg11[%add3A_62, %dma_wait3A_71] : memref<10240x128xf32, #tpu.memory_space<vmem_shared>> -> memref<128x128xf32, #tpu.memory_space<vmem_shared>>
      tpu.wait_dma2 semaphore(%run_scoped3A : memref<!tpu.dma_semaphore, #tpu.memory_space<semaphore_mem>>) src(%dma_wait3A_72 : memref<128x128xf32, #tpu.memory_space<vmem_shared>>) dst(%arg10 : memref<128x128xf32, #tpu.memory_space<vmem>>)
      tpu.yield
    }) : () -> ()
    %mul3A_63 = arith.constant 640 : i32
    %mul3A_64 = arith.muli %arg1, %mul3A_63 : i32
    %add3A_65 = arith.constant 512 : i32
    %add3A_66 = arith.addi %mul3A_64, %add3A_65 : i32
    "tpu.region"() ({
      %run_scoped3A = tpu.sem_alloc : memref<!tpu.dma_semaphore, #tpu.memory_space<semaphore_mem>>
      %dma_start3A = arith.constant 0 : i32
      %dma_start3A_67 = tpu.memref_slice %arg6[%arg0, %add3A_66, %dma_start3A] : memref<2x10240x128xf32, #tpu.memory_space<hbm>> -> memref<1x128x128xf32, #tpu.memory_space<hbm>>
      %dma_start3A_68 = tpu.memref_squeeze %dma_start3A_67 : memref<1x128x128xf32, #tpu.memory_space<hbm>> -> memref<128x128xf32, #tpu.memory_space<hbm>>
      %dma_start3A_69 = arith.constant 0 : i32
      %dma_start3A_70 = tpu.memref_slice %arg6[%arg0, %add3A_66, %dma_start3A_69] : memref<2x10240x128xf32, #tpu.memory_space<hbm>> -> memref<1x128x128xf32, #tpu.memory_space<hbm>>
      %dma_start3A_71 = tpu.memref_squeeze %dma_start3A_70 : memref<1x128x128xf32, #tpu.memory_space<hbm>> -> memref<128x128xf32, #tpu.memory_space<hbm>>
      tpu.enqueue_dma source(%arg10 : memref<128x128xf32, #tpu.memory_space<vmem>>) target(%dma_start3A_71 : memref<128x128xf32, #tpu.memory_space<hbm>>) target_semaphore(%run_scoped3A : memref<!tpu.dma_semaphore, #tpu.memory_space<semaphore_mem>>)
      %dma_wait3A = arith.constant 0 : i32
      %dma_wait3A_72 = tpu.memref_slice %arg6[%arg0, %add3A_66, %dma_wait3A] : memref<2x10240x128xf32, #tpu.memory_space<hbm>> -> memref<1x128x128xf32, #tpu.memory_space<hbm>>
      %dma_wait3A_73 = tpu.memref_squeeze %dma_wait3A_72 : memref<1x128x128xf32, #tpu.memory_space<hbm>> -> memref<128x128xf32, #tpu.memory_space<hbm>>
      %dma_wait3A_74 = arith.constant 0 : i32
      %dma_wait3A_75 = tpu.memref_slice %arg6[%arg0, %add3A_66, %dma_wait3A_74] : memref<2x10240x128xf32, #tpu.memory_space<hbm>> -> memref<1x128x128xf32, #tpu.memory_space<hbm>>
      %dma_wait3A_76 = tpu.memref_squeeze %dma_wait3A_75 : memref<1x128x128xf32, #tpu.memory_space<hbm>> -> memref<128x128xf32, #tpu.memory_space<hbm>>
      tpu.wait_dma2 semaphore(%run_scoped3A : memref<!tpu.dma_semaphore, #tpu.memory_space<semaphore_mem>>) src(%arg10 : memref<128x128xf32, #tpu.memory_space<vmem>>) dst(%dma_wait3A_76 : memref<128x128xf32, #tpu.memory_space<hbm>>)
      tpu.yield
    }) : () -> ()
    return
  }
}

module attributes {stable_mosaic.version = 14 : i64} {
  func.func @_prep_body(%arg0: i32, %arg1: memref<1024x128xf32, #tpu.memory_space<vmem>>, %arg2: memref<128x128xf32, #tpu.memory_space<vmem>>, %arg3: memref<1024x128xf32, #tpu.memory_space<vmem>>, %arg4: memref<1024x128xf32, #tpu.memory_space<vmem>>, %arg5: memref<1024x128xf32, #tpu.memory_space<vmem>>, %arg6: memref<1024x1xf32, #tpu.memory_space<vmem>>) attributes {dimension_semantics = [#tpu.dimension_semantics<arbitrary>], iteration_bounds = array<i64: 10>, scalar_prefetch = 0 : i64, scratch_operands = 0 : i64, tpu.core_type = #tpu.core_type<tc>, window_params = [{transform_indices = @transform_0, window_bounds = array<i64: 1024, 128>}, {pipeline_mode = #tpu.pipeline_mode<synchronous>, transform_indices = @transform_1, window_bounds = array<i64: 128, 128>}, {transform_indices = @transform_2, window_bounds = array<i64: 1024, 128>}, {transform_indices = @transform_3, window_bounds = array<i64: 1024, 128>}, {transform_indices = @transform_4, window_bounds = array<i64: 1024, 128>}, {transform_indices = @transform_5, window_bounds = array<i64: 1024, 1>}]} {
    %get3A = arith.constant 0 : index
    %get3A_0 = arith.constant 0 : index
    %get3A_1 = vector.load %arg3[%get3A, %get3A_0] : memref<1024x128xf32, #tpu.memory_space<vmem>>, vector<1024x1xf32>
    %get3A_2 = arith.constant 0 : index
    %get3A_3 = arith.constant 0 : index
    %get3A_4 = vector.load %arg4[%get3A_2, %get3A_3] : memref<1024x128xf32, #tpu.memory_space<vmem>>, vector<1024x1xf32>
    %add3A = arith.addf %get3A_1, %get3A_4 : vector<1024x1xf32>
    %add3A_5 = arith.constant 1.000000e+00 : f32
    %add3A_6 = vector.broadcast %add3A_5 : f32 to vector<1024x1xf32>
    %add3A_7 = arith.addf %add3A, %add3A_6 : vector<1024x1xf32>
    %rsqrt3A = math.rsqrt %add3A_7 : vector<1024x1xf32>
    %swap3A = arith.constant 0 : index
    %swap3A_8 = arith.constant 0 : index
    %swap3A_9 = vector.load %arg6[%swap3A, %swap3A_8] : memref<1024x1xf32, #tpu.memory_space<vmem>>, vector<1024x1xf32>
    tpu.vector_store %arg6[%swap3A, %swap3A_8], %rsqrt3A {strides = array<i32>} : memref<1024x1xf32, #tpu.memory_space<vmem>>, vector<1024x1xf32>,
    %get3A_10 = arith.constant 0 : index
    %get3A_11 = arith.constant 0 : index
    %get3A_12 = vector.load %arg1[%get3A_10, %get3A_11] : memref<1024x128xf32, #tpu.memory_space<vmem>>, vector<1024x128xf32>
    %get3A_13 = arith.constant 0 : index
    %get3A_14 = arith.constant 0 : index
    %get3A_15 = vector.load %arg2[%get3A_13, %get3A_14] : memref<128x128xf32, #tpu.memory_space<vmem>>, vector<128x128xf32>
    %dot_general3A = arith.constant dense<0.000000e+00> : vector<1024x128xf32>
    %dot_general3A_16 = tpu.matmul %get3A_12, %get3A_15, %dot_general3A {dimension_numbers = #tpu.dot_dimension_numbers<[1], [0], [0], [1], [0, 0, 1, 1], [], []>, transpose_lhs_hint = false} : vector<1024x128xf32>, vector<128x128xf32>, vector<1024x128xf32> -> vector<1024x128xf32>
    %mul3A = vector.broadcast %rsqrt3A : vector<1024x1xf32> to vector<1024x128xf32>
    %mul3A_17 = arith.mulf %mul3A, %dot_general3A_16 : vector<1024x128xf32>
    %swap3A_18 = arith.constant 0 : index
    %swap3A_19 = arith.constant 0 : index
    %swap3A_20 = vector.load %arg5[%swap3A_18, %swap3A_19] : memref<1024x128xf32, #tpu.memory_space<vmem>>, vector<1024x128xf32>
    tpu.vector_store %arg5[%swap3A_18, %swap3A_19], %mul3A_17 {strides = array<i32>} : memref<1024x128xf32, #tpu.memory_space<vmem>>, vector<1024x128xf32>,
    return
  }
  func.func @transform_0(%arg0: i32) -> (i32, i32) {
    %c0_i32 = arith.constant 0 : i32
    %c0_i32_0 = arith.constant 0 : i32
    return %arg0, %c0_i32 : i32, i32
  }
  func.func @transform_1(%arg0: i32) -> (i32, i32) {
    %c0_i32 = arith.constant 0 : i32
    %c0_i32_0 = arith.constant 0 : i32
    %c0_i32_1 = arith.constant 0 : i32
    return %c0_i32, %c0_i32_0 : i32, i32
  }
  func.func @transform_2(%arg0: i32) -> (i32, i32) {
    %c0_i32 = arith.constant 0 : i32
    %c0_i32_0 = arith.constant 0 : i32
    return %arg0, %c0_i32 : i32, i32
  }
  func.func @transform_3(%arg0: i32) -> (i32, i32) {
    %c0_i32 = arith.constant 0 : i32
    %c0_i32_0 = arith.constant 0 : i32
    return %arg0, %c0_i32 : i32, i32
  }
  func.func @transform_4(%arg0: i32) -> (i32, i32) {
    %c0_i32 = arith.constant 0 : i32
    %c0_i32_0 = arith.constant 0 : i32
    return %arg0, %c0_i32 : i32, i32
  }
  func.func @transform_5(%arg0: i32) -> (i32, i32) {
    %c0_i32 = arith.constant 0 : i32
    %c0_i32_0 = arith.constant 0 : i32
    return %arg0, %c0_i32 : i32, i32
  }
}

module attributes {stable_mosaic.version = 14 : i64} {
  func.func @_layer_body(%arg0: i32, %arg1: memref<1024x128xf32, #tpu.memory_space<vmem>>, %arg2: memref<1024x128xf32, #tpu.memory_space<vmem>>, %arg3: memref<1024x128xf32, #tpu.memory_space<vmem>>, %arg4: memref<1024x1xf32, #tpu.memory_space<vmem>>, %arg5: memref<1x128xf32, #tpu.memory_space<vmem>>, %arg6: memref<128x128xf32, #tpu.memory_space<vmem>>, %arg7: memref<1024x128xf32, #tpu.memory_space<vmem>>) attributes {dimension_semantics = [#tpu.dimension_semantics<arbitrary>], iteration_bounds = array<i64: 10>, scalar_prefetch = 0 : i64, scratch_operands = 0 : i64, tpu.core_type = #tpu.core_type<tc>, window_params = [{transform_indices = @transform_0, window_bounds = array<i64: 1024, 128>}, {transform_indices = @transform_1, window_bounds = array<i64: 1024, 128>}, {transform_indices = @transform_2, window_bounds = array<i64: 1024, 128>}, {transform_indices = @transform_3, window_bounds = array<i64: 1024, 1>}, {pipeline_mode = #tpu.pipeline_mode<synchronous>, transform_indices = @transform_4, window_bounds = array<i64: 1, 128>}, {pipeline_mode = #tpu.pipeline_mode<synchronous>, transform_indices = @transform_5, window_bounds = array<i64: 128, 128>}, {transform_indices = @transform_6, window_bounds = array<i64: 1024, 128>}]} {
    %get3A = arith.constant 0 : index
    %get3A_0 = arith.constant 0 : index
    %get3A_1 = vector.load %arg4[%get3A, %get3A_0] : memref<1024x1xf32, #tpu.memory_space<vmem>>, vector<1024x1xf32>
    %get3A_2 = arith.constant 0 : index
    %get3A_3 = arith.constant 0 : index
    %get3A_4 = vector.load %arg1[%get3A_2, %get3A_3] : memref<1024x128xf32, #tpu.memory_space<vmem>>, vector<1024x128xf32>
    %get3A_5 = arith.constant 0 : index
    %get3A_6 = arith.constant 0 : index
    %get3A_7 = vector.load %arg2[%get3A_5, %get3A_6] : memref<1024x128xf32, #tpu.memory_space<vmem>>, vector<1024x128xf32>
    %add3A = arith.addf %get3A_4, %get3A_7 : vector<1024x128xf32>
    %get3A_8 = arith.constant 0 : index
    %get3A_9 = arith.constant 0 : index
    %get3A_10 = vector.load %arg3[%get3A_8, %get3A_9] : memref<1024x128xf32, #tpu.memory_space<vmem>>, vector<1024x128xf32>
    %add3A_11 = arith.addf %add3A, %get3A_10 : vector<1024x128xf32>
    %mul3A = vector.broadcast %get3A_1 : vector<1024x1xf32> to vector<1024x128xf32>
    %mul3A_12 = arith.mulf %mul3A, %add3A_11 : vector<1024x128xf32>
    %get3A_13 = arith.constant 0 : index
    %get3A_14 = arith.constant 0 : index
    %get3A_15 = vector.load %arg5[%get3A_13, %get3A_14] : memref<1x128xf32, #tpu.memory_space<vmem>>, vector<1x128xf32>
    %add3A_16 = vector.broadcast %get3A_15 : vector<1x128xf32> to vector<1024x128xf32>
    %add3A_17 = arith.addf %mul3A_12, %add3A_16 : vector<1024x128xf32>
    %max3A = arith.constant 0.000000e+00 : f32
    %max3A_18 = vector.broadcast %max3A : f32 to vector<1024x128xf32>
    %max3A_19 = arith.maximumf %add3A_17, %max3A_18 : vector<1024x128xf32>
    %get3A_20 = arith.constant 0 : index
    %get3A_21 = arith.constant 0 : index
    %get3A_22 = vector.load %arg6[%get3A_20, %get3A_21] : memref<128x128xf32, #tpu.memory_space<vmem>>, vector<128x128xf32>
    %dot_general3A = arith.constant dense<0.000000e+00> : vector<1024x128xf32>
    %dot_general3A_23 = tpu.matmul %max3A_19, %get3A_22, %dot_general3A {dimension_numbers = #tpu.dot_dimension_numbers<[1], [0], [0], [1], [0, 0, 1, 1], [], []>, transpose_lhs_hint = false} : vector<1024x128xf32>, vector<128x128xf32>, vector<1024x128xf32> -> vector<1024x128xf32>
    %mul3A_24 = vector.broadcast %get3A_1 : vector<1024x1xf32> to vector<1024x128xf32>
    %mul3A_25 = arith.mulf %mul3A_24, %dot_general3A_23 : vector<1024x128xf32>
    %swap3A = arith.constant 0 : index
    %swap3A_26 = arith.constant 0 : index
    %swap3A_27 = vector.load %arg7[%swap3A, %swap3A_26] : memref<1024x128xf32, #tpu.memory_space<vmem>>, vector<1024x128xf32>
    tpu.vector_store %arg7[%swap3A, %swap3A_26], %mul3A_25 {strides = array<i32>} : memref<1024x128xf32, #tpu.memory_space<vmem>>, vector<1024x128xf32>,
    return
  }
  func.func @transform_0(%arg0: i32) -> (i32, i32) {
    %c0_i32 = arith.constant 0 : i32
    %c0_i32_0 = arith.constant 0 : i32
    return %arg0, %c0_i32 : i32, i32
  }
  func.func @transform_1(%arg0: i32) -> (i32, i32) {
    %c0_i32 = arith.constant 0 : i32
    %c0_i32_0 = arith.constant 0 : i32
    return %arg0, %c0_i32 : i32, i32
  }
  func.func @transform_2(%arg0: i32) -> (i32, i32) {
    %c0_i32 = arith.constant 0 : i32
    %c0_i32_0 = arith.constant 0 : i32
    return %arg0, %c0_i32 : i32, i32
  }
  func.func @transform_3(%arg0: i32) -> (i32, i32) {
    %c0_i32 = arith.constant 0 : i32
    %c0_i32_0 = arith.constant 0 : i32
    return %arg0, %c0_i32 : i32, i32
  }
  func.func @transform_4(%arg0: i32) -> (i32, i32) {
    %c0_i32 = arith.constant 0 : i32
    %c0_i32_0 = arith.constant 0 : i32
    %c0_i32_1 = arith.constant 0 : i32
    return %c0_i32, %c0_i32_0 : i32, i32
  }
  func.func @transform_5(%arg0: i32) -> (i32, i32) {
    %c0_i32 = arith.constant 0 : i32
    %c0_i32_0 = arith.constant 0 : i32
    %c0_i32_1 = arith.constant 0 : i32
    return %c0_i32, %c0_i32_0 : i32, i32
  }
  func.func @transform_6(%arg0: i32) -> (i32, i32) {
    %c0_i32 = arith.constant 0 : i32
    %c0_i32_0 = arith.constant 0 : i32
    return %arg0, %c0_i32 : i32, i32
  }
}

module attributes {stable_mosaic.version = 14 : i64} {
  func.func @_final_body(%arg0: i32, %arg1: memref<1024x128xf32, #tpu.memory_space<vmem>>, %arg2: memref<1024x128xf32, #tpu.memory_space<vmem>>, %arg3: memref<1024x128xf32, #tpu.memory_space<vmem>>, %arg4: memref<1024x1xf32, #tpu.memory_space<vmem>>, %arg5: memref<1x128xf32, #tpu.memory_space<vmem>>, %arg6: memref<1024x1xi32, #tpu.memory_space<vmem>>, %arg7: memref<128x128xf32, #tpu.memory_space<vmem>>, %arg8: memref<1x128xf32, #tpu.memory_space<vmem>>, %arg9: memref<128x64xf32, #tpu.memory_space<vmem>>, %arg10: memref<1x64xf32, #tpu.memory_space<vmem>>, %arg11: memref<64x10xf32, #tpu.memory_space<vmem>>, %arg12: memref<1x10xf32, #tpu.memory_space<vmem>>, %arg13: memref<16x10xf32, #tpu.memory_space<vmem>>, %arg14: memref<16x128xf32, #tpu.memory_space<vmem>>) attributes {dimension_semantics = [#tpu.dimension_semantics<arbitrary>], iteration_bounds = array<i64: 10>, scalar_prefetch = 0 : i64, scratch_operands = 1 : i64, tpu.core_type = #tpu.core_type<tc>, window_params = [{transform_indices = @transform_0, window_bounds = array<i64: 1024, 128>}, {transform_indices = @transform_1, window_bounds = array<i64: 1024, 128>}, {transform_indices = @transform_2, window_bounds = array<i64: 1024, 128>}, {transform_indices = @transform_3, window_bounds = array<i64: 1024, 1>}, {pipeline_mode = #tpu.pipeline_mode<synchronous>, transform_indices = @transform_4, window_bounds = array<i64: 1, 128>}, {transform_indices = @transform_5, window_bounds = array<i64: 1024, 1>}, {pipeline_mode = #tpu.pipeline_mode<synchronous>, transform_indices = @transform_6, window_bounds = array<i64: 128, 128>}, {pipeline_mode = #tpu.pipeline_mode<synchronous>, transform_indices = @transform_7, window_bounds = array<i64: 1, 128>}, {pipeline_mode = #tpu.pipeline_mode<synchronous>, transform_indices = @transform_8, window_bounds = array<i64: 128, 64>}, {pipeline_mode = #tpu.pipeline_mode<synchronous>, transform_indices = @transform_9, window_bounds = array<i64: 1, 64>}, {pipeline_mode = #tpu.pipeline_mode<synchronous>, transform_indices = @transform_10, window_bounds = array<i64: 64, 10>}, {pipeline_mode = #tpu.pipeline_mode<synchronous>, transform_indices = @transform_11, window_bounds = array<i64: 1, 10>}, {pipeline_mode = #tpu.pipeline_mode<synchronous>, transform_indices = @transform_12, window_bounds = array<i64: 16, 10>}]} {
    %eq3A = arith.constant 0 : i32
    %eq3A_0 = arith.cmpi eq, %arg0, %eq3A : i32
    %convert_element_type3A = arith.extui %eq3A_0 : i1 to i32
    %cond3A = arith.constant 0 : i32
    %cond3A_1 = arith.cmpi ne, %convert_element_type3A, %cond3A : i32
    scf.if %cond3A_1 {
      %broadcast_in_dim3A = arith.constant 0.000000e+00 : f32
      %broadcast_in_dim3A_41 = vector.broadcast %broadcast_in_dim3A : f32 to vector<16x128xf32>
      %swap3A_42 = arith.constant 0 : index
      %swap3A_43 = arith.constant 0 : index
      %swap3A_44 = vector.load %arg14[%swap3A_42, %swap3A_43] : memref<16x128xf32, #tpu.memory_space<vmem>>, vector<16x128xf32>
      tpu.vector_store %arg14[%swap3A_42, %swap3A_43], %broadcast_in_dim3A_41 {strides = array<i32>} : memref<16x128xf32, #tpu.memory_space<vmem>>, vector<16x128xf32>,
    } else {
    }
    %get3A = arith.constant 0 : index
    %get3A_2 = arith.constant 0 : index
    %get3A_3 = vector.load %arg4[%get3A, %get3A_2] : memref<1024x1xf32, #tpu.memory_space<vmem>>, vector<1024x1xf32>
    %get3A_4 = arith.constant 0 : index
    %get3A_5 = arith.constant 0 : index
    %get3A_6 = vector.load %arg1[%get3A_4, %get3A_5] : memref<1024x128xf32, #tpu.memory_space<vmem>>, vector<1024x128xf32>
    %get3A_7 = arith.constant 0 : index
    %get3A_8 = arith.constant 0 : index
    %get3A_9 = vector.load %arg2[%get3A_7, %get3A_8] : memref<1024x128xf32, #tpu.memory_space<vmem>>, vector<1024x128xf32>
    %add3A = arith.addf %get3A_6, %get3A_9 : vector<1024x128xf32>
    %get3A_10 = arith.constant 0 : index
    %get3A_11 = arith.constant 0 : index
    %get3A_12 = vector.load %arg3[%get3A_10, %get3A_11] : memref<1024x128xf32, #tpu.memory_space<vmem>>, vector<1024x128xf32>
    %add3A_13 = arith.addf %add3A, %get3A_12 : vector<1024x128xf32>
    %mul3A = vector.broadcast %get3A_3 : vector<1024x1xf32> to vector<1024x128xf32>
    %mul3A_14 = arith.mulf %mul3A, %add3A_13 : vector<1024x128xf32>
    %get3A_15 = arith.constant 0 : index
    %get3A_16 = arith.constant 0 : index
    %get3A_17 = vector.load %arg5[%get3A_15, %get3A_16] : memref<1x128xf32, #tpu.memory_space<vmem>>, vector<1x128xf32>
    %add3A_18 = vector.broadcast %get3A_17 : vector<1x128xf32> to vector<1024x128xf32>
    %add3A_19 = arith.addf %mul3A_14, %add3A_18 : vector<1024x128xf32>
    %max3A = arith.constant 0.000000e+00 : f32
    %max3A_20 = vector.broadcast %max3A : f32 to vector<1024x128xf32>
    %max3A_21 = arith.maximumf %add3A_19, %max3A_20 : vector<1024x128xf32>
    %iota3A = tpu.iota {dimensions = array<i32: 1>} : vector<1024x16xi32>
    %get3A_22 = arith.constant 0 : index
    %get3A_23 = arith.constant 0 : index
    %get3A_24 = vector.load %arg6[%get3A_22, %get3A_23] : memref<1024x1xi32, #tpu.memory_space<vmem>>, vector<1024x1xi32>
    %eq3A_25 = vector.broadcast %get3A_24 : vector<1024x1xi32> to vector<1024x16xi32>
    %eq3A_26 = arith.cmpi eq, %eq3A_25, %iota3A : vector<1024x16xi32>
    %convert_element_type3A_27 = arith.extui %eq3A_26 : vector<1024x16xi1> to vector<1024x16xi32>
    %convert_element_type3A_28 = arith.sitofp %convert_element_type3A_27 : vector<1024x16xi32> to vector<1024x16xf32>
    %get3A_29 = arith.constant 0 : index
    %get3A_30 = arith.constant 0 : index
    %get3A_31 = vector.load %arg14[%get3A_29, %get3A_30] : memref<16x128xf32, #tpu.memory_space<vmem>>, vector<16x128xf32>
    %dot_general3A = arith.constant dense<0.000000e+00> : vector<16x128xf32>
    %dot_general3A_32 = tpu.matmul %convert_element_type3A_28, %max3A_21, %dot_general3A {dimension_numbers = #tpu.dot_dimension_numbers<[0], [0], [1], [1], [0, 1, 1, 1], [], []>, transpose_lhs_hint = false} : vector<1024x16xf32>, vector<1024x128xf32>, vector<16x128xf32> -> vector<16x128xf32>
    %add3A_33 = arith.addf %get3A_31, %dot_general3A_32 : vector<16x128xf32>
    %swap3A = arith.constant 0 : index
    %swap3A_34 = arith.constant 0 : index
    %swap3A_35 = vector.load %arg14[%swap3A, %swap3A_34] : memref<16x128xf32, #tpu.memory_space<vmem>>, vector<16x128xf32>
    tpu.vector_store %arg14[%swap3A, %swap3A_34], %add3A_33 {strides = array<i32>} : memref<16x128xf32, #tpu.memory_space<vmem>>, vector<16x128xf32>,
    %eq3A_36 = arith.constant 9 : i32
    %eq3A_37 = arith.cmpi eq, %arg0, %eq3A_36 : i32
    %convert_element_type3A_38 = arith.extui %eq3A_37 : i1 to i32
    %cond3A_39 = arith.constant 0 : i32
    %cond3A_40 = arith.cmpi ne, %convert_element_type3A_38, %cond3A_39 : i32
    scf.if %cond3A_40 {
      %get3A_41 = arith.constant 0 : index
      %get3A_42 = arith.constant 0 : index
      %get3A_43 = vector.load %arg14[%get3A_41, %get3A_42] : memref<16x128xf32, #tpu.memory_space<vmem>>, vector<16x128xf32>
      %get3A_44 = arith.constant 0 : index
      %get3A_45 = arith.constant 0 : index
      %get3A_46 = vector.load %arg7[%get3A_44, %get3A_45] : memref<128x128xf32, #tpu.memory_space<vmem>>, vector<128x128xf32>
      %dot_general3A_47 = arith.constant dense<0.000000e+00> : vector<16x128xf32>
      %dot_general3A_48 = tpu.matmul %get3A_43, %get3A_46, %dot_general3A_47 {dimension_numbers = #tpu.dot_dimension_numbers<[1], [0], [0], [1], [0, 0, 1, 1], [], []>, transpose_lhs_hint = false} : vector<16x128xf32>, vector<128x128xf32>, vector<16x128xf32> -> vector<16x128xf32>
      %get3A_49 = arith.constant 0 : index
      %get3A_50 = arith.constant 0 : index
      %get3A_51 = vector.load %arg8[%get3A_49, %get3A_50] : memref<1x128xf32, #tpu.memory_space<vmem>>, vector<1x128xf32>
      %add3A_52 = vector.broadcast %get3A_51 : vector<1x128xf32> to vector<16x128xf32>
      %add3A_53 = arith.addf %dot_general3A_48, %add3A_52 : vector<16x128xf32>
      %max3A_54 = arith.constant 0.000000e+00 : f32
      %max3A_55 = vector.broadcast %max3A_54 : f32 to vector<16x128xf32>
      %max3A_56 = arith.maximumf %add3A_53, %max3A_55 : vector<16x128xf32>
      %get3A_57 = arith.constant 0 : index
      %get3A_58 = arith.constant 0 : index
      %get3A_59 = vector.load %arg9[%get3A_57, %get3A_58] : memref<128x64xf32, #tpu.memory_space<vmem>>, vector<128x64xf32>
      %dot_general3A_60 = arith.constant dense<0.000000e+00> : vector<16x64xf32>
      %dot_general3A_61 = tpu.matmul %max3A_56, %get3A_59, %dot_general3A_60 {dimension_numbers = #tpu.dot_dimension_numbers<[1], [0], [0], [1], [0, 0, 1, 1], [], []>, transpose_lhs_hint = false} : vector<16x128xf32>, vector<128x64xf32>, vector<16x64xf32> -> vector<16x64xf32>
      %get3A_62 = arith.constant 0 : index
      %get3A_63 = arith.constant 0 : index
      %get3A_64 = vector.load %arg10[%get3A_62, %get3A_63] : memref<1x64xf32, #tpu.memory_space<vmem>>, vector<1x64xf32>
      %add3A_65 = vector.broadcast %get3A_64 : vector<1x64xf32> to vector<16x64xf32>
      %add3A_66 = arith.addf %dot_general3A_61, %add3A_65 : vector<16x64xf32>
      %max3A_67 = arith.constant 0.000000e+00 : f32
      %max3A_68 = vector.broadcast %max3A_67 : f32 to vector<16x64xf32>
      %max3A_69 = arith.maximumf %add3A_66, %max3A_68 : vector<16x64xf32>
      %get3A_70 = arith.constant 0 : index
      %get3A_71 = arith.constant 0 : index
      %get3A_72 = vector.load %arg11[%get3A_70, %get3A_71] : memref<64x10xf32, #tpu.memory_space<vmem>>, vector<64x10xf32>
      %dot_general3A_73 = arith.constant dense<0.000000e+00> : vector<16x10xf32>
      %dot_general3A_74 = tpu.matmul %max3A_69, %get3A_72, %dot_general3A_73 {dimension_numbers = #tpu.dot_dimension_numbers<[1], [0], [0], [1], [0, 0, 1, 1], [], []>, transpose_lhs_hint = false} : vector<16x64xf32>, vector<64x10xf32>, vector<16x10xf32> -> vector<16x10xf32>
      %get3A_75 = arith.constant 0 : index
      %get3A_76 = arith.constant 0 : index
      %get3A_77 = vector.load %arg12[%get3A_75, %get3A_76] : memref<1x10xf32, #tpu.memory_space<vmem>>, vector<1x10xf32>
      %add3A_78 = vector.broadcast %get3A_77 : vector<1x10xf32> to vector<16x10xf32>
      %add3A_79 = arith.addf %dot_general3A_74, %add3A_78 : vector<16x10xf32>
      %swap3A_80 = arith.constant 0 : index
      %swap3A_81 = arith.constant 0 : index
      %swap3A_82 = vector.load %arg13[%swap3A_80, %swap3A_81] : memref<16x10xf32, #tpu.memory_space<vmem>>, vector<16x10xf32>
      tpu.vector_store %arg13[%swap3A_80, %swap3A_81], %add3A_79 {strides = array<i32>} : memref<16x10xf32, #tpu.memory_space<vmem>>, vector<16x10xf32>,
    } else {
    }
    return
  }
  func.func @transform_0(%arg0: i32) -> (i32, i32) {
    %c0_i32 = arith.constant 0 : i32
    %c0_i32_0 = arith.constant 0 : i32
    return %arg0, %c0_i32 : i32, i32
  }
  func.func @transform_1(%arg0: i32) -> (i32, i32) {
    %c0_i32 = arith.constant 0 : i32
    %c0_i32_0 = arith.constant 0 : i32
    return %arg0, %c0_i32 : i32, i32
  }
  func.func @transform_2(%arg0: i32) -> (i32, i32) {
    %c0_i32 = arith.constant 0 : i32
    %c0_i32_0 = arith.constant 0 : i32
    return %arg0, %c0_i32 : i32, i32
  }
  func.func @transform_3(%arg0: i32) -> (i32, i32) {
    %c0_i32 = arith.constant 0 : i32
    %c0_i32_0 = arith.constant 0 : i32
    return %arg0, %c0_i32 : i32, i32
  }
  func.func @transform_4(%arg0: i32) -> (i32, i32) {
    %c0_i32 = arith.constant 0 : i32
    %c0_i32_0 = arith.constant 0 : i32
    %c0_i32_1 = arith.constant 0 : i32
    return %c0_i32, %c0_i32_0 : i32, i32
  }
  func.func @transform_5(%arg0: i32) -> (i32, i32) {
    %c0_i32 = arith.constant 0 : i32
    %c0_i32_0 = arith.constant 0 : i32
    return %arg0, %c0_i32 : i32, i32
  }
  func.func @transform_6(%arg0: i32) -> (i32, i32) {
    %c0_i32 = arith.constant 0 : i32
    %c0_i32_0 = arith.constant 0 : i32
    %c0_i32_1 = arith.constant 0 : i32
    return %c0_i32, %c0_i32_0 : i32, i32
  }
  func.func @transform_7(%arg0: i32) -> (i32, i32) {
    %c0_i32 = arith.constant 0 : i32
    %c0_i32_0 = arith.constant 0 : i32
    %c0_i32_1 = arith.constant 0 : i32
    return %c0_i32, %c0_i32_0 : i32, i32
  }
  func.func @transform_8(%arg0: i32) -> (i32, i32) {
    %c0_i32 = arith.constant 0 : i32
    %c0_i32_0 = arith.constant 0 : i32
    %c0_i32_1 = arith.constant 0 : i32
    return %c0_i32, %c0_i32_0 : i32, i32
  }
  func.func @transform_9(%arg0: i32) -> (i32, i32) {
    %c0_i32 = arith.constant 0 : i32
    %c0_i32_0 = arith.constant 0 : i32
    %c0_i32_1 = arith.constant 0 : i32
    return %c0_i32, %c0_i32_0 : i32, i32
  }
  func.func @transform_10(%arg0: i32) -> (i32, i32) {
    %c0_i32 = arith.constant 0 : i32
    %c0_i32_0 = arith.constant 0 : i32
    %c0_i32_1 = arith.constant 0 : i32
    return %c0_i32, %c0_i32_0 : i32, i32
  }
  func.func @transform_11(%arg0: i32) -> (i32, i32) {
    %c0_i32 = arith.constant 0 : i32
    %c0_i32_0 = arith.constant 0 : i32
    %c0_i32_1 = arith.constant 0 : i32
    return %c0_i32, %c0_i32_0 : i32, i32
  }
  func.func @transform_12(%arg0: i32) -> (i32, i32) {
    %c0_i32 = arith.constant 0 : i32
    %c0_i32_0 = arith.constant 0 : i32
    %c0_i32_1 = arith.constant 0 : i32
    return %c0_i32, %c0_i32_0 : i32, i32
  }
}

</mosaic_0001>

<sc_bundles>
// kernel: kernel.12.cloned.1.call-start
scs
__scs_entry_jumppad:
0x0: {  	(pc) =	sbr.rel $0x88, $3  }
0x1: {  	(tag) =	ssettag $0x0;
	lr =	simm.s32 $0x1  }
0x2: {  	[smem:$0x3F90] =	sst lr;
	_ =	strace $0xD0000000  }
0x3: {  	_ = 	snop  }
0x4: {  	_ = 	snop  }
0x5: {  	_ = 	snop  }
0x6: {  	_ = 	snop  }
0x7: {  	_ = 	snop  }
__scs_overlays_trampoline_lowered:
0x8: {  	[smem:$0x3F9F] =	sst s0  }
0x9: {  	[smem:$0x3FA0] =	sst s1  }
0xa: {  	[smem:$0x3FA1] =	sst s2  }
0xb: {  	[smem:$0x3FA2] =	sst s3  }
0xc: {  	[smem:$0x3FA3] =	sst s4  }
0xd: {  	[smem:$0x3FA4] =	sst s5  }
0xe: {  	[smem:$0x3FA5] =	sst s6  }
0xf: {  	[smem:$0x3FA6] =	sst s7  }
0x10: {  	[smem:$0x3FA7] =	sst s8  }
0x11: {  	[smem:$0x3FA8] =	sst s9;
	s0 =	simm.s32 @!p0 $0x0  }
0x12: {  	s1 =	sld [smem:$0x3F8E];
	s0 =	simm.s32 @p0 $0x1  }
0x13: {  	[smem:$0x3FA9] =	sst s0;
	s0 =	simm.s32 @!p1 $0x0  }
0x14: {  	s2 =	sld [smem:$0x3F8D];
	s0 =	simm.s32 @p1 $0x1  }
0x15: {  	[smem:$0x3FAA] =	sst s0;
	s0 =	simm.s32 @!p2 $0x0  }
0x16: {  	s3 =	sld [smem:$0x3FDB];
	s0 =	simm.s32 @p2 $0x1  }
0x17: {  	s4 =	simm.s32 $0x1BF5;
	[smem:$0x3FAC] =	sst s0  }
0x18: {  	s0 =	sld [smem:$0x3F8F];
	_ =	swait.ge [sflag:s4], $0x0  }
0x19: {  	s7 =	sld [smem:$0x3F90]  }
0x1a: {  	s8 =	sadd.s32 $0xFFFFE003, lr  }
0x1b: {  	s9 =	sadd.s32 $0xFFFFFEF7, lr;
	s5 =	simm.s32 $0xFFFFFFFF;
	p2 =	slt.u32 s8, $0xFFFFF086  }
0x1c: {  	p1 =	slt.u32 s9, $0xF7A;
	s5 =	simm.s32 @!p2 $0x0  }
0x1d: {  	s5 =	simm.s32 @p1 $0x1;
	p0 =	seq.s32 s7, s2  }
0x1e: {  	s7 =	smul.u32 @!p0 $0xF7A, s2;
	p2 =	seq.s32 @!p0 s5, $0x0  }
0x1f: {  	s9 =	smul.u32 $0xF7A, s1;
	s8 =	simm.s32 @!p0 $0x1BF5;
	p2 =	por !p2, p0  }
0x20: {  	[sflag:s8] =	ssyncset.s32 @!p0 $0xFFFFF086;
	s6 =	sadd.s32 @!p0 s3, s7;
	s7 =	simm.s32 @!p0 $0x108  }
0x21: {  	s3 =	sadd.s32 s3, s9;
	s6 =	sadd.s32 @!p0 $0x88, s6;
	s7 =	simm.s32 @p2 $0x1082  }
0x22: {  	[simem:s7], [sflag:s8] =	dma.local @!p0 [hbm:s6], $0xF7A  }
0x23: {  	s9 =	sor.u32 $0xD0000000, s2;
	s6 =	simm.s32 $0x108;
	_ =	swait.ge @!p0 [sflag:s8], $0x0  }
0x24: {  	s3 =	sadd.s32 $0x88, s3;
	s6 =	simm.s32 @!p1 $0x1082;
	[sflag:s4] =	ssyncset.s32 $0xFFFFF086  }
0x25: {  	[simem:s6], [sflag:s4] =	dma.local [hbm:s3], $0xF7A  }
0x26: {  	[smem:$0x3F90] =	sst s1;
	(tag) =	ssettag s2;
	_ =	strace s9  }
0x27: {  	s1 =	sld [smem:$0x3FA0]  }
0x28: {  	s2 =	sld [smem:$0x3FA1]  }
0x29: {  	s4 =	sld [smem:$0x3FA3]  }
0x2a: {  	p0 =	seq.s32 s5, $0x0;
	s5 =	sld [smem:$0x3FA4]  }
0x2b: {  	s6 =	sld [smem:$0x3FA5]  }
0x2c: {  	s7 =	sld [smem:$0x3FA6]  }
0x2d: {  	s3 =	simm.s32 $0x108;
	s8 =	sld [smem:$0x3FA7]  }
0x2e: {  	s3 =	simm.s32 @!p0 $0x1082;
	s9 =	sld [smem:$0x3FA8]  }
0x2f: {  	lr =	sadd.s32 s0, s3;
	s0 =	sld [smem:$0x3F9F]  }
0x30: {  	s3 =	sld [smem:$0x3FA2]  }
0x31: {  	[smem:$0x3FAB] =	sst s10  }
0x32: {  	s10 =	sld [smem:$0x3FA9];
	_ =	sdelay $0x3  }
0x33: {  	p0 =	seq.s32 s10, $0x1;
	s10 =	sld [smem:$0x3FAB];
	_ =	sdelay $0x3  }
0x34: {  	[smem:$0x3FAB] =	sst s10  }
0x35: {  	s10 =	sld [smem:$0x3FAA];
	_ =	sdelay $0x3  }
0x36: {  	p1 =	seq.s32 s10, $0x1;
	s10 =	sld [smem:$0x3FAB];
	_ =	sdelay $0x3  }
0x37: {  	[smem:$0x3FAB] =	sst s10  }
0x38: {  	s10 =	sld [smem:$0x3FAC]  }
0x39: {  	_ = 	snop;
	(pc) =	sbr.ind lr, $3  }
0x3a: {  	_ = 	snop  }
0x3b: {  	_ = 	snop  }
0x3c: {  	p2 =	seq.s32 s10, $0x1;
	s10 =	sld [smem:$0x3FAB]  }
0x3d: {  	_ =	shalt  }
0x3e: {  	_ =	shalt  }
0x3f: {  	_ =	shalt  }
0x40: {  	_ =	shalt  }
0x41: {  	_ =	shalt  }
0x42: {  	_ =	shalt  }
0x43: {  	_ =	shalt  }
0x44: {  	_ =	shalt  }
0x45: {  	_ =	shalt  }
0x46: {  	_ =	shalt  }
0x47: {  	_ =	shalt  }
0x48: {  	_ =	shalt  }
0x49: {  	_ =	shalt  }
0x4a: {  	_ =	shalt  }
0x4b: {  	_ =	shalt  }
0x4c: {  	_ =	shalt  }
0x4d: {  	_ =	shalt  }
0x4e: {  	_ =	shalt  }
0x4f: {  	_ =	shalt  }
0x50: {  	_ =	shalt  }
0x51: {  	_ =	shalt  }
0x52: {  	_ =	shalt  }
0x53: {  	_ =	shalt  }
0x54: {  	_ =	shalt  }
0x55: {  	_ =	shalt  }
0x56: {  	_ =	shalt  }
0x57: {  	_ =	shalt  }
0x58: {  	_ =	shalt  }
0x59: {  	_ =	shalt  }
0x5a: {  	_ =	shalt  }
0x5b: {  	_ =	shalt  }
0x5c: {  	_ =	shalt  }
0x5d: {  	_ =	shalt  }
0x5e: {  	_ =	shalt  }
0x5f: {  	_ =	shalt  }
0x60: {  	_ =	shalt  }
0x61: {  	_ =	shalt  }
0x62: {  	_ =	shalt  }
0x63: {  	_ =	shalt  }
0x64: {  	_ =	shalt  }
0x65: {  	_ =	shalt  }
0x66: {  	_ =	shalt  }
0x67: {  	_ =	shalt  }
0x68: {  	_ =	shalt  }
0x69: {  	_ =	shalt  }
0x6a: {  	_ =	shalt  }
0x6b: {  	_ =	shalt  }
0x6c: {  	_ =	shalt  }
0x6d: {  	_ =	shalt  }
0x6e: {  	_ =	shalt  }
0x6f: {  	_ =	shalt  }
0x70: {  	_ =	shalt  }
0x71: {  	_ =	shalt  }
0x72: {  	_ =	shalt  }
0x73: {  	_ =	shalt  }
0x74: {  	_ =	shalt  }
0x75: {  	_ =	shalt  }
0x76: {  	_ =	shalt  }
0x77: {  	_ =	shalt  }
0x78: {  	_ =	shalt  }
0x79: {  	_ =	shalt  }
0x7a: {  	_ =	shalt  }
0x7b: {  	_ =	shalt  }
0x7c: {  	_ =	shalt  }
0x7d: {  	_ =	shalt  }
0x7e: {  	_ =	shalt  }
0x7f: {  	_ =	shalt  }
0x80: {  	_ =	shalt  }
0x81: {  	_ =	shalt  }
0x82: {  	_ =	shalt  }
0x83: {  	_ =	shalt  }
0x84: {  	_ =	shalt  }
0x85: {  	_ =	shalt  }
0x86: {  	_ =	shalt  }
0x87: {  	_ =	shalt  }
.Lfunc_end0:
.L_simem_size_0:
called_computation_lowered:
.L_overlay_start_0:
0x88: {  	s2 =	sld [smem:$0x3FD9]  }
0x89: {  	s3 =	sld [smem:$0x3FFE];
	_ =	sdelay $0x1  }
0x8a: {  	s1 =	srdreg.scid  }
0x8b: {  	s0 =	sand.u32 $0x1, s1  }
0x8c: {  	s16 =	sshll.u32 s0, $0xA;
	s2 =	sadd.s32 s3, s2  }
0x8d: {  	s2 =	sadd.s32 s2, s16  }
0x8e: {  	[smem:$0x3FB7] =	sst s2  }
0x8f: {  	_ = 	snop  }
0x90: {  	(tm) =	ssettm $0x1  }
0x91: {  	s17 =	sld [smem:$0x3FFB];
	_ =	sdelay $0x3  }
0x92: {  	_ =	strace s17  }
0x93: {  	s2 =	sld [smem:$0x3FFC];
	_ =	sdelay $0x3  }
0x94: {  	_ =	strace s2  }
0x95: {  	s2 =	sld [smem:$0x3FFD];
	_ =	sdelay $0x3  }
0x96: {  	_ =	strace s2  }
0x97: {  	_ =	strace $0x8FFFFFFF  }
0x98: {  	s18 =	sld [smem:$0x3FDB];
	_ =	sdelay $0x1  }
0x99: {  	s19 =	simm.s32 $_scs_section_size  }
0x9a: {  	s4 =	simm.s32 $_size__tile_overlayer_lowered;
	s5 =	simm.s32 $_tile_overlayer_lowered  }
0x9b: {  	s22 =	simm.s32 $0x1BFF;
	s21 =	sshll.u32 s5, $0x1;
	s2 =	sadd.s32 s19, s18  }
0x9c: {  	s6 =	simm.s32 $0x0;
	s20 =	sshll.u32 s4, $0x1;
	s4 =	sadd.s32 s21, s2  }
0x9d: {  	[timem:s6], [sflag:s22] =	dma.local [hbm:s4], s20  }
0x9e: {  	_ =	swait.ge [sflag:s22], s20  }
0x9f: {  	s3 =	ssub.s32 $0x0, s20;
	[sflag:s22] =	ssyncset.done $0x0  }
0xa0: {  	[sflag:s22] =	ssyncadd.s32 s3;
	_ =	sdelay $0x1  }
0xa1: {  	s23 =	simm.s32 $0x1B8B  }
0xa2: {  	_ =	swait.ge [sflag:s23], $0x1  }
0xa3: {  	[sflag:s23] =	ssyncset.done $0x0  }
0xa4: {  	s25 =	simm.s32 $0x1B8E;
	s24 =	sld [smem:$0x3FFE];
	[sflag:s23] =	ssyncadd.s32 $0xFFFFFFFF  }
0xa5: {  	s26 =	simm.s32 $execute0_lowered;
	[smem:$0x3FD2] =	sst s25  }
0xa6: {  	s4 =	sshll.u32 s26, $0x1;
	_ =	strace $0x80000046;
	[dreg:$0x1] =	wrdreg $0xFFFFFFFF  }
0xa7: {  	s28 =	simm.s32 $_size_execute0_lowered;
	s2 =	sadd.s32 s2, s4;
	[dreg:$0x0] =	wrdreg $0x0  }
0xa8: {  	s4 =	sshll.u32 s28, $0x1;
	[dreg:$0x2] =	wrdreg s2  }
0xa9: {  	[dreg:$0x3] =	wrdreg s4  }
0xaa: {  	[dreg:$0x4] =	wrdreg $0xC0  }
0xab: {  	_ =	task [dreg:s6], $0x5FFFF  }
0xac: {  	[dreg:$0x1] =	wrdreg $0xFFFFFFFF  }
0xad: {  	[dreg:$0x0] =	wrdreg $0x60  }
0xae: {  	[dreg:$0x2] =	wrdreg s24  }
0xaf: {  	[dreg:$0x3] =	wrdreg $0x68800  }
0xb0: {  	[dreg:$0x4] =	wrdreg $0x9  }
0xb1: {  	_ =	task.clear_ibuf [dreg:s6], $0x5FFFF;
	_ =	strace $0x90000046  }
0xb2: {  	s29 =	simm.s32 $0x9;
	_ =	strace $0x80000048  }
0xb3: {  	_ =	swait.ge [sflag:s29], $0x1  }
0xb4: {  	[sflag:s29] =	ssyncadd.s32 $0xFFFFFFFF  }
0xb5: {  	_ =	strace $0x90000048  }
0xb6: {  	_ =	sfence  }
0xb7: {  	s30 =	sld [smem:$0x0];
	_ =	sdelay $0x2  }
0xb8: {  	s31 =	sshll.u32 s1, $0xD;
	s1 =	sshrl.u32 s1, $0x2  }
0xb9: {  	s3 =	sand.u32 $0x4000, s31;
	s1 =	sadd.s32 s1, s30  }
0xba: {  	s0 =	sor.u32 s3, s0;
	s1 =	sshll.u32 s1, $0x11  }
0xbb: {  	s0 =	sor.u32 s1, s0  }
0xbc: {  	s0 =	sadd.s32 $0x8F2B, s0  }
0xbd: {  	[sflag:s0] =	ssyncadd.remote.s32 $0x1  }
0xbe: {  	_ =	sfence.sel $0xFFFF  }
0xbf: {  	[dreg:$0x0] =	wrdreg $0xFFFFFFFF;
	(pc) =	sbr.abs _section_cstart, $3  }
0xc0: {  	[dreg:$0x1] =	wrdreg $0xFFFFFFFF  }
0xc1: {  	_ =	task.clear_ibuf [dreg:s6], $0x2FFFF;
	_ =	strace $0x9FFFFFFF  }
0xc2: {  	(tm) =	ssettm $0x7FFFFFFF  }
0xc3: {  	_ =	shalt  }
tec
execute0_lowered:
.L_overlay_start_1:
0x0: {  	(tag) =	ssettag $0x1  }
0x1: {  	s6 =	rddreg [dreg:$0x0]  }
0x2: {  	s0 =	srdreg.scid;
	s2 =	rddreg [dreg:$0x1]  }
0x3: {  	s1 =	rddreg [dreg:$0x2];
	s7 =	sand.u32 $0x1, s0  }
0x4: {  	s0 =	stileid.u32;
	s4 =	smul.u32 $0x27100, s7  }
0x5: {  	s3 =	simm.s32 $0x0;
	s21 =	simm.s32 $0x50;
	s5 =	smul.u32 $0x2710, s0  }
0x6: {  	s22 =	simm.s32 $0x0;
	[smem:$0x7FF] =	sst s3;
	s8 =	smul.u32 $0x50000, s0  }
0x7: {  	s15 =	sadd.s32 $0x1BA00, s6;
	s9 =	ssub.s32 $0x2, s7;
	s10 =	smul.u32 $0x14000, s0  }
0x8: {  	_ =	strace $0x80000047;
	s18 =	smul.u32 $0x140000, s7;
	s31 =	sshrl.u32 s9, $0x1  }
0x9: {  	s4 =	sadd.s32 s5, s4;
	s5 =	sadd.s32 $0x1AC00, s6;
	s8 =	sshrl.u32 s8, $0x2  }
0xa: {  	s16 =	ssub.s32 s9, s31;
	s11 =	sadd.s32 $0x4000, s10;
	s13 =	sadd.s32 $0x8000, s10  }
0xb: {  	s14 =	sadd.s32 $0xC000, s10;
	s19 =	sadd.s32 $0x10000, s10;
	s12 =	sadd.s32 s10, s18  }
0xc: {  	s4 =	sshrl.u32 s4, $0x3;
	s7 =	sadd.s32 s11, s2;
	s9 =	sadd.s32 s14, s2  }
0xd: {  	s11 =	sadd.s32 s18, s11;
	s10 =	sadd.s32 s19, s2;
	s12 =	sshrl.u32 s12, $0x3  }
0xe: {  	s14 =	sadd.s32 s18, s14;
	s16 =	smax.u32 s16, $0x1;
	s17 =	sadd.s32 s4, s6  }
0xf: {  	s4 =	sadd.s32 $0x1B400, s6;
	s6 =	sadd.s32 s8, s2;
	s8 =	sadd.s32 s13, s2  }
0x10: {  	s20 =	sshrl.u32 s11, $0x3;
	s11 =	sadd.s32 s15, s12;
	s13 =	sadd.s32 s18, s13  }
0x11: {  	s18 =	sadd.s32 s18, s19;
	s14 =	sshrl.u32 s14, $0x3;
	s19 =	simm.s32 $0x1  }
0x12: {  	s12 =	sadd.s32 s15, s20;
	s13 =	sshrl.u32 s13, $0x3;
	s18 =	sshrl.u32 s18, $0x3  }
0x13: {  	s14 =	sadd.s32 s15, s14;
	s17 =	sadd.s32 $0x10E00, s17;
	s20 =	simm.s32 $0x2880  }
0x14: {  	s13 =	sadd.s32 s15, s13;
	s15 =	sadd.s32 s15, s18;
	s18 =	simm.s32 $0x80  }
.LBB2_1:
0x15: {  	[tilespmem:s18], [sflag:$0x1] =	stream.linear.gather [hbm4b:s4+s3], $0x2800, $0x38;
	[tilespmem:$0x1A880] =	vst v63  }
0x16: {  	_ =	swait.ge [sflag:s19], $0x2800  }
0x17: {  	[sflag:s19] =	ssyncset.done $0x0  }
0x18: {  	[sflag:s19] =	ssyncadd.s32 $0xFFFFD800  }
0x19: {  	[tilespmem:s20], [sflag:$0x1] =	stream.linear.gather [hbm4b:s5+s3], $0x4000, $0x38;
	[tilespmem:$0x1A880] =	vst v63  }
0x1a: {  	_ =	swait.ge [sflag:s19], $0x4000  }
0x1b: {  	[sflag:s19] =	ssyncset.done $0x0  }
0x1c: {  	[sflag:s19] =	ssyncadd.s32 $0xFFFFC000  }
0x1d: {  	[spmem:s6] =	stream.linear.scatter [tilespmem:s20], [sflag:$0x1], $0x4000, $0x38;
	[tilespmem:$0x1A880] =	vst v63  }
0x1e: {  	_ =	swait.ge [sflag:s19], $0x4000  }
0x1f: {  	[sflag:s19] =	ssyncset.done $0x0  }
0x20: {  	[sflag:s19] =	ssyncadd.s32 $0xFFFFC000  }
0x21: {  	[spmem:s7] =	stream.linear.scatter [tilespmem:s20], [sflag:$0x1], $0x4000, $0x38;
	[tilespmem:$0x1A880] =	vst v63  }
0x22: {  	_ =	swait.ge [sflag:s19], $0x4000  }
0x23: {  	[sflag:s19] =	ssyncset.done $0x0  }
0x24: {  	[sflag:s19] =	ssyncadd.s32 $0xFFFFC000  }
0x25: {  	[spmem:s8] =	stream.linear.scatter [tilespmem:s20], [sflag:$0x1], $0x4000, $0x38;
	[tilespmem:$0x1A880] =	vst v63  }
0x26: {  	_ =	swait.ge [sflag:s19], $0x4000  }
0x27: {  	[sflag:s19] =	ssyncset.done $0x0  }
0x28: {  	[sflag:s19] =	ssyncadd.s32 $0xFFFFC000  }
0x29: {  	[spmem:s9] =	stream.linear.scatter [tilespmem:s20], [sflag:$0x1], $0x4000, $0x38;
	[tilespmem:$0x1A880] =	vst v63  }
0x2a: {  	_ =	swait.ge [sflag:s19], $0x4000  }
0x2b: {  	[sflag:s19] =	ssyncset.done $0x0  }
0x2c: {  	[sflag:s19] =	ssyncadd.s32 $0xFFFFC000  }
0x2d: {  	[spmem:s10] =	stream.linear.scatter [tilespmem:s20], [sflag:$0x1], $0x4000, $0x38;
	[tilespmem:$0x1A880] =	vst v63  }
0x2e: {  	_ =	swait.ge [sflag:s19], $0x4000  }
0x2f: {  	[sflag:s19] =	ssyncset.done $0x0  }
0x30: {  	[sflag:s19] =	ssyncadd.s32 $0xFFFFC000  }
0x31: {  	s23 =	sadd.s32 $0x0, s17;
	[bflag:$0x0] =	sbarrier.arrive $0xFFFF  }
0x32: {  	[tilespmem:s3], [sflag:$0x1] =	stream.linear.gather [hbm4b:s23+s3], $0x50, $0x38;
	[tilespmem:$0x1A880] =	vst v63  }
0x33: {  	_ =	swait.ge [sflag:s19], $0x50  }
0x34: {  	[sflag:s19] =	ssyncset.done $0x0  }
0x35: {  	[sflag:s19] =	ssyncadd.s32 $0xFFFFFFB0  }
0x36: {  	[spmem:s2] =	stream.indirect.scatter.add.f32 [tilespmem:s18], [sflag:$0x1], $0x80, s3, s21, $0xb8;
	[tilespmem:$0x1A880] =	vst v63  }
0x37: {  	_ =	swait.ge [sflag:s19], $0x2800  }
0x38: {  	s24 =	simm.s32 $0x14;
	s23 =	simm.s32 $0xA;
	[sflag:s19] =	ssyncset.done $0x0  }
.LBB2_2:
0x39: {  	s25 =	sadd.s32 s23, s17  }
0x3a: {  	[sflag:s19] =	ssyncadd.s32 $0xFFFFD800;
	s23 =	smov.u32 s24;
	s26 =	sadd.s32 $0xA, s24  }
0x3b: {  	[tilespmem:s3], [sflag:$0x1] =	stream.linear.gather [hbm4b:s25+s3], $0x50, $0x38;
	[tilespmem:$0x1A880] =	vst v63  }
0x3c: {  	p0 =	sne.s32 s24, $0x4D8;
	_ =	swait.ge [sflag:s19], $0x50  }
.Ltmp0:
0x3d: {  	[sflag:s19] =	ssyncset.done $0x0;
	(pc) =	sbr.rel @p0 .LBB2_2-.Ltmp0, $4  }
0x3e: {  	[sflag:s19] =	ssyncadd.s32 $0xFFFFFFB0  }
0x3f: {  	[spmem:s2] =	stream.indirect.scatter.add.f32 [tilespmem:s18], [sflag:$0x1], $0x80, s3, s21, $0xb8;
	[tilespmem:$0x1A880] =	vst v63  }
0x40: {  	_ =	swait.ge [sflag:s19], $0x2800  }
0x41: {  	s24 =	smov.u32 s26;
	[sflag:s19] =	ssyncset.done $0x0  }
0x42: {  	s23 =	sadd.s32 s23, s17;
	[sflag:s19] =	ssyncadd.s32 $0xFFFFD800  }
0x43: {  	[tilespmem:s3], [sflag:$0x1] =	stream.linear.gather [hbm4b:s23+s3], $0x50, $0x38;
	[tilespmem:$0x1A880] =	vst v63  }
0x44: {  	_ =	swait.ge [sflag:s19], $0x50  }
0x45: {  	[sflag:s19] =	ssyncset.done $0x0  }
0x46: {  	[sflag:s19] =	ssyncadd.s32 $0xFFFFFFB0  }
0x47: {  	[spmem:s2] =	stream.indirect.scatter.add.f32 [tilespmem:s18], [sflag:$0x1], $0x80, s3, s21, $0xb8;
	[tilespmem:$0x1A880] =	vst v63  }
0x48: {  	_ =	swait.ge [sflag:s19], $0x2800  }
0x49: {  	[sflag:s19] =	ssyncset.done $0x0  }
0x4a: {  	[sflag:s19] =	ssyncadd.s32 $0xFFFFD800  }
0x4b: {  	[bflag:$0x0] =	sbarrier.arrive $0xFFFF  }
0x4c: {  	[tilespmem:s20], [sflag:$0x1] =	stream.linear.gather [spmem:s6], $0x4000, $0x38;
	[tilespmem:$0x1A880] =	vst v63  }
0x4d: {  	_ =	swait.ge [sflag:s19], $0x4000  }
0x4e: {  	[sflag:s19] =	ssyncset.done $0x0  }
0x4f: {  	[sflag:s19] =	ssyncadd.s32 $0xFFFFC000  }
0x50: {  	[hbm4b:s11+s3] =	stream.linear.scatter [tilespmem:s20], [sflag:$0x1], $0x4000, $0x38;
	[tilespmem:$0x1A880] =	vst v63  }
0x51: {  	_ =	swait.ge [sflag:s19], $0x4000  }
0x52: {  	[sflag:s19] =	ssyncset.done $0x0  }
0x53: {  	[sflag:s19] =	ssyncadd.s32 $0xFFFFC000  }
0x54: {  	[tilespmem:s20], [sflag:$0x1] =	stream.linear.gather [spmem:s7], $0x4000, $0x38;
	[tilespmem:$0x1A880] =	vst v63  }
0x55: {  	_ =	swait.ge [sflag:s19], $0x4000  }
0x56: {  	[sflag:s19] =	ssyncset.done $0x0  }
0x57: {  	[sflag:s19] =	ssyncadd.s32 $0xFFFFC000  }
0x58: {  	[hbm4b:s12+s3] =	stream.linear.scatter [tilespmem:s20], [sflag:$0x1], $0x4000, $0x38;
	[tilespmem:$0x1A880] =	vst v63  }
0x59: {  	_ =	swait.ge [sflag:s19], $0x4000  }
0x5a: {  	[sflag:s19] =	ssyncset.done $0x0  }
0x5b: {  	[sflag:s19] =	ssyncadd.s32 $0xFFFFC000  }
0x5c: {  	[tilespmem:s20], [sflag:$0x1] =	stream.linear.gather [spmem:s8], $0x4000, $0x38;
	[tilespmem:$0x1A880] =	vst v63  }
0x5d: {  	_ =	swait.ge [sflag:s19], $0x4000  }
0x5e: {  	[sflag:s19] =	ssyncset.done $0x0  }
0x5f: {  	[sflag:s19] =	ssyncadd.s32 $0xFFFFC000  }
0x60: {  	[hbm4b:s13+s3] =	stream.linear.scatter [tilespmem:s20], [sflag:$0x1], $0x4000, $0x38;
	[tilespmem:$0x1A880] =	vst v63  }
0x61: {  	_ =	swait.ge [sflag:s19], $0x4000  }
0x62: {  	[sflag:s19] =	ssyncset.done $0x0  }
0x63: {  	[sflag:s19] =	ssyncadd.s32 $0xFFFFC000  }
0x64: {  	[tilespmem:s20], [sflag:$0x1] =	stream.linear.gather [spmem:s9], $0x4000, $0x38;
	[tilespmem:$0x1A880] =	vst v63  }
0x65: {  	_ =	swait.ge [sflag:s19], $0x4000  }
0x66: {  	[sflag:s19] =	ssyncset.done $0x0  }
0x67: {  	[sflag:s19] =	ssyncadd.s32 $0xFFFFC000  }
0x68: {  	[hbm4b:s14+s3] =	stream.linear.scatter [tilespmem:s20], [sflag:$0x1], $0x4000, $0x38;
	[tilespmem:$0x1A880] =	vst v63  }
0x69: {  	_ =	swait.ge [sflag:s19], $0x4000  }
0x6a: {  	[sflag:s19] =	ssyncset.done $0x0  }
0x6b: {  	[sflag:s19] =	ssyncadd.s32 $0xFFFFC000  }
0x6c: {  	[tilespmem:s20], [sflag:$0x1] =	stream.linear.gather [spmem:s10], $0x4000, $0x38;
	[tilespmem:$0x1A880] =	vst v63  }
0x6d: {  	s22 =	sadd.s32 $0x1, s22;
	_ =	swait.ge [sflag:s19], $0x4000  }
0x6e: {  	p0 =	sne.s32 s22, s16;
	[sflag:s19] =	ssyncset.done $0x0  }
.Ltmp1:
0x6f: {  	[sflag:s19] =	ssyncadd.s32 $0xFFFFC000;
	(pc) =	sbr.rel @p0 .LBB2_1-.Ltmp1, $4  }
0x70: {  	[hbm4b:s15+s3] =	stream.linear.scatter [tilespmem:s20], [sflag:$0x1], $0x4000, $0x38;
	[tilespmem:$0x1A880] =	vst v63  }
0x71: {  	_ =	swait.ge [sflag:s19], $0x4000  }
0x72: {  	[sflag:s19] =	ssyncset.done $0x0  }
0x73: {  	[sflag:s19] =	ssyncadd.s32 $0xFFFFC000  }
0x74: {  	_ =	sfence.sel $0x180000  }
0x75: {  	[bflag:$0x0] =	sbarrier.arrive $0xFFFF  }
0x76: {  	p0 =	sne.s32 s0, $0x0;
	_ =	strace $0x90000047  }
0x77: {  	s0 =	sadd.s32 @!p0 $0x100000, s1;
	[bflag:$0x2] =	sbarrier.arrive $0xFFFF  }
0x78: {  	[sflag:s0] =	ssyncadd.tile.s32 @!p0 $0x1;
	_ =	shalt  }
.Lfunc_end2:
_tile_overlayer_lowered:
.L_overlay_start_2:
0x79: {  	(tag) =	ssettag $0x2  }
0x7a: {  	s0 =	rddreg [dreg:$0x0];
	s2 =	stileid.u32  }
0x7b: {  	s1 =	rddreg [dreg:$0x1];
	p0 =	sne.s32 s2, $0x0  }
0x7c: {  	s3 =	rddreg [dreg:$0x2];
	[bflag:$0x3] =	sbarrier.arrive $0xFFFF;
	s2 =	simm.s32 @!p0 $0x1C01  }
0x7d: {  	[timem:s3], [sflag:s2] =	dma.local @!p0 [hbm:s0], s1  }
0x7e: {  	s0 =	simm.s32 @!p0 $0x1  }
0x7f: {  	_ =	swait.ge @!p0 [sflag:s0], s1  }
0x80: {  	s1 =	ssub.s32 @!p0 $0x0, s1;
	[sflag:s0] =	ssyncset.done @!p0 $0x0  }
0x81: {  	[sflag:s0] =	ssyncadd.s32 @!p0 s1  }
0x82: {  	[bflag:$0x3] =	sbarrier.arrive $0xFFFF  }
0x83: {  	_ =	shalt  }

// kernel: kernel.15.cloned.1.call-start
scs
__scs_entry_jumppad:
0x0: {  	(pc) =	sbr.rel $0x88, $3  }
0x1: {  	(tag) =	ssettag $0x0;
	lr =	simm.s32 $0x1  }
0x2: {  	[smem:$0x3F90] =	sst lr;
	_ =	strace $0xD0000000  }
0x3: {  	_ = 	snop  }
0x4: {  	_ = 	snop  }
0x5: {  	_ = 	snop  }
0x6: {  	_ = 	snop  }
0x7: {  	_ = 	snop  }
__scs_overlays_trampoline_lowered:
0x8: {  	[smem:$0x3F9F] =	sst s0  }
0x9: {  	[smem:$0x3FA0] =	sst s1  }
0xa: {  	[smem:$0x3FA1] =	sst s2  }
0xb: {  	[smem:$0x3FA2] =	sst s3  }
0xc: {  	[smem:$0x3FA3] =	sst s4  }
0xd: {  	[smem:$0x3FA4] =	sst s5  }
0xe: {  	[smem:$0x3FA5] =	sst s6  }
0xf: {  	[smem:$0x3FA6] =	sst s7  }
0x10: {  	[smem:$0x3FA7] =	sst s8  }
0x11: {  	[smem:$0x3FA8] =	sst s9;
	s0 =	simm.s32 @!p0 $0x0  }
0x12: {  	s1 =	sld [smem:$0x3F8E];
	s0 =	simm.s32 @p0 $0x1  }
0x13: {  	[smem:$0x3FA9] =	sst s0;
	s0 =	simm.s32 @!p1 $0x0  }
0x14: {  	s2 =	sld [smem:$0x3F8D];
	s0 =	simm.s32 @p1 $0x1  }
0x15: {  	[smem:$0x3FAA] =	sst s0;
	s0 =	simm.s32 @!p2 $0x0  }
0x16: {  	s3 =	sld [smem:$0x3FDB];
	s0 =	simm.s32 @p2 $0x1  }
0x17: {  	s4 =	simm.s32 $0x1BF5;
	[smem:$0x3FAC] =	sst s0  }
0x18: {  	s0 =	sld [smem:$0x3F8F];
	_ =	swait.ge [sflag:s4], $0x0  }
0x19: {  	s7 =	sld [smem:$0x3F90]  }
0x1a: {  	s8 =	sadd.s32 $0xFFFFE003, lr  }
0x1b: {  	s9 =	sadd.s32 $0xFFFFFEF7, lr;
	s5 =	simm.s32 $0xFFFFFFFF;
	p2 =	slt.u32 s8, $0xFFFFF086  }
0x1c: {  	p1 =	slt.u32 s9, $0xF7A;
	s5 =	simm.s32 @!p2 $0x0  }
0x1d: {  	s5 =	simm.s32 @p1 $0x1;
	p0 =	seq.s32 s7, s2  }
0x1e: {  	s7 =	smul.u32 @!p0 $0xF7A, s2;
	p2 =	seq.s32 @!p0 s5, $0x0  }
0x1f: {  	s9 =	smul.u32 $0xF7A, s1;
	s8 =	simm.s32 @!p0 $0x1BF5;
	p2 =	por !p2, p0  }
0x20: {  	[sflag:s8] =	ssyncset.s32 @!p0 $0xFFFFF086;
	s6 =	sadd.s32 @!p0 s3, s7;
	s7 =	simm.s32 @!p0 $0x108  }
0x21: {  	s3 =	sadd.s32 s3, s9;
	s6 =	sadd.s32 @!p0 $0x88, s6;
	s7 =	simm.s32 @p2 $0x1082  }
0x22: {  	[simem:s7], [sflag:s8] =	dma.local @!p0 [hbm:s6], $0xF7A  }
0x23: {  	s9 =	sor.u32 $0xD0000000, s2;
	s6 =	simm.s32 $0x108;
	_ =	swait.ge @!p0 [sflag:s8], $0x0  }
0x24: {  	s3 =	sadd.s32 $0x88, s3;
	s6 =	simm.s32 @!p1 $0x1082;
	[sflag:s4] =	ssyncset.s32 $0xFFFFF086  }
0x25: {  	[simem:s6], [sflag:s4] =	dma.local [hbm:s3], $0xF7A  }
0x26: {  	[smem:$0x3F90] =	sst s1;
	(tag) =	ssettag s2;
	_ =	strace s9  }
0x27: {  	s1 =	sld [smem:$0x3FA0]  }
0x28: {  	s2 =	sld [smem:$0x3FA1]  }
0x29: {  	s4 =	sld [smem:$0x3FA3]  }
0x2a: {  	p0 =	seq.s32 s5, $0x0;
	s5 =	sld [smem:$0x3FA4]  }
0x2b: {  	s6 =	sld [smem:$0x3FA5]  }
0x2c: {  	s7 =	sld [smem:$0x3FA6]  }
0x2d: {  	s3 =	simm.s32 $0x108;
	s8 =	sld [smem:$0x3FA7]  }
0x2e: {  	s3 =	simm.s32 @!p0 $0x1082;
	s9 =	sld [smem:$0x3FA8]  }
0x2f: {  	lr =	sadd.s32 s0, s3;
	s0 =	sld [smem:$0x3F9F]  }
0x30: {  	s3 =	sld [smem:$0x3FA2]  }
0x31: {  	[smem:$0x3FAB] =	sst s10  }
0x32: {  	s10 =	sld [smem:$0x3FA9];
	_ =	sdelay $0x3  }
0x33: {  	p0 =	seq.s32 s10, $0x1;
	s10 =	sld [smem:$0x3FAB];
	_ =	sdelay $0x3  }
0x34: {  	[smem:$0x3FAB] =	sst s10  }
0x35: {  	s10 =	sld [smem:$0x3FAA];
	_ =	sdelay $0x3  }
0x36: {  	p1 =	seq.s32 s10, $0x1;
	s10 =	sld [smem:$0x3FAB];
	_ =	sdelay $0x3  }
0x37: {  	[smem:$0x3FAB] =	sst s10  }
0x38: {  	s10 =	sld [smem:$0x3FAC]  }
0x39: {  	_ = 	snop;
	(pc) =	sbr.ind lr, $3  }
0x3a: {  	_ = 	snop  }
0x3b: {  	_ = 	snop  }
0x3c: {  	p2 =	seq.s32 s10, $0x1;
	s10 =	sld [smem:$0x3FAB]  }
0x3d: {  	_ =	shalt  }
0x3e: {  	_ =	shalt  }
0x3f: {  	_ =	shalt  }
0x40: {  	_ =	shalt  }
0x41: {  	_ =	shalt  }
0x42: {  	_ =	shalt  }
0x43: {  	_ =	shalt  }
0x44: {  	_ =	shalt  }
0x45: {  	_ =	shalt  }
0x46: {  	_ =	shalt  }
0x47: {  	_ =	shalt  }
0x48: {  	_ =	shalt  }
0x49: {  	_ =	shalt  }
0x4a: {  	_ =	shalt  }
0x4b: {  	_ =	shalt  }
0x4c: {  	_ =	shalt  }
0x4d: {  	_ =	shalt  }
0x4e: {  	_ =	shalt  }
0x4f: {  	_ =	shalt  }
0x50: {  	_ =	shalt  }
0x51: {  	_ =	shalt  }
0x52: {  	_ =	shalt  }
0x53: {  	_ =	shalt  }
0x54: {  	_ =	shalt  }
0x55: {  	_ =	shalt  }
0x56: {  	_ =	shalt  }
0x57: {  	_ =	shalt  }
0x58: {  	_ =	shalt  }
0x59: {  	_ =	shalt  }
0x5a: {  	_ =	shalt  }
0x5b: {  	_ =	shalt  }
0x5c: {  	_ =	shalt  }
0x5d: {  	_ =	shalt  }
0x5e: {  	_ =	shalt  }
0x5f: {  	_ =	shalt  }
0x60: {  	_ =	shalt  }
0x61: {  	_ =	shalt  }
0x62: {  	_ =	shalt  }
0x63: {  	_ =	shalt  }
0x64: {  	_ =	shalt  }
0x65: {  	_ =	shalt  }
0x66: {  	_ =	shalt  }
0x67: {  	_ =	shalt  }
0x68: {  	_ =	shalt  }
0x69: {  	_ =	shalt  }
0x6a: {  	_ =	shalt  }
0x6b: {  	_ =	shalt  }
0x6c: {  	_ =	shalt  }
0x6d: {  	_ =	shalt  }
0x6e: {  	_ =	shalt  }
0x6f: {  	_ =	shalt  }
0x70: {  	_ =	shalt  }
0x71: {  	_ =	shalt  }
0x72: {  	_ =	shalt  }
0x73: {  	_ =	shalt  }
0x74: {  	_ =	shalt  }
0x75: {  	_ =	shalt  }
0x76: {  	_ =	shalt  }
0x77: {  	_ =	shalt  }
0x78: {  	_ =	shalt  }
0x79: {  	_ =	shalt  }
0x7a: {  	_ =	shalt  }
0x7b: {  	_ =	shalt  }
0x7c: {  	_ =	shalt  }
0x7d: {  	_ =	shalt  }
0x7e: {  	_ =	shalt  }
0x7f: {  	_ =	shalt  }
0x80: {  	_ =	shalt  }
0x81: {  	_ =	shalt  }
0x82: {  	_ =	shalt  }
0x83: {  	_ =	shalt  }
0x84: {  	_ =	shalt  }
0x85: {  	_ =	shalt  }
0x86: {  	_ =	shalt  }
0x87: {  	_ =	shalt  }
.Lfunc_end0:
.L_simem_size_0:
called_computation.1_lowered:
.L_overlay_start_0:
0x88: {  	s2 =	sld [smem:$0x3FD9]  }
0x89: {  	s3 =	sld [smem:$0x3FFE];
	_ =	sdelay $0x1  }
0x8a: {  	s1 =	srdreg.scid  }
0x8b: {  	s0 =	sand.u32 $0x1, s1  }
0x8c: {  	s16 =	sshll.u32 s0, $0xA;
	s2 =	sadd.s32 s3, s2  }
0x8d: {  	s2 =	sadd.s32 s2, s16  }
0x8e: {  	[smem:$0x3FB7] =	sst s2  }
0x8f: {  	_ = 	snop  }
0x90: {  	(tm) =	ssettm $0x1  }
0x91: {  	s17 =	sld [smem:$0x3FFB];
	_ =	sdelay $0x3  }
0x92: {  	_ =	strace s17  }
0x93: {  	s2 =	sld [smem:$0x3FFC];
	_ =	sdelay $0x3  }
0x94: {  	_ =	strace s2  }
0x95: {  	s2 =	sld [smem:$0x3FFD];
	_ =	sdelay $0x3  }
0x96: {  	_ =	strace s2  }
0x97: {  	_ =	strace $0x8FFFFFFF  }
0x98: {  	s18 =	sld [smem:$0x3FDB];
	_ =	sdelay $0x1  }
0x99: {  	s19 =	simm.s32 $_scs_section_size  }
0x9a: {  	s4 =	simm.s32 $_size__tile_overlayer_lowered;
	s5 =	simm.s32 $_tile_overlayer_lowered  }
0x9b: {  	s22 =	simm.s32 $0x1BFF;
	s21 =	sshll.u32 s5, $0x1;
	s2 =	sadd.s32 s19, s18  }
0x9c: {  	s6 =	simm.s32 $0x0;
	s20 =	sshll.u32 s4, $0x1;
	s4 =	sadd.s32 s21, s2  }
0x9d: {  	[timem:s6], [sflag:s22] =	dma.local [hbm:s4], s20  }
0x9e: {  	_ =	swait.ge [sflag:s22], s20  }
0x9f: {  	s3 =	ssub.s32 $0x0, s20;
	[sflag:s22] =	ssyncset.done $0x0  }
0xa0: {  	[sflag:s22] =	ssyncadd.s32 s3;
	_ =	sdelay $0x1  }
0xa1: {  	s23 =	simm.s32 $0x1B8B  }
0xa2: {  	_ =	swait.ge [sflag:s23], $0x1  }
0xa3: {  	[sflag:s23] =	ssyncset.done $0x0  }
0xa4: {  	s25 =	simm.s32 $0x1B8E;
	s24 =	sld [smem:$0x3FFE];
	[sflag:s23] =	ssyncadd.s32 $0xFFFFFFFF  }
0xa5: {  	s26 =	simm.s32 $execute0_lowered;
	[smem:$0x3FD2] =	sst s25  }
0xa6: {  	s4 =	sshll.u32 s26, $0x1;
	_ =	strace $0x80000049;
	[dreg:$0x1] =	wrdreg $0xFFFFFFFF  }
0xa7: {  	s28 =	simm.s32 $_size_execute0_lowered;
	s2 =	sadd.s32 s2, s4;
	[dreg:$0x0] =	wrdreg $0x0  }
0xa8: {  	s4 =	sshll.u32 s28, $0x1;
	[dreg:$0x2] =	wrdreg s2  }
0xa9: {  	[dreg:$0x3] =	wrdreg s4  }
0xaa: {  	[dreg:$0x4] =	wrdreg $0xC0  }
0xab: {  	_ =	task [dreg:s6], $0x5FFFF  }
0xac: {  	[dreg:$0x1] =	wrdreg $0xFFFFFFFF  }
0xad: {  	[dreg:$0x0] =	wrdreg $0x60  }
0xae: {  	[dreg:$0x2] =	wrdreg s24  }
0xaf: {  	[dreg:$0x3] =	wrdreg $0x69000  }
0xb0: {  	[dreg:$0x4] =	wrdreg $0x9  }
0xb1: {  	_ =	task.clear_ibuf [dreg:s6], $0x5FFFF;
	_ =	strace $0x90000049  }
0xb2: {  	s29 =	simm.s32 $0x9;
	_ =	strace $0x8000004B  }
0xb3: {  	_ =	swait.ge [sflag:s29], $0x1  }
0xb4: {  	[sflag:s29] =	ssyncadd.s32 $0xFFFFFFFF  }
0xb5: {  	_ =	strace $0x9000004B  }
0xb6: {  	_ =	sfence  }
0xb7: {  	s30 =	sld [smem:$0x0];
	_ =	sdelay $0x2  }
0xb8: {  	s31 =	sshll.u32 s1, $0xD;
	s1 =	sshrl.u32 s1, $0x2  }
0xb9: {  	s3 =	sand.u32 $0x4000, s31;
	s1 =	sadd.s32 s1, s30  }
0xba: {  	s0 =	sor.u32 s3, s0;
	s1 =	sshll.u32 s1, $0x11  }
0xbb: {  	s0 =	sor.u32 s1, s0  }
0xbc: {  	s0 =	sadd.s32 $0x8F2B, s0  }
0xbd: {  	[sflag:s0] =	ssyncadd.remote.s32 $0x1  }
0xbe: {  	_ =	sfence.sel $0xFFFF  }
0xbf: {  	[dreg:$0x0] =	wrdreg $0xFFFFFFFF;
	(pc) =	sbr.abs _section_cstart, $3  }
0xc0: {  	[dreg:$0x1] =	wrdreg $0xFFFFFFFF  }
0xc1: {  	_ =	task.clear_ibuf [dreg:s6], $0x2FFFF;
	_ =	strace $0x9FFFFFFF  }
0xc2: {  	(tm) =	ssettm $0x7FFFFFFF  }
0xc3: {  	_ =	shalt  }
tec
execute0_lowered:
.L_overlay_start_1:
0x0: {  	(tag) =	ssettag $0x1  }
0x1: {  	s6 =	rddreg [dreg:$0x0]  }
0x2: {  	s2 =	rddreg [dreg:$0x1]  }
0x3: {  	s0 =	srdreg.scid;
	s1 =	rddreg [dreg:$0x2]  }
0x4: {  	s3 =	simm.s32 $0x0;
	s21 =	simm.s32 $0x80;
	s7 =	sand.u32 $0x1, s0  }
0x5: {  	s22 =	simm.s32 $0x50;
	s0 =	stileid.u32;
	s4 =	smul.u32 $0x27100, s7  }
0x6: {  	s23 =	simm.s32 $0x100;
	s24 =	simm.s32 $0x1;
	s5 =	smul.u32 $0x2710, s0  }
0x7: {  	s25 =	simm.s32 $0x0;
	[smem:$0x7FF] =	sst s3;
	s8 =	smul.u32 $0x50000, s0  }
0x8: {  	s15 =	sadd.s32 $0x6B400, s6;
	s9 =	ssub.s32 $0x2, s7;
	s10 =	smul.u32 $0x14000, s0  }
0x9: {  	_ =	strace $0x8000004A;
	s17 =	smul.u32 $0x140000, s7;
	s31 =	sshrl.u32 s9, $0x1  }
0xa: {  	s4 =	sadd.s32 s5, s4;
	s8 =	sshrl.u32 s8, $0x2;
	s16 =	ssub.s32 s9, s31  }
0xb: {  	s11 =	sadd.s32 $0x4000, s10;
	s13 =	sadd.s32 $0x8000, s10;
	s14 =	sadd.s32 $0xC000, s10  }
0xc: {  	s19 =	sadd.s32 $0x10000, s10;
	s12 =	sadd.s32 s10, s17;
	s5 =	sshrl.u32 s4, $0x3  }
0xd: {  	s4 =	sadd.s32 $0x1B400, s6;
	s7 =	sadd.s32 s11, s2;
	s9 =	sadd.s32 s14, s2  }
0xe: {  	s11 =	sadd.s32 s17, s11;
	s10 =	sadd.s32 s19, s2;
	s12 =	sshrl.u32 s12, $0x3  }
0xf: {  	s14 =	sadd.s32 s17, s14;
	s16 =	smax.u32 s16, $0x1;
	s18 =	sadd.s32 s5, s6  }
0x10: {  	s5 =	sadd.s32 $0x1AC00, s6;
	s6 =	sadd.s32 s8, s2;
	s8 =	sadd.s32 s13, s2  }
0x11: {  	s20 =	sshrl.u32 s11, $0x3;
	s11 =	sadd.s32 s15, s12;
	s13 =	sadd.s32 s17, s13  }
0x12: {  	s17 =	sadd.s32 s17, s19;
	s14 =	sshrl.u32 s14, $0x3;
	s19 =	simm.s32 $0x2900  }
0x13: {  	s12 =	sadd.s32 s15, s20;
	s13 =	sshrl.u32 s13, $0x3;
	s17 =	sshrl.u32 s17, $0x3  }
0x14: {  	s14 =	sadd.s32 s15, s14;
	s20 =	simm.s32 $0x2;
	s13 =	sadd.s32 s15, s13  }
0x15: {  	s15 =	sadd.s32 s15, s17;
	s17 =	sadd.s32 $0x10E00, s18;
	s18 =	sadd.s32 $0x7000, s18  }
.LBB2_1:
0x16: {  	[tilespmem:s19], [sflag:$0x2] =	stream.linear.gather [hbm4b:s5+s3], $0x4000, $0x38;
	[tilespmem:$0x1A900] =	vst v63  }
0x17: {  	_ =	swait.ge [sflag:s20], $0x4000  }
0x18: {  	[sflag:s20] =	ssyncset.done $0x0  }
0x19: {  	[sflag:s20] =	ssyncadd.s32 $0xFFFFC000  }
0x1a: {  	[spmem:s6] =	stream.linear.scatter [tilespmem:s19], [sflag:$0x2], $0x4000, $0x38;
	[tilespmem:$0x1A900] =	vst v63  }
0x1b: {  	_ =	swait.ge [sflag:s20], $0x4000  }
0x1c: {  	[sflag:s20] =	ssyncset.done $0x0  }
0x1d: {  	[sflag:s20] =	ssyncadd.s32 $0xFFFFC000  }
0x1e: {  	[spmem:s7] =	stream.linear.scatter [tilespmem:s19], [sflag:$0x2], $0x4000, $0x38;
	[tilespmem:$0x1A900] =	vst v63  }
0x1f: {  	_ =	swait.ge [sflag:s20], $0x4000  }
0x20: {  	[sflag:s20] =	ssyncset.done $0x0  }
0x21: {  	[sflag:s20] =	ssyncadd.s32 $0xFFFFC000  }
0x22: {  	[spmem:s8] =	stream.linear.scatter [tilespmem:s19], [sflag:$0x2], $0x4000, $0x38;
	[tilespmem:$0x1A900] =	vst v63  }
0x23: {  	_ =	swait.ge [sflag:s20], $0x4000  }
0x24: {  	[sflag:s20] =	ssyncset.done $0x0  }
0x25: {  	[sflag:s20] =	ssyncadd.s32 $0xFFFFC000  }
0x26: {  	[spmem:s9] =	stream.linear.scatter [tilespmem:s19], [sflag:$0x2], $0x4000, $0x38;
	[tilespmem:$0x1A900] =	vst v63  }
0x27: {  	_ =	swait.ge [sflag:s20], $0x4000  }
0x28: {  	[sflag:s20] =	ssyncset.done $0x0  }
0x29: {  	[sflag:s20] =	ssyncadd.s32 $0xFFFFC000  }
0x2a: {  	[spmem:s10] =	stream.linear.scatter [tilespmem:s19], [sflag:$0x2], $0x4000, $0x38;
	[tilespmem:$0x1A900] =	vst v63  }
0x2b: {  	_ =	swait.ge [sflag:s20], $0x4000  }
0x2c: {  	[sflag:s20] =	ssyncset.done $0x0  }
0x2d: {  	[sflag:s20] =	ssyncadd.s32 $0xFFFFC000  }
0x2e: {  	s26 =	sadd.s32 $0x0, s18;
	[bflag:$0x0] =	sbarrier.arrive $0xFFFF  }
0x2f: {  	[tilespmem:s3], [sflag:$0x2] =	stream.linear.gather [hbm4b:s26+s3], $0x50, $0x38;
	[tilespmem:$0x1A900] =	vst v63  }
0x30: {  	_ =	swait.ge [sflag:s20], $0x50  }
0x31: {  	[sflag:s20] =	ssyncset.done $0x0  }
0x32: {  	s31 =	sadd.s32 $0x0, s17;
	[sflag:s20] =	ssyncadd.s32 $0xFFFFFFB0  }
0x33: {  	[tilespmem:s21], [sflag:$0x2] =	stream.linear.gather [hbm4b:s31+s3], $0x50, $0x38;
	[tilespmem:$0x1A900] =	vst v63  }
0x34: {  	_ =	swait.ge [sflag:s20], $0x50  }
0x35: {  	[sflag:s20] =	ssyncset.done $0x0  }
0x36: {  	[sflag:s20] =	ssyncadd.s32 $0xFFFFFFB0  }
0x37: {  	[tilespmem:s23], [sflag:$0x1] =	stream.indirect.gather [hbm4b:s4+s22], $0x80, s3, s22, $0xb8;
	[tilespmem:$0x1A900] =	vst v63  }
0x38: {  	_ =	swait.ge [sflag:s24], $0x2800  }
0x39: {  	[sflag:s24] =	ssyncset.done $0x0  }
0x3a: {  	[sflag:s24] =	ssyncadd.s32 $0xFFFFD800  }
0x3b: {  	[spmem:s2] =	stream.indirect.scatter.add.f32 [tilespmem:s23], [sflag:$0x2], $0x80, s21, s22, $0xb8;
	[tilespmem:$0x1A900] =	vst v63  }
0x3c: {  	_ =	swait.ge [sflag:s20], $0x2800  }
0x3d: {  	s28 =	simm.s32 $0x14;
	s26 =	simm.s32 $0xA;
	[sflag:s20] =	ssyncset.done $0x0  }
.LBB2_2:
0x3e: {  	s29 =	sadd.s32 s26, s18  }
0x3f: {  	[sflag:s20] =	ssyncadd.s32 $0xFFFFD800;
	s30 =	smov.u32 s28;
	s31 =	sadd.s32 $0xA, s28  }
0x40: {  	[tilespmem:s3], [sflag:$0x2] =	stream.linear.gather [hbm4b:s29+s3], $0x50, $0x38;
	[tilespmem:$0x1A900] =	vst v63  }
0x41: {  	p0 =	sne.s32 s28, $0x4D8;
	_ =	swait.ge [sflag:s20], $0x50  }
0x42: {  	[sflag:s20] =	ssyncset.done $0x0  }
0x43: {  	s28 =	sadd.s32 s26, s17;
	s26 =	smov.u32 s30;
	[sflag:s20] =	ssyncadd.s32 $0xFFFFFFB0  }
0x44: {  	[tilespmem:s21], [sflag:$0x2] =	stream.linear.gather [hbm4b:s28+s3], $0x50, $0x38;
	[tilespmem:$0x1A900] =	vst v63  }
0x45: {  	_ =	swait.ge [sflag:s20], $0x50  }
0x46: {  	[sflag:s20] =	ssyncset.done $0x0  }
0x47: {  	[sflag:s20] =	ssyncadd.s32 $0xFFFFFFB0  }
0x48: {  	[tilespmem:s23], [sflag:$0x1] =	stream.indirect.gather [hbm4b:s4+s22], $0x80, s3, s22, $0xb8;
	[tilespmem:$0x1A900] =	vst v63  }
0x49: {  	_ =	swait.ge [sflag:s24], $0x2800  }
.Ltmp0:
0x4a: {  	[sflag:s24] =	ssyncset.done $0x0;
	(pc) =	sbr.rel @p0 .LBB2_2-.Ltmp0, $4  }
0x4b: {  	[sflag:s24] =	ssyncadd.s32 $0xFFFFD800  }
0x4c: {  	[spmem:s2] =	stream.indirect.scatter.add.f32 [tilespmem:s23], [sflag:$0x2], $0x80, s21, s22, $0xb8;
	[tilespmem:$0x1A900] =	vst v63  }
0x4d: {  	_ =	swait.ge [sflag:s20], $0x2800  }
0x4e: {  	s28 =	smov.u32 s31;
	[sflag:s20] =	ssyncset.done $0x0  }
0x4f: {  	s28 =	sadd.s32 s26, s18;
	[sflag:s20] =	ssyncadd.s32 $0xFFFFD800  }
0x50: {  	[tilespmem:s3], [sflag:$0x2] =	stream.linear.gather [hbm4b:s28+s3], $0x50, $0x38;
	[tilespmem:$0x1A900] =	vst v63  }
0x51: {  	_ =	swait.ge [sflag:s20], $0x50  }
0x52: {  	[sflag:s20] =	ssyncset.done $0x0  }
0x53: {  	s31 =	sadd.s32 s26, s17;
	[sflag:s20] =	ssyncadd.s32 $0xFFFFFFB0  }
0x54: {  	[tilespmem:s21], [sflag:$0x2] =	stream.linear.gather [hbm4b:s31+s3], $0x50, $0x38;
	[tilespmem:$0x1A900] =	vst v63  }
0x55: {  	_ =	swait.ge [sflag:s20], $0x50  }
0x56: {  	[sflag:s20] =	ssyncset.done $0x0  }
0x57: {  	[sflag:s20] =	ssyncadd.s32 $0xFFFFFFB0  }
0x58: {  	[tilespmem:s23], [sflag:$0x1] =	stream.indirect.gather [hbm4b:s4+s22], $0x80, s3, s22, $0xb8;
	[tilespmem:$0x1A900] =	vst v63  }
0x59: {  	_ =	swait.ge [sflag:s24], $0x2800  }
0x5a: {  	[sflag:s24] =	ssyncset.done $0x0  }
0x5b: {  	[sflag:s24] =	ssyncadd.s32 $0xFFFFD800  }
0x5c: {  	[spmem:s2] =	stream.indirect.scatter.add.f32 [tilespmem:s23], [sflag:$0x2], $0x80, s21, s22, $0xb8;
	[tilespmem:$0x1A900] =	vst v63  }
0x5d: {  	_ =	swait.ge [sflag:s20], $0x2800  }
0x5e: {  	[sflag:s20] =	ssyncset.done $0x0  }
0x5f: {  	[sflag:s20] =	ssyncadd.s32 $0xFFFFD800  }
0x60: {  	[bflag:$0x0] =	sbarrier.arrive $0xFFFF  }
0x61: {  	[tilespmem:s19], [sflag:$0x2] =	stream.linear.gather [spmem:s6], $0x4000, $0x38;
	[tilespmem:$0x1A900] =	vst v63  }
0x62: {  	_ =	swait.ge [sflag:s20], $0x4000  }
0x63: {  	[sflag:s20] =	ssyncset.done $0x0  }
0x64: {  	[sflag:s20] =	ssyncadd.s32 $0xFFFFC000  }
0x65: {  	[hbm4b:s11+s3] =	stream.linear.scatter [tilespmem:s19], [sflag:$0x2], $0x4000, $0x38;
	[tilespmem:$0x1A900] =	vst v63  }
0x66: {  	_ =	swait.ge [sflag:s20], $0x4000  }
0x67: {  	[sflag:s20] =	ssyncset.done $0x0  }
0x68: {  	[sflag:s20] =	ssyncadd.s32 $0xFFFFC000  }
0x69: {  	[tilespmem:s19], [sflag:$0x2] =	stream.linear.gather [spmem:s7], $0x4000, $0x38;
	[tilespmem:$0x1A900] =	vst v63  }
0x6a: {  	_ =	swait.ge [sflag:s20], $0x4000  }
0x6b: {  	[sflag:s20] =	ssyncset.done $0x0  }
0x6c: {  	[sflag:s20] =	ssyncadd.s32 $0xFFFFC000  }
0x6d: {  	[hbm4b:s12+s3] =	stream.linear.scatter [tilespmem:s19], [sflag:$0x2], $0x4000, $0x38;
	[tilespmem:$0x1A900] =	vst v63  }
0x6e: {  	_ =	swait.ge [sflag:s20], $0x4000  }
0x6f: {  	[sflag:s20] =	ssyncset.done $0x0  }
0x70: {  	[sflag:s20] =	ssyncadd.s32 $0xFFFFC000  }
0x71: {  	[tilespmem:s19], [sflag:$0x2] =	stream.linear.gather [spmem:s8], $0x4000, $0x38;
	[tilespmem:$0x1A900] =	vst v63  }
0x72: {  	_ =	swait.ge [sflag:s20], $0x4000  }
0x73: {  	[sflag:s20] =	ssyncset.done $0x0  }
0x74: {  	[sflag:s20] =	ssyncadd.s32 $0xFFFFC000  }
0x75: {  	[hbm4b:s13+s3] =	stream.linear.scatter [tilespmem:s19], [sflag:$0x2], $0x4000, $0x38;
	[tilespmem:$0x1A900] =	vst v63  }
0x76: {  	_ =	swait.ge [sflag:s20], $0x4000  }
0x77: {  	[sflag:s20] =	ssyncset.done $0x0  }
0x78: {  	[sflag:s20] =	ssyncadd.s32 $0xFFFFC000  }
0x79: {  	[tilespmem:s19], [sflag:$0x2] =	stream.linear.gather [spmem:s9], $0x4000, $0x38;
	[tilespmem:$0x1A900] =	vst v63  }
0x7a: {  	_ =	swait.ge [sflag:s20], $0x4000  }
0x7b: {  	[sflag:s20] =	ssyncset.done $0x0  }
0x7c: {  	[sflag:s20] =	ssyncadd.s32 $0xFFFFC000  }
0x7d: {  	[hbm4b:s14+s3] =	stream.linear.scatter [tilespmem:s19], [sflag:$0x2], $0x4000, $0x38;
	[tilespmem:$0x1A900] =	vst v63  }
0x7e: {  	_ =	swait.ge [sflag:s20], $0x4000  }
0x7f: {  	[sflag:s20] =	ssyncset.done $0x0  }
0x80: {  	[sflag:s20] =	ssyncadd.s32 $0xFFFFC000  }
0x81: {  	[tilespmem:s19], [sflag:$0x2] =	stream.linear.gather [spmem:s10], $0x4000, $0x38;
	[tilespmem:$0x1A900] =	vst v63  }
0x82: {  	s25 =	sadd.s32 $0x1, s25;
	_ =	swait.ge [sflag:s20], $0x4000  }
0x83: {  	p0 =	sne.s32 s25, s16;
	[sflag:s20] =	ssyncset.done $0x0  }
.Ltmp1:
0x84: {  	[sflag:s20] =	ssyncadd.s32 $0xFFFFC000;
	(pc) =	sbr.rel @p0 .LBB2_1-.Ltmp1, $4  }
0x85: {  	[hbm4b:s15+s3] =	stream.linear.scatter [tilespmem:s19], [sflag:$0x2], $0x4000, $0x38;
	[tilespmem:$0x1A900] =	vst v63  }
0x86: {  	_ =	swait.ge [sflag:s20], $0x4000  }
0x87: {  	[sflag:s20] =	ssyncset.done $0x0  }
0x88: {  	[sflag:s20] =	ssyncadd.s32 $0xFFFFC000  }
0x89: {  	_ =	sfence.sel $0x180000  }
0x8a: {  	[bflag:$0x0] =	sbarrier.arrive $0xFFFF  }
0x8b: {  	p0 =	sne.s32 s0, $0x0;
	_ =	strace $0x9000004A  }
0x8c: {  	s0 =	sadd.s32 @!p0 $0x100000, s1;
	[bflag:$0x2] =	sbarrier.arrive $0xFFFF  }
0x8d: {  	[sflag:s0] =	ssyncadd.tile.s32 @!p0 $0x1;
	_ =	shalt  }
.Lfunc_end2:
_tile_overlayer_lowered:
.L_overlay_start_2:
0x8e: {  	(tag) =	ssettag $0x2  }
0x8f: {  	s0 =	rddreg [dreg:$0x0];
	s2 =	stileid.u32  }
0x90: {  	s1 =	rddreg [dreg:$0x1];
	p0 =	sne.s32 s2, $0x0  }
0x91: {  	s3 =	rddreg [dreg:$0x2];
	[bflag:$0x3] =	sbarrier.arrive $0xFFFF;
	s2 =	simm.s32 @!p0 $0x1C02  }
0x92: {  	[timem:s3], [sflag:s2] =	dma.local @!p0 [hbm:s0], s1  }
0x93: {  	s0 =	simm.s32 @!p0 $0x2  }
0x94: {  	_ =	swait.ge @!p0 [sflag:s0], s1  }
0x95: {  	s1 =	ssub.s32 @!p0 $0x0, s1;
	[sflag:s0] =	ssyncset.done @!p0 $0x0  }
0x96: {  	[sflag:s0] =	ssyncadd.s32 @!p0 s1  }
0x97: {  	[bflag:$0x3] =	sbarrier.arrive $0xFFFF  }
0x98: {  	_ =	shalt  }

// kernel: kernel.18.cloned.1.call-start
scs
__scs_entry_jumppad:
0x0: {  	(pc) =	sbr.rel $0x88, $3  }
0x1: {  	(tag) =	ssettag $0x0;
	lr =	simm.s32 $0x1  }
0x2: {  	[smem:$0x3F90] =	sst lr;
	_ =	strace $0xD0000000  }
0x3: {  	_ = 	snop  }
0x4: {  	_ = 	snop  }
0x5: {  	_ = 	snop  }
0x6: {  	_ = 	snop  }
0x7: {  	_ = 	snop  }
__scs_overlays_trampoline_lowered:
0x8: {  	[smem:$0x3F9F] =	sst s0  }
0x9: {  	[smem:$0x3FA0] =	sst s1  }
0xa: {  	[smem:$0x3FA1] =	sst s2  }
0xb: {  	[smem:$0x3FA2] =	sst s3  }
0xc: {  	[smem:$0x3FA3] =	sst s4  }
0xd: {  	[smem:$0x3FA4] =	sst s5  }
0xe: {  	[smem:$0x3FA5] =	sst s6  }
0xf: {  	[smem:$0x3FA6] =	sst s7  }
0x10: {  	[smem:$0x3FA7] =	sst s8  }
0x11: {  	[smem:$0x3FA8] =	sst s9;
	s0 =	simm.s32 @!p0 $0x0  }
0x12: {  	s1 =	sld [smem:$0x3F8E];
	s0 =	simm.s32 @p0 $0x1  }
0x13: {  	[smem:$0x3FA9] =	sst s0;
	s0 =	simm.s32 @!p1 $0x0  }
0x14: {  	s2 =	sld [smem:$0x3F8D];
	s0 =	simm.s32 @p1 $0x1  }
0x15: {  	[smem:$0x3FAA] =	sst s0;
	s0 =	simm.s32 @!p2 $0x0  }
0x16: {  	s3 =	sld [smem:$0x3FDB];
	s0 =	simm.s32 @p2 $0x1  }
0x17: {  	s4 =	simm.s32 $0x1BF5;
	[smem:$0x3FAC] =	sst s0  }
0x18: {  	s0 =	sld [smem:$0x3F8F];
	_ =	swait.ge [sflag:s4], $0x0  }
0x19: {  	s7 =	sld [smem:$0x3F90]  }
0x1a: {  	s8 =	sadd.s32 $0xFFFFE003, lr  }
0x1b: {  	s9 =	sadd.s32 $0xFFFFFEF7, lr;
	s5 =	simm.s32 $0xFFFFFFFF;
	p2 =	slt.u32 s8, $0xFFFFF086  }
0x1c: {  	p1 =	slt.u32 s9, $0xF7A;
	s5 =	simm.s32 @!p2 $0x0  }
0x1d: {  	s5 =	simm.s32 @p1 $0x1;
	p0 =	seq.s32 s7, s2  }
0x1e: {  	s7 =	smul.u32 @!p0 $0xF7A, s2;
	p2 =	seq.s32 @!p0 s5, $0x0  }
0x1f: {  	s9 =	smul.u32 $0xF7A, s1;
	s8 =	simm.s32 @!p0 $0x1BF5;
	p2 =	por !p2, p0  }
0x20: {  	[sflag:s8] =	ssyncset.s32 @!p0 $0xFFFFF086;
	s6 =	sadd.s32 @!p0 s3, s7;
	s7 =	simm.s32 @!p0 $0x108  }
0x21: {  	s3 =	sadd.s32 s3, s9;
	s6 =	sadd.s32 @!p0 $0x88, s6;
	s7 =	simm.s32 @p2 $0x1082  }
0x22: {  	[simem:s7], [sflag:s8] =	dma.local @!p0 [hbm:s6], $0xF7A  }
0x23: {  	s9 =	sor.u32 $0xD0000000, s2;
	s6 =	simm.s32 $0x108;
	_ =	swait.ge @!p0 [sflag:s8], $0x0  }
0x24: {  	s3 =	sadd.s32 $0x88, s3;
	s6 =	simm.s32 @!p1 $0x1082;
	[sflag:s4] =	ssyncset.s32 $0xFFFFF086  }
0x25: {  	[simem:s6], [sflag:s4] =	dma.local [hbm:s3], $0xF7A  }
0x26: {  	[smem:$0x3F90] =	sst s1;
	(tag) =	ssettag s2;
	_ =	strace s9  }
0x27: {  	s1 =	sld [smem:$0x3FA0]  }
0x28: {  	s2 =	sld [smem:$0x3FA1]  }
0x29: {  	s4 =	sld [smem:$0x3FA3]  }
0x2a: {  	p0 =	seq.s32 s5, $0x0;
	s5 =	sld [smem:$0x3FA4]  }
0x2b: {  	s6 =	sld [smem:$0x3FA5]  }
0x2c: {  	s7 =	sld [smem:$0x3FA6]  }
0x2d: {  	s3 =	simm.s32 $0x108;
	s8 =	sld [smem:$0x3FA7]  }
0x2e: {  	s3 =	simm.s32 @!p0 $0x1082;
	s9 =	sld [smem:$0x3FA8]  }
0x2f: {  	lr =	sadd.s32 s0, s3;
	s0 =	sld [smem:$0x3F9F]  }
0x30: {  	s3 =	sld [smem:$0x3FA2]  }
0x31: {  	[smem:$0x3FAB] =	sst s10  }
0x32: {  	s10 =	sld [smem:$0x3FA9];
	_ =	sdelay $0x3  }
0x33: {  	p0 =	seq.s32 s10, $0x1;
	s10 =	sld [smem:$0x3FAB];
	_ =	sdelay $0x3  }
0x34: {  	[smem:$0x3FAB] =	sst s10  }
0x35: {  	s10 =	sld [smem:$0x3FAA];
	_ =	sdelay $0x3  }
0x36: {  	p1 =	seq.s32 s10, $0x1;
	s10 =	sld [smem:$0x3FAB];
	_ =	sdelay $0x3  }
0x37: {  	[smem:$0x3FAB] =	sst s10  }
0x38: {  	s10 =	sld [smem:$0x3FAC]  }
0x39: {  	_ = 	snop;
	(pc) =	sbr.ind lr, $3  }
0x3a: {  	_ = 	snop  }
0x3b: {  	_ = 	snop  }
0x3c: {  	p2 =	seq.s32 s10, $0x1;
	s10 =	sld [smem:$0x3FAB]  }
0x3d: {  	_ =	shalt  }
0x3e: {  	_ =	shalt  }
0x3f: {  	_ =	shalt  }
0x40: {  	_ =	shalt  }
0x41: {  	_ =	shalt  }
0x42: {  	_ =	shalt  }
0x43: {  	_ =	shalt  }
0x44: {  	_ =	shalt  }
0x45: {  	_ =	shalt  }
0x46: {  	_ =	shalt  }
0x47: {  	_ =	shalt  }
0x48: {  	_ =	shalt  }
0x49: {  	_ =	shalt  }
0x4a: {  	_ =	shalt  }
0x4b: {  	_ =	shalt  }
0x4c: {  	_ =	shalt  }
0x4d: {  	_ =	shalt  }
0x4e: {  	_ =	shalt  }
0x4f: {  	_ =	shalt  }
0x50: {  	_ =	shalt  }
0x51: {  	_ =	shalt  }
0x52: {  	_ =	shalt  }
0x53: {  	_ =	shalt  }
0x54: {  	_ =	shalt  }
0x55: {  	_ =	shalt  }
0x56: {  	_ =	shalt  }
0x57: {  	_ =	shalt  }
0x58: {  	_ =	shalt  }
0x59: {  	_ =	shalt  }
0x5a: {  	_ =	shalt  }
0x5b: {  	_ =	shalt  }
0x5c: {  	_ =	shalt  }
0x5d: {  	_ =	shalt  }
0x5e: {  	_ =	shalt  }
0x5f: {  	_ =	shalt  }
0x60: {  	_ =	shalt  }
0x61: {  	_ =	shalt  }
0x62: {  	_ =	shalt  }
0x63: {  	_ =	shalt  }
0x64: {  	_ =	shalt  }
0x65: {  	_ =	shalt  }
0x66: {  	_ =	shalt  }
0x67: {  	_ =	shalt  }
0x68: {  	_ =	shalt  }
0x69: {  	_ =	shalt  }
0x6a: {  	_ =	shalt  }
0x6b: {  	_ =	shalt  }
0x6c: {  	_ =	shalt  }
0x6d: {  	_ =	shalt  }
0x6e: {  	_ =	shalt  }
0x6f: {  	_ =	shalt  }
0x70: {  	_ =	shalt  }
0x71: {  	_ =	shalt  }
0x72: {  	_ =	shalt  }
0x73: {  	_ =	shalt  }
0x74: {  	_ =	shalt  }
0x75: {  	_ =	shalt  }
0x76: {  	_ =	shalt  }
0x77: {  	_ =	shalt  }
0x78: {  	_ =	shalt  }
0x79: {  	_ =	shalt  }
0x7a: {  	_ =	shalt  }
0x7b: {  	_ =	shalt  }
0x7c: {  	_ =	shalt  }
0x7d: {  	_ =	shalt  }
0x7e: {  	_ =	shalt  }
0x7f: {  	_ =	shalt  }
0x80: {  	_ =	shalt  }
0x81: {  	_ =	shalt  }
0x82: {  	_ =	shalt  }
0x83: {  	_ =	shalt  }
0x84: {  	_ =	shalt  }
0x85: {  	_ =	shalt  }
0x86: {  	_ =	shalt  }
0x87: {  	_ =	shalt  }
.Lfunc_end0:
.L_simem_size_0:
called_computation.2_lowered:
.L_overlay_start_0:
0x88: {  	s2 =	sld [smem:$0x3FD9]  }
0x89: {  	s3 =	sld [smem:$0x3FFE];
	_ =	sdelay $0x1  }
0x8a: {  	s1 =	srdreg.scid  }
0x8b: {  	s0 =	sand.u32 $0x1, s1  }
0x8c: {  	s16 =	sshll.u32 s0, $0xA;
	s2 =	sadd.s32 s3, s2  }
0x8d: {  	s2 =	sadd.s32 s2, s16  }
0x8e: {  	[smem:$0x3FB7] =	sst s2  }
0x8f: {  	_ = 	snop  }
0x90: {  	(tm) =	ssettm $0x1  }
0x91: {  	s17 =	sld [smem:$0x3FFB];
	_ =	sdelay $0x3  }
0x92: {  	_ =	strace s17  }
0x93: {  	s2 =	sld [smem:$0x3FFC];
	_ =	sdelay $0x3  }
0x94: {  	_ =	strace s2  }
0x95: {  	s2 =	sld [smem:$0x3FFD];
	_ =	sdelay $0x3  }
0x96: {  	_ =	strace s2  }
0x97: {  	_ =	strace $0x8FFFFFFF  }
0x98: {  	s18 =	sld [smem:$0x3FDB];
	_ =	sdelay $0x1  }
0x99: {  	s19 =	simm.s32 $_scs_section_size  }
0x9a: {  	s4 =	simm.s32 $_size__tile_overlayer_lowered;
	s5 =	simm.s32 $_tile_overlayer_lowered  }
0x9b: {  	s22 =	simm.s32 $0x1BFF;
	s21 =	sshll.u32 s5, $0x1;
	s2 =	sadd.s32 s19, s18  }
0x9c: {  	s6 =	simm.s32 $0x0;
	s20 =	sshll.u32 s4, $0x1;
	s4 =	sadd.s32 s21, s2  }
0x9d: {  	[timem:s6], [sflag:s22] =	dma.local [hbm:s4], s20  }
0x9e: {  	_ =	swait.ge [sflag:s22], s20  }
0x9f: {  	s3 =	ssub.s32 $0x0, s20;
	[sflag:s22] =	ssyncset.done $0x0  }
0xa0: {  	[sflag:s22] =	ssyncadd.s32 s3;
	_ =	sdelay $0x1  }
0xa1: {  	s23 =	simm.s32 $0x1B8B  }
0xa2: {  	_ =	swait.ge [sflag:s23], $0x1  }
0xa3: {  	[sflag:s23] =	ssyncset.done $0x0  }
0xa4: {  	s25 =	simm.s32 $0x1B8E;
	s24 =	sld [smem:$0x3FFE];
	[sflag:s23] =	ssyncadd.s32 $0xFFFFFFFF  }
0xa5: {  	s26 =	simm.s32 $execute0_lowered;
	[smem:$0x3FD2] =	sst s25  }
0xa6: {  	s4 =	sshll.u32 s26, $0x1;
	_ =	strace $0x8000004C;
	[dreg:$0x1] =	wrdreg $0xFFFFFFFF  }
0xa7: {  	s28 =	simm.s32 $_size_execute0_lowered;
	s2 =	sadd.s32 s2, s4;
	[dreg:$0x0] =	wrdreg $0x0  }
0xa8: {  	s4 =	sshll.u32 s28, $0x1;
	[dreg:$0x2] =	wrdreg s2  }
0xa9: {  	[dreg:$0x3] =	wrdreg s4  }
0xaa: {  	[dreg:$0x4] =	wrdreg $0xC0  }
0xab: {  	_ =	task [dreg:s6], $0x5FFFF  }
0xac: {  	[dreg:$0x1] =	wrdreg $0xFFFFFFFF  }
0xad: {  	[dreg:$0x0] =	wrdreg $0x60  }
0xae: {  	[dreg:$0x2] =	wrdreg s24  }
0xaf: {  	[dreg:$0x3] =	wrdreg $0x69000  }
0xb0: {  	[dreg:$0x4] =	wrdreg $0x9  }
0xb1: {  	_ =	task.clear_ibuf [dreg:s6], $0x5FFFF;
	_ =	strace $0x9000004C  }
0xb2: {  	s29 =	simm.s32 $0x9;
	_ =	strace $0x8000004E  }
0xb3: {  	_ =	swait.ge [sflag:s29], $0x1  }
0xb4: {  	[sflag:s29] =	ssyncadd.s32 $0xFFFFFFFF  }
0xb5: {  	_ =	strace $0x9000004E  }
0xb6: {  	_ =	sfence  }
0xb7: {  	s30 =	sld [smem:$0x0];
	_ =	sdelay $0x2  }
0xb8: {  	s31 =	sshll.u32 s1, $0xD;
	s1 =	sshrl.u32 s1, $0x2  }
0xb9: {  	s3 =	sand.u32 $0x4000, s31;
	s1 =	sadd.s32 s1, s30  }
0xba: {  	s0 =	sor.u32 s3, s0;
	s1 =	sshll.u32 s1, $0x11  }
0xbb: {  	s0 =	sor.u32 s1, s0  }
0xbc: {  	s0 =	sadd.s32 $0x8F2B, s0  }
0xbd: {  	[sflag:s0] =	ssyncadd.remote.s32 $0x1  }
0xbe: {  	_ =	sfence.sel $0xFFFF  }
0xbf: {  	[dreg:$0x0] =	wrdreg $0xFFFFFFFF;
	(pc) =	sbr.abs _section_cstart, $3  }
0xc0: {  	[dreg:$0x1] =	wrdreg $0xFFFFFFFF  }
0xc1: {  	_ =	task.clear_ibuf [dreg:s6], $0x2FFFF;
	_ =	strace $0x9FFFFFFF  }
0xc2: {  	(tm) =	ssettm $0x7FFFFFFF  }
0xc3: {  	_ =	shalt  }
tec
execute0_lowered:
.L_overlay_start_1:
0x0: {  	(tag) =	ssettag $0x1  }
0x1: {  	s6 =	rddreg [dreg:$0x0]  }
0x2: {  	s2 =	rddreg [dreg:$0x1]  }
0x3: {  	s0 =	srdreg.scid;
	s1 =	rddreg [dreg:$0x2]  }
0x4: {  	s3 =	simm.s32 $0x0;
	s21 =	simm.s32 $0x80;
	s7 =	sand.u32 $0x1, s0  }
0x5: {  	s22 =	simm.s32 $0x50;
	s0 =	stileid.u32;
	s4 =	smul.u32 $0x27100, s7  }
0x6: {  	s23 =	simm.s32 $0x100;
	s24 =	simm.s32 $0x1;
	s5 =	smul.u32 $0x2710, s0  }
0x7: {  	s25 =	simm.s32 $0x0;
	[smem:$0x7FF] =	sst s3;
	s8 =	smul.u32 $0x50000, s0  }
0x8: {  	s15 =	sadd.s32 $0x6B400, s6;
	s9 =	ssub.s32 $0x2, s7;
	s10 =	smul.u32 $0x14000, s0  }
0x9: {  	_ =	strace $0x8000004D;
	s17 =	smul.u32 $0x140000, s7;
	s31 =	sshrl.u32 s9, $0x1  }
0xa: {  	s4 =	sadd.s32 s5, s4;
	s8 =	sshrl.u32 s8, $0x2;
	s16 =	ssub.s32 s9, s31  }
0xb: {  	s11 =	sadd.s32 $0x4000, s10;
	s13 =	sadd.s32 $0x8000, s10;
	s14 =	sadd.s32 $0xC000, s10  }
0xc: {  	s19 =	sadd.s32 $0x10000, s10;
	s12 =	sadd.s32 s10, s17;
	s5 =	sshrl.u32 s4, $0x3  }
0xd: {  	s4 =	sadd.s32 $0x1B400, s6;
	s7 =	sadd.s32 s11, s2;
	s9 =	sadd.s32 s14, s2  }
0xe: {  	s11 =	sadd.s32 s17, s11;
	s10 =	sadd.s32 s19, s2;
	s12 =	sshrl.u32 s12, $0x3  }
0xf: {  	s14 =	sadd.s32 s17, s14;
	s16 =	smax.u32 s16, $0x1;
	s18 =	sadd.s32 s5, s6  }
0x10: {  	s5 =	sadd.s32 $0x1AC00, s6;
	s6 =	sadd.s32 s8, s2;
	s8 =	sadd.s32 s13, s2  }
0x11: {  	s20 =	sshrl.u32 s11, $0x3;
	s11 =	sadd.s32 s15, s12;
	s13 =	sadd.s32 s17, s13  }
0x12: {  	s17 =	sadd.s32 s17, s19;
	s14 =	sshrl.u32 s14, $0x3;
	s19 =	simm.s32 $0x2900  }
0x13: {  	s12 =	sadd.s32 s15, s20;
	s13 =	sshrl.u32 s13, $0x3;
	s17 =	sshrl.u32 s17, $0x3  }
0x14: {  	s14 =	sadd.s32 s15, s14;
	s20 =	simm.s32 $0x2;
	s13 =	sadd.s32 s15, s13  }
0x15: {  	s15 =	sadd.s32 s15, s17;
	s17 =	sadd.s32 $0x10E00, s18;
	s18 =	sadd.s32 $0x7000, s18  }
.LBB2_1:
0x16: {  	[tilespmem:s19], [sflag:$0x2] =	stream.linear.gather [hbm4b:s5+s3], $0x4000, $0x38;
	[tilespmem:$0x1A900] =	vst v63  }
0x17: {  	_ =	swait.ge [sflag:s20], $0x4000  }
0x18: {  	[sflag:s20] =	ssyncset.done $0x0  }
0x19: {  	[sflag:s20] =	ssyncadd.s32 $0xFFFFC000  }
0x1a: {  	[spmem:s6] =	stream.linear.scatter [tilespmem:s19], [sflag:$0x2], $0x4000, $0x38;
	[tilespmem:$0x1A900] =	vst v63  }
0x1b: {  	_ =	swait.ge [sflag:s20], $0x4000  }
0x1c: {  	[sflag:s20] =	ssyncset.done $0x0  }
0x1d: {  	[sflag:s20] =	ssyncadd.s32 $0xFFFFC000  }
0x1e: {  	[spmem:s7] =	stream.linear.scatter [tilespmem:s19], [sflag:$0x2], $0x4000, $0x38;
	[tilespmem:$0x1A900] =	vst v63  }
0x1f: {  	_ =	swait.ge [sflag:s20], $0x4000  }
0x20: {  	[sflag:s20] =	ssyncset.done $0x0  }
0x21: {  	[sflag:s20] =	ssyncadd.s32 $0xFFFFC000  }
0x22: {  	[spmem:s8] =	stream.linear.scatter [tilespmem:s19], [sflag:$0x2], $0x4000, $0x38;
	[tilespmem:$0x1A900] =	vst v63  }
0x23: {  	_ =	swait.ge [sflag:s20], $0x4000  }
0x24: {  	[sflag:s20] =	ssyncset.done $0x0  }
0x25: {  	[sflag:s20] =	ssyncadd.s32 $0xFFFFC000  }
0x26: {  	[spmem:s9] =	stream.linear.scatter [tilespmem:s19], [sflag:$0x2], $0x4000, $0x38;
	[tilespmem:$0x1A900] =	vst v63  }
0x27: {  	_ =	swait.ge [sflag:s20], $0x4000  }
0x28: {  	[sflag:s20] =	ssyncset.done $0x0  }
0x29: {  	[sflag:s20] =	ssyncadd.s32 $0xFFFFC000  }
0x2a: {  	[spmem:s10] =	stream.linear.scatter [tilespmem:s19], [sflag:$0x2], $0x4000, $0x38;
	[tilespmem:$0x1A900] =	vst v63  }
0x2b: {  	_ =	swait.ge [sflag:s20], $0x4000  }
0x2c: {  	[sflag:s20] =	ssyncset.done $0x0  }
0x2d: {  	[sflag:s20] =	ssyncadd.s32 $0xFFFFC000  }
0x2e: {  	s26 =	sadd.s32 $0x0, s18;
	[bflag:$0x0] =	sbarrier.arrive $0xFFFF  }
0x2f: {  	[tilespmem:s3], [sflag:$0x2] =	stream.linear.gather [hbm4b:s26+s3], $0x50, $0x38;
	[tilespmem:$0x1A900] =	vst v63  }
0x30: {  	_ =	swait.ge [sflag:s20], $0x50  }
0x31: {  	[sflag:s20] =	ssyncset.done $0x0  }
0x32: {  	s31 =	sadd.s32 $0x0, s17;
	[sflag:s20] =	ssyncadd.s32 $0xFFFFFFB0  }
0x33: {  	[tilespmem:s21], [sflag:$0x2] =	stream.linear.gather [hbm4b:s31+s3], $0x50, $0x38;
	[tilespmem:$0x1A900] =	vst v63  }
0x34: {  	_ =	swait.ge [sflag:s20], $0x50  }
0x35: {  	[sflag:s20] =	ssyncset.done $0x0  }
0x36: {  	[sflag:s20] =	ssyncadd.s32 $0xFFFFFFB0  }
0x37: {  	[tilespmem:s23], [sflag:$0x1] =	stream.indirect.gather [hbm4b:s4+s22], $0x80, s3, s22, $0xb8;
	[tilespmem:$0x1A900] =	vst v63  }
0x38: {  	_ =	swait.ge [sflag:s24], $0x2800  }
0x39: {  	[sflag:s24] =	ssyncset.done $0x0  }
0x3a: {  	[sflag:s24] =	ssyncadd.s32 $0xFFFFD800  }
0x3b: {  	[spmem:s2] =	stream.indirect.scatter.add.f32 [tilespmem:s23], [sflag:$0x2], $0x80, s21, s22, $0xb8;
	[tilespmem:$0x1A900] =	vst v63  }
0x3c: {  	_ =	swait.ge [sflag:s20], $0x2800  }
0x3d: {  	s28 =	simm.s32 $0x14;
	s26 =	simm.s32 $0xA;
	[sflag:s20] =	ssyncset.done $0x0  }
.LBB2_2:
0x3e: {  	s29 =	sadd.s32 s26, s18  }
0x3f: {  	[sflag:s20] =	ssyncadd.s32 $0xFFFFD800;
	s30 =	smov.u32 s28;
	s31 =	sadd.s32 $0xA, s28  }
0x40: {  	[tilespmem:s3], [sflag:$0x2] =	stream.linear.gather [hbm4b:s29+s3], $0x50, $0x38;
	[tilespmem:$0x1A900] =	vst v63  }
0x41: {  	p0 =	sne.s32 s28, $0x4D8;
	_ =	swait.ge [sflag:s20], $0x50  }
0x42: {  	[sflag:s20] =	ssyncset.done $0x0  }
0x43: {  	s28 =	sadd.s32 s26, s17;
	s26 =	smov.u32 s30;
	[sflag:s20] =	ssyncadd.s32 $0xFFFFFFB0  }
0x44: {  	[tilespmem:s21], [sflag:$0x2] =	stream.linear.gather [hbm4b:s28+s3], $0x50, $0x38;
	[tilespmem:$0x1A900] =	vst v63  }
0x45: {  	_ =	swait.ge [sflag:s20], $0x50  }
0x46: {  	[sflag:s20] =	ssyncset.done $0x0  }
0x47: {  	[sflag:s20] =	ssyncadd.s32 $0xFFFFFFB0  }
0x48: {  	[tilespmem:s23], [sflag:$0x1] =	stream.indirect.gather [hbm4b:s4+s22], $0x80, s3, s22, $0xb8;
	[tilespmem:$0x1A900] =	vst v63  }
0x49: {  	_ =	swait.ge [sflag:s24], $0x2800  }
.Ltmp0:
0x4a: {  	[sflag:s24] =	ssyncset.done $0x0;
	(pc) =	sbr.rel @p0 .LBB2_2-.Ltmp0, $4  }
0x4b: {  	[sflag:s24] =	ssyncadd.s32 $0xFFFFD800  }
0x4c: {  	[spmem:s2] =	stream.indirect.scatter.add.f32 [tilespmem:s23], [sflag:$0x2], $0x80, s21, s22, $0xb8;
	[tilespmem:$0x1A900] =	vst v63  }
0x4d: {  	_ =	swait.ge [sflag:s20], $0x2800  }
0x4e: {  	s28 =	smov.u32 s31;
	[sflag:s20] =	ssyncset.done $0x0  }
0x4f: {  	s28 =	sadd.s32 s26, s18;
	[sflag:s20] =	ssyncadd.s32 $0xFFFFD800  }
0x50: {  	[tilespmem:s3], [sflag:$0x2] =	stream.linear.gather [hbm4b:s28+s3], $0x50, $0x38;
	[tilespmem:$0x1A900] =	vst v63  }
0x51: {  	_ =	swait.ge [sflag:s20], $0x50  }
0x52: {  	[sflag:s20] =	ssyncset.done $0x0  }
0x53: {  	s31 =	sadd.s32 s26, s17;
	[sflag:s20] =	ssyncadd.s32 $0xFFFFFFB0  }
0x54: {  	[tilespmem:s21], [sflag:$0x2] =	stream.linear.gather [hbm4b:s31+s3], $0x50, $0x38;
	[tilespmem:$0x1A900] =	vst v63  }
0x55: {  	_ =	swait.ge [sflag:s20], $0x50  }
0x56: {  	[sflag:s20] =	ssyncset.done $0x0  }
0x57: {  	[sflag:s20] =	ssyncadd.s32 $0xFFFFFFB0  }
0x58: {  	[tilespmem:s23], [sflag:$0x1] =	stream.indirect.gather [hbm4b:s4+s22], $0x80, s3, s22, $0xb8;
	[tilespmem:$0x1A900] =	vst v63  }
0x59: {  	_ =	swait.ge [sflag:s24], $0x2800  }
0x5a: {  	[sflag:s24] =	ssyncset.done $0x0  }
0x5b: {  	[sflag:s24] =	ssyncadd.s32 $0xFFFFD800  }
0x5c: {  	[spmem:s2] =	stream.indirect.scatter.add.f32 [tilespmem:s23], [sflag:$0x2], $0x80, s21, s22, $0xb8;
	[tilespmem:$0x1A900] =	vst v63  }
0x5d: {  	_ =	swait.ge [sflag:s20], $0x2800  }
0x5e: {  	[sflag:s20] =	ssyncset.done $0x0  }
0x5f: {  	[sflag:s20] =	ssyncadd.s32 $0xFFFFD800  }
0x60: {  	[bflag:$0x0] =	sbarrier.arrive $0xFFFF  }
0x61: {  	[tilespmem:s19], [sflag:$0x2] =	stream.linear.gather [spmem:s6], $0x4000, $0x38;
	[tilespmem:$0x1A900] =	vst v63  }
0x62: {  	_ =	swait.ge [sflag:s20], $0x4000  }
0x63: {  	[sflag:s20] =	ssyncset.done $0x0  }
0x64: {  	[sflag:s20] =	ssyncadd.s32 $0xFFFFC000  }
0x65: {  	[hbm4b:s11+s3] =	stream.linear.scatter [tilespmem:s19], [sflag:$0x2], $0x4000, $0x38;
	[tilespmem:$0x1A900] =	vst v63  }
0x66: {  	_ =	swait.ge [sflag:s20], $0x4000  }
0x67: {  	[sflag:s20] =	ssyncset.done $0x0  }
0x68: {  	[sflag:s20] =	ssyncadd.s32 $0xFFFFC000  }
0x69: {  	[tilespmem:s19], [sflag:$0x2] =	stream.linear.gather [spmem:s7], $0x4000, $0x38;
	[tilespmem:$0x1A900] =	vst v63  }
0x6a: {  	_ =	swait.ge [sflag:s20], $0x4000  }
0x6b: {  	[sflag:s20] =	ssyncset.done $0x0  }
0x6c: {  	[sflag:s20] =	ssyncadd.s32 $0xFFFFC000  }
0x6d: {  	[hbm4b:s12+s3] =	stream.linear.scatter [tilespmem:s19], [sflag:$0x2], $0x4000, $0x38;
	[tilespmem:$0x1A900] =	vst v63  }
0x6e: {  	_ =	swait.ge [sflag:s20], $0x4000  }
0x6f: {  	[sflag:s20] =	ssyncset.done $0x0  }
0x70: {  	[sflag:s20] =	ssyncadd.s32 $0xFFFFC000  }
0x71: {  	[tilespmem:s19], [sflag:$0x2] =	stream.linear.gather [spmem:s8], $0x4000, $0x38;
	[tilespmem:$0x1A900] =	vst v63  }
0x72: {  	_ =	swait.ge [sflag:s20], $0x4000  }
0x73: {  	[sflag:s20] =	ssyncset.done $0x0  }
0x74: {  	[sflag:s20] =	ssyncadd.s32 $0xFFFFC000  }
0x75: {  	[hbm4b:s13+s3] =	stream.linear.scatter [tilespmem:s19], [sflag:$0x2], $0x4000, $0x38;
	[tilespmem:$0x1A900] =	vst v63  }
0x76: {  	_ =	swait.ge [sflag:s20], $0x4000  }
0x77: {  	[sflag:s20] =	ssyncset.done $0x0  }
0x78: {  	[sflag:s20] =	ssyncadd.s32 $0xFFFFC000  }
0x79: {  	[tilespmem:s19], [sflag:$0x2] =	stream.linear.gather [spmem:s9], $0x4000, $0x38;
	[tilespmem:$0x1A900] =	vst v63  }
0x7a: {  	_ =	swait.ge [sflag:s20], $0x4000  }
0x7b: {  	[sflag:s20] =	ssyncset.done $0x0  }
0x7c: {  	[sflag:s20] =	ssyncadd.s32 $0xFFFFC000  }
0x7d: {  	[hbm4b:s14+s3] =	stream.linear.scatter [tilespmem:s19], [sflag:$0x2], $0x4000, $0x38;
	[tilespmem:$0x1A900] =	vst v63  }
0x7e: {  	_ =	swait.ge [sflag:s20], $0x4000  }
0x7f: {  	[sflag:s20] =	ssyncset.done $0x0  }
0x80: {  	[sflag:s20] =	ssyncadd.s32 $0xFFFFC000  }
0x81: {  	[tilespmem:s19], [sflag:$0x2] =	stream.linear.gather [spmem:s10], $0x4000, $0x38;
	[tilespmem:$0x1A900] =	vst v63  }
0x82: {  	s25 =	sadd.s32 $0x1, s25;
	_ =	swait.ge [sflag:s20], $0x4000  }
0x83: {  	p0 =	sne.s32 s25, s16;
	[sflag:s20] =	ssyncset.done $0x0  }
.Ltmp1:
0x84: {  	[sflag:s20] =	ssyncadd.s32 $0xFFFFC000;
	(pc) =	sbr.rel @p0 .LBB2_1-.Ltmp1, $4  }
0x85: {  	[hbm4b:s15+s3] =	stream.linear.scatter [tilespmem:s19], [sflag:$0x2], $0x4000, $0x38;
	[tilespmem:$0x1A900] =	vst v63  }
0x86: {  	_ =	swait.ge [sflag:s20], $0x4000  }
0x87: {  	[sflag:s20] =	ssyncset.done $0x0  }
0x88: {  	[sflag:s20] =	ssyncadd.s32 $0xFFFFC000  }
0x89: {  	_ =	sfence.sel $0x180000  }
0x8a: {  	[bflag:$0x0] =	sbarrier.arrive $0xFFFF  }
0x8b: {  	p0 =	sne.s32 s0, $0x0;
	_ =	strace $0x9000004D  }
0x8c: {  	s0 =	sadd.s32 @!p0 $0x100000, s1;
	[bflag:$0x2] =	sbarrier.arrive $0xFFFF  }
0x8d: {  	[sflag:s0] =	ssyncadd.tile.s32 @!p0 $0x1;
	_ =	shalt  }
.Lfunc_end2:
_tile_overlayer_lowered:
.L_overlay_start_2:
0x8e: {  	(tag) =	ssettag $0x2  }
0x8f: {  	s0 =	rddreg [dreg:$0x0];
	s2 =	stileid.u32  }
0x90: {  	s1 =	rddreg [dreg:$0x1];
	p0 =	sne.s32 s2, $0x0  }
0x91: {  	s3 =	rddreg [dreg:$0x2];
	[bflag:$0x3] =	sbarrier.arrive $0xFFFF;
	s2 =	simm.s32 @!p0 $0x1C02  }
0x92: {  	[timem:s3], [sflag:s2] =	dma.local @!p0 [hbm:s0], s1  }
0x93: {  	s0 =	simm.s32 @!p0 $0x2  }
0x94: {  	_ =	swait.ge @!p0 [sflag:s0], s1  }
0x95: {  	s1 =	ssub.s32 @!p0 $0x0, s1;
	[sflag:s0] =	ssyncset.done @!p0 $0x0  }
0x96: {  	[sflag:s0] =	ssyncadd.s32 @!p0 s1  }
0x97: {  	[bflag:$0x3] =	sbarrier.arrive $0xFFFF  }
0x98: {  	_ =	shalt  }

// kernel: kernel.21.cloned.1.call-start
scs
__scs_entry_jumppad:
0x0: {  	(pc) =	sbr.rel $0x88, $3  }
0x1: {  	(tag) =	ssettag $0x0;
	lr =	simm.s32 $0x1  }
0x2: {  	[smem:$0x3F90] =	sst lr;
	_ =	strace $0xD0000000  }
0x3: {  	_ = 	snop  }
0x4: {  	_ = 	snop  }
0x5: {  	_ = 	snop  }
0x6: {  	_ = 	snop  }
0x7: {  	_ = 	snop  }
__scs_overlays_trampoline_lowered:
0x8: {  	[smem:$0x3F9F] =	sst s0  }
0x9: {  	[smem:$0x3FA0] =	sst s1  }
0xa: {  	[smem:$0x3FA1] =	sst s2  }
0xb: {  	[smem:$0x3FA2] =	sst s3  }
0xc: {  	[smem:$0x3FA3] =	sst s4  }
0xd: {  	[smem:$0x3FA4] =	sst s5  }
0xe: {  	[smem:$0x3FA5] =	sst s6  }
0xf: {  	[smem:$0x3FA6] =	sst s7  }
0x10: {  	[smem:$0x3FA7] =	sst s8  }
0x11: {  	[smem:$0x3FA8] =	sst s9;
	s0 =	simm.s32 @!p0 $0x0  }
0x12: {  	s1 =	sld [smem:$0x3F8E];
	s0 =	simm.s32 @p0 $0x1  }
0x13: {  	[smem:$0x3FA9] =	sst s0;
	s0 =	simm.s32 @!p1 $0x0  }
0x14: {  	s2 =	sld [smem:$0x3F8D];
	s0 =	simm.s32 @p1 $0x1  }
0x15: {  	[smem:$0x3FAA] =	sst s0;
	s0 =	simm.s32 @!p2 $0x0  }
0x16: {  	s3 =	sld [smem:$0x3FDB];
	s0 =	simm.s32 @p2 $0x1  }
0x17: {  	s4 =	simm.s32 $0x1BF5;
	[smem:$0x3FAC] =	sst s0  }
0x18: {  	s0 =	sld [smem:$0x3F8F];
	_ =	swait.ge [sflag:s4], $0x0  }
0x19: {  	s7 =	sld [smem:$0x3F90]  }
0x1a: {  	s8 =	sadd.s32 $0xFFFFE003, lr  }
0x1b: {  	s9 =	sadd.s32 $0xFFFFFEF7, lr;
	s5 =	simm.s32 $0xFFFFFFFF;
	p2 =	slt.u32 s8, $0xFFFFF086  }
0x1c: {  	p1 =	slt.u32 s9, $0xF7A;
	s5 =	simm.s32 @!p2 $0x0  }
0x1d: {  	s5 =	simm.s32 @p1 $0x1;
	p0 =	seq.s32 s7, s2  }
0x1e: {  	s7 =	smul.u32 @!p0 $0xF7A, s2;
	p2 =	seq.s32 @!p0 s5, $0x0  }
0x1f: {  	s9 =	smul.u32 $0xF7A, s1;
	s8 =	simm.s32 @!p0 $0x1BF5;
	p2 =	por !p2, p0  }
0x20: {  	[sflag:s8] =	ssyncset.s32 @!p0 $0xFFFFF086;
	s6 =	sadd.s32 @!p0 s3, s7;
	s7 =	simm.s32 @!p0 $0x108  }
0x21: {  	s3 =	sadd.s32 s3, s9;
	s6 =	sadd.s32 @!p0 $0x88, s6;
	s7 =	simm.s32 @p2 $0x1082  }
0x22: {  	[simem:s7], [sflag:s8] =	dma.local @!p0 [hbm:s6], $0xF7A  }
0x23: {  	s9 =	sor.u32 $0xD0000000, s2;
	s6 =	simm.s32 $0x108;
	_ =	swait.ge @!p0 [sflag:s8], $0x0  }
0x24: {  	s3 =	sadd.s32 $0x88, s3;
	s6 =	simm.s32 @!p1 $0x1082;
	[sflag:s4] =	ssyncset.s32 $0xFFFFF086  }
0x25: {  	[simem:s6], [sflag:s4] =	dma.local [hbm:s3], $0xF7A  }
0x26: {  	[smem:$0x3F90] =	sst s1;
	(tag) =	ssettag s2;
	_ =	strace s9  }
0x27: {  	s1 =	sld [smem:$0x3FA0]  }
0x28: {  	s2 =	sld [smem:$0x3FA1]  }
0x29: {  	s4 =	sld [smem:$0x3FA3]  }
0x2a: {  	p0 =	seq.s32 s5, $0x0;
	s5 =	sld [smem:$0x3FA4]  }
0x2b: {  	s6 =	sld [smem:$0x3FA5]  }
0x2c: {  	s7 =	sld [smem:$0x3FA6]  }
0x2d: {  	s3 =	simm.s32 $0x108;
	s8 =	sld [smem:$0x3FA7]  }
0x2e: {  	s3 =	simm.s32 @!p0 $0x1082;
	s9 =	sld [smem:$0x3FA8]  }
0x2f: {  	lr =	sadd.s32 s0, s3;
	s0 =	sld [smem:$0x3F9F]  }
0x30: {  	s3 =	sld [smem:$0x3FA2]  }
0x31: {  	[smem:$0x3FAB] =	sst s10  }
0x32: {  	s10 =	sld [smem:$0x3FA9];
	_ =	sdelay $0x3  }
0x33: {  	p0 =	seq.s32 s10, $0x1;
	s10 =	sld [smem:$0x3FAB];
	_ =	sdelay $0x3  }
0x34: {  	[smem:$0x3FAB] =	sst s10  }
0x35: {  	s10 =	sld [smem:$0x3FAA];
	_ =	sdelay $0x3  }
0x36: {  	p1 =	seq.s32 s10, $0x1;
	s10 =	sld [smem:$0x3FAB];
	_ =	sdelay $0x3  }
0x37: {  	[smem:$0x3FAB] =	sst s10  }
0x38: {  	s10 =	sld [smem:$0x3FAC]  }
0x39: {  	_ = 	snop;
	(pc) =	sbr.ind lr, $3  }
0x3a: {  	_ = 	snop  }
0x3b: {  	_ = 	snop  }
0x3c: {  	p2 =	seq.s32 s10, $0x1;
	s10 =	sld [smem:$0x3FAB]  }
0x3d: {  	_ =	shalt  }
0x3e: {  	_ =	shalt  }
0x3f: {  	_ =	shalt  }
0x40: {  	_ =	shalt  }
0x41: {  	_ =	shalt  }
0x42: {  	_ =	shalt  }
0x43: {  	_ =	shalt  }
0x44: {  	_ =	shalt  }
0x45: {  	_ =	shalt  }
0x46: {  	_ =	shalt  }
0x47: {  	_ =	shalt  }
0x48: {  	_ =	shalt  }
0x49: {  	_ =	shalt  }
0x4a: {  	_ =	shalt  }
0x4b: {  	_ =	shalt  }
0x4c: {  	_ =	shalt  }
0x4d: {  	_ =	shalt  }
0x4e: {  	_ =	shalt  }
0x4f: {  	_ =	shalt  }
0x50: {  	_ =	shalt  }
0x51: {  	_ =	shalt  }
0x52: {  	_ =	shalt  }
0x53: {  	_ =	shalt  }
0x54: {  	_ =	shalt  }
0x55: {  	_ =	shalt  }
0x56: {  	_ =	shalt  }
0x57: {  	_ =	shalt  }
0x58: {  	_ =	shalt  }
0x59: {  	_ =	shalt  }
0x5a: {  	_ =	shalt  }
0x5b: {  	_ =	shalt  }
0x5c: {  	_ =	shalt  }
0x5d: {  	_ =	shalt  }
0x5e: {  	_ =	shalt  }
0x5f: {  	_ =	shalt  }
0x60: {  	_ =	shalt  }
0x61: {  	_ =	shalt  }
0x62: {  	_ =	shalt  }
0x63: {  	_ =	shalt  }
0x64: {  	_ =	shalt  }
0x65: {  	_ =	shalt  }
0x66: {  	_ =	shalt  }
0x67: {  	_ =	shalt  }
0x68: {  	_ =	shalt  }
0x69: {  	_ =	shalt  }
0x6a: {  	_ =	shalt  }
0x6b: {  	_ =	shalt  }
0x6c: {  	_ =	shalt  }
0x6d: {  	_ =	shalt  }
0x6e: {  	_ =	shalt  }
0x6f: {  	_ =	shalt  }
0x70: {  	_ =	shalt  }
0x71: {  	_ =	shalt  }
0x72: {  	_ =	shalt  }
0x73: {  	_ =	shalt  }
0x74: {  	_ =	shalt  }
0x75: {  	_ =	shalt  }
0x76: {  	_ =	shalt  }
0x77: {  	_ =	shalt  }
0x78: {  	_ =	shalt  }
0x79: {  	_ =	shalt  }
0x7a: {  	_ =	shalt  }
0x7b: {  	_ =	shalt  }
0x7c: {  	_ =	shalt  }
0x7d: {  	_ =	shalt  }
0x7e: {  	_ =	shalt  }
0x7f: {  	_ =	shalt  }
0x80: {  	_ =	shalt  }
0x81: {  	_ =	shalt  }
0x82: {  	_ =	shalt  }
0x83: {  	_ =	shalt  }
0x84: {  	_ =	shalt  }
0x85: {  	_ =	shalt  }
0x86: {  	_ =	shalt  }
0x87: {  	_ =	shalt  }
.Lfunc_end0:
.L_simem_size_0:
called_computation.3_lowered:
.L_overlay_start_0:
0x88: {  	s2 =	sld [smem:$0x3FD9]  }
0x89: {  	s3 =	sld [smem:$0x3FFE];
	_ =	sdelay $0x1  }
0x8a: {  	s1 =	srdreg.scid  }
0x8b: {  	s0 =	sand.u32 $0x1, s1  }
0x8c: {  	s16 =	sshll.u32 s0, $0xA;
	s2 =	sadd.s32 s3, s2  }
0x8d: {  	s2 =	sadd.s32 s2, s16  }
0x8e: {  	[smem:$0x3FB7] =	sst s2  }
0x8f: {  	_ = 	snop  }
0x90: {  	(tm) =	ssettm $0x1  }
0x91: {  	s17 =	sld [smem:$0x3FFB];
	_ =	sdelay $0x3  }
0x92: {  	_ =	strace s17  }
0x93: {  	s2 =	sld [smem:$0x3FFC];
	_ =	sdelay $0x3  }
0x94: {  	_ =	strace s2  }
0x95: {  	s2 =	sld [smem:$0x3FFD];
	_ =	sdelay $0x3  }
0x96: {  	_ =	strace s2  }
0x97: {  	_ =	strace $0x8FFFFFFF  }
0x98: {  	s18 =	sld [smem:$0x3FDB];
	_ =	sdelay $0x1  }
0x99: {  	s19 =	simm.s32 $_scs_section_size  }
0x9a: {  	s4 =	simm.s32 $_size__tile_overlayer_lowered;
	s5 =	simm.s32 $_tile_overlayer_lowered  }
0x9b: {  	s22 =	simm.s32 $0x1BFF;
	s21 =	sshll.u32 s5, $0x1;
	s2 =	sadd.s32 s19, s18  }
0x9c: {  	s6 =	simm.s32 $0x0;
	s20 =	sshll.u32 s4, $0x1;
	s4 =	sadd.s32 s21, s2  }
0x9d: {  	[timem:s6], [sflag:s22] =	dma.local [hbm:s4], s20  }
0x9e: {  	_ =	swait.ge [sflag:s22], s20  }
0x9f: {  	s3 =	ssub.s32 $0x0, s20;
	[sflag:s22] =	ssyncset.done $0x0  }
0xa0: {  	[sflag:s22] =	ssyncadd.s32 s3;
	_ =	sdelay $0x1  }
0xa1: {  	s23 =	simm.s32 $0x1B8B  }
0xa2: {  	_ =	swait.ge [sflag:s23], $0x1  }
0xa3: {  	[sflag:s23] =	ssyncset.done $0x0  }
0xa4: {  	s25 =	simm.s32 $0x1B8E;
	s24 =	sld [smem:$0x3FFE];
	[sflag:s23] =	ssyncadd.s32 $0xFFFFFFFF  }
0xa5: {  	s26 =	simm.s32 $execute0_lowered;
	[smem:$0x3FD2] =	sst s25  }
0xa6: {  	s4 =	sshll.u32 s26, $0x1;
	_ =	strace $0x8000004F;
	[dreg:$0x1] =	wrdreg $0xFFFFFFFF  }
0xa7: {  	s28 =	simm.s32 $_size_execute0_lowered;
	s2 =	sadd.s32 s2, s4;
	[dreg:$0x0] =	wrdreg $0x0  }
0xa8: {  	s4 =	sshll.u32 s28, $0x1;
	[dreg:$0x2] =	wrdreg s2  }
0xa9: {  	[dreg:$0x3] =	wrdreg s4  }
0xaa: {  	[dreg:$0x4] =	wrdreg $0xC0  }
0xab: {  	_ =	task [dreg:s6], $0x5FFFF  }
0xac: {  	[dreg:$0x1] =	wrdreg $0xFFFFFFFF  }
0xad: {  	[dreg:$0x0] =	wrdreg $0x60  }
0xae: {  	[dreg:$0x2] =	wrdreg s24  }
0xaf: {  	[dreg:$0x3] =	wrdreg $0x69000  }
0xb0: {  	[dreg:$0x4] =	wrdreg $0x9  }
0xb1: {  	_ =	task.clear_ibuf [dreg:s6], $0x5FFFF;
	_ =	strace $0x9000004F  }
0xb2: {  	s29 =	simm.s32 $0x9;
	_ =	strace $0x80000051  }
0xb3: {  	_ =	swait.ge [sflag:s29], $0x1  }
0xb4: {  	[sflag:s29] =	ssyncadd.s32 $0xFFFFFFFF  }
0xb5: {  	_ =	strace $0x90000051  }
0xb6: {  	_ =	sfence  }
0xb7: {  	s30 =	sld [smem:$0x0];
	_ =	sdelay $0x2  }
0xb8: {  	s31 =	sshll.u32 s1, $0xD;
	s1 =	sshrl.u32 s1, $0x2  }
0xb9: {  	s3 =	sand.u32 $0x4000, s31;
	s1 =	sadd.s32 s1, s30  }
0xba: {  	s0 =	sor.u32 s3, s0;
	s1 =	sshll.u32 s1, $0x11  }
0xbb: {  	s0 =	sor.u32 s1, s0  }
0xbc: {  	s0 =	sadd.s32 $0x8F2B, s0  }
0xbd: {  	[sflag:s0] =	ssyncadd.remote.s32 $0x1  }
0xbe: {  	_ =	sfence.sel $0xFFFF  }
0xbf: {  	[dreg:$0x0] =	wrdreg $0xFFFFFFFF;
	(pc) =	sbr.abs _section_cstart, $3  }
0xc0: {  	[dreg:$0x1] =	wrdreg $0xFFFFFFFF  }
0xc1: {  	_ =	task.clear_ibuf [dreg:s6], $0x2FFFF;
	_ =	strace $0x9FFFFFFF  }
0xc2: {  	(tm) =	ssettm $0x7FFFFFFF  }
0xc3: {  	_ =	shalt  }
tec
execute0_lowered:
.L_overlay_start_1:
0x0: {  	(tag) =	ssettag $0x1  }
0x1: {  	s6 =	rddreg [dreg:$0x0]  }
0x2: {  	s2 =	rddreg [dreg:$0x1]  }
0x3: {  	s0 =	srdreg.scid;
	s1 =	rddreg [dreg:$0x2]  }
0x4: {  	s3 =	simm.s32 $0x0;
	s21 =	simm.s32 $0x80;
	s7 =	sand.u32 $0x1, s0  }
0x5: {  	s22 =	simm.s32 $0x50;
	s0 =	stileid.u32;
	s4 =	smul.u32 $0x27100, s7  }
0x6: {  	s23 =	simm.s32 $0x100;
	s24 =	simm.s32 $0x1;
	s5 =	smul.u32 $0x2710, s0  }
0x7: {  	s25 =	simm.s32 $0x0;
	[smem:$0x7FF] =	sst s3;
	s8 =	smul.u32 $0x50000, s0  }
0x8: {  	s15 =	sadd.s32 $0x6B400, s6;
	s9 =	ssub.s32 $0x2, s7;
	s10 =	smul.u32 $0x14000, s0  }
0x9: {  	_ =	strace $0x80000050;
	s17 =	smul.u32 $0x140000, s7;
	s31 =	sshrl.u32 s9, $0x1  }
0xa: {  	s4 =	sadd.s32 s5, s4;
	s8 =	sshrl.u32 s8, $0x2;
	s16 =	ssub.s32 s9, s31  }
0xb: {  	s11 =	sadd.s32 $0x4000, s10;
	s13 =	sadd.s32 $0x8000, s10;
	s14 =	sadd.s32 $0xC000, s10  }
0xc: {  	s19 =	sadd.s32 $0x10000, s10;
	s12 =	sadd.s32 s10, s17;
	s5 =	sshrl.u32 s4, $0x3  }
0xd: {  	s4 =	sadd.s32 $0x1B400, s6;
	s7 =	sadd.s32 s11, s2;
	s9 =	sadd.s32 s14, s2  }
0xe: {  	s11 =	sadd.s32 s17, s11;
	s10 =	sadd.s32 s19, s2;
	s12 =	sshrl.u32 s12, $0x3  }
0xf: {  	s14 =	sadd.s32 s17, s14;
	s16 =	smax.u32 s16, $0x1;
	s18 =	sadd.s32 s5, s6  }
0x10: {  	s5 =	sadd.s32 $0x1AC00, s6;
	s6 =	sadd.s32 s8, s2;
	s8 =	sadd.s32 s13, s2  }
0x11: {  	s20 =	sshrl.u32 s11, $0x3;
	s11 =	sadd.s32 s15, s12;
	s13 =	sadd.s32 s17, s13  }
0x12: {  	s17 =	sadd.s32 s17, s19;
	s14 =	sshrl.u32 s14, $0x3;
	s19 =	simm.s32 $0x2900  }
0x13: {  	s12 =	sadd.s32 s15, s20;
	s13 =	sshrl.u32 s13, $0x3;
	s17 =	sshrl.u32 s17, $0x3  }
0x14: {  	s14 =	sadd.s32 s15, s14;
	s20 =	simm.s32 $0x2;
	s13 =	sadd.s32 s15, s13  }
0x15: {  	s15 =	sadd.s32 s15, s17;
	s17 =	sadd.s32 $0x10E00, s18;
	s18 =	sadd.s32 $0x7000, s18  }
.LBB2_1:
0x16: {  	[tilespmem:s19], [sflag:$0x2] =	stream.linear.gather [hbm4b:s5+s3], $0x4000, $0x38;
	[tilespmem:$0x1A900] =	vst v63  }
0x17: {  	_ =	swait.ge [sflag:s20], $0x4000  }
0x18: {  	[sflag:s20] =	ssyncset.done $0x0  }
0x19: {  	[sflag:s20] =	ssyncadd.s32 $0xFFFFC000  }
0x1a: {  	[spmem:s6] =	stream.linear.scatter [tilespmem:s19], [sflag:$0x2], $0x4000, $0x38;
	[tilespmem:$0x1A900] =	vst v63  }
0x1b: {  	_ =	swait.ge [sflag:s20], $0x4000  }
0x1c: {  	[sflag:s20] =	ssyncset.done $0x0  }
0x1d: {  	[sflag:s20] =	ssyncadd.s32 $0xFFFFC000  }
0x1e: {  	[spmem:s7] =	stream.linear.scatter [tilespmem:s19], [sflag:$0x2], $0x4000, $0x38;
	[tilespmem:$0x1A900] =	vst v63  }
0x1f: {  	_ =	swait.ge [sflag:s20], $0x4000  }
0x20: {  	[sflag:s20] =	ssyncset.done $0x0  }
0x21: {  	[sflag:s20] =	ssyncadd.s32 $0xFFFFC000  }
0x22: {  	[spmem:s8] =	stream.linear.scatter [tilespmem:s19], [sflag:$0x2], $0x4000, $0x38;
	[tilespmem:$0x1A900] =	vst v63  }
0x23: {  	_ =	swait.ge [sflag:s20], $0x4000  }
0x24: {  	[sflag:s20] =	ssyncset.done $0x0  }
0x25: {  	[sflag:s20] =	ssyncadd.s32 $0xFFFFC000  }
0x26: {  	[spmem:s9] =	stream.linear.scatter [tilespmem:s19], [sflag:$0x2], $0x4000, $0x38;
	[tilespmem:$0x1A900] =	vst v63  }
0x27: {  	_ =	swait.ge [sflag:s20], $0x4000  }
0x28: {  	[sflag:s20] =	ssyncset.done $0x0  }
0x29: {  	[sflag:s20] =	ssyncadd.s32 $0xFFFFC000  }
0x2a: {  	[spmem:s10] =	stream.linear.scatter [tilespmem:s19], [sflag:$0x2], $0x4000, $0x38;
	[tilespmem:$0x1A900] =	vst v63  }
0x2b: {  	_ =	swait.ge [sflag:s20], $0x4000  }
0x2c: {  	[sflag:s20] =	ssyncset.done $0x0  }
0x2d: {  	[sflag:s20] =	ssyncadd.s32 $0xFFFFC000  }
0x2e: {  	s26 =	sadd.s32 $0x0, s18;
	[bflag:$0x0] =	sbarrier.arrive $0xFFFF  }
0x2f: {  	[tilespmem:s3], [sflag:$0x2] =	stream.linear.gather [hbm4b:s26+s3], $0x50, $0x38;
	[tilespmem:$0x1A900] =	vst v63  }
0x30: {  	_ =	swait.ge [sflag:s20], $0x50  }
0x31: {  	[sflag:s20] =	ssyncset.done $0x0  }
0x32: {  	s31 =	sadd.s32 $0x0, s17;
	[sflag:s20] =	ssyncadd.s32 $0xFFFFFFB0  }
0x33: {  	[tilespmem:s21], [sflag:$0x2] =	stream.linear.gather [hbm4b:s31+s3], $0x50, $0x38;
	[tilespmem:$0x1A900] =	vst v63  }
0x34: {  	_ =	swait.ge [sflag:s20], $0x50  }
0x35: {  	[sflag:s20] =	ssyncset.done $0x0  }
0x36: {  	[sflag:s20] =	ssyncadd.s32 $0xFFFFFFB0  }
0x37: {  	[tilespmem:s23], [sflag:$0x1] =	stream.indirect.gather [hbm4b:s4+s22], $0x80, s3, s22, $0xb8;
	[tilespmem:$0x1A900] =	vst v63  }
0x38: {  	_ =	swait.ge [sflag:s24], $0x2800  }
0x39: {  	[sflag:s24] =	ssyncset.done $0x0  }
0x3a: {  	[sflag:s24] =	ssyncadd.s32 $0xFFFFD800  }
0x3b: {  	[spmem:s2] =	stream.indirect.scatter.add.f32 [tilespmem:s23], [sflag:$0x2], $0x80, s21, s22, $0xb8;
	[tilespmem:$0x1A900] =	vst v63  }
0x3c: {  	_ =	swait.ge [sflag:s20], $0x2800  }
0x3d: {  	s28 =	simm.s32 $0x14;
	s26 =	simm.s32 $0xA;
	[sflag:s20] =	ssyncset.done $0x0  }
.LBB2_2:
0x3e: {  	s29 =	sadd.s32 s26, s18  }
0x3f: {  	[sflag:s20] =	ssyncadd.s32 $0xFFFFD800;
	s30 =	smov.u32 s28;
	s31 =	sadd.s32 $0xA, s28  }
0x40: {  	[tilespmem:s3], [sflag:$0x2] =	stream.linear.gather [hbm4b:s29+s3], $0x50, $0x38;
	[tilespmem:$0x1A900] =	vst v63  }
0x41: {  	p0 =	sne.s32 s28, $0x4D8;
	_ =	swait.ge [sflag:s20], $0x50  }
0x42: {  	[sflag:s20] =	ssyncset.done $0x0  }
0x43: {  	s28 =	sadd.s32 s26, s17;
	s26 =	smov.u32 s30;
	[sflag:s20] =	ssyncadd.s32 $0xFFFFFFB0  }
0x44: {  	[tilespmem:s21], [sflag:$0x2] =	stream.linear.gather [hbm4b:s28+s3], $0x50, $0x38;
	[tilespmem:$0x1A900] =	vst v63  }
0x45: {  	_ =	swait.ge [sflag:s20], $0x50  }
0x46: {  	[sflag:s20] =	ssyncset.done $0x0  }
0x47: {  	[sflag:s20] =	ssyncadd.s32 $0xFFFFFFB0  }
0x48: {  	[tilespmem:s23], [sflag:$0x1] =	stream.indirect.gather [hbm4b:s4+s22], $0x80, s3, s22, $0xb8;
	[tilespmem:$0x1A900] =	vst v63  }
0x49: {  	_ =	swait.ge [sflag:s24], $0x2800  }
.Ltmp0:
0x4a: {  	[sflag:s24] =	ssyncset.done $0x0;
	(pc) =	sbr.rel @p0 .LBB2_2-.Ltmp0, $4  }
0x4b: {  	[sflag:s24] =	ssyncadd.s32 $0xFFFFD800  }
0x4c: {  	[spmem:s2] =	stream.indirect.scatter.add.f32 [tilespmem:s23], [sflag:$0x2], $0x80, s21, s22, $0xb8;
	[tilespmem:$0x1A900] =	vst v63  }
0x4d: {  	_ =	swait.ge [sflag:s20], $0x2800  }
0x4e: {  	s28 =	smov.u32 s31;
	[sflag:s20] =	ssyncset.done $0x0  }
0x4f: {  	s28 =	sadd.s32 s26, s18;
	[sflag:s20] =	ssyncadd.s32 $0xFFFFD800  }
0x50: {  	[tilespmem:s3], [sflag:$0x2] =	stream.linear.gather [hbm4b:s28+s3], $0x50, $0x38;
	[tilespmem:$0x1A900] =	vst v63  }
0x51: {  	_ =	swait.ge [sflag:s20], $0x50  }
0x52: {  	[sflag:s20] =	ssyncset.done $0x0  }
0x53: {  	s31 =	sadd.s32 s26, s17;
	[sflag:s20] =	ssyncadd.s32 $0xFFFFFFB0  }
0x54: {  	[tilespmem:s21], [sflag:$0x2] =	stream.linear.gather [hbm4b:s31+s3], $0x50, $0x38;
	[tilespmem:$0x1A900] =	vst v63  }
0x55: {  	_ =	swait.ge [sflag:s20], $0x50  }
0x56: {  	[sflag:s20] =	ssyncset.done $0x0  }
0x57: {  	[sflag:s20] =	ssyncadd.s32 $0xFFFFFFB0  }
0x58: {  	[tilespmem:s23], [sflag:$0x1] =	stream.indirect.gather [hbm4b:s4+s22], $0x80, s3, s22, $0xb8;
	[tilespmem:$0x1A900] =	vst v63  }
0x59: {  	_ =	swait.ge [sflag:s24], $0x2800  }
0x5a: {  	[sflag:s24] =	ssyncset.done $0x0  }
0x5b: {  	[sflag:s24] =	ssyncadd.s32 $0xFFFFD800  }
0x5c: {  	[spmem:s2] =	stream.indirect.scatter.add.f32 [tilespmem:s23], [sflag:$0x2], $0x80, s21, s22, $0xb8;
	[tilespmem:$0x1A900] =	vst v63  }
0x5d: {  	_ =	swait.ge [sflag:s20], $0x2800  }
0x5e: {  	[sflag:s20] =	ssyncset.done $0x0  }
0x5f: {  	[sflag:s20] =	ssyncadd.s32 $0xFFFFD800  }
0x60: {  	[bflag:$0x0] =	sbarrier.arrive $0xFFFF  }
0x61: {  	[tilespmem:s19], [sflag:$0x2] =	stream.linear.gather [spmem:s6], $0x4000, $0x38;
	[tilespmem:$0x1A900] =	vst v63  }
0x62: {  	_ =	swait.ge [sflag:s20], $0x4000  }
0x63: {  	[sflag:s20] =	ssyncset.done $0x0  }
0x64: {  	[sflag:s20] =	ssyncadd.s32 $0xFFFFC000  }
0x65: {  	[hbm4b:s11+s3] =	stream.linear.scatter [tilespmem:s19], [sflag:$0x2], $0x4000, $0x38;
	[tilespmem:$0x1A900] =	vst v63  }
0x66: {  	_ =	swait.ge [sflag:s20], $0x4000  }
0x67: {  	[sflag:s20] =	ssyncset.done $0x0  }
0x68: {  	[sflag:s20] =	ssyncadd.s32 $0xFFFFC000  }
0x69: {  	[tilespmem:s19], [sflag:$0x2] =	stream.linear.gather [spmem:s7], $0x4000, $0x38;
	[tilespmem:$0x1A900] =	vst v63  }
0x6a: {  	_ =	swait.ge [sflag:s20], $0x4000  }
0x6b: {  	[sflag:s20] =	ssyncset.done $0x0  }
0x6c: {  	[sflag:s20] =	ssyncadd.s32 $0xFFFFC000  }
0x6d: {  	[hbm4b:s12+s3] =	stream.linear.scatter [tilespmem:s19], [sflag:$0x2], $0x4000, $0x38;
	[tilespmem:$0x1A900] =	vst v63  }
0x6e: {  	_ =	swait.ge [sflag:s20], $0x4000  }
0x6f: {  	[sflag:s20] =	ssyncset.done $0x0  }
0x70: {  	[sflag:s20] =	ssyncadd.s32 $0xFFFFC000  }
0x71: {  	[tilespmem:s19], [sflag:$0x2] =	stream.linear.gather [spmem:s8], $0x4000, $0x38;
	[tilespmem:$0x1A900] =	vst v63  }
0x72: {  	_ =	swait.ge [sflag:s20], $0x4000  }
0x73: {  	[sflag:s20] =	ssyncset.done $0x0  }
0x74: {  	[sflag:s20] =	ssyncadd.s32 $0xFFFFC000  }
0x75: {  	[hbm4b:s13+s3] =	stream.linear.scatter [tilespmem:s19], [sflag:$0x2], $0x4000, $0x38;
	[tilespmem:$0x1A900] =	vst v63  }
0x76: {  	_ =	swait.ge [sflag:s20], $0x4000  }
0x77: {  	[sflag:s20] =	ssyncset.done $0x0  }
0x78: {  	[sflag:s20] =	ssyncadd.s32 $0xFFFFC000  }
0x79: {  	[tilespmem:s19], [sflag:$0x2] =	stream.linear.gather [spmem:s9], $0x4000, $0x38;
	[tilespmem:$0x1A900] =	vst v63  }
0x7a: {  	_ =	swait.ge [sflag:s20], $0x4000  }
0x7b: {  	[sflag:s20] =	ssyncset.done $0x0  }
0x7c: {  	[sflag:s20] =	ssyncadd.s32 $0xFFFFC000  }
0x7d: {  	[hbm4b:s14+s3] =	stream.linear.scatter [tilespmem:s19], [sflag:$0x2], $0x4000, $0x38;
	[tilespmem:$0x1A900] =	vst v63  }
0x7e: {  	_ =	swait.ge [sflag:s20], $0x4000  }
0x7f: {  	[sflag:s20] =	ssyncset.done $0x0  }
0x80: {  	[sflag:s20] =	ssyncadd.s32 $0xFFFFC000  }
0x81: {  	[tilespmem:s19], [sflag:$0x2] =	stream.linear.gather [spmem:s10], $0x4000, $0x38;
	[tilespmem:$0x1A900] =	vst v63  }
0x82: {  	s25 =	sadd.s32 $0x1, s25;
	_ =	swait.ge [sflag:s20], $0x4000  }
0x83: {  	p0 =	sne.s32 s25, s16;
	[sflag:s20] =	ssyncset.done $0x0  }
.Ltmp1:
0x84: {  	[sflag:s20] =	ssyncadd.s32 $0xFFFFC000;
	(pc) =	sbr.rel @p0 .LBB2_1-.Ltmp1, $4  }
0x85: {  	[hbm4b:s15+s3] =	stream.linear.scatter [tilespmem:s19], [sflag:$0x2], $0x4000, $0x38;
	[tilespmem:$0x1A900] =	vst v63  }
0x86: {  	_ =	swait.ge [sflag:s20], $0x4000  }
0x87: {  	[sflag:s20] =	ssyncset.done $0x0  }
0x88: {  	[sflag:s20] =	ssyncadd.s32 $0xFFFFC000  }
0x89: {  	_ =	sfence.sel $0x180000  }
0x8a: {  	[bflag:$0x0] =	sbarrier.arrive $0xFFFF  }
0x8b: {  	p0 =	sne.s32 s0, $0x0;
	_ =	strace $0x90000050  }
0x8c: {  	s0 =	sadd.s32 @!p0 $0x100000, s1;
	[bflag:$0x2] =	sbarrier.arrive $0xFFFF  }
0x8d: {  	[sflag:s0] =	ssyncadd.tile.s32 @!p0 $0x1;
	_ =	shalt  }
.Lfunc_end2:
_tile_overlayer_lowered:
.L_overlay_start_2:
0x8e: {  	(tag) =	ssettag $0x2  }
0x8f: {  	s0 =	rddreg [dreg:$0x0];
	s2 =	stileid.u32  }
0x90: {  	s1 =	rddreg [dreg:$0x1];
	p0 =	sne.s32 s2, $0x0  }
0x91: {  	s3 =	rddreg [dreg:$0x2];
	[bflag:$0x3] =	sbarrier.arrive $0xFFFF;
	s2 =	simm.s32 @!p0 $0x1C02  }
0x92: {  	[timem:s3], [sflag:s2] =	dma.local @!p0 [hbm:s0], s1  }
0x93: {  	s0 =	simm.s32 @!p0 $0x2  }
0x94: {  	_ =	swait.ge @!p0 [sflag:s0], s1  }
0x95: {  	s1 =	ssub.s32 @!p0 $0x0, s1;
	[sflag:s0] =	ssyncset.done @!p0 $0x0  }
0x96: {  	[sflag:s0] =	ssyncadd.s32 @!p0 s1  }
0x97: {  	[bflag:$0x3] =	sbarrier.arrive $0xFFFF  }
0x98: {  	_ =	shalt  }

// kernel: kernel.24.cloned.1.call-start
scs
__scs_entry_jumppad:
0x0: {  	(pc) =	sbr.rel $0x88, $3  }
0x1: {  	(tag) =	ssettag $0x0;
	lr =	simm.s32 $0x1  }
0x2: {  	[smem:$0x3F90] =	sst lr;
	_ =	strace $0xD0000000  }
0x3: {  	_ = 	snop  }
0x4: {  	_ = 	snop  }
0x5: {  	_ = 	snop  }
0x6: {  	_ = 	snop  }
0x7: {  	_ = 	snop  }
__scs_overlays_trampoline_lowered:
0x8: {  	[smem:$0x3F9F] =	sst s0  }
0x9: {  	[smem:$0x3FA0] =	sst s1  }
0xa: {  	[smem:$0x3FA1] =	sst s2  }
0xb: {  	[smem:$0x3FA2] =	sst s3  }
0xc: {  	[smem:$0x3FA3] =	sst s4  }
0xd: {  	[smem:$0x3FA4] =	sst s5  }
0xe: {  	[smem:$0x3FA5] =	sst s6  }
0xf: {  	[smem:$0x3FA6] =	sst s7  }
0x10: {  	[smem:$0x3FA7] =	sst s8  }
0x11: {  	[smem:$0x3FA8] =	sst s9;
	s0 =	simm.s32 @!p0 $0x0  }
0x12: {  	s1 =	sld [smem:$0x3F8E];
	s0 =	simm.s32 @p0 $0x1  }
0x13: {  	[smem:$0x3FA9] =	sst s0;
	s0 =	simm.s32 @!p1 $0x0  }
0x14: {  	s2 =	sld [smem:$0x3F8D];
	s0 =	simm.s32 @p1 $0x1  }
0x15: {  	[smem:$0x3FAA] =	sst s0;
	s0 =	simm.s32 @!p2 $0x0  }
0x16: {  	s3 =	sld [smem:$0x3FDB];
	s0 =	simm.s32 @p2 $0x1  }
0x17: {  	s4 =	simm.s32 $0x1BF5;
	[smem:$0x3FAC] =	sst s0  }
0x18: {  	s0 =	sld [smem:$0x3F8F];
	_ =	swait.ge [sflag:s4], $0x0  }
0x19: {  	s7 =	sld [smem:$0x3F90]  }
0x1a: {  	s8 =	sadd.s32 $0xFFFFE003, lr  }
0x1b: {  	s9 =	sadd.s32 $0xFFFFFEF7, lr;
	s5 =	simm.s32 $0xFFFFFFFF;
	p2 =	slt.u32 s8, $0xFFFFF086  }
0x1c: {  	p1 =	slt.u32 s9, $0xF7A;
	s5 =	simm.s32 @!p2 $0x0  }
0x1d: {  	s5 =	simm.s32 @p1 $0x1;
	p0 =	seq.s32 s7, s2  }
0x1e: {  	s7 =	smul.u32 @!p0 $0xF7A, s2;
	p2 =	seq.s32 @!p0 s5, $0x0  }
0x1f: {  	s9 =	smul.u32 $0xF7A, s1;
	s8 =	simm.s32 @!p0 $0x1BF5;
	p2 =	por !p2, p0  }
0x20: {  	[sflag:s8] =	ssyncset.s32 @!p0 $0xFFFFF086;
	s6 =	sadd.s32 @!p0 s3, s7;
	s7 =	simm.s32 @!p0 $0x108  }
0x21: {  	s3 =	sadd.s32 s3, s9;
	s6 =	sadd.s32 @!p0 $0x88, s6;
	s7 =	simm.s32 @p2 $0x1082  }
0x22: {  	[simem:s7], [sflag:s8] =	dma.local @!p0 [hbm:s6], $0xF7A  }
0x23: {  	s9 =	sor.u32 $0xD0000000, s2;
	s6 =	simm.s32 $0x108;
	_ =	swait.ge @!p0 [sflag:s8], $0x0  }
0x24: {  	s3 =	sadd.s32 $0x88, s3;
	s6 =	simm.s32 @!p1 $0x1082;
	[sflag:s4] =	ssyncset.s32 $0xFFFFF086  }
0x25: {  	[simem:s6], [sflag:s4] =	dma.local [hbm:s3], $0xF7A  }
0x26: {  	[smem:$0x3F90] =	sst s1;
	(tag) =	ssettag s2;
	_ =	strace s9  }
0x27: {  	s1 =	sld [smem:$0x3FA0]  }
0x28: {  	s2 =	sld [smem:$0x3FA1]  }
0x29: {  	s4 =	sld [smem:$0x3FA3]  }
0x2a: {  	p0 =	seq.s32 s5, $0x0;
	s5 =	sld [smem:$0x3FA4]  }
0x2b: {  	s6 =	sld [smem:$0x3FA5]  }
0x2c: {  	s7 =	sld [smem:$0x3FA6]  }
0x2d: {  	s3 =	simm.s32 $0x108;
	s8 =	sld [smem:$0x3FA7]  }
0x2e: {  	s3 =	simm.s32 @!p0 $0x1082;
	s9 =	sld [smem:$0x3FA8]  }
0x2f: {  	lr =	sadd.s32 s0, s3;
	s0 =	sld [smem:$0x3F9F]  }
0x30: {  	s3 =	sld [smem:$0x3FA2]  }
0x31: {  	[smem:$0x3FAB] =	sst s10  }
0x32: {  	s10 =	sld [smem:$0x3FA9];
	_ =	sdelay $0x3  }
0x33: {  	p0 =	seq.s32 s10, $0x1;
	s10 =	sld [smem:$0x3FAB];
	_ =	sdelay $0x3  }
0x34: {  	[smem:$0x3FAB] =	sst s10  }
0x35: {  	s10 =	sld [smem:$0x3FAA];
	_ =	sdelay $0x3  }
0x36: {  	p1 =	seq.s32 s10, $0x1;
	s10 =	sld [smem:$0x3FAB];
	_ =	sdelay $0x3  }
0x37: {  	[smem:$0x3FAB] =	sst s10  }
0x38: {  	s10 =	sld [smem:$0x3FAC]  }
0x39: {  	_ = 	snop;
	(pc) =	sbr.ind lr, $3  }
0x3a: {  	_ = 	snop  }
0x3b: {  	_ = 	snop  }
0x3c: {  	p2 =	seq.s32 s10, $0x1;
	s10 =	sld [smem:$0x3FAB]  }
0x3d: {  	_ =	shalt  }
0x3e: {  	_ =	shalt  }
0x3f: {  	_ =	shalt  }
0x40: {  	_ =	shalt  }
0x41: {  	_ =	shalt  }
0x42: {  	_ =	shalt  }
0x43: {  	_ =	shalt  }
0x44: {  	_ =	shalt  }
0x45: {  	_ =	shalt  }
0x46: {  	_ =	shalt  }
0x47: {  	_ =	shalt  }
0x48: {  	_ =	shalt  }
0x49: {  	_ =	shalt  }
0x4a: {  	_ =	shalt  }
0x4b: {  	_ =	shalt  }
0x4c: {  	_ =	shalt  }
0x4d: {  	_ =	shalt  }
0x4e: {  	_ =	shalt  }
0x4f: {  	_ =	shalt  }
0x50: {  	_ =	shalt  }
0x51: {  	_ =	shalt  }
0x52: {  	_ =	shalt  }
0x53: {  	_ =	shalt  }
0x54: {  	_ =	shalt  }
0x55: {  	_ =	shalt  }
0x56: {  	_ =	shalt  }
0x57: {  	_ =	shalt  }
0x58: {  	_ =	shalt  }
0x59: {  	_ =	shalt  }
0x5a: {  	_ =	shalt  }
0x5b: {  	_ =	shalt  }
0x5c: {  	_ =	shalt  }
0x5d: {  	_ =	shalt  }
0x5e: {  	_ =	shalt  }
0x5f: {  	_ =	shalt  }
0x60: {  	_ =	shalt  }
0x61: {  	_ =	shalt  }
0x62: {  	_ =	shalt  }
0x63: {  	_ =	shalt  }
0x64: {  	_ =	shalt  }
0x65: {  	_ =	shalt  }
0x66: {  	_ =	shalt  }
0x67: {  	_ =	shalt  }
0x68: {  	_ =	shalt  }
0x69: {  	_ =	shalt  }
0x6a: {  	_ =	shalt  }
0x6b: {  	_ =	shalt  }
0x6c: {  	_ =	shalt  }
0x6d: {  	_ =	shalt  }
0x6e: {  	_ =	shalt  }
0x6f: {  	_ =	shalt  }
0x70: {  	_ =	shalt  }
0x71: {  	_ =	shalt  }
0x72: {  	_ =	shalt  }
0x73: {  	_ =	shalt  }
0x74: {  	_ =	shalt  }
0x75: {  	_ =	shalt  }
0x76: {  	_ =	shalt  }
0x77: {  	_ =	shalt  }
0x78: {  	_ =	shalt  }
0x79: {  	_ =	shalt  }
0x7a: {  	_ =	shalt  }
0x7b: {  	_ =	shalt  }
0x7c: {  	_ =	shalt  }
0x7d: {  	_ =	shalt  }
0x7e: {  	_ =	shalt  }
0x7f: {  	_ =	shalt  }
0x80: {  	_ =	shalt  }
0x81: {  	_ =	shalt  }
0x82: {  	_ =	shalt  }
0x83: {  	_ =	shalt  }
0x84: {  	_ =	shalt  }
0x85: {  	_ =	shalt  }
0x86: {  	_ =	shalt  }
0x87: {  	_ =	shalt  }
.Lfunc_end0:
.L_simem_size_0:
called_computation.4_lowered:
.L_overlay_start_0:
0x88: {  	s2 =	sld [smem:$0x3FD9]  }
0x89: {  	s3 =	sld [smem:$0x3FFE];
	_ =	sdelay $0x1  }
0x8a: {  	s1 =	srdreg.scid  }
0x8b: {  	s0 =	sand.u32 $0x1, s1  }
0x8c: {  	s16 =	sshll.u32 s0, $0xA;
	s2 =	sadd.s32 s3, s2  }
0x8d: {  	s2 =	sadd.s32 s2, s16  }
0x8e: {  	[smem:$0x3FB7] =	sst s2  }
0x8f: {  	_ = 	snop  }
0x90: {  	(tm) =	ssettm $0x1  }
0x91: {  	s17 =	sld [smem:$0x3FFB];
	_ =	sdelay $0x3  }
0x92: {  	_ =	strace s17  }
0x93: {  	s2 =	sld [smem:$0x3FFC];
	_ =	sdelay $0x3  }
0x94: {  	_ =	strace s2  }
0x95: {  	s2 =	sld [smem:$0x3FFD];
	_ =	sdelay $0x3  }
0x96: {  	_ =	strace s2  }
0x97: {  	_ =	strace $0x8FFFFFFF  }
0x98: {  	s18 =	sld [smem:$0x3FDB];
	_ =	sdelay $0x1  }
0x99: {  	s19 =	simm.s32 $_scs_section_size  }
0x9a: {  	s4 =	simm.s32 $_size__tile_overlayer_lowered;
	s5 =	simm.s32 $_tile_overlayer_lowered  }
0x9b: {  	s22 =	simm.s32 $0x1BFF;
	s21 =	sshll.u32 s5, $0x1;
	s2 =	sadd.s32 s19, s18  }
0x9c: {  	s6 =	simm.s32 $0x0;
	s20 =	sshll.u32 s4, $0x1;
	s4 =	sadd.s32 s21, s2  }
0x9d: {  	[timem:s6], [sflag:s22] =	dma.local [hbm:s4], s20  }
0x9e: {  	_ =	swait.ge [sflag:s22], s20  }
0x9f: {  	s3 =	ssub.s32 $0x0, s20;
	[sflag:s22] =	ssyncset.done $0x0  }
0xa0: {  	[sflag:s22] =	ssyncadd.s32 s3;
	_ =	sdelay $0x1  }
0xa1: {  	s23 =	simm.s32 $0x1B8B  }
0xa2: {  	_ =	swait.ge [sflag:s23], $0x1  }
0xa3: {  	[sflag:s23] =	ssyncset.done $0x0  }
0xa4: {  	s25 =	simm.s32 $0x1B8E;
	s24 =	sld [smem:$0x3FFE];
	[sflag:s23] =	ssyncadd.s32 $0xFFFFFFFF  }
0xa5: {  	s26 =	simm.s32 $execute0_lowered;
	[smem:$0x3FD2] =	sst s25  }
0xa6: {  	s4 =	sshll.u32 s26, $0x1;
	_ =	strace $0x80000052;
	[dreg:$0x1] =	wrdreg $0xFFFFFFFF  }
0xa7: {  	s28 =	simm.s32 $_size_execute0_lowered;
	s2 =	sadd.s32 s2, s4;
	[dreg:$0x0] =	wrdreg $0x0  }
0xa8: {  	s4 =	sshll.u32 s28, $0x1;
	[dreg:$0x2] =	wrdreg s2  }
0xa9: {  	[dreg:$0x3] =	wrdreg s4  }
0xaa: {  	[dreg:$0x4] =	wrdreg $0xC0  }
0xab: {  	_ =	task [dreg:s6], $0x5FFFF  }
0xac: {  	[dreg:$0x1] =	wrdreg $0xFFFFFFFF  }
0xad: {  	[dreg:$0x0] =	wrdreg $0x60  }
0xae: {  	[dreg:$0x2] =	wrdreg s24  }
0xaf: {  	[dreg:$0x3] =	wrdreg $0x69000  }
0xb0: {  	[dreg:$0x4] =	wrdreg $0x9  }
0xb1: {  	_ =	task.clear_ibuf [dreg:s6], $0x5FFFF;
	_ =	strace $0x90000052  }
0xb2: {  	s29 =	simm.s32 $0x9;
	_ =	strace $0x80000054  }
0xb3: {  	_ =	swait.ge [sflag:s29], $0x1  }
0xb4: {  	[sflag:s29] =	ssyncadd.s32 $0xFFFFFFFF  }
0xb5: {  	_ =	strace $0x90000054  }
0xb6: {  	_ =	sfence  }
0xb7: {  	s30 =	sld [smem:$0x0];
	_ =	sdelay $0x2  }
0xb8: {  	s31 =	sshll.u32 s1, $0xD;
	s1 =	sshrl.u32 s1, $0x2  }
0xb9: {  	s3 =	sand.u32 $0x4000, s31;
	s1 =	sadd.s32 s1, s30  }
0xba: {  	s0 =	sor.u32 s3, s0;
	s1 =	sshll.u32 s1, $0x11  }
0xbb: {  	s0 =	sor.u32 s1, s0  }
0xbc: {  	s0 =	sadd.s32 $0x8F2B, s0  }
0xbd: {  	[sflag:s0] =	ssyncadd.remote.s32 $0x1  }
0xbe: {  	_ =	sfence.sel $0xFFFF  }
0xbf: {  	[dreg:$0x0] =	wrdreg $0xFFFFFFFF;
	(pc) =	sbr.abs _section_cstart, $3  }
0xc0: {  	[dreg:$0x1] =	wrdreg $0xFFFFFFFF  }
0xc1: {  	_ =	task.clear_ibuf [dreg:s6], $0x2FFFF;
	_ =	strace $0x9FFFFFFF  }
0xc2: {  	(tm) =	ssettm $0x7FFFFFFF  }
0xc3: {  	_ =	shalt  }
tec
execute0_lowered:
.L_overlay_start_1:
0x0: {  	(tag) =	ssettag $0x1  }
0x1: {  	s6 =	rddreg [dreg:$0x0]  }
0x2: {  	s2 =	rddreg [dreg:$0x1]  }
0x3: {  	s0 =	srdreg.scid;
	s1 =	rddreg [dreg:$0x2]  }
0x4: {  	s3 =	simm.s32 $0x0;
	s21 =	simm.s32 $0x80;
	s7 =	sand.u32 $0x1, s0  }
0x5: {  	s22 =	simm.s32 $0x50;
	s0 =	stileid.u32;
	s4 =	smul.u32 $0x27100, s7  }
0x6: {  	s23 =	simm.s32 $0x100;
	s24 =	simm.s32 $0x1;
	s5 =	smul.u32 $0x2710, s0  }
0x7: {  	s25 =	simm.s32 $0x0;
	[smem:$0x7FF] =	sst s3;
	s8 =	smul.u32 $0x50000, s0  }
0x8: {  	s15 =	sadd.s32 $0x6B400, s6;
	s9 =	ssub.s32 $0x2, s7;
	s10 =	smul.u32 $0x14000, s0  }
0x9: {  	_ =	strace $0x80000053;
	s17 =	smul.u32 $0x140000, s7;
	s31 =	sshrl.u32 s9, $0x1  }
0xa: {  	s4 =	sadd.s32 s5, s4;
	s8 =	sshrl.u32 s8, $0x2;
	s16 =	ssub.s32 s9, s31  }
0xb: {  	s11 =	sadd.s32 $0x4000, s10;
	s13 =	sadd.s32 $0x8000, s10;
	s14 =	sadd.s32 $0xC000, s10  }
0xc: {  	s19 =	sadd.s32 $0x10000, s10;
	s12 =	sadd.s32 s10, s17;
	s5 =	sshrl.u32 s4, $0x3  }
0xd: {  	s4 =	sadd.s32 $0x1B400, s6;
	s7 =	sadd.s32 s11, s2;
	s9 =	sadd.s32 s14, s2  }
0xe: {  	s11 =	sadd.s32 s17, s11;
	s10 =	sadd.s32 s19, s2;
	s12 =	sshrl.u32 s12, $0x3  }
0xf: {  	s14 =	sadd.s32 s17, s14;
	s16 =	smax.u32 s16, $0x1;
	s18 =	sadd.s32 s5, s6  }
0x10: {  	s5 =	sadd.s32 $0x1AC00, s6;
	s6 =	sadd.s32 s8, s2;
	s8 =	sadd.s32 s13, s2  }
0x11: {  	s20 =	sshrl.u32 s11, $0x3;
	s11 =	sadd.s32 s15, s12;
	s13 =	sadd.s32 s17, s13  }
0x12: {  	s17 =	sadd.s32 s17, s19;
	s14 =	sshrl.u32 s14, $0x3;
	s19 =	simm.s32 $0x2900  }
0x13: {  	s12 =	sadd.s32 s15, s20;
	s13 =	sshrl.u32 s13, $0x3;
	s17 =	sshrl.u32 s17, $0x3  }
0x14: {  	s14 =	sadd.s32 s15, s14;
	s20 =	simm.s32 $0x2;
	s13 =	sadd.s32 s15, s13  }
0x15: {  	s15 =	sadd.s32 s15, s17;
	s17 =	sadd.s32 $0x10E00, s18;
	s18 =	sadd.s32 $0x7000, s18  }
.LBB2_1:
0x16: {  	[tilespmem:s19], [sflag:$0x2] =	stream.linear.gather [hbm4b:s5+s3], $0x4000, $0x38;
	[tilespmem:$0x1A900] =	vst v63  }
0x17: {  	_ =	swait.ge [sflag:s20], $0x4000  }
0x18: {  	[sflag:s20] =	ssyncset.done $0x0  }
0x19: {  	[sflag:s20] =	ssyncadd.s32 $0xFFFFC000  }
0x1a: {  	[spmem:s6] =	stream.linear.scatter [tilespmem:s19], [sflag:$0x2], $0x4000, $0x38;
	[tilespmem:$0x1A900] =	vst v63  }
0x1b: {  	_ =	swait.ge [sflag:s20], $0x4000  }
0x1c: {  	[sflag:s20] =	ssyncset.done $0x0  }
0x1d: {  	[sflag:s20] =	ssyncadd.s32 $0xFFFFC000  }
0x1e: {  	[spmem:s7] =	stream.linear.scatter [tilespmem:s19], [sflag:$0x2], $0x4000, $0x38;
	[tilespmem:$0x1A900] =	vst v63  }
0x1f: {  	_ =	swait.ge [sflag:s20], $0x4000  }
0x20: {  	[sflag:s20] =	ssyncset.done $0x0  }
0x21: {  	[sflag:s20] =	ssyncadd.s32 $0xFFFFC000  }
0x22: {  	[spmem:s8] =	stream.linear.scatter [tilespmem:s19], [sflag:$0x2], $0x4000, $0x38;
	[tilespmem:$0x1A900] =	vst v63  }
0x23: {  	_ =	swait.ge [sflag:s20], $0x4000  }
0x24: {  	[sflag:s20] =	ssyncset.done $0x0  }
0x25: {  	[sflag:s20] =	ssyncadd.s32 $0xFFFFC000  }
0x26: {  	[spmem:s9] =	stream.linear.scatter [tilespmem:s19], [sflag:$0x2], $0x4000, $0x38;
	[tilespmem:$0x1A900] =	vst v63  }
0x27: {  	_ =	swait.ge [sflag:s20], $0x4000  }
0x28: {  	[sflag:s20] =	ssyncset.done $0x0  }
0x29: {  	[sflag:s20] =	ssyncadd.s32 $0xFFFFC000  }
0x2a: {  	[spmem:s10] =	stream.linear.scatter [tilespmem:s19], [sflag:$0x2], $0x4000, $0x38;
	[tilespmem:$0x1A900] =	vst v63  }
0x2b: {  	_ =	swait.ge [sflag:s20], $0x4000  }
0x2c: {  	[sflag:s20] =	ssyncset.done $0x0  }
0x2d: {  	[sflag:s20] =	ssyncadd.s32 $0xFFFFC000  }
0x2e: {  	s26 =	sadd.s32 $0x0, s18;
	[bflag:$0x0] =	sbarrier.arrive $0xFFFF  }
0x2f: {  	[tilespmem:s3], [sflag:$0x2] =	stream.linear.gather [hbm4b:s26+s3], $0x50, $0x38;
	[tilespmem:$0x1A900] =	vst v63  }
0x30: {  	_ =	swait.ge [sflag:s20], $0x50  }
0x31: {  	[sflag:s20] =	ssyncset.done $0x0  }
0x32: {  	s31 =	sadd.s32 $0x0, s17;
	[sflag:s20] =	ssyncadd.s32 $0xFFFFFFB0  }
0x33: {  	[tilespmem:s21], [sflag:$0x2] =	stream.linear.gather [hbm4b:s31+s3], $0x50, $0x38;
	[tilespmem:$0x1A900] =	vst v63  }
0x34: {  	_ =	swait.ge [sflag:s20], $0x50  }
0x35: {  	[sflag:s20] =	ssyncset.done $0x0  }
0x36: {  	[sflag:s20] =	ssyncadd.s32 $0xFFFFFFB0  }
0x37: {  	[tilespmem:s23], [sflag:$0x1] =	stream.indirect.gather [hbm4b:s4+s22], $0x80, s3, s22, $0xb8;
	[tilespmem:$0x1A900] =	vst v63  }
0x38: {  	_ =	swait.ge [sflag:s24], $0x2800  }
0x39: {  	[sflag:s24] =	ssyncset.done $0x0  }
0x3a: {  	[sflag:s24] =	ssyncadd.s32 $0xFFFFD800  }
0x3b: {  	[spmem:s2] =	stream.indirect.scatter.add.f32 [tilespmem:s23], [sflag:$0x2], $0x80, s21, s22, $0xb8;
	[tilespmem:$0x1A900] =	vst v63  }
0x3c: {  	_ =	swait.ge [sflag:s20], $0x2800  }
0x3d: {  	s28 =	simm.s32 $0x14;
	s26 =	simm.s32 $0xA;
	[sflag:s20] =	ssyncset.done $0x0  }
.LBB2_2:
0x3e: {  	s29 =	sadd.s32 s26, s18  }
0x3f: {  	[sflag:s20] =	ssyncadd.s32 $0xFFFFD800;
	s30 =	smov.u32 s28;
	s31 =	sadd.s32 $0xA, s28  }
0x40: {  	[tilespmem:s3], [sflag:$0x2] =	stream.linear.gather [hbm4b:s29+s3], $0x50, $0x38;
	[tilespmem:$0x1A900] =	vst v63  }
0x41: {  	p0 =	sne.s32 s28, $0x4D8;
	_ =	swait.ge [sflag:s20], $0x50  }
0x42: {  	[sflag:s20] =	ssyncset.done $0x0  }
0x43: {  	s28 =	sadd.s32 s26, s17;
	s26 =	smov.u32 s30;
	[sflag:s20] =	ssyncadd.s32 $0xFFFFFFB0  }
0x44: {  	[tilespmem:s21], [sflag:$0x2] =	stream.linear.gather [hbm4b:s28+s3], $0x50, $0x38;
	[tilespmem:$0x1A900] =	vst v63  }
0x45: {  	_ =	swait.ge [sflag:s20], $0x50  }
0x46: {  	[sflag:s20] =	ssyncset.done $0x0  }
0x47: {  	[sflag:s20] =	ssyncadd.s32 $0xFFFFFFB0  }
0x48: {  	[tilespmem:s23], [sflag:$0x1] =	stream.indirect.gather [hbm4b:s4+s22], $0x80, s3, s22, $0xb8;
	[tilespmem:$0x1A900] =	vst v63  }
0x49: {  	_ =	swait.ge [sflag:s24], $0x2800  }
.Ltmp0:
0x4a: {  	[sflag:s24] =	ssyncset.done $0x0;
	(pc) =	sbr.rel @p0 .LBB2_2-.Ltmp0, $4  }
0x4b: {  	[sflag:s24] =	ssyncadd.s32 $0xFFFFD800  }
0x4c: {  	[spmem:s2] =	stream.indirect.scatter.add.f32 [tilespmem:s23], [sflag:$0x2], $0x80, s21, s22, $0xb8;
	[tilespmem:$0x1A900] =	vst v63  }
0x4d: {  	_ =	swait.ge [sflag:s20], $0x2800  }
0x4e: {  	s28 =	smov.u32 s31;
	[sflag:s20] =	ssyncset.done $0x0  }
0x4f: {  	s28 =	sadd.s32 s26, s18;
	[sflag:s20] =	ssyncadd.s32 $0xFFFFD800  }
0x50: {  	[tilespmem:s3], [sflag:$0x2] =	stream.linear.gather [hbm4b:s28+s3], $0x50, $0x38;
	[tilespmem:$0x1A900] =	vst v63  }
0x51: {  	_ =	swait.ge [sflag:s20], $0x50  }
0x52: {  	[sflag:s20] =	ssyncset.done $0x0  }
0x53: {  	s31 =	sadd.s32 s26, s17;
	[sflag:s20] =	ssyncadd.s32 $0xFFFFFFB0  }
0x54: {  	[tilespmem:s21], [sflag:$0x2] =	stream.linear.gather [hbm4b:s31+s3], $0x50, $0x38;
	[tilespmem:$0x1A900] =	vst v63  }
0x55: {  	_ =	swait.ge [sflag:s20], $0x50  }
0x56: {  	[sflag:s20] =	ssyncset.done $0x0  }
0x57: {  	[sflag:s20] =	ssyncadd.s32 $0xFFFFFFB0  }
0x58: {  	[tilespmem:s23], [sflag:$0x1] =	stream.indirect.gather [hbm4b:s4+s22], $0x80, s3, s22, $0xb8;
	[tilespmem:$0x1A900] =	vst v63  }
0x59: {  	_ =	swait.ge [sflag:s24], $0x2800  }
0x5a: {  	[sflag:s24] =	ssyncset.done $0x0  }
0x5b: {  	[sflag:s24] =	ssyncadd.s32 $0xFFFFD800  }
0x5c: {  	[spmem:s2] =	stream.indirect.scatter.add.f32 [tilespmem:s23], [sflag:$0x2], $0x80, s21, s22, $0xb8;
	[tilespmem:$0x1A900] =	vst v63  }
0x5d: {  	_ =	swait.ge [sflag:s20], $0x2800  }
0x5e: {  	[sflag:s20] =	ssyncset.done $0x0  }
0x5f: {  	[sflag:s20] =	ssyncadd.s32 $0xFFFFD800  }
0x60: {  	[bflag:$0x0] =	sbarrier.arrive $0xFFFF  }
0x61: {  	[tilespmem:s19], [sflag:$0x2] =	stream.linear.gather [spmem:s6], $0x4000, $0x38;
	[tilespmem:$0x1A900] =	vst v63  }
0x62: {  	_ =	swait.ge [sflag:s20], $0x4000  }
0x63: {  	[sflag:s20] =	ssyncset.done $0x0  }
0x64: {  	[sflag:s20] =	ssyncadd.s32 $0xFFFFC000  }
0x65: {  	[hbm4b:s11+s3] =	stream.linear.scatter [tilespmem:s19], [sflag:$0x2], $0x4000, $0x38;
	[tilespmem:$0x1A900] =	vst v63  }
0x66: {  	_ =	swait.ge [sflag:s20], $0x4000  }
0x67: {  	[sflag:s20] =	ssyncset.done $0x0  }
0x68: {  	[sflag:s20] =	ssyncadd.s32 $0xFFFFC000  }
0x69: {  	[tilespmem:s19], [sflag:$0x2] =	stream.linear.gather [spmem:s7], $0x4000, $0x38;
	[tilespmem:$0x1A900] =	vst v63  }
0x6a: {  	_ =	swait.ge [sflag:s20], $0x4000  }
0x6b: {  	[sflag:s20] =	ssyncset.done $0x0  }
0x6c: {  	[sflag:s20] =	ssyncadd.s32 $0xFFFFC000  }
0x6d: {  	[hbm4b:s12+s3] =	stream.linear.scatter [tilespmem:s19], [sflag:$0x2], $0x4000, $0x38;
	[tilespmem:$0x1A900] =	vst v63  }
0x6e: {  	_ =	swait.ge [sflag:s20], $0x4000  }
0x6f: {  	[sflag:s20] =	ssyncset.done $0x0  }
0x70: {  	[sflag:s20] =	ssyncadd.s32 $0xFFFFC000  }
0x71: {  	[tilespmem:s19], [sflag:$0x2] =	stream.linear.gather [spmem:s8], $0x4000, $0x38;
	[tilespmem:$0x1A900] =	vst v63  }
0x72: {  	_ =	swait.ge [sflag:s20], $0x4000  }
0x73: {  	[sflag:s20] =	ssyncset.done $0x0  }
0x74: {  	[sflag:s20] =	ssyncadd.s32 $0xFFFFC000  }
0x75: {  	[hbm4b:s13+s3] =	stream.linear.scatter [tilespmem:s19], [sflag:$0x2], $0x4000, $0x38;
	[tilespmem:$0x1A900] =	vst v63  }
0x76: {  	_ =	swait.ge [sflag:s20], $0x4000  }
0x77: {  	[sflag:s20] =	ssyncset.done $0x0  }
0x78: {  	[sflag:s20] =	ssyncadd.s32 $0xFFFFC000  }
0x79: {  	[tilespmem:s19], [sflag:$0x2] =	stream.linear.gather [spmem:s9], $0x4000, $0x38;
	[tilespmem:$0x1A900] =	vst v63  }
0x7a: {  	_ =	swait.ge [sflag:s20], $0x4000  }
0x7b: {  	[sflag:s20] =	ssyncset.done $0x0  }
0x7c: {  	[sflag:s20] =	ssyncadd.s32 $0xFFFFC000  }
0x7d: {  	[hbm4b:s14+s3] =	stream.linear.scatter [tilespmem:s19], [sflag:$0x2], $0x4000, $0x38;
	[tilespmem:$0x1A900] =	vst v63  }
0x7e: {  	_ =	swait.ge [sflag:s20], $0x4000  }
0x7f: {  	[sflag:s20] =	ssyncset.done $0x0  }
0x80: {  	[sflag:s20] =	ssyncadd.s32 $0xFFFFC000  }
0x81: {  	[tilespmem:s19], [sflag:$0x2] =	stream.linear.gather [spmem:s10], $0x4000, $0x38;
	[tilespmem:$0x1A900] =	vst v63  }
0x82: {  	s25 =	sadd.s32 $0x1, s25;
	_ =	swait.ge [sflag:s20], $0x4000  }
0x83: {  	p0 =	sne.s32 s25, s16;
	[sflag:s20] =	ssyncset.done $0x0  }
.Ltmp1:
0x84: {  	[sflag:s20] =	ssyncadd.s32 $0xFFFFC000;
	(pc) =	sbr.rel @p0 .LBB2_1-.Ltmp1, $4  }
0x85: {  	[hbm4b:s15+s3] =	stream.linear.scatter [tilespmem:s19], [sflag:$0x2], $0x4000, $0x38;
	[tilespmem:$0x1A900] =	vst v63  }
0x86: {  	_ =	swait.ge [sflag:s20], $0x4000  }
0x87: {  	[sflag:s20] =	ssyncset.done $0x0  }
0x88: {  	[sflag:s20] =	ssyncadd.s32 $0xFFFFC000  }
0x89: {  	_ =	sfence.sel $0x180000  }
0x8a: {  	[bflag:$0x0] =	sbarrier.arrive $0xFFFF  }
0x8b: {  	p0 =	sne.s32 s0, $0x0;
	_ =	strace $0x90000053  }
0x8c: {  	s0 =	sadd.s32 @!p0 $0x100000, s1;
	[bflag:$0x2] =	sbarrier.arrive $0xFFFF  }
0x8d: {  	[sflag:s0] =	ssyncadd.tile.s32 @!p0 $0x1;
	_ =	shalt  }
.Lfunc_end2:
_tile_overlayer_lowered:
.L_overlay_start_2:
0x8e: {  	(tag) =	ssettag $0x2  }
0x8f: {  	s0 =	rddreg [dreg:$0x0];
	s2 =	stileid.u32  }
0x90: {  	s1 =	rddreg [dreg:$0x1];
	p0 =	sne.s32 s2, $0x0  }
0x91: {  	s3 =	rddreg [dreg:$0x2];
	[bflag:$0x3] =	sbarrier.arrive $0xFFFF;
	s2 =	simm.s32 @!p0 $0x1C02  }
0x92: {  	[timem:s3], [sflag:s2] =	dma.local @!p0 [hbm:s0], s1  }
0x93: {  	s0 =	simm.s32 @!p0 $0x2  }
0x94: {  	_ =	swait.ge @!p0 [sflag:s0], s1  }
0x95: {  	s1 =	ssub.s32 @!p0 $0x0, s1;
	[sflag:s0] =	ssyncset.done @!p0 $0x0  }
0x96: {  	[sflag:s0] =	ssyncadd.s32 @!p0 s1  }
0x97: {  	[bflag:$0x3] =	sbarrier.arrive $0xFFFF  }
0x98: {  	_ =	shalt  }

</sc_bundles>
